<compile_context>
chip_gen: v7x
topology: tpu7x:2x2x1
jax: 0.10.2.dev20260603
libtpu: 0.0.44.dev20260713+nightly
codegen_flags: <defaults>
</compile_context>

<pallas_src>
import functools

import jax
import jax.numpy as jnp
from jax import lax
from jax.experimental import pallas as pl
from jax.experimental.pallas import tpu as pltpu
from jax.experimental.pallas import tpu_sc as plsc

_N = 10000
_E = 320000
_NC, _NS = 2, 16
_HALF = _N // _NC
_NACC = 5120
_RPT = _NACC // _NS
_YPT = _N // _NS
_EPT = _E // _NS
_C = 32
_NT = 628
_NT_ALLOC = _NT + 4
_MB = 1000


def _sc_agg(d):
  mesh = plsc.VectorSubcoreMesh(core_axis_name="c", subcore_axis_name="s")

  @functools.partial(
      pl.kernel,
      out_type=jax.ShapeDtypeStruct((_NC, _NACC, d), jnp.float32),
      mesh=mesh,
      scratch_types=[
          pltpu.VMEM((4, 2, _C), jnp.int32),
          pltpu.VMEM((_C, d), jnp.float32),
          pltpu.VMEM((_C, d), jnp.float32),
          pltpu.VMEM((4, d), jnp.float32),
          pltpu.SemaphoreType.DMA,
          pltpu.SemaphoreType.DMA,
          pltpu.SemaphoreType.DMA,
          pltpu.SemaphoreType.DMA,
          pltpu.SemaphoreType.DMA,
          pltpu.SemaphoreType.DMA,
          pltpu.SemaphoreType.DMA,
          pltpu.VMEM_SHARED((_N, d), jnp.float32),
          pltpu.VMEM_SHARED((_NACC, d), jnp.float32),
      ],
  )
  def agg(y, edges, out, ibuf, buf0, buf1, zbuf,
          sem_i0, sem_i1, sem_i2, sem_i3, sem_g0, sem_g1, sem_s, y_s, acc):
    c = lax.axis_index("c")
    s = lax.axis_index("s")

    @pl.when(s < _N // 1000)
    def _stage():
      sbase = pl.multiple_of(s * 1000, 8)
      pltpu.async_copy(y.at[pl.ds(sbase, 1000)],
                       y_s.at[pl.ds(sbase, 1000)], sem_s)

    zvec = jnp.zeros((16,), jnp.float32)
    for zi in range(4):
      for zj in range(d // 16):
        zbuf[zi, pl.ds(zj * 16, 16)] = zvec

    def zstripe(k, carry):
      pltpu.sync_copy(zbuf, acc.at[pl.ds(s * _RPT + k * 4, 4)])
      return carry

    lax.fori_loop(0, _RPT // 4, zstripe, 0)

    @pl.when(s < _N // 1000)
    def _stage_wait():
      sbase = pl.multiple_of(s * 1000, 8)
      pltpu.make_async_copy(y.at[pl.ds(sbase, 1000)],
                            y_s.at[pl.ds(sbase, 1000)], sem_s).wait()

    plsc.subcore_barrier()

    isems = (sem_i0, sem_i1, sem_i2, sem_i3)
    for q in range(4):
      pltpu.async_copy(edges.at[c, s, q], ibuf.at[q], isems[q])

    def body(t, carry):
      j = 4 * t
      bufs = (buf0, buf1)
      gsems = (sem_g0, sem_g1)
      for q in range(4):
        pltpu.make_async_copy(edges.at[c, s, j + q], ibuf.at[q],
                              isems[q]).wait()
        pltpu.async_copy(y_s.at[ibuf.at[q, 0]], bufs[q % 2], gsems[q % 2])
        if q >= 1:
          pq = q - 1
          pltpu.make_async_copy(y_s.at[ibuf.at[pq, 0]], bufs[pq % 2],
                                gsems[pq % 2]).wait()
          pltpu.sync_copy(bufs[pq % 2], acc.at[ibuf.at[pq, 1]], add=True)
          pltpu.async_copy(edges.at[c, s, j + 4 + pq], ibuf.at[pq], isems[pq])
      pltpu.make_async_copy(y_s.at[ibuf.at[3, 0]], buf1, sem_g1).wait()
      pltpu.sync_copy(buf1, acc.at[ibuf.at[3, 1]], add=True)
      pltpu.async_copy(edges.at[c, s, j + 7], ibuf.at[3], isems[3])
      return carry

    lax.fori_loop(0, _NT // 4, body, 0)
    for q in range(4):
      pltpu.make_async_copy(edges.at[c, s, _NT + q], ibuf.at[q],
                            isems[q]).wait()

    plsc.subcore_barrier()
    pltpu.sync_copy(acc.at[pl.ds(s * _RPT, _RPT)],
                    out.at[c, pl.ds(s * _RPT, _RPT)])

  return agg


_sc_agg128 = _sc_agg(128)


def _linear1(x, w, b=None):
  din, dout = w.shape

  if b is None:
    def body(x_ref, w_ref, o_ref):
      o_ref[...] = jnp.dot(x_ref[...], w_ref[...],
                           preferred_element_type=jnp.float32)
    args, specs = (x, w), []
  else:
    def body(x_ref, w_ref, b_ref, o_ref):
      o_ref[...] = jnp.dot(x_ref[...], w_ref[...],
                           preferred_element_type=jnp.float32) + b_ref[...]
    args, specs = (x, w, b), [pl.BlockSpec((1, dout), lambda i: (0, 0))]

  return pl.pallas_call(
      body,
      grid=(_N // _MB,),
      in_specs=[
          pl.BlockSpec((_MB, din), lambda i: (i, 0)),
          pl.BlockSpec((din, dout), lambda i: (0, 0)),
      ] + specs,
      out_specs=pl.BlockSpec((_MB, dout), lambda i: (i, 0)),
      out_shape=jax.ShapeDtypeStruct((_N, dout), jnp.float32),
  )(*args)


def _relu_linear1(p, r_prev, w, b=None):
  din, dout = w.shape
  hb = _HALF // _MB

  if b is None:
    def body(p_ref, rp_ref, w_ref, o_ref):
      h = jnp.maximum(p_ref[0] + rp_ref[...], 0.0)
      o_ref[...] = jnp.dot(h, w_ref[...], preferred_element_type=jnp.float32)
    args, specs = (p, r_prev, w), []
  else:
    def body(p_ref, rp_ref, w_ref, b_ref, o_ref):
      h = jnp.maximum(p_ref[0] + rp_ref[...], 0.0)
      o_ref[...] = jnp.dot(h, w_ref[...],
                           preferred_element_type=jnp.float32) + b_ref[...]
    args, specs = (p, r_prev, w, b), [pl.BlockSpec((1, dout), lambda i: (0, 0))]

  return pl.pallas_call(
      body,
      grid=(_N // _MB,),
      in_specs=[
          pl.BlockSpec((1, _MB, din), lambda i: (i // hb, i % hb, 0)),
          pl.BlockSpec((_MB, din), lambda i: (i, 0)),
          pl.BlockSpec((din, dout), lambda i: (0, 0)),
      ] + specs,
      out_specs=pl.BlockSpec((_MB, dout), lambda i: (i, 0)),
      out_shape=jax.ShapeDtypeStruct((_N, dout), jnp.float32),
  )(*args)


def _tail(p, r_prev):
  dout = r_prev.shape[1]
  hb = _HALF // _MB

  def body(p_ref, rp_ref, o_ref):
    o_ref[...] = p_ref[0] + rp_ref[...]

  return pl.pallas_call(
      body,
      grid=(_N // _MB,),
      in_specs=[
          pl.BlockSpec((1, _MB, dout), lambda i: (i // hb, i % hb, 0)),
          pl.BlockSpec((_MB, dout), lambda i: (i, 0)),
      ],
      out_specs=pl.BlockSpec((_MB, dout), lambda i: (i, 0)),
      out_shape=jax.ShapeDtypeStruct((_N, dout), jnp.float32),
  )(p, r_prev)


def kernel(x, W_rel0, W_root0, b0, W_rel1, W_root1, b1,
           W_rel2, W_root2, b2, edge_index):
  ei = edge_index.astype(jnp.int32)
  pad = _NT_ALLOC * _C - _EPT
  srcp = jnp.pad(ei[0].reshape(_NS, _EPT), ((0, 0), (0, pad)),
                 constant_values=0).reshape(_NS, _NT_ALLOC, _C)
  dstp = jnp.pad(ei[1].reshape(_NS, _EPT), ((0, 0), (0, pad)),
                 constant_values=_N).reshape(_NS, _NT_ALLOC, _C)
  d0 = jnp.where(dstp < _HALF, dstp, _HALF)
  d1 = jnp.where(dstp >= _HALF, dstp - _HALF, _HALF)
  edges = jnp.stack([jnp.stack([srcp, d0], axis=2),
                     jnp.stack([srcp, d1], axis=2)])

  b0r = b0.reshape(1, -1)
  b1r = b1.reshape(1, -1)
  wrt2 = jnp.pad(W_rel2.T, ((0, 0), (0, 128 - W_rel2.shape[0])))
  wot2 = jnp.pad(W_root2.T, ((0, 0), (0, 128 - W_root2.shape[0])))
  b2r = jnp.pad(b2, (0, 128 - b2.shape[0])).reshape(1, -1)

  y0 = _linear1(x, W_rel0.T)
  p0 = _sc_agg128(y0, edges)
  r0 = _linear1(x, W_root0.T, b0r)
  y1 = _relu_linear1(p0, r0, W_rel1.T)
  p1 = _sc_agg128(y1, edges)
  r1 = _relu_linear1(p0, r0, W_root1.T, b1r)
  y2 = _relu_linear1(p1, r1, wrt2)
  p2 = _sc_agg128(y2, edges)
  r2 = _relu_linear1(p1, r1, wot2, b2r)
  out = _tail(p2, r2)
  return out[:, :W_rel2.shape[0]]

# --- scband reference (transcript-rebuilt; emitter-appended) ---
"""Pipeline reference for scband-node-graph-conv-46170898432062 (READ-ONLY COPY).

The authoritative reference and input builder live on the scoring server;
editing this copy changes nothing except your own understanding.
"""

import jax, jax.numpy as jnp
import numpy as np

N_NODES = 10000
N_EDGES = 320000
D_IN = 128
D_HID = 128
D_OUT = 40


def _glorot(key, shape):
    fan_in, fan_out = shape[1], shape[0]
    limit = jnp.sqrt(6.0 / (fan_in + fan_out))
    return jax.random.uniform(key, shape, minval=-limit, maxval=limit, dtype=jnp.float32)


def setup_inputs(seed: int = 0) -> dict:
    key = jax.random.key(seed)
    ks = jax.random.split(key, 12)
    x = jax.random.normal(ks[0], (N_NODES, D_IN), dtype=jnp.float32)
    edge_index = jax.random.randint(ks[1], (2, N_EDGES), 0, N_NODES, dtype=jnp.int64)
    # Layer 0: in -> hidden
    W_rel0 = _glorot(ks[2], (D_HID, D_IN))
    W_root0 = _glorot(ks[3], (D_HID, D_IN))
    b0 = jnp.zeros((D_HID,), dtype=jnp.float32)
    # Layer 1: hidden -> hidden
    W_rel1 = _glorot(ks[4], (D_HID, D_HID))
    W_root1 = _glorot(ks[5], (D_HID, D_HID))
    b1 = jnp.zeros((D_HID,), dtype=jnp.float32)
    # Layer 2: hidden -> num_classes
    W_rel2 = _glorot(ks[6], (D_OUT, D_HID))
    W_root2 = _glorot(ks[7], (D_OUT, D_HID))
    b2 = jnp.zeros((D_OUT,), dtype=jnp.float32)
    return {
        "x": x,
        "W_rel0": W_rel0, "W_root0": W_root0, "b0": b0,
        "W_rel1": W_rel1, "W_root1": W_root1, "b1": b1,
        "W_rel2": W_rel2, "W_root2": W_root2, "b2": b2,
        "edge_index": edge_index,
    }


def _graph_conv(x, edge_index, W_rel, W_root, b):
    # PyG GraphConv with aggr='add':
    #   out_i = W_root @ x_i + W_rel @ (sum_{j in N(i)} x_j) + b
    src = edge_index[0]
    dst = edge_index[1]
    msg = jnp.take(x, src, axis=0)                     # gather (SparseCore)
    agg = jax.ops.segment_sum(msg, dst, num_segments=x.shape[0])  # scatter-add
    return agg @ W_rel.T + x @ W_root.T + b


def reference(x, W_rel0, W_root0, b0, W_rel1, W_root1, b1, W_rel2, W_root2, b2, edge_index):
    h = _graph_conv(x, edge_index, W_rel0, W_root0, b0)
    h = jax.nn.relu(h)
    h = _graph_conv(h, edge_index, W_rel1, W_root1, b1)
    h = jax.nn.relu(h)
    out = _graph_conv(h, edge_index, W_rel2, W_root2, b2)
    return out

if __name__ == "__main__":
    import jax
    _d = setup_inputs()
    print(jax.jit(kernel)(*tuple(_d.values())))

</pallas_src>

<mosaic_0001>
#map = affine_map<(d0, d1) -> (0, 0)>
#map1 = affine_map<(d0, d1) -> (0, 0, 0, 0, 0)>
#map2 = affine_map<(d0, d1) -> (0, 0, 0)>
module attributes {stable_mosaic.version = 14 : i64} {
  func.func @agg(%arg0: i32, %arg1: i32, %arg2: memref<10000x128xf32, #tpu.memory_space<hbm>>, %arg3: memref<2x16x632x2x32xi32, #tpu.memory_space<hbm>>, %arg4: memref<2x5120x128xf32, #tpu.memory_space<hbm>>, %arg5: memref<4x2x32xi32, #tpu.memory_space<vmem>>, %arg6: memref<32x128xf32, #tpu.memory_space<vmem>>, %arg7: memref<32x128xf32, #tpu.memory_space<vmem>>, %arg8: memref<4x128xf32, #tpu.memory_space<vmem>>, %arg9: memref<!tpu.dma_semaphore, #tpu.memory_space<semaphore_mem>>, %arg10: memref<!tpu.dma_semaphore, #tpu.memory_space<semaphore_mem>>, %arg11: memref<!tpu.dma_semaphore, #tpu.memory_space<semaphore_mem>>, %arg12: memref<!tpu.dma_semaphore, #tpu.memory_space<semaphore_mem>>, %arg13: memref<!tpu.dma_semaphore, #tpu.memory_space<semaphore_mem>>, %arg14: memref<!tpu.dma_semaphore, #tpu.memory_space<semaphore_mem>>, %arg15: memref<!tpu.dma_semaphore, #tpu.memory_space<semaphore_mem>>, %arg16: memref<10000x128xf32, #tpu.memory_space<vmem_shared>>, %arg17: memref<5120x128xf32, #tpu.memory_space<vmem_shared>>) attributes {dimension_semantics = [#tpu.dimension_semantics<core_parallel>, #tpu.dimension_semantics<subcore_parallel>], iteration_bounds = array<i64: 2, 16>, scalar_prefetch = 0 : i64, scratch_operands = 13 : i64, tpu.core_type = #tpu.core_type<sc_vector_subcore>, window_params = [{transform_indices = #map}, {transform_indices = #map1}, {transform_indices = #map2}]} {
    %lt3A = arith.constant 10 : i32
    %lt3A_0 = arith.cmpi slt, %arg1, %lt3A : i32
    %convert_element_type3A = arith.extui %lt3A_0 : i1 to i32
    %cond3A = arith.constant 0 : i32
    %cond3A_1 = arith.cmpi ne, %convert_element_type3A, %cond3A : i32
    scf.if %cond3A_1 {
      %mul3A_356 = arith.constant 1000 : i32
      %mul3A_357 = arith.muli %arg1, %mul3A_356 : i32
      %multiple_of3A = tpu.assume_multiple %mul3A_357, 8 : i32
      %dma_start3A_358 = arith.constant 0 : i32
      %dma_start3A_359 = tpu.memref_slice %arg16[%multiple_of3A, %dma_start3A_358] : memref<10000x128xf32, #tpu.memory_space<vmem_shared>> -> memref<1000x128xf32, #tpu.memory_space<vmem_shared>>
      %dma_start3A_360 = arith.constant 0 : i32
      %dma_start3A_361 = tpu.memref_slice %arg2[%multiple_of3A, %dma_start3A_360] : memref<10000x128xf32, #tpu.memory_space<hbm>> -> memref<1000x128xf32, #tpu.memory_space<hbm>>
      tpu.enqueue_dma source(%dma_start3A_361 : memref<1000x128xf32, #tpu.memory_space<hbm>>) target(%dma_start3A_359 : memref<1000x128xf32, #tpu.memory_space<vmem_shared>>) target_semaphore(%arg15 : memref<!tpu.dma_semaphore, #tpu.memory_space<semaphore_mem>>)
    } else {
    }
    %broadcast_in_dim3A = arith.constant 0.000000e+00 : f32
    %broadcast_in_dim3A_2 = vector.broadcast %broadcast_in_dim3A : f32 to vector<16xf32>
    %swap3A = arith.constant 0 : i32
    %swap3A_3 = arith.index_cast %swap3A : i32 to index
    %swap3A_4 = arith.constant 0 : index
    %swap3A_5 = tpu.vector_load %arg8[%swap3A_3, %swap3A_4] {strides = array<i32>} : memref<4x128xf32, #tpu.memory_space<vmem>>, vector<1x16xf32>,
    %swap3A_6 = vector.shape_cast %swap3A_5 : vector<1x16xf32> to vector<16xf32>
    %swap3A_7 = vector.shape_cast %broadcast_in_dim3A_2 : vector<16xf32> to vector<1x16xf32>
    tpu.vector_store %arg8[%swap3A_3, %swap3A_4], %swap3A_7 {strides = array<i32>} : memref<4x128xf32, #tpu.memory_space<vmem>>, vector<1x16xf32>,
    %swap3A_8 = arith.constant 0 : i32
    %swap3A_9 = arith.index_cast %swap3A_8 : i32 to index
    %swap3A_10 = arith.constant 16 : index
    %swap3A_11 = tpu.vector_load %arg8[%swap3A_9, %swap3A_10] {strides = array<i32>} : memref<4x128xf32, #tpu.memory_space<vmem>>, vector<1x16xf32>,
    %swap3A_12 = vector.shape_cast %swap3A_11 : vector<1x16xf32> to vector<16xf32>
    %swap3A_13 = vector.shape_cast %broadcast_in_dim3A_2 : vector<16xf32> to vector<1x16xf32>
    tpu.vector_store %arg8[%swap3A_9, %swap3A_10], %swap3A_13 {strides = array<i32>} : memref<4x128xf32, #tpu.memory_space<vmem>>, vector<1x16xf32>,
    %swap3A_14 = arith.constant 0 : i32
    %swap3A_15 = arith.index_cast %swap3A_14 : i32 to index
    %swap3A_16 = arith.constant 32 : index
    %swap3A_17 = tpu.vector_load %arg8[%swap3A_15, %swap3A_16] {strides = array<i32>} : memref<4x128xf32, #tpu.memory_space<vmem>>, vector<1x16xf32>,
    %swap3A_18 = vector.shape_cast %swap3A_17 : vector<1x16xf32> to vector<16xf32>
    %swap3A_19 = vector.shape_cast %broadcast_in_dim3A_2 : vector<16xf32> to vector<1x16xf32>
    tpu.vector_store %arg8[%swap3A_15, %swap3A_16], %swap3A_19 {strides = array<i32>} : memref<4x128xf32, #tpu.memory_space<vmem>>, vector<1x16xf32>,
    %swap3A_20 = arith.constant 0 : i32
    %swap3A_21 = arith.index_cast %swap3A_20 : i32 to index
    %swap3A_22 = arith.constant 48 : index
    %swap3A_23 = tpu.vector_load %arg8[%swap3A_21, %swap3A_22] {strides = array<i32>} : memref<4x128xf32, #tpu.memory_space<vmem>>, vector<1x16xf32>,
    %swap3A_24 = vector.shape_cast %swap3A_23 : vector<1x16xf32> to vector<16xf32>
    %swap3A_25 = vector.shape_cast %broadcast_in_dim3A_2 : vector<16xf32> to vector<1x16xf32>
    tpu.vector_store %arg8[%swap3A_21, %swap3A_22], %swap3A_25 {strides = array<i32>} : memref<4x128xf32, #tpu.memory_space<vmem>>, vector<1x16xf32>,
    %swap3A_26 = arith.constant 0 : i32
    %swap3A_27 = arith.index_cast %swap3A_26 : i32 to index
    %swap3A_28 = arith.constant 64 : index
    %swap3A_29 = tpu.vector_load %arg8[%swap3A_27, %swap3A_28] {strides = array<i32>} : memref<4x128xf32, #tpu.memory_space<vmem>>, vector<1x16xf32>,
    %swap3A_30 = vector.shape_cast %swap3A_29 : vector<1x16xf32> to vector<16xf32>
    %swap3A_31 = vector.shape_cast %broadcast_in_dim3A_2 : vector<16xf32> to vector<1x16xf32>
    tpu.vector_store %arg8[%swap3A_27, %swap3A_28], %swap3A_31 {strides = array<i32>} : memref<4x128xf32, #tpu.memory_space<vmem>>, vector<1x16xf32>,
    %swap3A_32 = arith.constant 0 : i32
    %swap3A_33 = arith.index_cast %swap3A_32 : i32 to index
    %swap3A_34 = arith.constant 80 : index
    %swap3A_35 = tpu.vector_load %arg8[%swap3A_33, %swap3A_34] {strides = array<i32>} : memref<4x128xf32, #tpu.memory_space<vmem>>, vector<1x16xf32>,
    %swap3A_36 = vector.shape_cast %swap3A_35 : vector<1x16xf32> to vector<16xf32>
    %swap3A_37 = vector.shape_cast %broadcast_in_dim3A_2 : vector<16xf32> to vector<1x16xf32>
    tpu.vector_store %arg8[%swap3A_33, %swap3A_34], %swap3A_37 {strides = array<i32>} : memref<4x128xf32, #tpu.memory_space<vmem>>, vector<1x16xf32>,
    %swap3A_38 = arith.constant 0 : i32
    %swap3A_39 = arith.index_cast %swap3A_38 : i32 to index
    %swap3A_40 = arith.constant 96 : index
    %swap3A_41 = tpu.vector_load %arg8[%swap3A_39, %swap3A_40] {strides = array<i32>} : memref<4x128xf32, #tpu.memory_space<vmem>>, vector<1x16xf32>,
    %swap3A_42 = vector.shape_cast %swap3A_41 : vector<1x16xf32> to vector<16xf32>
    %swap3A_43 = vector.shape_cast %broadcast_in_dim3A_2 : vector<16xf32> to vector<1x16xf32>
    tpu.vector_store %arg8[%swap3A_39, %swap3A_40], %swap3A_43 {strides = array<i32>} : memref<4x128xf32, #tpu.memory_space<vmem>>, vector<1x16xf32>,
    %swap3A_44 = arith.constant 0 : i32
    %swap3A_45 = arith.index_cast %swap3A_44 : i32 to index
    %swap3A_46 = arith.constant 112 : index
    %swap3A_47 = tpu.vector_load %arg8[%swap3A_45, %swap3A_46] {strides = array<i32>} : memref<4x128xf32, #tpu.memory_space<vmem>>, vector<1x16xf32>,
    %swap3A_48 = vector.shape_cast %swap3A_47 : vector<1x16xf32> to vector<16xf32>
    %swap3A_49 = vector.shape_cast %broadcast_in_dim3A_2 : vector<16xf32> to vector<1x16xf32>
    tpu.vector_store %arg8[%swap3A_45, %swap3A_46], %swap3A_49 {strides = array<i32>} : memref<4x128xf32, #tpu.memory_space<vmem>>, vector<1x16xf32>,
    %swap3A_50 = arith.constant 1 : i32
    %swap3A_51 = arith.index_cast %swap3A_50 : i32 to index
    %swap3A_52 = arith.constant 0 : index
    %swap3A_53 = tpu.vector_load %arg8[%swap3A_51, %swap3A_52] {strides = array<i32>} : memref<4x128xf32, #tpu.memory_space<vmem>>, vector<1x16xf32>,
    %swap3A_54 = vector.shape_cast %swap3A_53 : vector<1x16xf32> to vector<16xf32>
    %swap3A_55 = vector.shape_cast %broadcast_in_dim3A_2 : vector<16xf32> to vector<1x16xf32>
    tpu.vector_store %arg8[%swap3A_51, %swap3A_52], %swap3A_55 {strides = array<i32>} : memref<4x128xf32, #tpu.memory_space<vmem>>, vector<1x16xf32>,
    %swap3A_56 = arith.constant 1 : i32
    %swap3A_57 = arith.index_cast %swap3A_56 : i32 to index
    %swap3A_58 = arith.constant 16 : index
    %swap3A_59 = tpu.vector_load %arg8[%swap3A_57, %swap3A_58] {strides = array<i32>} : memref<4x128xf32, #tpu.memory_space<vmem>>, vector<1x16xf32>,
    %swap3A_60 = vector.shape_cast %swap3A_59 : vector<1x16xf32> to vector<16xf32>
    %swap3A_61 = vector.shape_cast %broadcast_in_dim3A_2 : vector<16xf32> to vector<1x16xf32>
    tpu.vector_store %arg8[%swap3A_57, %swap3A_58], %swap3A_61 {strides = array<i32>} : memref<4x128xf32, #tpu.memory_space<vmem>>, vector<1x16xf32>,
    %swap3A_62 = arith.constant 1 : i32
    %swap3A_63 = arith.index_cast %swap3A_62 : i32 to index
    %swap3A_64 = arith.constant 32 : index
    %swap3A_65 = tpu.vector_load %arg8[%swap3A_63, %swap3A_64] {strides = array<i32>} : memref<4x128xf32, #tpu.memory_space<vmem>>, vector<1x16xf32>,
    %swap3A_66 = vector.shape_cast %swap3A_65 : vector<1x16xf32> to vector<16xf32>
    %swap3A_67 = vector.shape_cast %broadcast_in_dim3A_2 : vector<16xf32> to vector<1x16xf32>
    tpu.vector_store %arg8[%swap3A_63, %swap3A_64], %swap3A_67 {strides = array<i32>} : memref<4x128xf32, #tpu.memory_space<vmem>>, vector<1x16xf32>,
    %swap3A_68 = arith.constant 1 : i32
    %swap3A_69 = arith.index_cast %swap3A_68 : i32 to index
    %swap3A_70 = arith.constant 48 : index
    %swap3A_71 = tpu.vector_load %arg8[%swap3A_69, %swap3A_70] {strides = array<i32>} : memref<4x128xf32, #tpu.memory_space<vmem>>, vector<1x16xf32>,
    %swap3A_72 = vector.shape_cast %swap3A_71 : vector<1x16xf32> to vector<16xf32>
    %swap3A_73 = vector.shape_cast %broadcast_in_dim3A_2 : vector<16xf32> to vector<1x16xf32>
    tpu.vector_store %arg8[%swap3A_69, %swap3A_70], %swap3A_73 {strides = array<i32>} : memref<4x128xf32, #tpu.memory_space<vmem>>, vector<1x16xf32>,
    %swap3A_74 = arith.constant 1 : i32
    %swap3A_75 = arith.index_cast %swap3A_74 : i32 to index
    %swap3A_76 = arith.constant 64 : index
    %swap3A_77 = tpu.vector_load %arg8[%swap3A_75, %swap3A_76] {strides = array<i32>} : memref<4x128xf32, #tpu.memory_space<vmem>>, vector<1x16xf32>,
    %swap3A_78 = vector.shape_cast %swap3A_77 : vector<1x16xf32> to vector<16xf32>
    %swap3A_79 = vector.shape_cast %broadcast_in_dim3A_2 : vector<16xf32> to vector<1x16xf32>
    tpu.vector_store %arg8[%swap3A_75, %swap3A_76], %swap3A_79 {strides = array<i32>} : memref<4x128xf32, #tpu.memory_space<vmem>>, vector<1x16xf32>,
    %swap3A_80 = arith.constant 1 : i32
    %swap3A_81 = arith.index_cast %swap3A_80 : i32 to index
    %swap3A_82 = arith.constant 80 : index
    %swap3A_83 = tpu.vector_load %arg8[%swap3A_81, %swap3A_82] {strides = array<i32>} : memref<4x128xf32, #tpu.memory_space<vmem>>, vector<1x16xf32>,
    %swap3A_84 = vector.shape_cast %swap3A_83 : vector<1x16xf32> to vector<16xf32>
    %swap3A_85 = vector.shape_cast %broadcast_in_dim3A_2 : vector<16xf32> to vector<1x16xf32>
    tpu.vector_store %arg8[%swap3A_81, %swap3A_82], %swap3A_85 {strides = array<i32>} : memref<4x128xf32, #tpu.memory_space<vmem>>, vector<1x16xf32>,
    %swap3A_86 = arith.constant 1 : i32
    %swap3A_87 = arith.index_cast %swap3A_86 : i32 to index
    %swap3A_88 = arith.constant 96 : index
    %swap3A_89 = tpu.vector_load %arg8[%swap3A_87, %swap3A_88] {strides = array<i32>} : memref<4x128xf32, #tpu.memory_space<vmem>>, vector<1x16xf32>,
    %swap3A_90 = vector.shape_cast %swap3A_89 : vector<1x16xf32> to vector<16xf32>
    %swap3A_91 = vector.shape_cast %broadcast_in_dim3A_2 : vector<16xf32> to vector<1x16xf32>
    tpu.vector_store %arg8[%swap3A_87, %swap3A_88], %swap3A_91 {strides = array<i32>} : memref<4x128xf32, #tpu.memory_space<vmem>>, vector<1x16xf32>,
    %swap3A_92 = arith.constant 1 : i32
    %swap3A_93 = arith.index_cast %swap3A_92 : i32 to index
    %swap3A_94 = arith.constant 112 : index
    %swap3A_95 = tpu.vector_load %arg8[%swap3A_93, %swap3A_94] {strides = array<i32>} : memref<4x128xf32, #tpu.memory_space<vmem>>, vector<1x16xf32>,
    %swap3A_96 = vector.shape_cast %swap3A_95 : vector<1x16xf32> to vector<16xf32>
    %swap3A_97 = vector.shape_cast %broadcast_in_dim3A_2 : vector<16xf32> to vector<1x16xf32>
    tpu.vector_store %arg8[%swap3A_93, %swap3A_94], %swap3A_97 {strides = array<i32>} : memref<4x128xf32, #tpu.memory_space<vmem>>, vector<1x16xf32>,
    %swap3A_98 = arith.constant 2 : i32
    %swap3A_99 = arith.index_cast %swap3A_98 : i32 to index
    %swap3A_100 = arith.constant 0 : index
    %swap3A_101 = tpu.vector_load %arg8[%swap3A_99, %swap3A_100] {strides = array<i32>} : memref<4x128xf32, #tpu.memory_space<vmem>>, vector<1x16xf32>,
    %swap3A_102 = vector.shape_cast %swap3A_101 : vector<1x16xf32> to vector<16xf32>
    %swap3A_103 = vector.shape_cast %broadcast_in_dim3A_2 : vector<16xf32> to vector<1x16xf32>
    tpu.vector_store %arg8[%swap3A_99, %swap3A_100], %swap3A_103 {strides = array<i32>} : memref<4x128xf32, #tpu.memory_space<vmem>>, vector<1x16xf32>,
    %swap3A_104 = arith.constant 2 : i32
    %swap3A_105 = arith.index_cast %swap3A_104 : i32 to index
    %swap3A_106 = arith.constant 16 : index
    %swap3A_107 = tpu.vector_load %arg8[%swap3A_105, %swap3A_106] {strides = array<i32>} : memref<4x128xf32, #tpu.memory_space<vmem>>, vector<1x16xf32>,
    %swap3A_108 = vector.shape_cast %swap3A_107 : vector<1x16xf32> to vector<16xf32>
    %swap3A_109 = vector.shape_cast %broadcast_in_dim3A_2 : vector<16xf32> to vector<1x16xf32>
    tpu.vector_store %arg8[%swap3A_105, %swap3A_106], %swap3A_109 {strides = array<i32>} : memref<4x128xf32, #tpu.memory_space<vmem>>, vector<1x16xf32>,
    %swap3A_110 = arith.constant 2 : i32
    %swap3A_111 = arith.index_cast %swap3A_110 : i32 to index
    %swap3A_112 = arith.constant 32 : index
    %swap3A_113 = tpu.vector_load %arg8[%swap3A_111, %swap3A_112] {strides = array<i32>} : memref<4x128xf32, #tpu.memory_space<vmem>>, vector<1x16xf32>,
    %swap3A_114 = vector.shape_cast %swap3A_113 : vector<1x16xf32> to vector<16xf32>
    %swap3A_115 = vector.shape_cast %broadcast_in_dim3A_2 : vector<16xf32> to vector<1x16xf32>
    tpu.vector_store %arg8[%swap3A_111, %swap3A_112], %swap3A_115 {strides = array<i32>} : memref<4x128xf32, #tpu.memory_space<vmem>>, vector<1x16xf32>,
    %swap3A_116 = arith.constant 2 : i32
    %swap3A_117 = arith.index_cast %swap3A_116 : i32 to index
    %swap3A_118 = arith.constant 48 : index
    %swap3A_119 = tpu.vector_load %arg8[%swap3A_117, %swap3A_118] {strides = array<i32>} : memref<4x128xf32, #tpu.memory_space<vmem>>, vector<1x16xf32>,
    %swap3A_120 = vector.shape_cast %swap3A_119 : vector<1x16xf32> to vector<16xf32>
    %swap3A_121 = vector.shape_cast %broadcast_in_dim3A_2 : vector<16xf32> to vector<1x16xf32>
    tpu.vector_store %arg8[%swap3A_117, %swap3A_118], %swap3A_121 {strides = array<i32>} : memref<4x128xf32, #tpu.memory_space<vmem>>, vector<1x16xf32>,
    %swap3A_122 = arith.constant 2 : i32
    %swap3A_123 = arith.index_cast %swap3A_122 : i32 to index
    %swap3A_124 = arith.constant 64 : index
    %swap3A_125 = tpu.vector_load %arg8[%swap3A_123, %swap3A_124] {strides = array<i32>} : memref<4x128xf32, #tpu.memory_space<vmem>>, vector<1x16xf32>,
    %swap3A_126 = vector.shape_cast %swap3A_125 : vector<1x16xf32> to vector<16xf32>
    %swap3A_127 = vector.shape_cast %broadcast_in_dim3A_2 : vector<16xf32> to vector<1x16xf32>
    tpu.vector_store %arg8[%swap3A_123, %swap3A_124], %swap3A_127 {strides = array<i32>} : memref<4x128xf32, #tpu.memory_space<vmem>>, vector<1x16xf32>,
    %swap3A_128 = arith.constant 2 : i32
    %swap3A_129 = arith.index_cast %swap3A_128 : i32 to index
    %swap3A_130 = arith.constant 80 : index
    %swap3A_131 = tpu.vector_load %arg8[%swap3A_129, %swap3A_130] {strides = array<i32>} : memref<4x128xf32, #tpu.memory_space<vmem>>, vector<1x16xf32>,
    %swap3A_132 = vector.shape_cast %swap3A_131 : vector<1x16xf32> to vector<16xf32>
    %swap3A_133 = vector.shape_cast %broadcast_in_dim3A_2 : vector<16xf32> to vector<1x16xf32>
    tpu.vector_store %arg8[%swap3A_129, %swap3A_130], %swap3A_133 {strides = array<i32>} : memref<4x128xf32, #tpu.memory_space<vmem>>, vector<1x16xf32>,
    %swap3A_134 = arith.constant 2 : i32
    %swap3A_135 = arith.index_cast %swap3A_134 : i32 to index
    %swap3A_136 = arith.constant 96 : index
    %swap3A_137 = tpu.vector_load %arg8[%swap3A_135, %swap3A_136] {strides = array<i32>} : memref<4x128xf32, #tpu.memory_space<vmem>>, vector<1x16xf32>,
    %swap3A_138 = vector.shape_cast %swap3A_137 : vector<1x16xf32> to vector<16xf32>
    %swap3A_139 = vector.shape_cast %broadcast_in_dim3A_2 : vector<16xf32> to vector<1x16xf32>
    tpu.vector_store %arg8[%swap3A_135, %swap3A_136], %swap3A_139 {strides = array<i32>} : memref<4x128xf32, #tpu.memory_space<vmem>>, vector<1x16xf32>,
    %swap3A_140 = arith.constant 2 : i32
    %swap3A_141 = arith.index_cast %swap3A_140 : i32 to index
    %swap3A_142 = arith.constant 112 : index
    %swap3A_143 = tpu.vector_load %arg8[%swap3A_141, %swap3A_142] {strides = array<i32>} : memref<4x128xf32, #tpu.memory_space<vmem>>, vector<1x16xf32>,
    %swap3A_144 = vector.shape_cast %swap3A_143 : vector<1x16xf32> to vector<16xf32>
    %swap3A_145 = vector.shape_cast %broadcast_in_dim3A_2 : vector<16xf32> to vector<1x16xf32>
    tpu.vector_store %arg8[%swap3A_141, %swap3A_142], %swap3A_145 {strides = array<i32>} : memref<4x128xf32, #tpu.memory_space<vmem>>, vector<1x16xf32>,
    %swap3A_146 = arith.constant 3 : i32
    %swap3A_147 = arith.index_cast %swap3A_146 : i32 to index
    %swap3A_148 = arith.constant 0 : index
    %swap3A_149 = tpu.vector_load %arg8[%swap3A_147, %swap3A_148] {strides = array<i32>} : memref<4x128xf32, #tpu.memory_space<vmem>>, vector<1x16xf32>,
    %swap3A_150 = vector.shape_cast %swap3A_149 : vector<1x16xf32> to vector<16xf32>
    %swap3A_151 = vector.shape_cast %broadcast_in_dim3A_2 : vector<16xf32> to vector<1x16xf32>
    tpu.vector_store %arg8[%swap3A_147, %swap3A_148], %swap3A_151 {strides = array<i32>} : memref<4x128xf32, #tpu.memory_space<vmem>>, vector<1x16xf32>,
    %swap3A_152 = arith.constant 3 : i32
    %swap3A_153 = arith.index_cast %swap3A_152 : i32 to index
    %swap3A_154 = arith.constant 16 : index
    %swap3A_155 = tpu.vector_load %arg8[%swap3A_153, %swap3A_154] {strides = array<i32>} : memref<4x128xf32, #tpu.memory_space<vmem>>, vector<1x16xf32>,
    %swap3A_156 = vector.shape_cast %swap3A_155 : vector<1x16xf32> to vector<16xf32>
    %swap3A_157 = vector.shape_cast %broadcast_in_dim3A_2 : vector<16xf32> to vector<1x16xf32>
    tpu.vector_store %arg8[%swap3A_153, %swap3A_154], %swap3A_157 {strides = array<i32>} : memref<4x128xf32, #tpu.memory_space<vmem>>, vector<1x16xf32>,
    %swap3A_158 = arith.constant 3 : i32
    %swap3A_159 = arith.index_cast %swap3A_158 : i32 to index
    %swap3A_160 = arith.constant 32 : index
    %swap3A_161 = tpu.vector_load %arg8[%swap3A_159, %swap3A_160] {strides = array<i32>} : memref<4x128xf32, #tpu.memory_space<vmem>>, vector<1x16xf32>,
    %swap3A_162 = vector.shape_cast %swap3A_161 : vector<1x16xf32> to vector<16xf32>
    %swap3A_163 = vector.shape_cast %broadcast_in_dim3A_2 : vector<16xf32> to vector<1x16xf32>
    tpu.vector_store %arg8[%swap3A_159, %swap3A_160], %swap3A_163 {strides = array<i32>} : memref<4x128xf32, #tpu.memory_space<vmem>>, vector<1x16xf32>,
    %swap3A_164 = arith.constant 3 : i32
    %swap3A_165 = arith.index_cast %swap3A_164 : i32 to index
    %swap3A_166 = arith.constant 48 : index
    %swap3A_167 = tpu.vector_load %arg8[%swap3A_165, %swap3A_166] {strides = array<i32>} : memref<4x128xf32, #tpu.memory_space<vmem>>, vector<1x16xf32>,
    %swap3A_168 = vector.shape_cast %swap3A_167 : vector<1x16xf32> to vector<16xf32>
    %swap3A_169 = vector.shape_cast %broadcast_in_dim3A_2 : vector<16xf32> to vector<1x16xf32>
    tpu.vector_store %arg8[%swap3A_165, %swap3A_166], %swap3A_169 {strides = array<i32>} : memref<4x128xf32, #tpu.memory_space<vmem>>, vector<1x16xf32>,
    %swap3A_170 = arith.constant 3 : i32
    %swap3A_171 = arith.index_cast %swap3A_170 : i32 to index
    %swap3A_172 = arith.constant 64 : index
    %swap3A_173 = tpu.vector_load %arg8[%swap3A_171, %swap3A_172] {strides = array<i32>} : memref<4x128xf32, #tpu.memory_space<vmem>>, vector<1x16xf32>,
    %swap3A_174 = vector.shape_cast %swap3A_173 : vector<1x16xf32> to vector<16xf32>
    %swap3A_175 = vector.shape_cast %broadcast_in_dim3A_2 : vector<16xf32> to vector<1x16xf32>
    tpu.vector_store %arg8[%swap3A_171, %swap3A_172], %swap3A_175 {strides = array<i32>} : memref<4x128xf32, #tpu.memory_space<vmem>>, vector<1x16xf32>,
    %swap3A_176 = arith.constant 3 : i32
    %swap3A_177 = arith.index_cast %swap3A_176 : i32 to index
    %swap3A_178 = arith.constant 80 : index
    %swap3A_179 = tpu.vector_load %arg8[%swap3A_177, %swap3A_178] {strides = array<i32>} : memref<4x128xf32, #tpu.memory_space<vmem>>, vector<1x16xf32>,
    %swap3A_180 = vector.shape_cast %swap3A_179 : vector<1x16xf32> to vector<16xf32>
    %swap3A_181 = vector.shape_cast %broadcast_in_dim3A_2 : vector<16xf32> to vector<1x16xf32>
    tpu.vector_store %arg8[%swap3A_177, %swap3A_178], %swap3A_181 {strides = array<i32>} : memref<4x128xf32, #tpu.memory_space<vmem>>, vector<1x16xf32>,
    %swap3A_182 = arith.constant 3 : i32
    %swap3A_183 = arith.index_cast %swap3A_182 : i32 to index
    %swap3A_184 = arith.constant 96 : index
    %swap3A_185 = tpu.vector_load %arg8[%swap3A_183, %swap3A_184] {strides = array<i32>} : memref<4x128xf32, #tpu.memory_space<vmem>>, vector<1x16xf32>,
    %swap3A_186 = vector.shape_cast %swap3A_185 : vector<1x16xf32> to vector<16xf32>
    %swap3A_187 = vector.shape_cast %broadcast_in_dim3A_2 : vector<16xf32> to vector<1x16xf32>
    tpu.vector_store %arg8[%swap3A_183, %swap3A_184], %swap3A_187 {strides = array<i32>} : memref<4x128xf32, #tpu.memory_space<vmem>>, vector<1x16xf32>,
    %swap3A_188 = arith.constant 3 : i32
    %swap3A_189 = arith.index_cast %swap3A_188 : i32 to index
    %swap3A_190 = arith.constant 112 : index
    %swap3A_191 = tpu.vector_load %arg8[%swap3A_189, %swap3A_190] {strides = array<i32>} : memref<4x128xf32, #tpu.memory_space<vmem>>, vector<1x16xf32>,
    %swap3A_192 = vector.shape_cast %swap3A_191 : vector<1x16xf32> to vector<16xf32>
    %swap3A_193 = vector.shape_cast %broadcast_in_dim3A_2 : vector<16xf32> to vector<1x16xf32>
    tpu.vector_store %arg8[%swap3A_189, %swap3A_190], %swap3A_193 {strides = array<i32>} : memref<4x128xf32, #tpu.memory_space<vmem>>, vector<1x16xf32>,
    %scan3A = arith.constant 0 : i32
    %scan3A_194 = arith.constant 0 : i32
    %scan3A_195 = arith.constant 80 : i32
    %scan3A_196 = arith.addi %scan3A_194, %scan3A_195 : i32
    %scan3A_197 = arith.constant 1 : i32
    scf.for %scan3A_356 = %scan3A_194 to %scan3A_196 step %scan3A_197  : i32 {
      %mul3A_357 = arith.constant 320 : i32
      %mul3A_358 = arith.muli %arg1, %mul3A_357 : i32
      %mul3A_359 = arith.constant 4 : i32
      %mul3A_360 = arith.muli %scan3A_356, %mul3A_359 : i32
      %add3A = arith.addi %mul3A_358, %mul3A_360 : i32
      "tpu.region"() ({
        %run_scoped3A = tpu.sem_alloc : memref<!tpu.dma_semaphore, #tpu.memory_space<semaphore_mem>>
        %dma_start3A_361 = arith.constant 0 : i32
        %dma_start3A_362 = tpu.memref_slice %arg17[%add3A, %dma_start3A_361] : memref<5120x128xf32, #tpu.memory_space<vmem_shared>> -> memref<4x128xf32, #tpu.memory_space<vmem_shared>>
        %dma_start3A_363 = arith.constant 0 : i32
        %dma_start3A_364 = tpu.memref_slice %arg17[%add3A, %dma_start3A_363] : memref<5120x128xf32, #tpu.memory_space<vmem_shared>> -> memref<4x128xf32, #tpu.memory_space<vmem_shared>>
        tpu.enqueue_dma source(%arg8 : memref<4x128xf32, #tpu.memory_space<vmem>>) target(%dma_start3A_364 : memref<4x128xf32, #tpu.memory_space<vmem_shared>>) target_semaphore(%run_scoped3A : memref<!tpu.dma_semaphore, #tpu.memory_space<semaphore_mem>>)
        %dma_wait3A_365 = arith.constant 0 : i32
        %dma_wait3A_366 = tpu.memref_slice %arg17[%add3A, %dma_wait3A_365] : memref<5120x128xf32, #tpu.memory_space<vmem_shared>> -> memref<4x128xf32, #tpu.memory_space<vmem_shared>>
        %dma_wait3A_367 = arith.constant 0 : i32
        %dma_wait3A_368 = tpu.memref_slice %arg17[%add3A, %dma_wait3A_367] : memref<5120x128xf32, #tpu.memory_space<vmem_shared>> -> memref<4x128xf32, #tpu.memory_space<vmem_shared>>
        tpu.wait_dma2 semaphore(%run_scoped3A : memref<!tpu.dma_semaphore, #tpu.memory_space<semaphore_mem>>) src(%arg8 : memref<4x128xf32, #tpu.memory_space<vmem>>) dst(%dma_wait3A_368 : memref<4x128xf32, #tpu.memory_space<vmem_shared>>)
        tpu.yield
      }) : () -> ()
    }
    %scan3A_198 = arith.constant 80 : i32
    %lt3A_199 = arith.constant 10 : i32
    %lt3A_200 = arith.cmpi slt, %arg1, %lt3A_199 : i32
    %convert_element_type3A_201 = arith.extui %lt3A_200 : i1 to i32
    %cond3A_202 = arith.constant 0 : i32
    %cond3A_203 = arith.cmpi ne, %convert_element_type3A_201, %cond3A_202 : i32
    scf.if %cond3A_203 {
      %mul3A_356 = arith.constant 1000 : i32
      %mul3A_357 = arith.muli %arg1, %mul3A_356 : i32
      %multiple_of3A = tpu.assume_multiple %mul3A_357, 8 : i32
      %dma_wait3A_358 = arith.constant 0 : i32
      %dma_wait3A_359 = tpu.memref_slice %arg16[%multiple_of3A, %dma_wait3A_358] : memref<10000x128xf32, #tpu.memory_space<vmem_shared>> -> memref<1000x128xf32, #tpu.memory_space<vmem_shared>>
      %dma_wait3A_360 = arith.constant 0 : i32
      %dma_wait3A_361 = tpu.memref_slice %arg2[%multiple_of3A, %dma_wait3A_360] : memref<10000x128xf32, #tpu.memory_space<hbm>> -> memref<1000x128xf32, #tpu.memory_space<hbm>>
      tpu.wait_dma2 semaphore(%arg15 : memref<!tpu.dma_semaphore, #tpu.memory_space<semaphore_mem>>) src(%dma_wait3A_361 : memref<1000x128xf32, #tpu.memory_space<hbm>>) dst(%dma_wait3A_359 : memref<1000x128xf32, #tpu.memory_space<vmem_shared>>)
    } else {
    }
    %barrier3A = arith.constant 0 : index
    tpu.barrier barrier_id(%barrier3A)
    %dma_start3A = arith.constant 0 : i32
    %dma_start3A_204 = arith.constant 0 : i32
    %dma_start3A_205 = arith.constant 0 : i32
    %dma_start3A_206 = arith.constant 0 : i32
    %dma_start3A_207 = tpu.memref_slice %arg5[%dma_start3A_204, %dma_start3A_205, %dma_start3A_206] : memref<4x2x32xi32, #tpu.memory_space<vmem>> -> memref<1x2x32xi32, #tpu.memory_space<vmem>>
    %dma_start3A_208 = tpu.memref_squeeze %dma_start3A_207 : memref<1x2x32xi32, #tpu.memory_space<vmem>> -> memref<2x32xi32, #tpu.memory_space<vmem>>
    %dma_start3A_209 = arith.constant 0 : i32
    %dma_start3A_210 = arith.constant 0 : i32
    %dma_start3A_211 = tpu.memref_slice %arg3[%arg0, %arg1, %dma_start3A, %dma_start3A_209, %dma_start3A_210] : memref<2x16x632x2x32xi32, #tpu.memory_space<hbm>> -> memref<1x1x1x2x32xi32, #tpu.memory_space<hbm>>
    %dma_start3A_212 = tpu.memref_squeeze %dma_start3A_211 : memref<1x1x1x2x32xi32, #tpu.memory_space<hbm>> -> memref<2x32xi32, #tpu.memory_space<hbm>>
    %dma_start3A_213 = arith.constant 0 : i32
    %dma_start3A_214 = arith.constant 0 : i32
    %dma_start3A_215 = tpu.memref_slice %arg5[%dma_start3A_204, %dma_start3A_213, %dma_start3A_214] : memref<4x2x32xi32, #tpu.memory_space<vmem>> -> memref<1x2x32xi32, #tpu.memory_space<vmem>>
    %dma_start3A_216 = tpu.memref_squeeze %dma_start3A_215 : memref<1x2x32xi32, #tpu.memory_space<vmem>> -> memref<2x32xi32, #tpu.memory_space<vmem>>
    %dma_start3A_217 = arith.constant 0 : i32
    %dma_start3A_218 = arith.constant 0 : i32
    %dma_start3A_219 = tpu.memref_slice %arg3[%arg0, %arg1, %dma_start3A, %dma_start3A_217, %dma_start3A_218] : memref<2x16x632x2x32xi32, #tpu.memory_space<hbm>> -> memref<1x1x1x2x32xi32, #tpu.memory_space<hbm>>
    %dma_start3A_220 = tpu.memref_squeeze %dma_start3A_219 : memref<1x1x1x2x32xi32, #tpu.memory_space<hbm>> -> memref<2x32xi32, #tpu.memory_space<hbm>>
    tpu.enqueue_dma source(%dma_start3A_220 : memref<2x32xi32, #tpu.memory_space<hbm>>) target(%dma_start3A_216 : memref<2x32xi32, #tpu.memory_space<vmem>>) target_semaphore(%arg9 : memref<!tpu.dma_semaphore, #tpu.memory_space<semaphore_mem>>)
    %dma_start3A_221 = arith.constant 1 : i32
    %dma_start3A_222 = arith.constant 1 : i32
    %dma_start3A_223 = arith.constant 0 : i32
    %dma_start3A_224 = arith.constant 0 : i32
    %dma_start3A_225 = tpu.memref_slice %arg5[%dma_start3A_222, %dma_start3A_223, %dma_start3A_224] : memref<4x2x32xi32, #tpu.memory_space<vmem>> -> memref<1x2x32xi32, #tpu.memory_space<vmem>>
    %dma_start3A_226 = tpu.memref_squeeze %dma_start3A_225 : memref<1x2x32xi32, #tpu.memory_space<vmem>> -> memref<2x32xi32, #tpu.memory_space<vmem>>
    %dma_start3A_227 = arith.constant 0 : i32
    %dma_start3A_228 = arith.constant 0 : i32
    %dma_start3A_229 = tpu.memref_slice %arg3[%arg0, %arg1, %dma_start3A_221, %dma_start3A_227, %dma_start3A_228] : memref<2x16x632x2x32xi32, #tpu.memory_space<hbm>> -> memref<1x1x1x2x32xi32, #tpu.memory_space<hbm>>
    %dma_start3A_230 = tpu.memref_squeeze %dma_start3A_229 : memref<1x1x1x2x32xi32, #tpu.memory_space<hbm>> -> memref<2x32xi32, #tpu.memory_space<hbm>>
    %dma_start3A_231 = arith.constant 0 : i32
    %dma_start3A_232 = arith.constant 0 : i32
    %dma_start3A_233 = tpu.memref_slice %arg5[%dma_start3A_222, %dma_start3A_231, %dma_start3A_232] : memref<4x2x32xi32, #tpu.memory_space<vmem>> -> memref<1x2x32xi32, #tpu.memory_space<vmem>>
    %dma_start3A_234 = tpu.memref_squeeze %dma_start3A_233 : memref<1x2x32xi32, #tpu.memory_space<vmem>> -> memref<2x32xi32, #tpu.memory_space<vmem>>
    %dma_start3A_235 = arith.constant 0 : i32
    %dma_start3A_236 = arith.constant 0 : i32
    %dma_start3A_237 = tpu.memref_slice %arg3[%arg0, %arg1, %dma_start3A_221, %dma_start3A_235, %dma_start3A_236] : memref<2x16x632x2x32xi32, #tpu.memory_space<hbm>> -> memref<1x1x1x2x32xi32, #tpu.memory_space<hbm>>
    %dma_start3A_238 = tpu.memref_squeeze %dma_start3A_237 : memref<1x1x1x2x32xi32, #tpu.memory_space<hbm>> -> memref<2x32xi32, #tpu.memory_space<hbm>>
    tpu.enqueue_dma source(%dma_start3A_238 : memref<2x32xi32, #tpu.memory_space<hbm>>) target(%dma_start3A_234 : memref<2x32xi32, #tpu.memory_space<vmem>>) target_semaphore(%arg10 : memref<!tpu.dma_semaphore, #tpu.memory_space<semaphore_mem>>)
    %dma_start3A_239 = arith.constant 2 : i32
    %dma_start3A_240 = arith.constant 2 : i32
    %dma_start3A_241 = arith.constant 0 : i32
    %dma_start3A_242 = arith.constant 0 : i32
    %dma_start3A_243 = tpu.memref_slice %arg5[%dma_start3A_240, %dma_start3A_241, %dma_start3A_242] : memref<4x2x32xi32, #tpu.memory_space<vmem>> -> memref<1x2x32xi32, #tpu.memory_space<vmem>>
    %dma_start3A_244 = tpu.memref_squeeze %dma_start3A_243 : memref<1x2x32xi32, #tpu.memory_space<vmem>> -> memref<2x32xi32, #tpu.memory_space<vmem>>
    %dma_start3A_245 = arith.constant 0 : i32
    %dma_start3A_246 = arith.constant 0 : i32
    %dma_start3A_247 = tpu.memref_slice %arg3[%arg0, %arg1, %dma_start3A_239, %dma_start3A_245, %dma_start3A_246] : memref<2x16x632x2x32xi32, #tpu.memory_space<hbm>> -> memref<1x1x1x2x32xi32, #tpu.memory_space<hbm>>
    %dma_start3A_248 = tpu.memref_squeeze %dma_start3A_247 : memref<1x1x1x2x32xi32, #tpu.memory_space<hbm>> -> memref<2x32xi32, #tpu.memory_space<hbm>>
    %dma_start3A_249 = arith.constant 0 : i32
    %dma_start3A_250 = arith.constant 0 : i32
    %dma_start3A_251 = tpu.memref_slice %arg5[%dma_start3A_240, %dma_start3A_249, %dma_start3A_250] : memref<4x2x32xi32, #tpu.memory_space<vmem>> -> memref<1x2x32xi32, #tpu.memory_space<vmem>>
    %dma_start3A_252 = tpu.memref_squeeze %dma_start3A_251 : memref<1x2x32xi32, #tpu.memory_space<vmem>> -> memref<2x32xi32, #tpu.memory_space<vmem>>
    %dma_start3A_253 = arith.constant 0 : i32
    %dma_start3A_254 = arith.constant 0 : i32
    %dma_start3A_255 = tpu.memref_slice %arg3[%arg0, %arg1, %dma_start3A_239, %dma_start3A_253, %dma_start3A_254] : memref<2x16x632x2x32xi32, #tpu.memory_space<hbm>> -> memref<1x1x1x2x32xi32, #tpu.memory_space<hbm>>
    %dma_start3A_256 = tpu.memref_squeeze %dma_start3A_255 : memref<1x1x1x2x32xi32, #tpu.memory_space<hbm>> -> memref<2x32xi32, #tpu.memory_space<hbm>>
    tpu.enqueue_dma source(%dma_start3A_256 : memref<2x32xi32, #tpu.memory_space<hbm>>) target(%dma_start3A_252 : memref<2x32xi32, #tpu.memory_space<vmem>>) target_semaphore(%arg11 : memref<!tpu.dma_semaphore, #tpu.memory_space<semaphore_mem>>)
    %dma_start3A_257 = arith.constant 3 : i32
    %dma_start3A_258 = arith.constant 3 : i32
    %dma_start3A_259 = arith.constant 0 : i32
    %dma_start3A_260 = arith.constant 0 : i32
    %dma_start3A_261 = tpu.memref_slice %arg5[%dma_start3A_258, %dma_start3A_259, %dma_start3A_260] : memref<4x2x32xi32, #tpu.memory_space<vmem>> -> memref<1x2x32xi32, #tpu.memory_space<vmem>>
    %dma_start3A_262 = tpu.memref_squeeze %dma_start3A_261 : memref<1x2x32xi32, #tpu.memory_space<vmem>> -> memref<2x32xi32, #tpu.memory_space<vmem>>
    %dma_start3A_263 = arith.constant 0 : i32
    %dma_start3A_264 = arith.constant 0 : i32
    %dma_start3A_265 = tpu.memref_slice %arg3[%arg0, %arg1, %dma_start3A_257, %dma_start3A_263, %dma_start3A_264] : memref<2x16x632x2x32xi32, #tpu.memory_space<hbm>> -> memref<1x1x1x2x32xi32, #tpu.memory_space<hbm>>
    %dma_start3A_266 = tpu.memref_squeeze %dma_start3A_265 : memref<1x1x1x2x32xi32, #tpu.memory_space<hbm>> -> memref<2x32xi32, #tpu.memory_space<hbm>>
    %dma_start3A_267 = arith.constant 0 : i32
    %dma_start3A_268 = arith.constant 0 : i32
    %dma_start3A_269 = tpu.memref_slice %arg5[%dma_start3A_258, %dma_start3A_267, %dma_start3A_268] : memref<4x2x32xi32, #tpu.memory_space<vmem>> -> memref<1x2x32xi32, #tpu.memory_space<vmem>>
    %dma_start3A_270 = tpu.memref_squeeze %dma_start3A_269 : memref<1x2x32xi32, #tpu.memory_space<vmem>> -> memref<2x32xi32, #tpu.memory_space<vmem>>
    %dma_start3A_271 = arith.constant 0 : i32
    %dma_start3A_272 = arith.constant 0 : i32
    %dma_start3A_273 = tpu.memref_slice %arg3[%arg0, %arg1, %dma_start3A_257, %dma_start3A_271, %dma_start3A_272] : memref<2x16x632x2x32xi32, #tpu.memory_space<hbm>> -> memref<1x1x1x2x32xi32, #tpu.memory_space<hbm>>
    %dma_start3A_274 = tpu.memref_squeeze %dma_start3A_273 : memref<1x1x1x2x32xi32, #tpu.memory_space<hbm>> -> memref<2x32xi32, #tpu.memory_space<hbm>>
    tpu.enqueue_dma source(%dma_start3A_274 : memref<2x32xi32, #tpu.memory_space<hbm>>) target(%dma_start3A_270 : memref<2x32xi32, #tpu.memory_space<vmem>>) target_semaphore(%arg12 : memref<!tpu.dma_semaphore, #tpu.memory_space<semaphore_mem>>)
    %scan3A_275 = arith.constant 0 : i32
    %scan3A_276 = arith.constant 0 : i32
    %scan3A_277 = arith.constant 157 : i32
    %scan3A_278 = arith.addi %scan3A_276, %scan3A_277 : i32
    %scan3A_279 = arith.constant 1 : i32
    scf.for %scan3A_356 = %scan3A_276 to %scan3A_278 step %scan3A_279  : i32 {
      %mul3A_357 = arith.constant 4 : i32
      %mul3A_358 = arith.muli %mul3A_357, %scan3A_356 : i32
      %add3A = arith.constant 0 : i32
      %add3A_359 = arith.addi %mul3A_358, %add3A : i32
      %dma_wait3A_360 = arith.constant 0 : i32
      %dma_wait3A_361 = arith.constant 0 : i32
      %dma_wait3A_362 = arith.constant 0 : i32
      %dma_wait3A_363 = tpu.memref_slice %arg5[%dma_wait3A_360, %dma_wait3A_361, %dma_wait3A_362] : memref<4x2x32xi32, #tpu.memory_space<vmem>> -> memref<1x2x32xi32, #tpu.memory_space<vmem>>
      %dma_wait3A_364 = tpu.memref_squeeze %dma_wait3A_363 : memref<1x2x32xi32, #tpu.memory_space<vmem>> -> memref<2x32xi32, #tpu.memory_space<vmem>>
      %dma_wait3A_365 = arith.constant 0 : i32
      %dma_wait3A_366 = arith.constant 0 : i32
      %dma_wait3A_367 = tpu.memref_slice %arg3[%arg0, %arg1, %add3A_359, %dma_wait3A_365, %dma_wait3A_366] : memref<2x16x632x2x32xi32, #tpu.memory_space<hbm>> -> memref<1x1x1x2x32xi32, #tpu.memory_space<hbm>>
      %dma_wait3A_368 = tpu.memref_squeeze %dma_wait3A_367 : memref<1x1x1x2x32xi32, #tpu.memory_space<hbm>> -> memref<2x32xi32, #tpu.memory_space<hbm>>
      %dma_wait3A_369 = arith.constant 0 : i32
      %dma_wait3A_370 = arith.constant 0 : i32
      %dma_wait3A_371 = tpu.memref_slice %arg5[%dma_wait3A_360, %dma_wait3A_369, %dma_wait3A_370] : memref<4x2x32xi32, #tpu.memory_space<vmem>> -> memref<1x2x32xi32, #tpu.memory_space<vmem>>
      %dma_wait3A_372 = tpu.memref_squeeze %dma_wait3A_371 : memref<1x2x32xi32, #tpu.memory_space<vmem>> -> memref<2x32xi32, #tpu.memory_space<vmem>>
      %dma_wait3A_373 = arith.constant 0 : i32
      %dma_wait3A_374 = arith.constant 0 : i32
      %dma_wait3A_375 = tpu.memref_slice %arg3[%arg0, %arg1, %add3A_359, %dma_wait3A_373, %dma_wait3A_374] : memref<2x16x632x2x32xi32, #tpu.memory_space<hbm>> -> memref<1x1x1x2x32xi32, #tpu.memory_space<hbm>>
      %dma_wait3A_376 = tpu.memref_squeeze %dma_wait3A_375 : memref<1x1x1x2x32xi32, #tpu.memory_space<hbm>> -> memref<2x32xi32, #tpu.memory_space<hbm>>
      tpu.wait_dma2 semaphore(%arg9 : memref<!tpu.dma_semaphore, #tpu.memory_space<semaphore_mem>>) src(%dma_wait3A_376 : memref<2x32xi32, #tpu.memory_space<hbm>>) dst(%dma_wait3A_372 : memref<2x32xi32, #tpu.memory_space<vmem>>)
      %dma_start3A_377 = arith.constant 0 : i32
      %dma_start3A_378 = arith.constant 0 : i32
      %dma_start3A_379 = arith.constant 0 : i32
      %dma_start3A_380 = tpu.memref_slice %arg5[%dma_start3A_377, %dma_start3A_378, %dma_start3A_379] : memref<4x2x32xi32, #tpu.memory_space<vmem>> -> memref<1x1x32xi32, #tpu.memory_space<vmem>>
      %dma_start3A_381 = tpu.memref_squeeze %dma_start3A_380 : memref<1x1x32xi32, #tpu.memory_space<vmem>> -> memref<32xi32, #tpu.memory_space<vmem>>
      %dma_start3A_382 = arith.constant 0 : i32
      %dma_start3A_383 = arith.constant 0 : i32
      %dma_start3A_384 = tpu.memref_slice %arg16[%dma_start3A_382, %dma_start3A_383] : memref<10000x128xf32, #tpu.memory_space<vmem_shared>> -> memref<10000x128xf32, #tpu.memory_space<vmem_shared>>
      tpu.enqueue_indirect_dma source(%dma_start3A_384 : memref<10000x128xf32, #tpu.memory_space<vmem_shared>>) target(%arg6 : memref<32x128xf32, #tpu.memory_space<vmem>>) offsets(%dma_start3A_381 : memref<32xi32, #tpu.memory_space<vmem>>) semaphore(%arg13 : memref<!tpu.dma_semaphore, #tpu.memory_space<semaphore_mem>>)
      %add3A_385 = arith.constant 1 : i32
      %add3A_386 = arith.addi %mul3A_358, %add3A_385 : i32
      %dma_wait3A_387 = arith.constant 1 : i32
      %dma_wait3A_388 = arith.constant 0 : i32
      %dma_wait3A_389 = arith.constant 0 : i32
      %dma_wait3A_390 = tpu.memref_slice %arg5[%dma_wait3A_387, %dma_wait3A_388, %dma_wait3A_389] : memref<4x2x32xi32, #tpu.memory_space<vmem>> -> memref<1x2x32xi32, #tpu.memory_space<vmem>>
      %dma_wait3A_391 = tpu.memref_squeeze %dma_wait3A_390 : memref<1x2x32xi32, #tpu.memory_space<vmem>> -> memref<2x32xi32, #tpu.memory_space<vmem>>
      %dma_wait3A_392 = arith.constant 0 : i32
      %dma_wait3A_393 = arith.constant 0 : i32
      %dma_wait3A_394 = tpu.memref_slice %arg3[%arg0, %arg1, %add3A_386, %dma_wait3A_392, %dma_wait3A_393] : memref<2x16x632x2x32xi32, #tpu.memory_space<hbm>> -> memref<1x1x1x2x32xi32, #tpu.memory_space<hbm>>
      %dma_wait3A_395 = tpu.memref_squeeze %dma_wait3A_394 : memref<1x1x1x2x32xi32, #tpu.memory_space<hbm>> -> memref<2x32xi32, #tpu.memory_space<hbm>>
      %dma_wait3A_396 = arith.constant 0 : i32
      %dma_wait3A_397 = arith.constant 0 : i32
      %dma_wait3A_398 = tpu.memref_slice %arg5[%dma_wait3A_387, %dma_wait3A_396, %dma_wait3A_397] : memref<4x2x32xi32, #tpu.memory_space<vmem>> -> memref<1x2x32xi32, #tpu.memory_space<vmem>>
      %dma_wait3A_399 = tpu.memref_squeeze %dma_wait3A_398 : memref<1x2x32xi32, #tpu.memory_space<vmem>> -> memref<2x32xi32, #tpu.memory_space<vmem>>
      %dma_wait3A_400 = arith.constant 0 : i32
      %dma_wait3A_401 = arith.constant 0 : i32
      %dma_wait3A_402 = tpu.memref_slice %arg3[%arg0, %arg1, %add3A_386, %dma_wait3A_400, %dma_wait3A_401] : memref<2x16x632x2x32xi32, #tpu.memory_space<hbm>> -> memref<1x1x1x2x32xi32, #tpu.memory_space<hbm>>
      %dma_wait3A_403 = tpu.memref_squeeze %dma_wait3A_402 : memref<1x1x1x2x32xi32, #tpu.memory_space<hbm>> -> memref<2x32xi32, #tpu.memory_space<hbm>>
      tpu.wait_dma2 semaphore(%arg10 : memref<!tpu.dma_semaphore, #tpu.memory_space<semaphore_mem>>) src(%dma_wait3A_403 : memref<2x32xi32, #tpu.memory_space<hbm>>) dst(%dma_wait3A_399 : memref<2x32xi32, #tpu.memory_space<vmem>>)
      %dma_start3A_404 = arith.constant 1 : i32
      %dma_start3A_405 = arith.constant 0 : i32
      %dma_start3A_406 = arith.constant 0 : i32
      %dma_start3A_407 = tpu.memref_slice %arg5[%dma_start3A_404, %dma_start3A_405, %dma_start3A_406] : memref<4x2x32xi32, #tpu.memory_space<vmem>> -> memref<1x1x32xi32, #tpu.memory_space<vmem>>
      %dma_start3A_408 = tpu.memref_squeeze %dma_start3A_407 : memref<1x1x32xi32, #tpu.memory_space<vmem>> -> memref<32xi32, #tpu.memory_space<vmem>>
      %dma_start3A_409 = arith.constant 0 : i32
      %dma_start3A_410 = arith.constant 0 : i32
      %dma_start3A_411 = tpu.memref_slice %arg16[%dma_start3A_409, %dma_start3A_410] : memref<10000x128xf32, #tpu.memory_space<vmem_shared>> -> memref<10000x128xf32, #tpu.memory_space<vmem_shared>>
      tpu.enqueue_indirect_dma source(%dma_start3A_411 : memref<10000x128xf32, #tpu.memory_space<vmem_shared>>) target(%arg7 : memref<32x128xf32, #tpu.memory_space<vmem>>) offsets(%dma_start3A_408 : memref<32xi32, #tpu.memory_space<vmem>>) semaphore(%arg14 : memref<!tpu.dma_semaphore, #tpu.memory_space<semaphore_mem>>)
      %dma_wait3A_412 = arith.constant 0 : i32
      %dma_wait3A_413 = arith.constant 0 : i32
      %dma_wait3A_414 = arith.constant 0 : i32
      %dma_wait3A_415 = tpu.memref_slice %arg5[%dma_wait3A_412, %dma_wait3A_413, %dma_wait3A_414] : memref<4x2x32xi32, #tpu.memory_space<vmem>> -> memref<1x1x32xi32, #tpu.memory_space<vmem>>
      %dma_wait3A_416 = tpu.memref_squeeze %dma_wait3A_415 : memref<1x1x32xi32, #tpu.memory_space<vmem>> -> memref<32xi32, #tpu.memory_space<vmem>>
      %dma_wait3A_417 = arith.constant 0 : i32
      %dma_wait3A_418 = arith.constant 0 : i32
      %dma_wait3A_419 = tpu.memref_slice %arg16[%dma_wait3A_417, %dma_wait3A_418] : memref<10000x128xf32, #tpu.memory_space<vmem_shared>> -> memref<10000x128xf32, #tpu.memory_space<vmem_shared>>
      tpu.wait_indirect_dma semaphore(%arg13 : memref<!tpu.dma_semaphore, #tpu.memory_space<semaphore_mem>>) src(%dma_wait3A_419 : memref<10000x128xf32, #tpu.memory_space<vmem_shared>>) dst(%arg6 : memref<32x128xf32, #tpu.memory_space<vmem>>)
      %run_scoped3A = arith.constant 0 : i32
      %run_scoped3A_420 = arith.constant 1 : i32
      "tpu.region"() ({
        %run_scoped3A_587 = tpu.sem_alloc : memref<!tpu.dma_semaphore, #tpu.memory_space<semaphore_mem>>
        %dma_start3A_588 = arith.constant 0 : i32
        %dma_start3A_589 = tpu.memref_slice %arg5[%run_scoped3A, %run_scoped3A_420, %dma_start3A_588] : memref<4x2x32xi32, #tpu.memory_space<vmem>> -> memref<1x1x32xi32, #tpu.memory_space<vmem>>
        %dma_start3A_590 = tpu.memref_squeeze %dma_start3A_589 : memref<1x1x32xi32, #tpu.memory_space<vmem>> -> memref<32xi32, #tpu.memory_space<vmem>>
        %dma_start3A_591 = arith.constant 0 : i32
        %dma_start3A_592 = arith.constant 0 : i32
        %dma_start3A_593 = tpu.memref_slice %arg17[%dma_start3A_591, %dma_start3A_592] : memref<5120x128xf32, #tpu.memory_space<vmem_shared>> -> memref<5120x128xf32, #tpu.memory_space<vmem_shared>>
        tpu.enqueue_indirect_dma source(%arg6 : memref<32x128xf32, #tpu.memory_space<vmem>>) target(%dma_start3A_593 : memref<5120x128xf32, #tpu.memory_space<vmem_shared>>) offsets(%dma_start3A_590 : memref<32xi32, #tpu.memory_space<vmem>>) semaphore(%run_scoped3A_587 : memref<!tpu.dma_semaphore, #tpu.memory_space<semaphore_mem>>) {add = true}
        %dma_wait3A_594 = arith.constant 0 : i32
        %dma_wait3A_595 = tpu.memref_slice %arg5[%run_scoped3A, %run_scoped3A_420, %dma_wait3A_594] : memref<4x2x32xi32, #tpu.memory_space<vmem>> -> memref<1x1x32xi32, #tpu.memory_space<vmem>>
        %dma_wait3A_596 = tpu.memref_squeeze %dma_wait3A_595 : memref<1x1x32xi32, #tpu.memory_space<vmem>> -> memref<32xi32, #tpu.memory_space<vmem>>
        %dma_wait3A_597 = arith.constant 0 : i32
        %dma_wait3A_598 = arith.constant 0 : i32
        %dma_wait3A_599 = tpu.memref_slice %arg17[%dma_wait3A_597, %dma_wait3A_598] : memref<5120x128xf32, #tpu.memory_space<vmem_shared>> -> memref<5120x128xf32, #tpu.memory_space<vmem_shared>>
        tpu.wait_indirect_dma semaphore(%run_scoped3A_587 : memref<!tpu.dma_semaphore, #tpu.memory_space<semaphore_mem>>) src(%arg6 : memref<32x128xf32, #tpu.memory_space<vmem>>) dst(%dma_wait3A_599 : memref<5120x128xf32, #tpu.memory_space<vmem_shared>>)
        tpu.yield
      }) : () -> ()
      %add3A_421 = arith.constant 4 : i32
      %add3A_422 = arith.addi %mul3A_358, %add3A_421 : i32
      %add3A_423 = arith.constant 0 : i32
      %add3A_424 = arith.addi %add3A_422, %add3A_423 : i32
      %dma_start3A_425 = arith.constant 0 : i32
      %dma_start3A_426 = arith.constant 0 : i32
      %dma_start3A_427 = arith.constant 0 : i32
      %dma_start3A_428 = tpu.memref_slice %arg5[%dma_start3A_425, %dma_start3A_426, %dma_start3A_427] : memref<4x2x32xi32, #tpu.memory_space<vmem>> -> memref<1x2x32xi32, #tpu.memory_space<vmem>>
      %dma_start3A_429 = tpu.memref_squeeze %dma_start3A_428 : memref<1x2x32xi32, #tpu.memory_space<vmem>> -> memref<2x32xi32, #tpu.memory_space<vmem>>
      %dma_start3A_430 = arith.constant 0 : i32
      %dma_start3A_431 = arith.constant 0 : i32
      %dma_start3A_432 = tpu.memref_slice %arg3[%arg0, %arg1, %add3A_424, %dma_start3A_430, %dma_start3A_431] : memref<2x16x632x2x32xi32, #tpu.memory_space<hbm>> -> memref<1x1x1x2x32xi32, #tpu.memory_space<hbm>>
      %dma_start3A_433 = tpu.memref_squeeze %dma_start3A_432 : memref<1x1x1x2x32xi32, #tpu.memory_space<hbm>> -> memref<2x32xi32, #tpu.memory_space<hbm>>
      %dma_start3A_434 = arith.constant 0 : i32
      %dma_start3A_435 = arith.constant 0 : i32
      %dma_start3A_436 = tpu.memref_slice %arg5[%dma_start3A_425, %dma_start3A_434, %dma_start3A_435] : memref<4x2x32xi32, #tpu.memory_space<vmem>> -> memref<1x2x32xi32, #tpu.memory_space<vmem>>
      %dma_start3A_437 = tpu.memref_squeeze %dma_start3A_436 : memref<1x2x32xi32, #tpu.memory_space<vmem>> -> memref<2x32xi32, #tpu.memory_space<vmem>>
      %dma_start3A_438 = arith.constant 0 : i32
      %dma_start3A_439 = arith.constant 0 : i32
      %dma_start3A_440 = tpu.memref_slice %arg3[%arg0, %arg1, %add3A_424, %dma_start3A_438, %dma_start3A_439] : memref<2x16x632x2x32xi32, #tpu.memory_space<hbm>> -> memref<1x1x1x2x32xi32, #tpu.memory_space<hbm>>
      %dma_start3A_441 = tpu.memref_squeeze %dma_start3A_440 : memref<1x1x1x2x32xi32, #tpu.memory_space<hbm>> -> memref<2x32xi32, #tpu.memory_space<hbm>>
      tpu.enqueue_dma source(%dma_start3A_441 : memref<2x32xi32, #tpu.memory_space<hbm>>) target(%dma_start3A_437 : memref<2x32xi32, #tpu.memory_space<vmem>>) target_semaphore(%arg9 : memref<!tpu.dma_semaphore, #tpu.memory_space<semaphore_mem>>)
      %add3A_442 = arith.constant 2 : i32
      %add3A_443 = arith.addi %mul3A_358, %add3A_442 : i32
      %dma_wait3A_444 = arith.constant 2 : i32
      %dma_wait3A_445 = arith.constant 0 : i32
      %dma_wait3A_446 = arith.constant 0 : i32
      %dma_wait3A_447 = tpu.memref_slice %arg5[%dma_wait3A_444, %dma_wait3A_445, %dma_wait3A_446] : memref<4x2x32xi32, #tpu.memory_space<vmem>> -> memref<1x2x32xi32, #tpu.memory_space<vmem>>
      %dma_wait3A_448 = tpu.memref_squeeze %dma_wait3A_447 : memref<1x2x32xi32, #tpu.memory_space<vmem>> -> memref<2x32xi32, #tpu.memory_space<vmem>>
      %dma_wait3A_449 = arith.constant 0 : i32
      %dma_wait3A_450 = arith.constant 0 : i32
      %dma_wait3A_451 = tpu.memref_slice %arg3[%arg0, %arg1, %add3A_443, %dma_wait3A_449, %dma_wait3A_450] : memref<2x16x632x2x32xi32, #tpu.memory_space<hbm>> -> memref<1x1x1x2x32xi32, #tpu.memory_space<hbm>>
      %dma_wait3A_452 = tpu.memref_squeeze %dma_wait3A_451 : memref<1x1x1x2x32xi32, #tpu.memory_space<hbm>> -> memref<2x32xi32, #tpu.memory_space<hbm>>
      %dma_wait3A_453 = arith.constant 0 : i32
      %dma_wait3A_454 = arith.constant 0 : i32
      %dma_wait3A_455 = tpu.memref_slice %arg5[%dma_wait3A_444, %dma_wait3A_453, %dma_wait3A_454] : memref<4x2x32xi32, #tpu.memory_space<vmem>> -> memref<1x2x32xi32, #tpu.memory_space<vmem>>
      %dma_wait3A_456 = tpu.memref_squeeze %dma_wait3A_455 : memref<1x2x32xi32, #tpu.memory_space<vmem>> -> memref<2x32xi32, #tpu.memory_space<vmem>>
      %dma_wait3A_457 = arith.constant 0 : i32
      %dma_wait3A_458 = arith.constant 0 : i32
      %dma_wait3A_459 = tpu.memref_slice %arg3[%arg0, %arg1, %add3A_443, %dma_wait3A_457, %dma_wait3A_458] : memref<2x16x632x2x32xi32, #tpu.memory_space<hbm>> -> memref<1x1x1x2x32xi32, #tpu.memory_space<hbm>>
      %dma_wait3A_460 = tpu.memref_squeeze %dma_wait3A_459 : memref<1x1x1x2x32xi32, #tpu.memory_space<hbm>> -> memref<2x32xi32, #tpu.memory_space<hbm>>
      tpu.wait_dma2 semaphore(%arg11 : memref<!tpu.dma_semaphore, #tpu.memory_space<semaphore_mem>>) src(%dma_wait3A_460 : memref<2x32xi32, #tpu.memory_space<hbm>>) dst(%dma_wait3A_456 : memref<2x32xi32, #tpu.memory_space<vmem>>)
      %dma_start3A_461 = arith.constant 2 : i32
      %dma_start3A_462 = arith.constant 0 : i32
      %dma_start3A_463 = arith.constant 0 : i32
      %dma_start3A_464 = tpu.memref_slice %arg5[%dma_start3A_461, %dma_start3A_462, %dma_start3A_463] : memref<4x2x32xi32, #tpu.memory_space<vmem>> -> memref<1x1x32xi32, #tpu.memory_space<vmem>>
      %dma_start3A_465 = tpu.memref_squeeze %dma_start3A_464 : memref<1x1x32xi32, #tpu.memory_space<vmem>> -> memref<32xi32, #tpu.memory_space<vmem>>
      %dma_start3A_466 = arith.constant 0 : i32
      %dma_start3A_467 = arith.constant 0 : i32
      %dma_start3A_468 = tpu.memref_slice %arg16[%dma_start3A_466, %dma_start3A_467] : memref<10000x128xf32, #tpu.memory_space<vmem_shared>> -> memref<10000x128xf32, #tpu.memory_space<vmem_shared>>
      tpu.enqueue_indirect_dma source(%dma_start3A_468 : memref<10000x128xf32, #tpu.memory_space<vmem_shared>>) target(%arg6 : memref<32x128xf32, #tpu.memory_space<vmem>>) offsets(%dma_start3A_465 : memref<32xi32, #tpu.memory_space<vmem>>) semaphore(%arg13 : memref<!tpu.dma_semaphore, #tpu.memory_space<semaphore_mem>>)
      %dma_wait3A_469 = arith.constant 1 : i32
      %dma_wait3A_470 = arith.constant 0 : i32
      %dma_wait3A_471 = arith.constant 0 : i32
      %dma_wait3A_472 = tpu.memref_slice %arg5[%dma_wait3A_469, %dma_wait3A_470, %dma_wait3A_471] : memref<4x2x32xi32, #tpu.memory_space<vmem>> -> memref<1x1x32xi32, #tpu.memory_space<vmem>>
      %dma_wait3A_473 = tpu.memref_squeeze %dma_wait3A_472 : memref<1x1x32xi32, #tpu.memory_space<vmem>> -> memref<32xi32, #tpu.memory_space<vmem>>
      %dma_wait3A_474 = arith.constant 0 : i32
      %dma_wait3A_475 = arith.constant 0 : i32
      %dma_wait3A_476 = tpu.memref_slice %arg16[%dma_wait3A_474, %dma_wait3A_475] : memref<10000x128xf32, #tpu.memory_space<vmem_shared>> -> memref<10000x128xf32, #tpu.memory_space<vmem_shared>>
      tpu.wait_indirect_dma semaphore(%arg14 : memref<!tpu.dma_semaphore, #tpu.memory_space<semaphore_mem>>) src(%dma_wait3A_476 : memref<10000x128xf32, #tpu.memory_space<vmem_shared>>) dst(%arg7 : memref<32x128xf32, #tpu.memory_space<vmem>>)
      %run_scoped3A_477 = arith.constant 1 : i32
      %run_scoped3A_478 = arith.constant 1 : i32
      "tpu.region"() ({
        %run_scoped3A_587 = tpu.sem_alloc : memref<!tpu.dma_semaphore, #tpu.memory_space<semaphore_mem>>
        %dma_start3A_588 = arith.constant 0 : i32
        %dma_start3A_589 = tpu.memref_slice %arg5[%run_scoped3A_477, %run_scoped3A_478, %dma_start3A_588] : memref<4x2x32xi32, #tpu.memory_space<vmem>> -> memref<1x1x32xi32, #tpu.memory_space<vmem>>
        %dma_start3A_590 = tpu.memref_squeeze %dma_start3A_589 : memref<1x1x32xi32, #tpu.memory_space<vmem>> -> memref<32xi32, #tpu.memory_space<vmem>>
        %dma_start3A_591 = arith.constant 0 : i32
        %dma_start3A_592 = arith.constant 0 : i32
        %dma_start3A_593 = tpu.memref_slice %arg17[%dma_start3A_591, %dma_start3A_592] : memref<5120x128xf32, #tpu.memory_space<vmem_shared>> -> memref<5120x128xf32, #tpu.memory_space<vmem_shared>>
        tpu.enqueue_indirect_dma source(%arg7 : memref<32x128xf32, #tpu.memory_space<vmem>>) target(%dma_start3A_593 : memref<5120x128xf32, #tpu.memory_space<vmem_shared>>) offsets(%dma_start3A_590 : memref<32xi32, #tpu.memory_space<vmem>>) semaphore(%run_scoped3A_587 : memref<!tpu.dma_semaphore, #tpu.memory_space<semaphore_mem>>) {add = true}
        %dma_wait3A_594 = arith.constant 0 : i32
        %dma_wait3A_595 = tpu.memref_slice %arg5[%run_scoped3A_477, %run_scoped3A_478, %dma_wait3A_594] : memref<4x2x32xi32, #tpu.memory_space<vmem>> -> memref<1x1x32xi32, #tpu.memory_space<vmem>>
        %dma_wait3A_596 = tpu.memref_squeeze %dma_wait3A_595 : memref<1x1x32xi32, #tpu.memory_space<vmem>> -> memref<32xi32, #tpu.memory_space<vmem>>
        %dma_wait3A_597 = arith.constant 0 : i32
        %dma_wait3A_598 = arith.constant 0 : i32
        %dma_wait3A_599 = tpu.memref_slice %arg17[%dma_wait3A_597, %dma_wait3A_598] : memref<5120x128xf32, #tpu.memory_space<vmem_shared>> -> memref<5120x128xf32, #tpu.memory_space<vmem_shared>>
        tpu.wait_indirect_dma semaphore(%run_scoped3A_587 : memref<!tpu.dma_semaphore, #tpu.memory_space<semaphore_mem>>) src(%arg7 : memref<32x128xf32, #tpu.memory_space<vmem>>) dst(%dma_wait3A_599 : memref<5120x128xf32, #tpu.memory_space<vmem_shared>>)
        tpu.yield
      }) : () -> ()
      %add3A_479 = arith.constant 4 : i32
      %add3A_480 = arith.addi %mul3A_358, %add3A_479 : i32
      %add3A_481 = arith.constant 1 : i32
      %add3A_482 = arith.addi %add3A_480, %add3A_481 : i32
      %dma_start3A_483 = arith.constant 1 : i32
      %dma_start3A_484 = arith.constant 0 : i32
      %dma_start3A_485 = arith.constant 0 : i32
      %dma_start3A_486 = tpu.memref_slice %arg5[%dma_start3A_483, %dma_start3A_484, %dma_start3A_485] : memref<4x2x32xi32, #tpu.memory_space<vmem>> -> memref<1x2x32xi32, #tpu.memory_space<vmem>>
      %dma_start3A_487 = tpu.memref_squeeze %dma_start3A_486 : memref<1x2x32xi32, #tpu.memory_space<vmem>> -> memref<2x32xi32, #tpu.memory_space<vmem>>
      %dma_start3A_488 = arith.constant 0 : i32
      %dma_start3A_489 = arith.constant 0 : i32
      %dma_start3A_490 = tpu.memref_slice %arg3[%arg0, %arg1, %add3A_482, %dma_start3A_488, %dma_start3A_489] : memref<2x16x632x2x32xi32, #tpu.memory_space<hbm>> -> memref<1x1x1x2x32xi32, #tpu.memory_space<hbm>>
      %dma_start3A_491 = tpu.memref_squeeze %dma_start3A_490 : memref<1x1x1x2x32xi32, #tpu.memory_space<hbm>> -> memref<2x32xi32, #tpu.memory_space<hbm>>
      %dma_start3A_492 = arith.constant 0 : i32
      %dma_start3A_493 = arith.constant 0 : i32
      %dma_start3A_494 = tpu.memref_slice %arg5[%dma_start3A_483, %dma_start3A_492, %dma_start3A_493] : memref<4x2x32xi32, #tpu.memory_space<vmem>> -> memref<1x2x32xi32, #tpu.memory_space<vmem>>
      %dma_start3A_495 = tpu.memref_squeeze %dma_start3A_494 : memref<1x2x32xi32, #tpu.memory_space<vmem>> -> memref<2x32xi32, #tpu.memory_space<vmem>>
      %dma_start3A_496 = arith.constant 0 : i32
      %dma_start3A_497 = arith.constant 0 : i32
      %dma_start3A_498 = tpu.memref_slice %arg3[%arg0, %arg1, %add3A_482, %dma_start3A_496, %dma_start3A_497] : memref<2x16x632x2x32xi32, #tpu.memory_space<hbm>> -> memref<1x1x1x2x32xi32, #tpu.memory_space<hbm>>
      %dma_start3A_499 = tpu.memref_squeeze %dma_start3A_498 : memref<1x1x1x2x32xi32, #tpu.memory_space<hbm>> -> memref<2x32xi32, #tpu.memory_space<hbm>>
      tpu.enqueue_dma source(%dma_start3A_499 : memref<2x32xi32, #tpu.memory_space<hbm>>) target(%dma_start3A_495 : memref<2x32xi32, #tpu.memory_space<vmem>>) target_semaphore(%arg10 : memref<!tpu.dma_semaphore, #tpu.memory_space<semaphore_mem>>)
      %add3A_500 = arith.constant 3 : i32
      %add3A_501 = arith.addi %mul3A_358, %add3A_500 : i32
      %dma_wait3A_502 = arith.constant 3 : i32
      %dma_wait3A_503 = arith.constant 0 : i32
      %dma_wait3A_504 = arith.constant 0 : i32
      %dma_wait3A_505 = tpu.memref_slice %arg5[%dma_wait3A_502, %dma_wait3A_503, %dma_wait3A_504] : memref<4x2x32xi32, #tpu.memory_space<vmem>> -> memref<1x2x32xi32, #tpu.memory_space<vmem>>
      %dma_wait3A_506 = tpu.memref_squeeze %dma_wait3A_505 : memref<1x2x32xi32, #tpu.memory_space<vmem>> -> memref<2x32xi32, #tpu.memory_space<vmem>>
      %dma_wait3A_507 = arith.constant 0 : i32
      %dma_wait3A_508 = arith.constant 0 : i32
      %dma_wait3A_509 = tpu.memref_slice %arg3[%arg0, %arg1, %add3A_501, %dma_wait3A_507, %dma_wait3A_508] : memref<2x16x632x2x32xi32, #tpu.memory_space<hbm>> -> memref<1x1x1x2x32xi32, #tpu.memory_space<hbm>>
      %dma_wait3A_510 = tpu.memref_squeeze %dma_wait3A_509 : memref<1x1x1x2x32xi32, #tpu.memory_space<hbm>> -> memref<2x32xi32, #tpu.memory_space<hbm>>
      %dma_wait3A_511 = arith.constant 0 : i32
      %dma_wait3A_512 = arith.constant 0 : i32
      %dma_wait3A_513 = tpu.memref_slice %arg5[%dma_wait3A_502, %dma_wait3A_511, %dma_wait3A_512] : memref<4x2x32xi32, #tpu.memory_space<vmem>> -> memref<1x2x32xi32, #tpu.memory_space<vmem>>
      %dma_wait3A_514 = tpu.memref_squeeze %dma_wait3A_513 : memref<1x2x32xi32, #tpu.memory_space<vmem>> -> memref<2x32xi32, #tpu.memory_space<vmem>>
      %dma_wait3A_515 = arith.constant 0 : i32
      %dma_wait3A_516 = arith.constant 0 : i32
      %dma_wait3A_517 = tpu.memref_slice %arg3[%arg0, %arg1, %add3A_501, %dma_wait3A_515, %dma_wait3A_516] : memref<2x16x632x2x32xi32, #tpu.memory_space<hbm>> -> memref<1x1x1x2x32xi32, #tpu.memory_space<hbm>>
      %dma_wait3A_518 = tpu.memref_squeeze %dma_wait3A_517 : memref<1x1x1x2x32xi32, #tpu.memory_space<hbm>> -> memref<2x32xi32, #tpu.memory_space<hbm>>
      tpu.wait_dma2 semaphore(%arg12 : memref<!tpu.dma_semaphore, #tpu.memory_space<semaphore_mem>>) src(%dma_wait3A_518 : memref<2x32xi32, #tpu.memory_space<hbm>>) dst(%dma_wait3A_514 : memref<2x32xi32, #tpu.memory_space<vmem>>)
      %dma_start3A_519 = arith.constant 3 : i32
      %dma_start3A_520 = arith.constant 0 : i32
      %dma_start3A_521 = arith.constant 0 : i32
      %dma_start3A_522 = tpu.memref_slice %arg5[%dma_start3A_519, %dma_start3A_520, %dma_start3A_521] : memref<4x2x32xi32, #tpu.memory_space<vmem>> -> memref<1x1x32xi32, #tpu.memory_space<vmem>>
      %dma_start3A_523 = tpu.memref_squeeze %dma_start3A_522 : memref<1x1x32xi32, #tpu.memory_space<vmem>> -> memref<32xi32, #tpu.memory_space<vmem>>
      %dma_start3A_524 = arith.constant 0 : i32
      %dma_start3A_525 = arith.constant 0 : i32
      %dma_start3A_526 = tpu.memref_slice %arg16[%dma_start3A_524, %dma_start3A_525] : memref<10000x128xf32, #tpu.memory_space<vmem_shared>> -> memref<10000x128xf32, #tpu.memory_space<vmem_shared>>
      tpu.enqueue_indirect_dma source(%dma_start3A_526 : memref<10000x128xf32, #tpu.memory_space<vmem_shared>>) target(%arg7 : memref<32x128xf32, #tpu.memory_space<vmem>>) offsets(%dma_start3A_523 : memref<32xi32, #tpu.memory_space<vmem>>) semaphore(%arg14 : memref<!tpu.dma_semaphore, #tpu.memory_space<semaphore_mem>>)
      %dma_wait3A_527 = arith.constant 2 : i32
      %dma_wait3A_528 = arith.constant 0 : i32
      %dma_wait3A_529 = arith.constant 0 : i32
      %dma_wait3A_530 = tpu.memref_slice %arg5[%dma_wait3A_527, %dma_wait3A_528, %dma_wait3A_529] : memref<4x2x32xi32, #tpu.memory_space<vmem>> -> memref<1x1x32xi32, #tpu.memory_space<vmem>>
      %dma_wait3A_531 = tpu.memref_squeeze %dma_wait3A_530 : memref<1x1x32xi32, #tpu.memory_space<vmem>> -> memref<32xi32, #tpu.memory_space<vmem>>
      %dma_wait3A_532 = arith.constant 0 : i32
      %dma_wait3A_533 = arith.constant 0 : i32
      %dma_wait3A_534 = tpu.memref_slice %arg16[%dma_wait3A_532, %dma_wait3A_533] : memref<10000x128xf32, #tpu.memory_space<vmem_shared>> -> memref<10000x128xf32, #tpu.memory_space<vmem_shared>>
      tpu.wait_indirect_dma semaphore(%arg13 : memref<!tpu.dma_semaphore, #tpu.memory_space<semaphore_mem>>) src(%dma_wait3A_534 : memref<10000x128xf32, #tpu.memory_space<vmem_shared>>) dst(%arg6 : memref<32x128xf32, #tpu.memory_space<vmem>>)
      %run_scoped3A_535 = arith.constant 2 : i32
      %run_scoped3A_536 = arith.constant 1 : i32
      "tpu.region"() ({
        %run_scoped3A_587 = tpu.sem_alloc : memref<!tpu.dma_semaphore, #tpu.memory_space<semaphore_mem>>
        %dma_start3A_588 = arith.constant 0 : i32
        %dma_start3A_589 = tpu.memref_slice %arg5[%run_scoped3A_535, %run_scoped3A_536, %dma_start3A_588] : memref<4x2x32xi32, #tpu.memory_space<vmem>> -> memref<1x1x32xi32, #tpu.memory_space<vmem>>
        %dma_start3A_590 = tpu.memref_squeeze %dma_start3A_589 : memref<1x1x32xi32, #tpu.memory_space<vmem>> -> memref<32xi32, #tpu.memory_space<vmem>>
        %dma_start3A_591 = arith.constant 0 : i32
        %dma_start3A_592 = arith.constant 0 : i32
        %dma_start3A_593 = tpu.memref_slice %arg17[%dma_start3A_591, %dma_start3A_592] : memref<5120x128xf32, #tpu.memory_space<vmem_shared>> -> memref<5120x128xf32, #tpu.memory_space<vmem_shared>>
        tpu.enqueue_indirect_dma source(%arg6 : memref<32x128xf32, #tpu.memory_space<vmem>>) target(%dma_start3A_593 : memref<5120x128xf32, #tpu.memory_space<vmem_shared>>) offsets(%dma_start3A_590 : memref<32xi32, #tpu.memory_space<vmem>>) semaphore(%run_scoped3A_587 : memref<!tpu.dma_semaphore, #tpu.memory_space<semaphore_mem>>) {add = true}
        %dma_wait3A_594 = arith.constant 0 : i32
        %dma_wait3A_595 = tpu.memref_slice %arg5[%run_scoped3A_535, %run_scoped3A_536, %dma_wait3A_594] : memref<4x2x32xi32, #tpu.memory_space<vmem>> -> memref<1x1x32xi32, #tpu.memory_space<vmem>>
        %dma_wait3A_596 = tpu.memref_squeeze %dma_wait3A_595 : memref<1x1x32xi32, #tpu.memory_space<vmem>> -> memref<32xi32, #tpu.memory_space<vmem>>
        %dma_wait3A_597 = arith.constant 0 : i32
        %dma_wait3A_598 = arith.constant 0 : i32
        %dma_wait3A_599 = tpu.memref_slice %arg17[%dma_wait3A_597, %dma_wait3A_598] : memref<5120x128xf32, #tpu.memory_space<vmem_shared>> -> memref<5120x128xf32, #tpu.memory_space<vmem_shared>>
        tpu.wait_indirect_dma semaphore(%run_scoped3A_587 : memref<!tpu.dma_semaphore, #tpu.memory_space<semaphore_mem>>) src(%arg6 : memref<32x128xf32, #tpu.memory_space<vmem>>) dst(%dma_wait3A_599 : memref<5120x128xf32, #tpu.memory_space<vmem_shared>>)
        tpu.yield
      }) : () -> ()
      %add3A_537 = arith.constant 4 : i32
      %add3A_538 = arith.addi %mul3A_358, %add3A_537 : i32
      %add3A_539 = arith.constant 2 : i32
      %add3A_540 = arith.addi %add3A_538, %add3A_539 : i32
      %dma_start3A_541 = arith.constant 2 : i32
      %dma_start3A_542 = arith.constant 0 : i32
      %dma_start3A_543 = arith.constant 0 : i32
      %dma_start3A_544 = tpu.memref_slice %arg5[%dma_start3A_541, %dma_start3A_542, %dma_start3A_543] : memref<4x2x32xi32, #tpu.memory_space<vmem>> -> memref<1x2x32xi32, #tpu.memory_space<vmem>>
      %dma_start3A_545 = tpu.memref_squeeze %dma_start3A_544 : memref<1x2x32xi32, #tpu.memory_space<vmem>> -> memref<2x32xi32, #tpu.memory_space<vmem>>
      %dma_start3A_546 = arith.constant 0 : i32
      %dma_start3A_547 = arith.constant 0 : i32
      %dma_start3A_548 = tpu.memref_slice %arg3[%arg0, %arg1, %add3A_540, %dma_start3A_546, %dma_start3A_547] : memref<2x16x632x2x32xi32, #tpu.memory_space<hbm>> -> memref<1x1x1x2x32xi32, #tpu.memory_space<hbm>>
      %dma_start3A_549 = tpu.memref_squeeze %dma_start3A_548 : memref<1x1x1x2x32xi32, #tpu.memory_space<hbm>> -> memref<2x32xi32, #tpu.memory_space<hbm>>
      %dma_start3A_550 = arith.constant 0 : i32
      %dma_start3A_551 = arith.constant 0 : i32
      %dma_start3A_552 = tpu.memref_slice %arg5[%dma_start3A_541, %dma_start3A_550, %dma_start3A_551] : memref<4x2x32xi32, #tpu.memory_space<vmem>> -> memref<1x2x32xi32, #tpu.memory_space<vmem>>
      %dma_start3A_553 = tpu.memref_squeeze %dma_start3A_552 : memref<1x2x32xi32, #tpu.memory_space<vmem>> -> memref<2x32xi32, #tpu.memory_space<vmem>>
      %dma_start3A_554 = arith.constant 0 : i32
      %dma_start3A_555 = arith.constant 0 : i32
      %dma_start3A_556 = tpu.memref_slice %arg3[%arg0, %arg1, %add3A_540, %dma_start3A_554, %dma_start3A_555] : memref<2x16x632x2x32xi32, #tpu.memory_space<hbm>> -> memref<1x1x1x2x32xi32, #tpu.memory_space<hbm>>
      %dma_start3A_557 = tpu.memref_squeeze %dma_start3A_556 : memref<1x1x1x2x32xi32, #tpu.memory_space<hbm>> -> memref<2x32xi32, #tpu.memory_space<hbm>>
      tpu.enqueue_dma source(%dma_start3A_557 : memref<2x32xi32, #tpu.memory_space<hbm>>) target(%dma_start3A_553 : memref<2x32xi32, #tpu.memory_space<vmem>>) target_semaphore(%arg11 : memref<!tpu.dma_semaphore, #tpu.memory_space<semaphore_mem>>)
      %dma_wait3A_558 = arith.constant 3 : i32
      %dma_wait3A_559 = arith.constant 0 : i32
      %dma_wait3A_560 = arith.constant 0 : i32
      %dma_wait3A_561 = tpu.memref_slice %arg5[%dma_wait3A_558, %dma_wait3A_559, %dma_wait3A_560] : memref<4x2x32xi32, #tpu.memory_space<vmem>> -> memref<1x1x32xi32, #tpu.memory_space<vmem>>
      %dma_wait3A_562 = tpu.memref_squeeze %dma_wait3A_561 : memref<1x1x32xi32, #tpu.memory_space<vmem>> -> memref<32xi32, #tpu.memory_space<vmem>>
      %dma_wait3A_563 = arith.constant 0 : i32
      %dma_wait3A_564 = arith.constant 0 : i32
      %dma_wait3A_565 = tpu.memref_slice %arg16[%dma_wait3A_563, %dma_wait3A_564] : memref<10000x128xf32, #tpu.memory_space<vmem_shared>> -> memref<10000x128xf32, #tpu.memory_space<vmem_shared>>
      tpu.wait_indirect_dma semaphore(%arg14 : memref<!tpu.dma_semaphore, #tpu.memory_space<semaphore_mem>>) src(%dma_wait3A_565 : memref<10000x128xf32, #tpu.memory_space<vmem_shared>>) dst(%arg7 : memref<32x128xf32, #tpu.memory_space<vmem>>)
      %run_scoped3A_566 = arith.constant 3 : i32
      %run_scoped3A_567 = arith.constant 1 : i32
      "tpu.region"() ({
        %run_scoped3A_587 = tpu.sem_alloc : memref<!tpu.dma_semaphore, #tpu.memory_space<semaphore_mem>>
        %dma_start3A_588 = arith.constant 0 : i32
        %dma_start3A_589 = tpu.memref_slice %arg5[%run_scoped3A_566, %run_scoped3A_567, %dma_start3A_588] : memref<4x2x32xi32, #tpu.memory_space<vmem>> -> memref<1x1x32xi32, #tpu.memory_space<vmem>>
        %dma_start3A_590 = tpu.memref_squeeze %dma_start3A_589 : memref<1x1x32xi32, #tpu.memory_space<vmem>> -> memref<32xi32, #tpu.memory_space<vmem>>
        %dma_start3A_591 = arith.constant 0 : i32
        %dma_start3A_592 = arith.constant 0 : i32
        %dma_start3A_593 = tpu.memref_slice %arg17[%dma_start3A_591, %dma_start3A_592] : memref<5120x128xf32, #tpu.memory_space<vmem_shared>> -> memref<5120x128xf32, #tpu.memory_space<vmem_shared>>
        tpu.enqueue_indirect_dma source(%arg7 : memref<32x128xf32, #tpu.memory_space<vmem>>) target(%dma_start3A_593 : memref<5120x128xf32, #tpu.memory_space<vmem_shared>>) offsets(%dma_start3A_590 : memref<32xi32, #tpu.memory_space<vmem>>) semaphore(%run_scoped3A_587 : memref<!tpu.dma_semaphore, #tpu.memory_space<semaphore_mem>>) {add = true}
        %dma_wait3A_594 = arith.constant 0 : i32
        %dma_wait3A_595 = tpu.memref_slice %arg5[%run_scoped3A_566, %run_scoped3A_567, %dma_wait3A_594] : memref<4x2x32xi32, #tpu.memory_space<vmem>> -> memref<1x1x32xi32, #tpu.memory_space<vmem>>
        %dma_wait3A_596 = tpu.memref_squeeze %dma_wait3A_595 : memref<1x1x32xi32, #tpu.memory_space<vmem>> -> memref<32xi32, #tpu.memory_space<vmem>>
        %dma_wait3A_597 = arith.constant 0 : i32
        %dma_wait3A_598 = arith.constant 0 : i32
        %dma_wait3A_599 = tpu.memref_slice %arg17[%dma_wait3A_597, %dma_wait3A_598] : memref<5120x128xf32, #tpu.memory_space<vmem_shared>> -> memref<5120x128xf32, #tpu.memory_space<vmem_shared>>
        tpu.wait_indirect_dma semaphore(%run_scoped3A_587 : memref<!tpu.dma_semaphore, #tpu.memory_space<semaphore_mem>>) src(%arg7 : memref<32x128xf32, #tpu.memory_space<vmem>>) dst(%dma_wait3A_599 : memref<5120x128xf32, #tpu.memory_space<vmem_shared>>)
        tpu.yield
      }) : () -> ()
      %add3A_568 = arith.constant 7 : i32
      %add3A_569 = arith.addi %mul3A_358, %add3A_568 : i32
      %dma_start3A_570 = arith.constant 3 : i32
      %dma_start3A_571 = arith.constant 0 : i32
      %dma_start3A_572 = arith.constant 0 : i32
      %dma_start3A_573 = tpu.memref_slice %arg5[%dma_start3A_570, %dma_start3A_571, %dma_start3A_572] : memref<4x2x32xi32, #tpu.memory_space<vmem>> -> memref<1x2x32xi32, #tpu.memory_space<vmem>>
      %dma_start3A_574 = tpu.memref_squeeze %dma_start3A_573 : memref<1x2x32xi32, #tpu.memory_space<vmem>> -> memref<2x32xi32, #tpu.memory_space<vmem>>
      %dma_start3A_575 = arith.constant 0 : i32
      %dma_start3A_576 = arith.constant 0 : i32
      %dma_start3A_577 = tpu.memref_slice %arg3[%arg0, %arg1, %add3A_569, %dma_start3A_575, %dma_start3A_576] : memref<2x16x632x2x32xi32, #tpu.memory_space<hbm>> -> memref<1x1x1x2x32xi32, #tpu.memory_space<hbm>>
      %dma_start3A_578 = tpu.memref_squeeze %dma_start3A_577 : memref<1x1x1x2x32xi32, #tpu.memory_space<hbm>> -> memref<2x32xi32, #tpu.memory_space<hbm>>
      %dma_start3A_579 = arith.constant 0 : i32
      %dma_start3A_580 = arith.constant 0 : i32
      %dma_start3A_581 = tpu.memref_slice %arg5[%dma_start3A_570, %dma_start3A_579, %dma_start3A_580] : memref<4x2x32xi32, #tpu.memory_space<vmem>> -> memref<1x2x32xi32, #tpu.memory_space<vmem>>
      %dma_start3A_582 = tpu.memref_squeeze %dma_start3A_581 : memref<1x2x32xi32, #tpu.memory_space<vmem>> -> memref<2x32xi32, #tpu.memory_space<vmem>>
      %dma_start3A_583 = arith.constant 0 : i32
      %dma_start3A_584 = arith.constant 0 : i32
      %dma_start3A_585 = tpu.memref_slice %arg3[%arg0, %arg1, %add3A_569, %dma_start3A_583, %dma_start3A_584] : memref<2x16x632x2x32xi32, #tpu.memory_space<hbm>> -> memref<1x1x1x2x32xi32, #tpu.memory_space<hbm>>
      %dma_start3A_586 = tpu.memref_squeeze %dma_start3A_585 : memref<1x1x1x2x32xi32, #tpu.memory_space<hbm>> -> memref<2x32xi32, #tpu.memory_space<hbm>>
      tpu.enqueue_dma source(%dma_start3A_586 : memref<2x32xi32, #tpu.memory_space<hbm>>) target(%dma_start3A_582 : memref<2x32xi32, #tpu.memory_space<vmem>>) target_semaphore(%arg12 : memref<!tpu.dma_semaphore, #tpu.memory_space<semaphore_mem>>)
    }
    %scan3A_280 = arith.constant 157 : i32
    %dma_wait3A = arith.constant 628 : i32
    %dma_wait3A_281 = arith.constant 0 : i32
    %dma_wait3A_282 = arith.constant 0 : i32
    %dma_wait3A_283 = arith.constant 0 : i32
    %dma_wait3A_284 = tpu.memref_slice %arg5[%dma_wait3A_281, %dma_wait3A_282, %dma_wait3A_283] : memref<4x2x32xi32, #tpu.memory_space<vmem>> -> memref<1x2x32xi32, #tpu.memory_space<vmem>>
    %dma_wait3A_285 = tpu.memref_squeeze %dma_wait3A_284 : memref<1x2x32xi32, #tpu.memory_space<vmem>> -> memref<2x32xi32, #tpu.memory_space<vmem>>
    %dma_wait3A_286 = arith.constant 0 : i32
    %dma_wait3A_287 = arith.constant 0 : i32
    %dma_wait3A_288 = tpu.memref_slice %arg3[%arg0, %arg1, %dma_wait3A, %dma_wait3A_286, %dma_wait3A_287] : memref<2x16x632x2x32xi32, #tpu.memory_space<hbm>> -> memref<1x1x1x2x32xi32, #tpu.memory_space<hbm>>
    %dma_wait3A_289 = tpu.memref_squeeze %dma_wait3A_288 : memref<1x1x1x2x32xi32, #tpu.memory_space<hbm>> -> memref<2x32xi32, #tpu.memory_space<hbm>>
    %dma_wait3A_290 = arith.constant 0 : i32
    %dma_wait3A_291 = arith.constant 0 : i32
    %dma_wait3A_292 = tpu.memref_slice %arg5[%dma_wait3A_281, %dma_wait3A_290, %dma_wait3A_291] : memref<4x2x32xi32, #tpu.memory_space<vmem>> -> memref<1x2x32xi32, #tpu.memory_space<vmem>>
    %dma_wait3A_293 = tpu.memref_squeeze %dma_wait3A_292 : memref<1x2x32xi32, #tpu.memory_space<vmem>> -> memref<2x32xi32, #tpu.memory_space<vmem>>
    %dma_wait3A_294 = arith.constant 0 : i32
    %dma_wait3A_295 = arith.constant 0 : i32
    %dma_wait3A_296 = tpu.memref_slice %arg3[%arg0, %arg1, %dma_wait3A, %dma_wait3A_294, %dma_wait3A_295] : memref<2x16x632x2x32xi32, #tpu.memory_space<hbm>> -> memref<1x1x1x2x32xi32, #tpu.memory_space<hbm>>
    %dma_wait3A_297 = tpu.memref_squeeze %dma_wait3A_296 : memref<1x1x1x2x32xi32, #tpu.memory_space<hbm>> -> memref<2x32xi32, #tpu.memory_space<hbm>>
    tpu.wait_dma2 semaphore(%arg9 : memref<!tpu.dma_semaphore, #tpu.memory_space<semaphore_mem>>) src(%dma_wait3A_297 : memref<2x32xi32, #tpu.memory_space<hbm>>) dst(%dma_wait3A_293 : memref<2x32xi32, #tpu.memory_space<vmem>>)
    %dma_wait3A_298 = arith.constant 629 : i32
    %dma_wait3A_299 = arith.constant 1 : i32
    %dma_wait3A_300 = arith.constant 0 : i32
    %dma_wait3A_301 = arith.constant 0 : i32
    %dma_wait3A_302 = tpu.memref_slice %arg5[%dma_wait3A_299, %dma_wait3A_300, %dma_wait3A_301] : memref<4x2x32xi32, #tpu.memory_space<vmem>> -> memref<1x2x32xi32, #tpu.memory_space<vmem>>
    %dma_wait3A_303 = tpu.memref_squeeze %dma_wait3A_302 : memref<1x2x32xi32, #tpu.memory_space<vmem>> -> memref<2x32xi32, #tpu.memory_space<vmem>>
    %dma_wait3A_304 = arith.constant 0 : i32
    %dma_wait3A_305 = arith.constant 0 : i32
    %dma_wait3A_306 = tpu.memref_slice %arg3[%arg0, %arg1, %dma_wait3A_298, %dma_wait3A_304, %dma_wait3A_305] : memref<2x16x632x2x32xi32, #tpu.memory_space<hbm>> -> memref<1x1x1x2x32xi32, #tpu.memory_space<hbm>>
    %dma_wait3A_307 = tpu.memref_squeeze %dma_wait3A_306 : memref<1x1x1x2x32xi32, #tpu.memory_space<hbm>> -> memref<2x32xi32, #tpu.memory_space<hbm>>
    %dma_wait3A_308 = arith.constant 0 : i32
    %dma_wait3A_309 = arith.constant 0 : i32
    %dma_wait3A_310 = tpu.memref_slice %arg5[%dma_wait3A_299, %dma_wait3A_308, %dma_wait3A_309] : memref<4x2x32xi32, #tpu.memory_space<vmem>> -> memref<1x2x32xi32, #tpu.memory_space<vmem>>
    %dma_wait3A_311 = tpu.memref_squeeze %dma_wait3A_310 : memref<1x2x32xi32, #tpu.memory_space<vmem>> -> memref<2x32xi32, #tpu.memory_space<vmem>>
    %dma_wait3A_312 = arith.constant 0 : i32
    %dma_wait3A_313 = arith.constant 0 : i32
    %dma_wait3A_314 = tpu.memref_slice %arg3[%arg0, %arg1, %dma_wait3A_298, %dma_wait3A_312, %dma_wait3A_313] : memref<2x16x632x2x32xi32, #tpu.memory_space<hbm>> -> memref<1x1x1x2x32xi32, #tpu.memory_space<hbm>>
    %dma_wait3A_315 = tpu.memref_squeeze %dma_wait3A_314 : memref<1x1x1x2x32xi32, #tpu.memory_space<hbm>> -> memref<2x32xi32, #tpu.memory_space<hbm>>
    tpu.wait_dma2 semaphore(%arg10 : memref<!tpu.dma_semaphore, #tpu.memory_space<semaphore_mem>>) src(%dma_wait3A_315 : memref<2x32xi32, #tpu.memory_space<hbm>>) dst(%dma_wait3A_311 : memref<2x32xi32, #tpu.memory_space<vmem>>)
    %dma_wait3A_316 = arith.constant 630 : i32
    %dma_wait3A_317 = arith.constant 2 : i32
    %dma_wait3A_318 = arith.constant 0 : i32
    %dma_wait3A_319 = arith.constant 0 : i32
    %dma_wait3A_320 = tpu.memref_slice %arg5[%dma_wait3A_317, %dma_wait3A_318, %dma_wait3A_319] : memref<4x2x32xi32, #tpu.memory_space<vmem>> -> memref<1x2x32xi32, #tpu.memory_space<vmem>>
    %dma_wait3A_321 = tpu.memref_squeeze %dma_wait3A_320 : memref<1x2x32xi32, #tpu.memory_space<vmem>> -> memref<2x32xi32, #tpu.memory_space<vmem>>
    %dma_wait3A_322 = arith.constant 0 : i32
    %dma_wait3A_323 = arith.constant 0 : i32
    %dma_wait3A_324 = tpu.memref_slice %arg3[%arg0, %arg1, %dma_wait3A_316, %dma_wait3A_322, %dma_wait3A_323] : memref<2x16x632x2x32xi32, #tpu.memory_space<hbm>> -> memref<1x1x1x2x32xi32, #tpu.memory_space<hbm>>
    %dma_wait3A_325 = tpu.memref_squeeze %dma_wait3A_324 : memref<1x1x1x2x32xi32, #tpu.memory_space<hbm>> -> memref<2x32xi32, #tpu.memory_space<hbm>>
    %dma_wait3A_326 = arith.constant 0 : i32
    %dma_wait3A_327 = arith.constant 0 : i32
    %dma_wait3A_328 = tpu.memref_slice %arg5[%dma_wait3A_317, %dma_wait3A_326, %dma_wait3A_327] : memref<4x2x32xi32, #tpu.memory_space<vmem>> -> memref<1x2x32xi32, #tpu.memory_space<vmem>>
    %dma_wait3A_329 = tpu.memref_squeeze %dma_wait3A_328 : memref<1x2x32xi32, #tpu.memory_space<vmem>> -> memref<2x32xi32, #tpu.memory_space<vmem>>
    %dma_wait3A_330 = arith.constant 0 : i32
    %dma_wait3A_331 = arith.constant 0 : i32
    %dma_wait3A_332 = tpu.memref_slice %arg3[%arg0, %arg1, %dma_wait3A_316, %dma_wait3A_330, %dma_wait3A_331] : memref<2x16x632x2x32xi32, #tpu.memory_space<hbm>> -> memref<1x1x1x2x32xi32, #tpu.memory_space<hbm>>
    %dma_wait3A_333 = tpu.memref_squeeze %dma_wait3A_332 : memref<1x1x1x2x32xi32, #tpu.memory_space<hbm>> -> memref<2x32xi32, #tpu.memory_space<hbm>>
    tpu.wait_dma2 semaphore(%arg11 : memref<!tpu.dma_semaphore, #tpu.memory_space<semaphore_mem>>) src(%dma_wait3A_333 : memref<2x32xi32, #tpu.memory_space<hbm>>) dst(%dma_wait3A_329 : memref<2x32xi32, #tpu.memory_space<vmem>>)
    %dma_wait3A_334 = arith.constant 631 : i32
    %dma_wait3A_335 = arith.constant 3 : i32
    %dma_wait3A_336 = arith.constant 0 : i32
    %dma_wait3A_337 = arith.constant 0 : i32
    %dma_wait3A_338 = tpu.memref_slice %arg5[%dma_wait3A_335, %dma_wait3A_336, %dma_wait3A_337] : memref<4x2x32xi32, #tpu.memory_space<vmem>> -> memref<1x2x32xi32, #tpu.memory_space<vmem>>
    %dma_wait3A_339 = tpu.memref_squeeze %dma_wait3A_338 : memref<1x2x32xi32, #tpu.memory_space<vmem>> -> memref<2x32xi32, #tpu.memory_space<vmem>>
    %dma_wait3A_340 = arith.constant 0 : i32
    %dma_wait3A_341 = arith.constant 0 : i32
    %dma_wait3A_342 = tpu.memref_slice %arg3[%arg0, %arg1, %dma_wait3A_334, %dma_wait3A_340, %dma_wait3A_341] : memref<2x16x632x2x32xi32, #tpu.memory_space<hbm>> -> memref<1x1x1x2x32xi32, #tpu.memory_space<hbm>>
    %dma_wait3A_343 = tpu.memref_squeeze %dma_wait3A_342 : memref<1x1x1x2x32xi32, #tpu.memory_space<hbm>> -> memref<2x32xi32, #tpu.memory_space<hbm>>
    %dma_wait3A_344 = arith.constant 0 : i32
    %dma_wait3A_345 = arith.constant 0 : i32
    %dma_wait3A_346 = tpu.memref_slice %arg5[%dma_wait3A_335, %dma_wait3A_344, %dma_wait3A_345] : memref<4x2x32xi32, #tpu.memory_space<vmem>> -> memref<1x2x32xi32, #tpu.memory_space<vmem>>
    %dma_wait3A_347 = tpu.memref_squeeze %dma_wait3A_346 : memref<1x2x32xi32, #tpu.memory_space<vmem>> -> memref<2x32xi32, #tpu.memory_space<vmem>>
    %dma_wait3A_348 = arith.constant 0 : i32
    %dma_wait3A_349 = arith.constant 0 : i32
    %dma_wait3A_350 = tpu.memref_slice %arg3[%arg0, %arg1, %dma_wait3A_334, %dma_wait3A_348, %dma_wait3A_349] : memref<2x16x632x2x32xi32, #tpu.memory_space<hbm>> -> memref<1x1x1x2x32xi32, #tpu.memory_space<hbm>>
    %dma_wait3A_351 = tpu.memref_squeeze %dma_wait3A_350 : memref<1x1x1x2x32xi32, #tpu.memory_space<hbm>> -> memref<2x32xi32, #tpu.memory_space<hbm>>
    tpu.wait_dma2 semaphore(%arg12 : memref<!tpu.dma_semaphore, #tpu.memory_space<semaphore_mem>>) src(%dma_wait3A_351 : memref<2x32xi32, #tpu.memory_space<hbm>>) dst(%dma_wait3A_347 : memref<2x32xi32, #tpu.memory_space<vmem>>)
    %barrier3A_352 = arith.constant 0 : index
    tpu.barrier barrier_id(%barrier3A_352)
    %mul3A = arith.constant 320 : i32
    %mul3A_353 = arith.muli %arg1, %mul3A : i32
    %mul3A_354 = arith.constant 320 : i32
    %mul3A_355 = arith.muli %arg1, %mul3A_354 : i32
    "tpu.region"() ({
      %run_scoped3A = tpu.sem_alloc : memref<!tpu.dma_semaphore, #tpu.memory_space<semaphore_mem>>
      %dma_start3A_356 = arith.constant 0 : i32
      %dma_start3A_357 = tpu.memref_slice %arg4[%arg0, %mul3A_355, %dma_start3A_356] : memref<2x5120x128xf32, #tpu.memory_space<hbm>> -> memref<1x320x128xf32, #tpu.memory_space<hbm>>
      %dma_start3A_358 = tpu.memref_squeeze %dma_start3A_357 : memref<1x320x128xf32, #tpu.memory_space<hbm>> -> memref<320x128xf32, #tpu.memory_space<hbm>>
      %dma_start3A_359 = arith.constant 0 : i32
      %dma_start3A_360 = tpu.memref_slice %arg17[%mul3A_353, %dma_start3A_359] : memref<5120x128xf32, #tpu.memory_space<vmem_shared>> -> memref<320x128xf32, #tpu.memory_space<vmem_shared>>
      tpu.enqueue_dma source(%dma_start3A_360 : memref<320x128xf32, #tpu.memory_space<vmem_shared>>) target(%dma_start3A_358 : memref<320x128xf32, #tpu.memory_space<hbm>>) target_semaphore(%run_scoped3A : memref<!tpu.dma_semaphore, #tpu.memory_space<semaphore_mem>>)
      %dma_wait3A_361 = arith.constant 0 : i32
      %dma_wait3A_362 = tpu.memref_slice %arg4[%arg0, %mul3A_355, %dma_wait3A_361] : memref<2x5120x128xf32, #tpu.memory_space<hbm>> -> memref<1x320x128xf32, #tpu.memory_space<hbm>>
      %dma_wait3A_363 = tpu.memref_squeeze %dma_wait3A_362 : memref<1x320x128xf32, #tpu.memory_space<hbm>> -> memref<320x128xf32, #tpu.memory_space<hbm>>
      %dma_wait3A_364 = arith.constant 0 : i32
      %dma_wait3A_365 = tpu.memref_slice %arg17[%mul3A_353, %dma_wait3A_364] : memref<5120x128xf32, #tpu.memory_space<vmem_shared>> -> memref<320x128xf32, #tpu.memory_space<vmem_shared>>
      tpu.wait_dma2 semaphore(%run_scoped3A : memref<!tpu.dma_semaphore, #tpu.memory_space<semaphore_mem>>) src(%dma_wait3A_365 : memref<320x128xf32, #tpu.memory_space<vmem_shared>>) dst(%dma_wait3A_363 : memref<320x128xf32, #tpu.memory_space<hbm>>)
      tpu.yield
    }) : () -> ()
    return
  }
}

#map = affine_map<(d0, d1) -> (0, 0)>
#map1 = affine_map<(d0, d1) -> (0, 0, 0, 0, 0)>
#map2 = affine_map<(d0, d1) -> (0, 0, 0)>
module attributes {stable_mosaic.version = 14 : i64} {
  func.func @agg(%arg0: i32, %arg1: i32, %arg2: memref<10000x128xf32, #tpu.memory_space<hbm>>, %arg3: memref<2x16x632x2x32xi32, #tpu.memory_space<hbm>>, %arg4: memref<2x5120x128xf32, #tpu.memory_space<hbm>>, %arg5: memref<4x2x32xi32, #tpu.memory_space<vmem>>, %arg6: memref<32x128xf32, #tpu.memory_space<vmem>>, %arg7: memref<32x128xf32, #tpu.memory_space<vmem>>, %arg8: memref<4x128xf32, #tpu.memory_space<vmem>>, %arg9: memref<!tpu.dma_semaphore, #tpu.memory_space<semaphore_mem>>, %arg10: memref<!tpu.dma_semaphore, #tpu.memory_space<semaphore_mem>>, %arg11: memref<!tpu.dma_semaphore, #tpu.memory_space<semaphore_mem>>, %arg12: memref<!tpu.dma_semaphore, #tpu.memory_space<semaphore_mem>>, %arg13: memref<!tpu.dma_semaphore, #tpu.memory_space<semaphore_mem>>, %arg14: memref<!tpu.dma_semaphore, #tpu.memory_space<semaphore_mem>>, %arg15: memref<!tpu.dma_semaphore, #tpu.memory_space<semaphore_mem>>, %arg16: memref<10000x128xf32, #tpu.memory_space<vmem_shared>>, %arg17: memref<5120x128xf32, #tpu.memory_space<vmem_shared>>) attributes {dimension_semantics = [#tpu.dimension_semantics<core_parallel>, #tpu.dimension_semantics<subcore_parallel>], iteration_bounds = array<i64: 2, 16>, scalar_prefetch = 0 : i64, scratch_operands = 13 : i64, tpu.core_type = #tpu.core_type<sc_vector_subcore>, window_params = [{transform_indices = #map}, {transform_indices = #map1}, {transform_indices = #map2}]} {
    %lt3A = arith.constant 10 : i32
    %lt3A_0 = arith.cmpi slt, %arg1, %lt3A : i32
    %convert_element_type3A = arith.extui %lt3A_0 : i1 to i32
    %cond3A = arith.constant 0 : i32
    %cond3A_1 = arith.cmpi ne, %convert_element_type3A, %cond3A : i32
    scf.if %cond3A_1 {
      %mul3A_356 = arith.constant 1000 : i32
      %mul3A_357 = arith.muli %arg1, %mul3A_356 : i32
      %multiple_of3A = tpu.assume_multiple %mul3A_357, 8 : i32
      %dma_start3A_358 = arith.constant 0 : i32
      %dma_start3A_359 = tpu.memref_slice %arg16[%multiple_of3A, %dma_start3A_358] : memref<10000x128xf32, #tpu.memory_space<vmem_shared>> -> memref<1000x128xf32, #tpu.memory_space<vmem_shared>>
      %dma_start3A_360 = arith.constant 0 : i32
      %dma_start3A_361 = tpu.memref_slice %arg2[%multiple_of3A, %dma_start3A_360] : memref<10000x128xf32, #tpu.memory_space<hbm>> -> memref<1000x128xf32, #tpu.memory_space<hbm>>
      tpu.enqueue_dma source(%dma_start3A_361 : memref<1000x128xf32, #tpu.memory_space<hbm>>) target(%dma_start3A_359 : memref<1000x128xf32, #tpu.memory_space<vmem_shared>>) target_semaphore(%arg15 : memref<!tpu.dma_semaphore, #tpu.memory_space<semaphore_mem>>)
    } else {
    }
    %broadcast_in_dim3A = arith.constant 0.000000e+00 : f32
    %broadcast_in_dim3A_2 = vector.broadcast %broadcast_in_dim3A : f32 to vector<16xf32>
    %swap3A = arith.constant 0 : i32
    %swap3A_3 = arith.index_cast %swap3A : i32 to index
    %swap3A_4 = arith.constant 0 : index
    %swap3A_5 = tpu.vector_load %arg8[%swap3A_3, %swap3A_4] {strides = array<i32>} : memref<4x128xf32, #tpu.memory_space<vmem>>, vector<1x16xf32>,
    %swap3A_6 = vector.shape_cast %swap3A_5 : vector<1x16xf32> to vector<16xf32>
    %swap3A_7 = vector.shape_cast %broadcast_in_dim3A_2 : vector<16xf32> to vector<1x16xf32>
    tpu.vector_store %arg8[%swap3A_3, %swap3A_4], %swap3A_7 {strides = array<i32>} : memref<4x128xf32, #tpu.memory_space<vmem>>, vector<1x16xf32>,
    %swap3A_8 = arith.constant 0 : i32
    %swap3A_9 = arith.index_cast %swap3A_8 : i32 to index
    %swap3A_10 = arith.constant 16 : index
    %swap3A_11 = tpu.vector_load %arg8[%swap3A_9, %swap3A_10] {strides = array<i32>} : memref<4x128xf32, #tpu.memory_space<vmem>>, vector<1x16xf32>,
    %swap3A_12 = vector.shape_cast %swap3A_11 : vector<1x16xf32> to vector<16xf32>
    %swap3A_13 = vector.shape_cast %broadcast_in_dim3A_2 : vector<16xf32> to vector<1x16xf32>
    tpu.vector_store %arg8[%swap3A_9, %swap3A_10], %swap3A_13 {strides = array<i32>} : memref<4x128xf32, #tpu.memory_space<vmem>>, vector<1x16xf32>,
    %swap3A_14 = arith.constant 0 : i32
    %swap3A_15 = arith.index_cast %swap3A_14 : i32 to index
    %swap3A_16 = arith.constant 32 : index
    %swap3A_17 = tpu.vector_load %arg8[%swap3A_15, %swap3A_16] {strides = array<i32>} : memref<4x128xf32, #tpu.memory_space<vmem>>, vector<1x16xf32>,
    %swap3A_18 = vector.shape_cast %swap3A_17 : vector<1x16xf32> to vector<16xf32>
    %swap3A_19 = vector.shape_cast %broadcast_in_dim3A_2 : vector<16xf32> to vector<1x16xf32>
    tpu.vector_store %arg8[%swap3A_15, %swap3A_16], %swap3A_19 {strides = array<i32>} : memref<4x128xf32, #tpu.memory_space<vmem>>, vector<1x16xf32>,
    %swap3A_20 = arith.constant 0 : i32
    %swap3A_21 = arith.index_cast %swap3A_20 : i32 to index
    %swap3A_22 = arith.constant 48 : index
    %swap3A_23 = tpu.vector_load %arg8[%swap3A_21, %swap3A_22] {strides = array<i32>} : memref<4x128xf32, #tpu.memory_space<vmem>>, vector<1x16xf32>,
    %swap3A_24 = vector.shape_cast %swap3A_23 : vector<1x16xf32> to vector<16xf32>
    %swap3A_25 = vector.shape_cast %broadcast_in_dim3A_2 : vector<16xf32> to vector<1x16xf32>
    tpu.vector_store %arg8[%swap3A_21, %swap3A_22], %swap3A_25 {strides = array<i32>} : memref<4x128xf32, #tpu.memory_space<vmem>>, vector<1x16xf32>,
    %swap3A_26 = arith.constant 0 : i32
    %swap3A_27 = arith.index_cast %swap3A_26 : i32 to index
    %swap3A_28 = arith.constant 64 : index
    %swap3A_29 = tpu.vector_load %arg8[%swap3A_27, %swap3A_28] {strides = array<i32>} : memref<4x128xf32, #tpu.memory_space<vmem>>, vector<1x16xf32>,
    %swap3A_30 = vector.shape_cast %swap3A_29 : vector<1x16xf32> to vector<16xf32>
    %swap3A_31 = vector.shape_cast %broadcast_in_dim3A_2 : vector<16xf32> to vector<1x16xf32>
    tpu.vector_store %arg8[%swap3A_27, %swap3A_28], %swap3A_31 {strides = array<i32>} : memref<4x128xf32, #tpu.memory_space<vmem>>, vector<1x16xf32>,
    %swap3A_32 = arith.constant 0 : i32
    %swap3A_33 = arith.index_cast %swap3A_32 : i32 to index
    %swap3A_34 = arith.constant 80 : index
    %swap3A_35 = tpu.vector_load %arg8[%swap3A_33, %swap3A_34] {strides = array<i32>} : memref<4x128xf32, #tpu.memory_space<vmem>>, vector<1x16xf32>,
    %swap3A_36 = vector.shape_cast %swap3A_35 : vector<1x16xf32> to vector<16xf32>
    %swap3A_37 = vector.shape_cast %broadcast_in_dim3A_2 : vector<16xf32> to vector<1x16xf32>
    tpu.vector_store %arg8[%swap3A_33, %swap3A_34], %swap3A_37 {strides = array<i32>} : memref<4x128xf32, #tpu.memory_space<vmem>>, vector<1x16xf32>,
    %swap3A_38 = arith.constant 0 : i32
    %swap3A_39 = arith.index_cast %swap3A_38 : i32 to index
    %swap3A_40 = arith.constant 96 : index
    %swap3A_41 = tpu.vector_load %arg8[%swap3A_39, %swap3A_40] {strides = array<i32>} : memref<4x128xf32, #tpu.memory_space<vmem>>, vector<1x16xf32>,
    %swap3A_42 = vector.shape_cast %swap3A_41 : vector<1x16xf32> to vector<16xf32>
    %swap3A_43 = vector.shape_cast %broadcast_in_dim3A_2 : vector<16xf32> to vector<1x16xf32>
    tpu.vector_store %arg8[%swap3A_39, %swap3A_40], %swap3A_43 {strides = array<i32>} : memref<4x128xf32, #tpu.memory_space<vmem>>, vector<1x16xf32>,
    %swap3A_44 = arith.constant 0 : i32
    %swap3A_45 = arith.index_cast %swap3A_44 : i32 to index
    %swap3A_46 = arith.constant 112 : index
    %swap3A_47 = tpu.vector_load %arg8[%swap3A_45, %swap3A_46] {strides = array<i32>} : memref<4x128xf32, #tpu.memory_space<vmem>>, vector<1x16xf32>,
    %swap3A_48 = vector.shape_cast %swap3A_47 : vector<1x16xf32> to vector<16xf32>
    %swap3A_49 = vector.shape_cast %broadcast_in_dim3A_2 : vector<16xf32> to vector<1x16xf32>
    tpu.vector_store %arg8[%swap3A_45, %swap3A_46], %swap3A_49 {strides = array<i32>} : memref<4x128xf32, #tpu.memory_space<vmem>>, vector<1x16xf32>,
    %swap3A_50 = arith.constant 1 : i32
    %swap3A_51 = arith.index_cast %swap3A_50 : i32 to index
    %swap3A_52 = arith.constant 0 : index
    %swap3A_53 = tpu.vector_load %arg8[%swap3A_51, %swap3A_52] {strides = array<i32>} : memref<4x128xf32, #tpu.memory_space<vmem>>, vector<1x16xf32>,
    %swap3A_54 = vector.shape_cast %swap3A_53 : vector<1x16xf32> to vector<16xf32>
    %swap3A_55 = vector.shape_cast %broadcast_in_dim3A_2 : vector<16xf32> to vector<1x16xf32>
    tpu.vector_store %arg8[%swap3A_51, %swap3A_52], %swap3A_55 {strides = array<i32>} : memref<4x128xf32, #tpu.memory_space<vmem>>, vector<1x16xf32>,
    %swap3A_56 = arith.constant 1 : i32
    %swap3A_57 = arith.index_cast %swap3A_56 : i32 to index
    %swap3A_58 = arith.constant 16 : index
    %swap3A_59 = tpu.vector_load %arg8[%swap3A_57, %swap3A_58] {strides = array<i32>} : memref<4x128xf32, #tpu.memory_space<vmem>>, vector<1x16xf32>,
    %swap3A_60 = vector.shape_cast %swap3A_59 : vector<1x16xf32> to vector<16xf32>
    %swap3A_61 = vector.shape_cast %broadcast_in_dim3A_2 : vector<16xf32> to vector<1x16xf32>
    tpu.vector_store %arg8[%swap3A_57, %swap3A_58], %swap3A_61 {strides = array<i32>} : memref<4x128xf32, #tpu.memory_space<vmem>>, vector<1x16xf32>,
    %swap3A_62 = arith.constant 1 : i32
    %swap3A_63 = arith.index_cast %swap3A_62 : i32 to index
    %swap3A_64 = arith.constant 32 : index
    %swap3A_65 = tpu.vector_load %arg8[%swap3A_63, %swap3A_64] {strides = array<i32>} : memref<4x128xf32, #tpu.memory_space<vmem>>, vector<1x16xf32>,
    %swap3A_66 = vector.shape_cast %swap3A_65 : vector<1x16xf32> to vector<16xf32>
    %swap3A_67 = vector.shape_cast %broadcast_in_dim3A_2 : vector<16xf32> to vector<1x16xf32>
    tpu.vector_store %arg8[%swap3A_63, %swap3A_64], %swap3A_67 {strides = array<i32>} : memref<4x128xf32, #tpu.memory_space<vmem>>, vector<1x16xf32>,
    %swap3A_68 = arith.constant 1 : i32
    %swap3A_69 = arith.index_cast %swap3A_68 : i32 to index
    %swap3A_70 = arith.constant 48 : index
    %swap3A_71 = tpu.vector_load %arg8[%swap3A_69, %swap3A_70] {strides = array<i32>} : memref<4x128xf32, #tpu.memory_space<vmem>>, vector<1x16xf32>,
    %swap3A_72 = vector.shape_cast %swap3A_71 : vector<1x16xf32> to vector<16xf32>
    %swap3A_73 = vector.shape_cast %broadcast_in_dim3A_2 : vector<16xf32> to vector<1x16xf32>
    tpu.vector_store %arg8[%swap3A_69, %swap3A_70], %swap3A_73 {strides = array<i32>} : memref<4x128xf32, #tpu.memory_space<vmem>>, vector<1x16xf32>,
    %swap3A_74 = arith.constant 1 : i32
    %swap3A_75 = arith.index_cast %swap3A_74 : i32 to index
    %swap3A_76 = arith.constant 64 : index
    %swap3A_77 = tpu.vector_load %arg8[%swap3A_75, %swap3A_76] {strides = array<i32>} : memref<4x128xf32, #tpu.memory_space<vmem>>, vector<1x16xf32>,
    %swap3A_78 = vector.shape_cast %swap3A_77 : vector<1x16xf32> to vector<16xf32>
    %swap3A_79 = vector.shape_cast %broadcast_in_dim3A_2 : vector<16xf32> to vector<1x16xf32>
    tpu.vector_store %arg8[%swap3A_75, %swap3A_76], %swap3A_79 {strides = array<i32>} : memref<4x128xf32, #tpu.memory_space<vmem>>, vector<1x16xf32>,
    %swap3A_80 = arith.constant 1 : i32
    %swap3A_81 = arith.index_cast %swap3A_80 : i32 to index
    %swap3A_82 = arith.constant 80 : index
    %swap3A_83 = tpu.vector_load %arg8[%swap3A_81, %swap3A_82] {strides = array<i32>} : memref<4x128xf32, #tpu.memory_space<vmem>>, vector<1x16xf32>,
    %swap3A_84 = vector.shape_cast %swap3A_83 : vector<1x16xf32> to vector<16xf32>
    %swap3A_85 = vector.shape_cast %broadcast_in_dim3A_2 : vector<16xf32> to vector<1x16xf32>
    tpu.vector_store %arg8[%swap3A_81, %swap3A_82], %swap3A_85 {strides = array<i32>} : memref<4x128xf32, #tpu.memory_space<vmem>>, vector<1x16xf32>,
    %swap3A_86 = arith.constant 1 : i32
    %swap3A_87 = arith.index_cast %swap3A_86 : i32 to index
    %swap3A_88 = arith.constant 96 : index
    %swap3A_89 = tpu.vector_load %arg8[%swap3A_87, %swap3A_88] {strides = array<i32>} : memref<4x128xf32, #tpu.memory_space<vmem>>, vector<1x16xf32>,
    %swap3A_90 = vector.shape_cast %swap3A_89 : vector<1x16xf32> to vector<16xf32>
    %swap3A_91 = vector.shape_cast %broadcast_in_dim3A_2 : vector<16xf32> to vector<1x16xf32>
    tpu.vector_store %arg8[%swap3A_87, %swap3A_88], %swap3A_91 {strides = array<i32>} : memref<4x128xf32, #tpu.memory_space<vmem>>, vector<1x16xf32>,
    %swap3A_92 = arith.constant 1 : i32
    %swap3A_93 = arith.index_cast %swap3A_92 : i32 to index
    %swap3A_94 = arith.constant 112 : index
    %swap3A_95 = tpu.vector_load %arg8[%swap3A_93, %swap3A_94] {strides = array<i32>} : memref<4x128xf32, #tpu.memory_space<vmem>>, vector<1x16xf32>,
    %swap3A_96 = vector.shape_cast %swap3A_95 : vector<1x16xf32> to vector<16xf32>
    %swap3A_97 = vector.shape_cast %broadcast_in_dim3A_2 : vector<16xf32> to vector<1x16xf32>
    tpu.vector_store %arg8[%swap3A_93, %swap3A_94], %swap3A_97 {strides = array<i32>} : memref<4x128xf32, #tpu.memory_space<vmem>>, vector<1x16xf32>,
    %swap3A_98 = arith.constant 2 : i32
    %swap3A_99 = arith.index_cast %swap3A_98 : i32 to index
    %swap3A_100 = arith.constant 0 : index
    %swap3A_101 = tpu.vector_load %arg8[%swap3A_99, %swap3A_100] {strides = array<i32>} : memref<4x128xf32, #tpu.memory_space<vmem>>, vector<1x16xf32>,
    %swap3A_102 = vector.shape_cast %swap3A_101 : vector<1x16xf32> to vector<16xf32>
    %swap3A_103 = vector.shape_cast %broadcast_in_dim3A_2 : vector<16xf32> to vector<1x16xf32>
    tpu.vector_store %arg8[%swap3A_99, %swap3A_100], %swap3A_103 {strides = array<i32>} : memref<4x128xf32, #tpu.memory_space<vmem>>, vector<1x16xf32>,
    %swap3A_104 = arith.constant 2 : i32
    %swap3A_105 = arith.index_cast %swap3A_104 : i32 to index
    %swap3A_106 = arith.constant 16 : index
    %swap3A_107 = tpu.vector_load %arg8[%swap3A_105, %swap3A_106] {strides = array<i32>} : memref<4x128xf32, #tpu.memory_space<vmem>>, vector<1x16xf32>,
    %swap3A_108 = vector.shape_cast %swap3A_107 : vector<1x16xf32> to vector<16xf32>
    %swap3A_109 = vector.shape_cast %broadcast_in_dim3A_2 : vector<16xf32> to vector<1x16xf32>
    tpu.vector_store %arg8[%swap3A_105, %swap3A_106], %swap3A_109 {strides = array<i32>} : memref<4x128xf32, #tpu.memory_space<vmem>>, vector<1x16xf32>,
    %swap3A_110 = arith.constant 2 : i32
    %swap3A_111 = arith.index_cast %swap3A_110 : i32 to index
    %swap3A_112 = arith.constant 32 : index
    %swap3A_113 = tpu.vector_load %arg8[%swap3A_111, %swap3A_112] {strides = array<i32>} : memref<4x128xf32, #tpu.memory_space<vmem>>, vector<1x16xf32>,
    %swap3A_114 = vector.shape_cast %swap3A_113 : vector<1x16xf32> to vector<16xf32>
    %swap3A_115 = vector.shape_cast %broadcast_in_dim3A_2 : vector<16xf32> to vector<1x16xf32>
    tpu.vector_store %arg8[%swap3A_111, %swap3A_112], %swap3A_115 {strides = array<i32>} : memref<4x128xf32, #tpu.memory_space<vmem>>, vector<1x16xf32>,
    %swap3A_116 = arith.constant 2 : i32
    %swap3A_117 = arith.index_cast %swap3A_116 : i32 to index
    %swap3A_118 = arith.constant 48 : index
    %swap3A_119 = tpu.vector_load %arg8[%swap3A_117, %swap3A_118] {strides = array<i32>} : memref<4x128xf32, #tpu.memory_space<vmem>>, vector<1x16xf32>,
    %swap3A_120 = vector.shape_cast %swap3A_119 : vector<1x16xf32> to vector<16xf32>
    %swap3A_121 = vector.shape_cast %broadcast_in_dim3A_2 : vector<16xf32> to vector<1x16xf32>
    tpu.vector_store %arg8[%swap3A_117, %swap3A_118], %swap3A_121 {strides = array<i32>} : memref<4x128xf32, #tpu.memory_space<vmem>>, vector<1x16xf32>,
    %swap3A_122 = arith.constant 2 : i32
    %swap3A_123 = arith.index_cast %swap3A_122 : i32 to index
    %swap3A_124 = arith.constant 64 : index
    %swap3A_125 = tpu.vector_load %arg8[%swap3A_123, %swap3A_124] {strides = array<i32>} : memref<4x128xf32, #tpu.memory_space<vmem>>, vector<1x16xf32>,
    %swap3A_126 = vector.shape_cast %swap3A_125 : vector<1x16xf32> to vector<16xf32>
    %swap3A_127 = vector.shape_cast %broadcast_in_dim3A_2 : vector<16xf32> to vector<1x16xf32>
    tpu.vector_store %arg8[%swap3A_123, %swap3A_124], %swap3A_127 {strides = array<i32>} : memref<4x128xf32, #tpu.memory_space<vmem>>, vector<1x16xf32>,
    %swap3A_128 = arith.constant 2 : i32
    %swap3A_129 = arith.index_cast %swap3A_128 : i32 to index
    %swap3A_130 = arith.constant 80 : index
    %swap3A_131 = tpu.vector_load %arg8[%swap3A_129, %swap3A_130] {strides = array<i32>} : memref<4x128xf32, #tpu.memory_space<vmem>>, vector<1x16xf32>,
    %swap3A_132 = vector.shape_cast %swap3A_131 : vector<1x16xf32> to vector<16xf32>
    %swap3A_133 = vector.shape_cast %broadcast_in_dim3A_2 : vector<16xf32> to vector<1x16xf32>
    tpu.vector_store %arg8[%swap3A_129, %swap3A_130], %swap3A_133 {strides = array<i32>} : memref<4x128xf32, #tpu.memory_space<vmem>>, vector<1x16xf32>,
    %swap3A_134 = arith.constant 2 : i32
    %swap3A_135 = arith.index_cast %swap3A_134 : i32 to index
    %swap3A_136 = arith.constant 96 : index
    %swap3A_137 = tpu.vector_load %arg8[%swap3A_135, %swap3A_136] {strides = array<i32>} : memref<4x128xf32, #tpu.memory_space<vmem>>, vector<1x16xf32>,
    %swap3A_138 = vector.shape_cast %swap3A_137 : vector<1x16xf32> to vector<16xf32>
    %swap3A_139 = vector.shape_cast %broadcast_in_dim3A_2 : vector<16xf32> to vector<1x16xf32>
    tpu.vector_store %arg8[%swap3A_135, %swap3A_136], %swap3A_139 {strides = array<i32>} : memref<4x128xf32, #tpu.memory_space<vmem>>, vector<1x16xf32>,
    %swap3A_140 = arith.constant 2 : i32
    %swap3A_141 = arith.index_cast %swap3A_140 : i32 to index
    %swap3A_142 = arith.constant 112 : index
    %swap3A_143 = tpu.vector_load %arg8[%swap3A_141, %swap3A_142] {strides = array<i32>} : memref<4x128xf32, #tpu.memory_space<vmem>>, vector<1x16xf32>,
    %swap3A_144 = vector.shape_cast %swap3A_143 : vector<1x16xf32> to vector<16xf32>
    %swap3A_145 = vector.shape_cast %broadcast_in_dim3A_2 : vector<16xf32> to vector<1x16xf32>
    tpu.vector_store %arg8[%swap3A_141, %swap3A_142], %swap3A_145 {strides = array<i32>} : memref<4x128xf32, #tpu.memory_space<vmem>>, vector<1x16xf32>,
    %swap3A_146 = arith.constant 3 : i32
    %swap3A_147 = arith.index_cast %swap3A_146 : i32 to index
    %swap3A_148 = arith.constant 0 : index
    %swap3A_149 = tpu.vector_load %arg8[%swap3A_147, %swap3A_148] {strides = array<i32>} : memref<4x128xf32, #tpu.memory_space<vmem>>, vector<1x16xf32>,
    %swap3A_150 = vector.shape_cast %swap3A_149 : vector<1x16xf32> to vector<16xf32>
    %swap3A_151 = vector.shape_cast %broadcast_in_dim3A_2 : vector<16xf32> to vector<1x16xf32>
    tpu.vector_store %arg8[%swap3A_147, %swap3A_148], %swap3A_151 {strides = array<i32>} : memref<4x128xf32, #tpu.memory_space<vmem>>, vector<1x16xf32>,
    %swap3A_152 = arith.constant 3 : i32
    %swap3A_153 = arith.index_cast %swap3A_152 : i32 to index
    %swap3A_154 = arith.constant 16 : index
    %swap3A_155 = tpu.vector_load %arg8[%swap3A_153, %swap3A_154] {strides = array<i32>} : memref<4x128xf32, #tpu.memory_space<vmem>>, vector<1x16xf32>,
    %swap3A_156 = vector.shape_cast %swap3A_155 : vector<1x16xf32> to vector<16xf32>
    %swap3A_157 = vector.shape_cast %broadcast_in_dim3A_2 : vector<16xf32> to vector<1x16xf32>
    tpu.vector_store %arg8[%swap3A_153, %swap3A_154], %swap3A_157 {strides = array<i32>} : memref<4x128xf32, #tpu.memory_space<vmem>>, vector<1x16xf32>,
    %swap3A_158 = arith.constant 3 : i32
    %swap3A_159 = arith.index_cast %swap3A_158 : i32 to index
    %swap3A_160 = arith.constant 32 : index
    %swap3A_161 = tpu.vector_load %arg8[%swap3A_159, %swap3A_160] {strides = array<i32>} : memref<4x128xf32, #tpu.memory_space<vmem>>, vector<1x16xf32>,
    %swap3A_162 = vector.shape_cast %swap3A_161 : vector<1x16xf32> to vector<16xf32>
    %swap3A_163 = vector.shape_cast %broadcast_in_dim3A_2 : vector<16xf32> to vector<1x16xf32>
    tpu.vector_store %arg8[%swap3A_159, %swap3A_160], %swap3A_163 {strides = array<i32>} : memref<4x128xf32, #tpu.memory_space<vmem>>, vector<1x16xf32>,
    %swap3A_164 = arith.constant 3 : i32
    %swap3A_165 = arith.index_cast %swap3A_164 : i32 to index
    %swap3A_166 = arith.constant 48 : index
    %swap3A_167 = tpu.vector_load %arg8[%swap3A_165, %swap3A_166] {strides = array<i32>} : memref<4x128xf32, #tpu.memory_space<vmem>>, vector<1x16xf32>,
    %swap3A_168 = vector.shape_cast %swap3A_167 : vector<1x16xf32> to vector<16xf32>
    %swap3A_169 = vector.shape_cast %broadcast_in_dim3A_2 : vector<16xf32> to vector<1x16xf32>
    tpu.vector_store %arg8[%swap3A_165, %swap3A_166], %swap3A_169 {strides = array<i32>} : memref<4x128xf32, #tpu.memory_space<vmem>>, vector<1x16xf32>,
    %swap3A_170 = arith.constant 3 : i32
    %swap3A_171 = arith.index_cast %swap3A_170 : i32 to index
    %swap3A_172 = arith.constant 64 : index
    %swap3A_173 = tpu.vector_load %arg8[%swap3A_171, %swap3A_172] {strides = array<i32>} : memref<4x128xf32, #tpu.memory_space<vmem>>, vector<1x16xf32>,
    %swap3A_174 = vector.shape_cast %swap3A_173 : vector<1x16xf32> to vector<16xf32>
    %swap3A_175 = vector.shape_cast %broadcast_in_dim3A_2 : vector<16xf32> to vector<1x16xf32>
    tpu.vector_store %arg8[%swap3A_171, %swap3A_172], %swap3A_175 {strides = array<i32>} : memref<4x128xf32, #tpu.memory_space<vmem>>, vector<1x16xf32>,
    %swap3A_176 = arith.constant 3 : i32
    %swap3A_177 = arith.index_cast %swap3A_176 : i32 to index
    %swap3A_178 = arith.constant 80 : index
    %swap3A_179 = tpu.vector_load %arg8[%swap3A_177, %swap3A_178] {strides = array<i32>} : memref<4x128xf32, #tpu.memory_space<vmem>>, vector<1x16xf32>,
    %swap3A_180 = vector.shape_cast %swap3A_179 : vector<1x16xf32> to vector<16xf32>
    %swap3A_181 = vector.shape_cast %broadcast_in_dim3A_2 : vector<16xf32> to vector<1x16xf32>
    tpu.vector_store %arg8[%swap3A_177, %swap3A_178], %swap3A_181 {strides = array<i32>} : memref<4x128xf32, #tpu.memory_space<vmem>>, vector<1x16xf32>,
    %swap3A_182 = arith.constant 3 : i32
    %swap3A_183 = arith.index_cast %swap3A_182 : i32 to index
    %swap3A_184 = arith.constant 96 : index
    %swap3A_185 = tpu.vector_load %arg8[%swap3A_183, %swap3A_184] {strides = array<i32>} : memref<4x128xf32, #tpu.memory_space<vmem>>, vector<1x16xf32>,
    %swap3A_186 = vector.shape_cast %swap3A_185 : vector<1x16xf32> to vector<16xf32>
    %swap3A_187 = vector.shape_cast %broadcast_in_dim3A_2 : vector<16xf32> to vector<1x16xf32>
    tpu.vector_store %arg8[%swap3A_183, %swap3A_184], %swap3A_187 {strides = array<i32>} : memref<4x128xf32, #tpu.memory_space<vmem>>, vector<1x16xf32>,
    %swap3A_188 = arith.constant 3 : i32
    %swap3A_189 = arith.index_cast %swap3A_188 : i32 to index
    %swap3A_190 = arith.constant 112 : index
    %swap3A_191 = tpu.vector_load %arg8[%swap3A_189, %swap3A_190] {strides = array<i32>} : memref<4x128xf32, #tpu.memory_space<vmem>>, vector<1x16xf32>,
    %swap3A_192 = vector.shape_cast %swap3A_191 : vector<1x16xf32> to vector<16xf32>
    %swap3A_193 = vector.shape_cast %broadcast_in_dim3A_2 : vector<16xf32> to vector<1x16xf32>
    tpu.vector_store %arg8[%swap3A_189, %swap3A_190], %swap3A_193 {strides = array<i32>} : memref<4x128xf32, #tpu.memory_space<vmem>>, vector<1x16xf32>,
    %scan3A = arith.constant 0 : i32
    %scan3A_194 = arith.constant 0 : i32
    %scan3A_195 = arith.constant 80 : i32
    %scan3A_196 = arith.addi %scan3A_194, %scan3A_195 : i32
    %scan3A_197 = arith.constant 1 : i32
    scf.for %scan3A_356 = %scan3A_194 to %scan3A_196 step %scan3A_197  : i32 {
      %mul3A_357 = arith.constant 320 : i32
      %mul3A_358 = arith.muli %arg1, %mul3A_357 : i32
      %mul3A_359 = arith.constant 4 : i32
      %mul3A_360 = arith.muli %scan3A_356, %mul3A_359 : i32
      %add3A = arith.addi %mul3A_358, %mul3A_360 : i32
      "tpu.region"() ({
        %run_scoped3A = tpu.sem_alloc : memref<!tpu.dma_semaphore, #tpu.memory_space<semaphore_mem>>
        %dma_start3A_361 = arith.constant 0 : i32
        %dma_start3A_362 = tpu.memref_slice %arg17[%add3A, %dma_start3A_361] : memref<5120x128xf32, #tpu.memory_space<vmem_shared>> -> memref<4x128xf32, #tpu.memory_space<vmem_shared>>
        %dma_start3A_363 = arith.constant 0 : i32
        %dma_start3A_364 = tpu.memref_slice %arg17[%add3A, %dma_start3A_363] : memref<5120x128xf32, #tpu.memory_space<vmem_shared>> -> memref<4x128xf32, #tpu.memory_space<vmem_shared>>
        tpu.enqueue_dma source(%arg8 : memref<4x128xf32, #tpu.memory_space<vmem>>) target(%dma_start3A_364 : memref<4x128xf32, #tpu.memory_space<vmem_shared>>) target_semaphore(%run_scoped3A : memref<!tpu.dma_semaphore, #tpu.memory_space<semaphore_mem>>)
        %dma_wait3A_365 = arith.constant 0 : i32
        %dma_wait3A_366 = tpu.memref_slice %arg17[%add3A, %dma_wait3A_365] : memref<5120x128xf32, #tpu.memory_space<vmem_shared>> -> memref<4x128xf32, #tpu.memory_space<vmem_shared>>
        %dma_wait3A_367 = arith.constant 0 : i32
        %dma_wait3A_368 = tpu.memref_slice %arg17[%add3A, %dma_wait3A_367] : memref<5120x128xf32, #tpu.memory_space<vmem_shared>> -> memref<4x128xf32, #tpu.memory_space<vmem_shared>>
        tpu.wait_dma2 semaphore(%run_scoped3A : memref<!tpu.dma_semaphore, #tpu.memory_space<semaphore_mem>>) src(%arg8 : memref<4x128xf32, #tpu.memory_space<vmem>>) dst(%dma_wait3A_368 : memref<4x128xf32, #tpu.memory_space<vmem_shared>>)
        tpu.yield
      }) : () -> ()
    }
    %scan3A_198 = arith.constant 80 : i32
    %lt3A_199 = arith.constant 10 : i32
    %lt3A_200 = arith.cmpi slt, %arg1, %lt3A_199 : i32
    %convert_element_type3A_201 = arith.extui %lt3A_200 : i1 to i32
    %cond3A_202 = arith.constant 0 : i32
    %cond3A_203 = arith.cmpi ne, %convert_element_type3A_201, %cond3A_202 : i32
    scf.if %cond3A_203 {
      %mul3A_356 = arith.constant 1000 : i32
      %mul3A_357 = arith.muli %arg1, %mul3A_356 : i32
      %multiple_of3A = tpu.assume_multiple %mul3A_357, 8 : i32
      %dma_wait3A_358 = arith.constant 0 : i32
      %dma_wait3A_359 = tpu.memref_slice %arg16[%multiple_of3A, %dma_wait3A_358] : memref<10000x128xf32, #tpu.memory_space<vmem_shared>> -> memref<1000x128xf32, #tpu.memory_space<vmem_shared>>
      %dma_wait3A_360 = arith.constant 0 : i32
      %dma_wait3A_361 = tpu.memref_slice %arg2[%multiple_of3A, %dma_wait3A_360] : memref<10000x128xf32, #tpu.memory_space<hbm>> -> memref<1000x128xf32, #tpu.memory_space<hbm>>
      tpu.wait_dma2 semaphore(%arg15 : memref<!tpu.dma_semaphore, #tpu.memory_space<semaphore_mem>>) src(%dma_wait3A_361 : memref<1000x128xf32, #tpu.memory_space<hbm>>) dst(%dma_wait3A_359 : memref<1000x128xf32, #tpu.memory_space<vmem_shared>>)
    } else {
    }
    %barrier3A = arith.constant 0 : index
    tpu.barrier barrier_id(%barrier3A)
    %dma_start3A = arith.constant 0 : i32
    %dma_start3A_204 = arith.constant 0 : i32
    %dma_start3A_205 = arith.constant 0 : i32
    %dma_start3A_206 = arith.constant 0 : i32
    %dma_start3A_207 = tpu.memref_slice %arg5[%dma_start3A_204, %dma_start3A_205, %dma_start3A_206] : memref<4x2x32xi32, #tpu.memory_space<vmem>> -> memref<1x2x32xi32, #tpu.memory_space<vmem>>
    %dma_start3A_208 = tpu.memref_squeeze %dma_start3A_207 : memref<1x2x32xi32, #tpu.memory_space<vmem>> -> memref<2x32xi32, #tpu.memory_space<vmem>>
    %dma_start3A_209 = arith.constant 0 : i32
    %dma_start3A_210 = arith.constant 0 : i32
    %dma_start3A_211 = tpu.memref_slice %arg3[%arg0, %arg1, %dma_start3A, %dma_start3A_209, %dma_start3A_210] : memref<2x16x632x2x32xi32, #tpu.memory_space<hbm>> -> memref<1x1x1x2x32xi32, #tpu.memory_space<hbm>>
    %dma_start3A_212 = tpu.memref_squeeze %dma_start3A_211 : memref<1x1x1x2x32xi32, #tpu.memory_space<hbm>> -> memref<2x32xi32, #tpu.memory_space<hbm>>
    %dma_start3A_213 = arith.constant 0 : i32
    %dma_start3A_214 = arith.constant 0 : i32
    %dma_start3A_215 = tpu.memref_slice %arg5[%dma_start3A_204, %dma_start3A_213, %dma_start3A_214] : memref<4x2x32xi32, #tpu.memory_space<vmem>> -> memref<1x2x32xi32, #tpu.memory_space<vmem>>
    %dma_start3A_216 = tpu.memref_squeeze %dma_start3A_215 : memref<1x2x32xi32, #tpu.memory_space<vmem>> -> memref<2x32xi32, #tpu.memory_space<vmem>>
    %dma_start3A_217 = arith.constant 0 : i32
    %dma_start3A_218 = arith.constant 0 : i32
    %dma_start3A_219 = tpu.memref_slice %arg3[%arg0, %arg1, %dma_start3A, %dma_start3A_217, %dma_start3A_218] : memref<2x16x632x2x32xi32, #tpu.memory_space<hbm>> -> memref<1x1x1x2x32xi32, #tpu.memory_space<hbm>>
    %dma_start3A_220 = tpu.memref_squeeze %dma_start3A_219 : memref<1x1x1x2x32xi32, #tpu.memory_space<hbm>> -> memref<2x32xi32, #tpu.memory_space<hbm>>
    tpu.enqueue_dma source(%dma_start3A_220 : memref<2x32xi32, #tpu.memory_space<hbm>>) target(%dma_start3A_216 : memref<2x32xi32, #tpu.memory_space<vmem>>) target_semaphore(%arg9 : memref<!tpu.dma_semaphore, #tpu.memory_space<semaphore_mem>>)
    %dma_start3A_221 = arith.constant 1 : i32
    %dma_start3A_222 = arith.constant 1 : i32
    %dma_start3A_223 = arith.constant 0 : i32
    %dma_start3A_224 = arith.constant 0 : i32
    %dma_start3A_225 = tpu.memref_slice %arg5[%dma_start3A_222, %dma_start3A_223, %dma_start3A_224] : memref<4x2x32xi32, #tpu.memory_space<vmem>> -> memref<1x2x32xi32, #tpu.memory_space<vmem>>
    %dma_start3A_226 = tpu.memref_squeeze %dma_start3A_225 : memref<1x2x32xi32, #tpu.memory_space<vmem>> -> memref<2x32xi32, #tpu.memory_space<vmem>>
    %dma_start3A_227 = arith.constant 0 : i32
    %dma_start3A_228 = arith.constant 0 : i32
    %dma_start3A_229 = tpu.memref_slice %arg3[%arg0, %arg1, %dma_start3A_221, %dma_start3A_227, %dma_start3A_228] : memref<2x16x632x2x32xi32, #tpu.memory_space<hbm>> -> memref<1x1x1x2x32xi32, #tpu.memory_space<hbm>>
    %dma_start3A_230 = tpu.memref_squeeze %dma_start3A_229 : memref<1x1x1x2x32xi32, #tpu.memory_space<hbm>> -> memref<2x32xi32, #tpu.memory_space<hbm>>
    %dma_start3A_231 = arith.constant 0 : i32
    %dma_start3A_232 = arith.constant 0 : i32
    %dma_start3A_233 = tpu.memref_slice %arg5[%dma_start3A_222, %dma_start3A_231, %dma_start3A_232] : memref<4x2x32xi32, #tpu.memory_space<vmem>> -> memref<1x2x32xi32, #tpu.memory_space<vmem>>
    %dma_start3A_234 = tpu.memref_squeeze %dma_start3A_233 : memref<1x2x32xi32, #tpu.memory_space<vmem>> -> memref<2x32xi32, #tpu.memory_space<vmem>>
    %dma_start3A_235 = arith.constant 0 : i32
    %dma_start3A_236 = arith.constant 0 : i32
    %dma_start3A_237 = tpu.memref_slice %arg3[%arg0, %arg1, %dma_start3A_221, %dma_start3A_235, %dma_start3A_236] : memref<2x16x632x2x32xi32, #tpu.memory_space<hbm>> -> memref<1x1x1x2x32xi32, #tpu.memory_space<hbm>>
    %dma_start3A_238 = tpu.memref_squeeze %dma_start3A_237 : memref<1x1x1x2x32xi32, #tpu.memory_space<hbm>> -> memref<2x32xi32, #tpu.memory_space<hbm>>
    tpu.enqueue_dma source(%dma_start3A_238 : memref<2x32xi32, #tpu.memory_space<hbm>>) target(%dma_start3A_234 : memref<2x32xi32, #tpu.memory_space<vmem>>) target_semaphore(%arg10 : memref<!tpu.dma_semaphore, #tpu.memory_space<semaphore_mem>>)
    %dma_start3A_239 = arith.constant 2 : i32
    %dma_start3A_240 = arith.constant 2 : i32
    %dma_start3A_241 = arith.constant 0 : i32
    %dma_start3A_242 = arith.constant 0 : i32
    %dma_start3A_243 = tpu.memref_slice %arg5[%dma_start3A_240, %dma_start3A_241, %dma_start3A_242] : memref<4x2x32xi32, #tpu.memory_space<vmem>> -> memref<1x2x32xi32, #tpu.memory_space<vmem>>
    %dma_start3A_244 = tpu.memref_squeeze %dma_start3A_243 : memref<1x2x32xi32, #tpu.memory_space<vmem>> -> memref<2x32xi32, #tpu.memory_space<vmem>>
    %dma_start3A_245 = arith.constant 0 : i32
    %dma_start3A_246 = arith.constant 0 : i32
    %dma_start3A_247 = tpu.memref_slice %arg3[%arg0, %arg1, %dma_start3A_239, %dma_start3A_245, %dma_start3A_246] : memref<2x16x632x2x32xi32, #tpu.memory_space<hbm>> -> memref<1x1x1x2x32xi32, #tpu.memory_space<hbm>>
    %dma_start3A_248 = tpu.memref_squeeze %dma_start3A_247 : memref<1x1x1x2x32xi32, #tpu.memory_space<hbm>> -> memref<2x32xi32, #tpu.memory_space<hbm>>
    %dma_start3A_249 = arith.constant 0 : i32
    %dma_start3A_250 = arith.constant 0 : i32
    %dma_start3A_251 = tpu.memref_slice %arg5[%dma_start3A_240, %dma_start3A_249, %dma_start3A_250] : memref<4x2x32xi32, #tpu.memory_space<vmem>> -> memref<1x2x32xi32, #tpu.memory_space<vmem>>
    %dma_start3A_252 = tpu.memref_squeeze %dma_start3A_251 : memref<1x2x32xi32, #tpu.memory_space<vmem>> -> memref<2x32xi32, #tpu.memory_space<vmem>>
    %dma_start3A_253 = arith.constant 0 : i32
    %dma_start3A_254 = arith.constant 0 : i32
    %dma_start3A_255 = tpu.memref_slice %arg3[%arg0, %arg1, %dma_start3A_239, %dma_start3A_253, %dma_start3A_254] : memref<2x16x632x2x32xi32, #tpu.memory_space<hbm>> -> memref<1x1x1x2x32xi32, #tpu.memory_space<hbm>>
    %dma_start3A_256 = tpu.memref_squeeze %dma_start3A_255 : memref<1x1x1x2x32xi32, #tpu.memory_space<hbm>> -> memref<2x32xi32, #tpu.memory_space<hbm>>
    tpu.enqueue_dma source(%dma_start3A_256 : memref<2x32xi32, #tpu.memory_space<hbm>>) target(%dma_start3A_252 : memref<2x32xi32, #tpu.memory_space<vmem>>) target_semaphore(%arg11 : memref<!tpu.dma_semaphore, #tpu.memory_space<semaphore_mem>>)
    %dma_start3A_257 = arith.constant 3 : i32
    %dma_start3A_258 = arith.constant 3 : i32
    %dma_start3A_259 = arith.constant 0 : i32
    %dma_start3A_260 = arith.constant 0 : i32
    %dma_start3A_261 = tpu.memref_slice %arg5[%dma_start3A_258, %dma_start3A_259, %dma_start3A_260] : memref<4x2x32xi32, #tpu.memory_space<vmem>> -> memref<1x2x32xi32, #tpu.memory_space<vmem>>
    %dma_start3A_262 = tpu.memref_squeeze %dma_start3A_261 : memref<1x2x32xi32, #tpu.memory_space<vmem>> -> memref<2x32xi32, #tpu.memory_space<vmem>>
    %dma_start3A_263 = arith.constant 0 : i32
    %dma_start3A_264 = arith.constant 0 : i32
    %dma_start3A_265 = tpu.memref_slice %arg3[%arg0, %arg1, %dma_start3A_257, %dma_start3A_263, %dma_start3A_264] : memref<2x16x632x2x32xi32, #tpu.memory_space<hbm>> -> memref<1x1x1x2x32xi32, #tpu.memory_space<hbm>>
    %dma_start3A_266 = tpu.memref_squeeze %dma_start3A_265 : memref<1x1x1x2x32xi32, #tpu.memory_space<hbm>> -> memref<2x32xi32, #tpu.memory_space<hbm>>
    %dma_start3A_267 = arith.constant 0 : i32
    %dma_start3A_268 = arith.constant 0 : i32
    %dma_start3A_269 = tpu.memref_slice %arg5[%dma_start3A_258, %dma_start3A_267, %dma_start3A_268] : memref<4x2x32xi32, #tpu.memory_space<vmem>> -> memref<1x2x32xi32, #tpu.memory_space<vmem>>
    %dma_start3A_270 = tpu.memref_squeeze %dma_start3A_269 : memref<1x2x32xi32, #tpu.memory_space<vmem>> -> memref<2x32xi32, #tpu.memory_space<vmem>>
    %dma_start3A_271 = arith.constant 0 : i32
    %dma_start3A_272 = arith.constant 0 : i32
    %dma_start3A_273 = tpu.memref_slice %arg3[%arg0, %arg1, %dma_start3A_257, %dma_start3A_271, %dma_start3A_272] : memref<2x16x632x2x32xi32, #tpu.memory_space<hbm>> -> memref<1x1x1x2x32xi32, #tpu.memory_space<hbm>>
    %dma_start3A_274 = tpu.memref_squeeze %dma_start3A_273 : memref<1x1x1x2x32xi32, #tpu.memory_space<hbm>> -> memref<2x32xi32, #tpu.memory_space<hbm>>
    tpu.enqueue_dma source(%dma_start3A_274 : memref<2x32xi32, #tpu.memory_space<hbm>>) target(%dma_start3A_270 : memref<2x32xi32, #tpu.memory_space<vmem>>) target_semaphore(%arg12 : memref<!tpu.dma_semaphore, #tpu.memory_space<semaphore_mem>>)
    %scan3A_275 = arith.constant 0 : i32
    %scan3A_276 = arith.constant 0 : i32
    %scan3A_277 = arith.constant 157 : i32
    %scan3A_278 = arith.addi %scan3A_276, %scan3A_277 : i32
    %scan3A_279 = arith.constant 1 : i32
    scf.for %scan3A_356 = %scan3A_276 to %scan3A_278 step %scan3A_279  : i32 {
      %mul3A_357 = arith.constant 4 : i32
      %mul3A_358 = arith.muli %mul3A_357, %scan3A_356 : i32
      %add3A = arith.constant 0 : i32
      %add3A_359 = arith.addi %mul3A_358, %add3A : i32
      %dma_wait3A_360 = arith.constant 0 : i32
      %dma_wait3A_361 = arith.constant 0 : i32
      %dma_wait3A_362 = arith.constant 0 : i32
      %dma_wait3A_363 = tpu.memref_slice %arg5[%dma_wait3A_360, %dma_wait3A_361, %dma_wait3A_362] : memref<4x2x32xi32, #tpu.memory_space<vmem>> -> memref<1x2x32xi32, #tpu.memory_space<vmem>>
      %dma_wait3A_364 = tpu.memref_squeeze %dma_wait3A_363 : memref<1x2x32xi32, #tpu.memory_space<vmem>> -> memref<2x32xi32, #tpu.memory_space<vmem>>
      %dma_wait3A_365 = arith.constant 0 : i32
      %dma_wait3A_366 = arith.constant 0 : i32
      %dma_wait3A_367 = tpu.memref_slice %arg3[%arg0, %arg1, %add3A_359, %dma_wait3A_365, %dma_wait3A_366] : memref<2x16x632x2x32xi32, #tpu.memory_space<hbm>> -> memref<1x1x1x2x32xi32, #tpu.memory_space<hbm>>
      %dma_wait3A_368 = tpu.memref_squeeze %dma_wait3A_367 : memref<1x1x1x2x32xi32, #tpu.memory_space<hbm>> -> memref<2x32xi32, #tpu.memory_space<hbm>>
      %dma_wait3A_369 = arith.constant 0 : i32
      %dma_wait3A_370 = arith.constant 0 : i32
      %dma_wait3A_371 = tpu.memref_slice %arg5[%dma_wait3A_360, %dma_wait3A_369, %dma_wait3A_370] : memref<4x2x32xi32, #tpu.memory_space<vmem>> -> memref<1x2x32xi32, #tpu.memory_space<vmem>>
      %dma_wait3A_372 = tpu.memref_squeeze %dma_wait3A_371 : memref<1x2x32xi32, #tpu.memory_space<vmem>> -> memref<2x32xi32, #tpu.memory_space<vmem>>
      %dma_wait3A_373 = arith.constant 0 : i32
      %dma_wait3A_374 = arith.constant 0 : i32
      %dma_wait3A_375 = tpu.memref_slice %arg3[%arg0, %arg1, %add3A_359, %dma_wait3A_373, %dma_wait3A_374] : memref<2x16x632x2x32xi32, #tpu.memory_space<hbm>> -> memref<1x1x1x2x32xi32, #tpu.memory_space<hbm>>
      %dma_wait3A_376 = tpu.memref_squeeze %dma_wait3A_375 : memref<1x1x1x2x32xi32, #tpu.memory_space<hbm>> -> memref<2x32xi32, #tpu.memory_space<hbm>>
      tpu.wait_dma2 semaphore(%arg9 : memref<!tpu.dma_semaphore, #tpu.memory_space<semaphore_mem>>) src(%dma_wait3A_376 : memref<2x32xi32, #tpu.memory_space<hbm>>) dst(%dma_wait3A_372 : memref<2x32xi32, #tpu.memory_space<vmem>>)
      %dma_start3A_377 = arith.constant 0 : i32
      %dma_start3A_378 = arith.constant 0 : i32
      %dma_start3A_379 = arith.constant 0 : i32
      %dma_start3A_380 = tpu.memref_slice %arg5[%dma_start3A_377, %dma_start3A_378, %dma_start3A_379] : memref<4x2x32xi32, #tpu.memory_space<vmem>> -> memref<1x1x32xi32, #tpu.memory_space<vmem>>
      %dma_start3A_381 = tpu.memref_squeeze %dma_start3A_380 : memref<1x1x32xi32, #tpu.memory_space<vmem>> -> memref<32xi32, #tpu.memory_space<vmem>>
      %dma_start3A_382 = arith.constant 0 : i32
      %dma_start3A_383 = arith.constant 0 : i32
      %dma_start3A_384 = tpu.memref_slice %arg16[%dma_start3A_382, %dma_start3A_383] : memref<10000x128xf32, #tpu.memory_space<vmem_shared>> -> memref<10000x128xf32, #tpu.memory_space<vmem_shared>>
      tpu.enqueue_indirect_dma source(%dma_start3A_384 : memref<10000x128xf32, #tpu.memory_space<vmem_shared>>) target(%arg6 : memref<32x128xf32, #tpu.memory_space<vmem>>) offsets(%dma_start3A_381 : memref<32xi32, #tpu.memory_space<vmem>>) semaphore(%arg13 : memref<!tpu.dma_semaphore, #tpu.memory_space<semaphore_mem>>)
      %add3A_385 = arith.constant 1 : i32
      %add3A_386 = arith.addi %mul3A_358, %add3A_385 : i32
      %dma_wait3A_387 = arith.constant 1 : i32
      %dma_wait3A_388 = arith.constant 0 : i32
      %dma_wait3A_389 = arith.constant 0 : i32
      %dma_wait3A_390 = tpu.memref_slice %arg5[%dma_wait3A_387, %dma_wait3A_388, %dma_wait3A_389] : memref<4x2x32xi32, #tpu.memory_space<vmem>> -> memref<1x2x32xi32, #tpu.memory_space<vmem>>
      %dma_wait3A_391 = tpu.memref_squeeze %dma_wait3A_390 : memref<1x2x32xi32, #tpu.memory_space<vmem>> -> memref<2x32xi32, #tpu.memory_space<vmem>>
      %dma_wait3A_392 = arith.constant 0 : i32
      %dma_wait3A_393 = arith.constant 0 : i32
      %dma_wait3A_394 = tpu.memref_slice %arg3[%arg0, %arg1, %add3A_386, %dma_wait3A_392, %dma_wait3A_393] : memref<2x16x632x2x32xi32, #tpu.memory_space<hbm>> -> memref<1x1x1x2x32xi32, #tpu.memory_space<hbm>>
      %dma_wait3A_395 = tpu.memref_squeeze %dma_wait3A_394 : memref<1x1x1x2x32xi32, #tpu.memory_space<hbm>> -> memref<2x32xi32, #tpu.memory_space<hbm>>
      %dma_wait3A_396 = arith.constant 0 : i32
      %dma_wait3A_397 = arith.constant 0 : i32
      %dma_wait3A_398 = tpu.memref_slice %arg5[%dma_wait3A_387, %dma_wait3A_396, %dma_wait3A_397] : memref<4x2x32xi32, #tpu.memory_space<vmem>> -> memref<1x2x32xi32, #tpu.memory_space<vmem>>
      %dma_wait3A_399 = tpu.memref_squeeze %dma_wait3A_398 : memref<1x2x32xi32, #tpu.memory_space<vmem>> -> memref<2x32xi32, #tpu.memory_space<vmem>>
      %dma_wait3A_400 = arith.constant 0 : i32
      %dma_wait3A_401 = arith.constant 0 : i32
      %dma_wait3A_402 = tpu.memref_slice %arg3[%arg0, %arg1, %add3A_386, %dma_wait3A_400, %dma_wait3A_401] : memref<2x16x632x2x32xi32, #tpu.memory_space<hbm>> -> memref<1x1x1x2x32xi32, #tpu.memory_space<hbm>>
      %dma_wait3A_403 = tpu.memref_squeeze %dma_wait3A_402 : memref<1x1x1x2x32xi32, #tpu.memory_space<hbm>> -> memref<2x32xi32, #tpu.memory_space<hbm>>
      tpu.wait_dma2 semaphore(%arg10 : memref<!tpu.dma_semaphore, #tpu.memory_space<semaphore_mem>>) src(%dma_wait3A_403 : memref<2x32xi32, #tpu.memory_space<hbm>>) dst(%dma_wait3A_399 : memref<2x32xi32, #tpu.memory_space<vmem>>)
      %dma_start3A_404 = arith.constant 1 : i32
      %dma_start3A_405 = arith.constant 0 : i32
      %dma_start3A_406 = arith.constant 0 : i32
      %dma_start3A_407 = tpu.memref_slice %arg5[%dma_start3A_404, %dma_start3A_405, %dma_start3A_406] : memref<4x2x32xi32, #tpu.memory_space<vmem>> -> memref<1x1x32xi32, #tpu.memory_space<vmem>>
      %dma_start3A_408 = tpu.memref_squeeze %dma_start3A_407 : memref<1x1x32xi32, #tpu.memory_space<vmem>> -> memref<32xi32, #tpu.memory_space<vmem>>
      %dma_start3A_409 = arith.constant 0 : i32
      %dma_start3A_410 = arith.constant 0 : i32
      %dma_start3A_411 = tpu.memref_slice %arg16[%dma_start3A_409, %dma_start3A_410] : memref<10000x128xf32, #tpu.memory_space<vmem_shared>> -> memref<10000x128xf32, #tpu.memory_space<vmem_shared>>
      tpu.enqueue_indirect_dma source(%dma_start3A_411 : memref<10000x128xf32, #tpu.memory_space<vmem_shared>>) target(%arg7 : memref<32x128xf32, #tpu.memory_space<vmem>>) offsets(%dma_start3A_408 : memref<32xi32, #tpu.memory_space<vmem>>) semaphore(%arg14 : memref<!tpu.dma_semaphore, #tpu.memory_space<semaphore_mem>>)
      %dma_wait3A_412 = arith.constant 0 : i32
      %dma_wait3A_413 = arith.constant 0 : i32
      %dma_wait3A_414 = arith.constant 0 : i32
      %dma_wait3A_415 = tpu.memref_slice %arg5[%dma_wait3A_412, %dma_wait3A_413, %dma_wait3A_414] : memref<4x2x32xi32, #tpu.memory_space<vmem>> -> memref<1x1x32xi32, #tpu.memory_space<vmem>>
      %dma_wait3A_416 = tpu.memref_squeeze %dma_wait3A_415 : memref<1x1x32xi32, #tpu.memory_space<vmem>> -> memref<32xi32, #tpu.memory_space<vmem>>
      %dma_wait3A_417 = arith.constant 0 : i32
      %dma_wait3A_418 = arith.constant 0 : i32
      %dma_wait3A_419 = tpu.memref_slice %arg16[%dma_wait3A_417, %dma_wait3A_418] : memref<10000x128xf32, #tpu.memory_space<vmem_shared>> -> memref<10000x128xf32, #tpu.memory_space<vmem_shared>>
      tpu.wait_indirect_dma semaphore(%arg13 : memref<!tpu.dma_semaphore, #tpu.memory_space<semaphore_mem>>) src(%dma_wait3A_419 : memref<10000x128xf32, #tpu.memory_space<vmem_shared>>) dst(%arg6 : memref<32x128xf32, #tpu.memory_space<vmem>>)
      %run_scoped3A = arith.constant 0 : i32
      %run_scoped3A_420 = arith.constant 1 : i32
      "tpu.region"() ({
        %run_scoped3A_587 = tpu.sem_alloc : memref<!tpu.dma_semaphore, #tpu.memory_space<semaphore_mem>>
        %dma_start3A_588 = arith.constant 0 : i32
        %dma_start3A_589 = tpu.memref_slice %arg5[%run_scoped3A, %run_scoped3A_420, %dma_start3A_588] : memref<4x2x32xi32, #tpu.memory_space<vmem>> -> memref<1x1x32xi32, #tpu.memory_space<vmem>>
        %dma_start3A_590 = tpu.memref_squeeze %dma_start3A_589 : memref<1x1x32xi32, #tpu.memory_space<vmem>> -> memref<32xi32, #tpu.memory_space<vmem>>
        %dma_start3A_591 = arith.constant 0 : i32
        %dma_start3A_592 = arith.constant 0 : i32
        %dma_start3A_593 = tpu.memref_slice %arg17[%dma_start3A_591, %dma_start3A_592] : memref<5120x128xf32, #tpu.memory_space<vmem_shared>> -> memref<5120x128xf32, #tpu.memory_space<vmem_shared>>
        tpu.enqueue_indirect_dma source(%arg6 : memref<32x128xf32, #tpu.memory_space<vmem>>) target(%dma_start3A_593 : memref<5120x128xf32, #tpu.memory_space<vmem_shared>>) offsets(%dma_start3A_590 : memref<32xi32, #tpu.memory_space<vmem>>) semaphore(%run_scoped3A_587 : memref<!tpu.dma_semaphore, #tpu.memory_space<semaphore_mem>>) {add = true}
        %dma_wait3A_594 = arith.constant 0 : i32
        %dma_wait3A_595 = tpu.memref_slice %arg5[%run_scoped3A, %run_scoped3A_420, %dma_wait3A_594] : memref<4x2x32xi32, #tpu.memory_space<vmem>> -> memref<1x1x32xi32, #tpu.memory_space<vmem>>
        %dma_wait3A_596 = tpu.memref_squeeze %dma_wait3A_595 : memref<1x1x32xi32, #tpu.memory_space<vmem>> -> memref<32xi32, #tpu.memory_space<vmem>>
        %dma_wait3A_597 = arith.constant 0 : i32
        %dma_wait3A_598 = arith.constant 0 : i32
        %dma_wait3A_599 = tpu.memref_slice %arg17[%dma_wait3A_597, %dma_wait3A_598] : memref<5120x128xf32, #tpu.memory_space<vmem_shared>> -> memref<5120x128xf32, #tpu.memory_space<vmem_shared>>
        tpu.wait_indirect_dma semaphore(%run_scoped3A_587 : memref<!tpu.dma_semaphore, #tpu.memory_space<semaphore_mem>>) src(%arg6 : memref<32x128xf32, #tpu.memory_space<vmem>>) dst(%dma_wait3A_599 : memref<5120x128xf32, #tpu.memory_space<vmem_shared>>)
        tpu.yield
      }) : () -> ()
      %add3A_421 = arith.constant 4 : i32
      %add3A_422 = arith.addi %mul3A_358, %add3A_421 : i32
      %add3A_423 = arith.constant 0 : i32
      %add3A_424 = arith.addi %add3A_422, %add3A_423 : i32
      %dma_start3A_425 = arith.constant 0 : i32
      %dma_start3A_426 = arith.constant 0 : i32
      %dma_start3A_427 = arith.constant 0 : i32
      %dma_start3A_428 = tpu.memref_slice %arg5[%dma_start3A_425, %dma_start3A_426, %dma_start3A_427] : memref<4x2x32xi32, #tpu.memory_space<vmem>> -> memref<1x2x32xi32, #tpu.memory_space<vmem>>
      %dma_start3A_429 = tpu.memref_squeeze %dma_start3A_428 : memref<1x2x32xi32, #tpu.memory_space<vmem>> -> memref<2x32xi32, #tpu.memory_space<vmem>>
      %dma_start3A_430 = arith.constant 0 : i32
      %dma_start3A_431 = arith.constant 0 : i32
      %dma_start3A_432 = tpu.memref_slice %arg3[%arg0, %arg1, %add3A_424, %dma_start3A_430, %dma_start3A_431] : memref<2x16x632x2x32xi32, #tpu.memory_space<hbm>> -> memref<1x1x1x2x32xi32, #tpu.memory_space<hbm>>
      %dma_start3A_433 = tpu.memref_squeeze %dma_start3A_432 : memref<1x1x1x2x32xi32, #tpu.memory_space<hbm>> -> memref<2x32xi32, #tpu.memory_space<hbm>>
      %dma_start3A_434 = arith.constant 0 : i32
      %dma_start3A_435 = arith.constant 0 : i32
      %dma_start3A_436 = tpu.memref_slice %arg5[%dma_start3A_425, %dma_start3A_434, %dma_start3A_435] : memref<4x2x32xi32, #tpu.memory_space<vmem>> -> memref<1x2x32xi32, #tpu.memory_space<vmem>>
      %dma_start3A_437 = tpu.memref_squeeze %dma_start3A_436 : memref<1x2x32xi32, #tpu.memory_space<vmem>> -> memref<2x32xi32, #tpu.memory_space<vmem>>
      %dma_start3A_438 = arith.constant 0 : i32
      %dma_start3A_439 = arith.constant 0 : i32
      %dma_start3A_440 = tpu.memref_slice %arg3[%arg0, %arg1, %add3A_424, %dma_start3A_438, %dma_start3A_439] : memref<2x16x632x2x32xi32, #tpu.memory_space<hbm>> -> memref<1x1x1x2x32xi32, #tpu.memory_space<hbm>>
      %dma_start3A_441 = tpu.memref_squeeze %dma_start3A_440 : memref<1x1x1x2x32xi32, #tpu.memory_space<hbm>> -> memref<2x32xi32, #tpu.memory_space<hbm>>
      tpu.enqueue_dma source(%dma_start3A_441 : memref<2x32xi32, #tpu.memory_space<hbm>>) target(%dma_start3A_437 : memref<2x32xi32, #tpu.memory_space<vmem>>) target_semaphore(%arg9 : memref<!tpu.dma_semaphore, #tpu.memory_space<semaphore_mem>>)
      %add3A_442 = arith.constant 2 : i32
      %add3A_443 = arith.addi %mul3A_358, %add3A_442 : i32
      %dma_wait3A_444 = arith.constant 2 : i32
      %dma_wait3A_445 = arith.constant 0 : i32
      %dma_wait3A_446 = arith.constant 0 : i32
      %dma_wait3A_447 = tpu.memref_slice %arg5[%dma_wait3A_444, %dma_wait3A_445, %dma_wait3A_446] : memref<4x2x32xi32, #tpu.memory_space<vmem>> -> memref<1x2x32xi32, #tpu.memory_space<vmem>>
      %dma_wait3A_448 = tpu.memref_squeeze %dma_wait3A_447 : memref<1x2x32xi32, #tpu.memory_space<vmem>> -> memref<2x32xi32, #tpu.memory_space<vmem>>
      %dma_wait3A_449 = arith.constant 0 : i32
      %dma_wait3A_450 = arith.constant 0 : i32
      %dma_wait3A_451 = tpu.memref_slice %arg3[%arg0, %arg1, %add3A_443, %dma_wait3A_449, %dma_wait3A_450] : memref<2x16x632x2x32xi32, #tpu.memory_space<hbm>> -> memref<1x1x1x2x32xi32, #tpu.memory_space<hbm>>
      %dma_wait3A_452 = tpu.memref_squeeze %dma_wait3A_451 : memref<1x1x1x2x32xi32, #tpu.memory_space<hbm>> -> memref<2x32xi32, #tpu.memory_space<hbm>>
      %dma_wait3A_453 = arith.constant 0 : i32
      %dma_wait3A_454 = arith.constant 0 : i32
      %dma_wait3A_455 = tpu.memref_slice %arg5[%dma_wait3A_444, %dma_wait3A_453, %dma_wait3A_454] : memref<4x2x32xi32, #tpu.memory_space<vmem>> -> memref<1x2x32xi32, #tpu.memory_space<vmem>>
      %dma_wait3A_456 = tpu.memref_squeeze %dma_wait3A_455 : memref<1x2x32xi32, #tpu.memory_space<vmem>> -> memref<2x32xi32, #tpu.memory_space<vmem>>
      %dma_wait3A_457 = arith.constant 0 : i32
      %dma_wait3A_458 = arith.constant 0 : i32
      %dma_wait3A_459 = tpu.memref_slice %arg3[%arg0, %arg1, %add3A_443, %dma_wait3A_457, %dma_wait3A_458] : memref<2x16x632x2x32xi32, #tpu.memory_space<hbm>> -> memref<1x1x1x2x32xi32, #tpu.memory_space<hbm>>
      %dma_wait3A_460 = tpu.memref_squeeze %dma_wait3A_459 : memref<1x1x1x2x32xi32, #tpu.memory_space<hbm>> -> memref<2x32xi32, #tpu.memory_space<hbm>>
      tpu.wait_dma2 semaphore(%arg11 : memref<!tpu.dma_semaphore, #tpu.memory_space<semaphore_mem>>) src(%dma_wait3A_460 : memref<2x32xi32, #tpu.memory_space<hbm>>) dst(%dma_wait3A_456 : memref<2x32xi32, #tpu.memory_space<vmem>>)
      %dma_start3A_461 = arith.constant 2 : i32
      %dma_start3A_462 = arith.constant 0 : i32
      %dma_start3A_463 = arith.constant 0 : i32
      %dma_start3A_464 = tpu.memref_slice %arg5[%dma_start3A_461, %dma_start3A_462, %dma_start3A_463] : memref<4x2x32xi32, #tpu.memory_space<vmem>> -> memref<1x1x32xi32, #tpu.memory_space<vmem>>
      %dma_start3A_465 = tpu.memref_squeeze %dma_start3A_464 : memref<1x1x32xi32, #tpu.memory_space<vmem>> -> memref<32xi32, #tpu.memory_space<vmem>>
      %dma_start3A_466 = arith.constant 0 : i32
      %dma_start3A_467 = arith.constant 0 : i32
      %dma_start3A_468 = tpu.memref_slice %arg16[%dma_start3A_466, %dma_start3A_467] : memref<10000x128xf32, #tpu.memory_space<vmem_shared>> -> memref<10000x128xf32, #tpu.memory_space<vmem_shared>>
      tpu.enqueue_indirect_dma source(%dma_start3A_468 : memref<10000x128xf32, #tpu.memory_space<vmem_shared>>) target(%arg6 : memref<32x128xf32, #tpu.memory_space<vmem>>) offsets(%dma_start3A_465 : memref<32xi32, #tpu.memory_space<vmem>>) semaphore(%arg13 : memref<!tpu.dma_semaphore, #tpu.memory_space<semaphore_mem>>)
      %dma_wait3A_469 = arith.constant 1 : i32
      %dma_wait3A_470 = arith.constant 0 : i32
      %dma_wait3A_471 = arith.constant 0 : i32
      %dma_wait3A_472 = tpu.memref_slice %arg5[%dma_wait3A_469, %dma_wait3A_470, %dma_wait3A_471] : memref<4x2x32xi32, #tpu.memory_space<vmem>> -> memref<1x1x32xi32, #tpu.memory_space<vmem>>
      %dma_wait3A_473 = tpu.memref_squeeze %dma_wait3A_472 : memref<1x1x32xi32, #tpu.memory_space<vmem>> -> memref<32xi32, #tpu.memory_space<vmem>>
      %dma_wait3A_474 = arith.constant 0 : i32
      %dma_wait3A_475 = arith.constant 0 : i32
      %dma_wait3A_476 = tpu.memref_slice %arg16[%dma_wait3A_474, %dma_wait3A_475] : memref<10000x128xf32, #tpu.memory_space<vmem_shared>> -> memref<10000x128xf32, #tpu.memory_space<vmem_shared>>
      tpu.wait_indirect_dma semaphore(%arg14 : memref<!tpu.dma_semaphore, #tpu.memory_space<semaphore_mem>>) src(%dma_wait3A_476 : memref<10000x128xf32, #tpu.memory_space<vmem_shared>>) dst(%arg7 : memref<32x128xf32, #tpu.memory_space<vmem>>)
      %run_scoped3A_477 = arith.constant 1 : i32
      %run_scoped3A_478 = arith.constant 1 : i32
      "tpu.region"() ({
        %run_scoped3A_587 = tpu.sem_alloc : memref<!tpu.dma_semaphore, #tpu.memory_space<semaphore_mem>>
        %dma_start3A_588 = arith.constant 0 : i32
        %dma_start3A_589 = tpu.memref_slice %arg5[%run_scoped3A_477, %run_scoped3A_478, %dma_start3A_588] : memref<4x2x32xi32, #tpu.memory_space<vmem>> -> memref<1x1x32xi32, #tpu.memory_space<vmem>>
        %dma_start3A_590 = tpu.memref_squeeze %dma_start3A_589 : memref<1x1x32xi32, #tpu.memory_space<vmem>> -> memref<32xi32, #tpu.memory_space<vmem>>
        %dma_start3A_591 = arith.constant 0 : i32
        %dma_start3A_592 = arith.constant 0 : i32
        %dma_start3A_593 = tpu.memref_slice %arg17[%dma_start3A_591, %dma_start3A_592] : memref<5120x128xf32, #tpu.memory_space<vmem_shared>> -> memref<5120x128xf32, #tpu.memory_space<vmem_shared>>
        tpu.enqueue_indirect_dma source(%arg7 : memref<32x128xf32, #tpu.memory_space<vmem>>) target(%dma_start3A_593 : memref<5120x128xf32, #tpu.memory_space<vmem_shared>>) offsets(%dma_start3A_590 : memref<32xi32, #tpu.memory_space<vmem>>) semaphore(%run_scoped3A_587 : memref<!tpu.dma_semaphore, #tpu.memory_space<semaphore_mem>>) {add = true}
        %dma_wait3A_594 = arith.constant 0 : i32
        %dma_wait3A_595 = tpu.memref_slice %arg5[%run_scoped3A_477, %run_scoped3A_478, %dma_wait3A_594] : memref<4x2x32xi32, #tpu.memory_space<vmem>> -> memref<1x1x32xi32, #tpu.memory_space<vmem>>
        %dma_wait3A_596 = tpu.memref_squeeze %dma_wait3A_595 : memref<1x1x32xi32, #tpu.memory_space<vmem>> -> memref<32xi32, #tpu.memory_space<vmem>>
        %dma_wait3A_597 = arith.constant 0 : i32
        %dma_wait3A_598 = arith.constant 0 : i32
        %dma_wait3A_599 = tpu.memref_slice %arg17[%dma_wait3A_597, %dma_wait3A_598] : memref<5120x128xf32, #tpu.memory_space<vmem_shared>> -> memref<5120x128xf32, #tpu.memory_space<vmem_shared>>
        tpu.wait_indirect_dma semaphore(%run_scoped3A_587 : memref<!tpu.dma_semaphore, #tpu.memory_space<semaphore_mem>>) src(%arg7 : memref<32x128xf32, #tpu.memory_space<vmem>>) dst(%dma_wait3A_599 : memref<5120x128xf32, #tpu.memory_space<vmem_shared>>)
        tpu.yield
      }) : () -> ()
      %add3A_479 = arith.constant 4 : i32
      %add3A_480 = arith.addi %mul3A_358, %add3A_479 : i32
      %add3A_481 = arith.constant 1 : i32
      %add3A_482 = arith.addi %add3A_480, %add3A_481 : i32
      %dma_start3A_483 = arith.constant 1 : i32
      %dma_start3A_484 = arith.constant 0 : i32
      %dma_start3A_485 = arith.constant 0 : i32
      %dma_start3A_486 = tpu.memref_slice %arg5[%dma_start3A_483, %dma_start3A_484, %dma_start3A_485] : memref<4x2x32xi32, #tpu.memory_space<vmem>> -> memref<1x2x32xi32, #tpu.memory_space<vmem>>
      %dma_start3A_487 = tpu.memref_squeeze %dma_start3A_486 : memref<1x2x32xi32, #tpu.memory_space<vmem>> -> memref<2x32xi32, #tpu.memory_space<vmem>>
      %dma_start3A_488 = arith.constant 0 : i32
      %dma_start3A_489 = arith.constant 0 : i32
      %dma_start3A_490 = tpu.memref_slice %arg3[%arg0, %arg1, %add3A_482, %dma_start3A_488, %dma_start3A_489] : memref<2x16x632x2x32xi32, #tpu.memory_space<hbm>> -> memref<1x1x1x2x32xi32, #tpu.memory_space<hbm>>
      %dma_start3A_491 = tpu.memref_squeeze %dma_start3A_490 : memref<1x1x1x2x32xi32, #tpu.memory_space<hbm>> -> memref<2x32xi32, #tpu.memory_space<hbm>>
      %dma_start3A_492 = arith.constant 0 : i32
      %dma_start3A_493 = arith.constant 0 : i32
      %dma_start3A_494 = tpu.memref_slice %arg5[%dma_start3A_483, %dma_start3A_492, %dma_start3A_493] : memref<4x2x32xi32, #tpu.memory_space<vmem>> -> memref<1x2x32xi32, #tpu.memory_space<vmem>>
      %dma_start3A_495 = tpu.memref_squeeze %dma_start3A_494 : memref<1x2x32xi32, #tpu.memory_space<vmem>> -> memref<2x32xi32, #tpu.memory_space<vmem>>
      %dma_start3A_496 = arith.constant 0 : i32
      %dma_start3A_497 = arith.constant 0 : i32
      %dma_start3A_498 = tpu.memref_slice %arg3[%arg0, %arg1, %add3A_482, %dma_start3A_496, %dma_start3A_497] : memref<2x16x632x2x32xi32, #tpu.memory_space<hbm>> -> memref<1x1x1x2x32xi32, #tpu.memory_space<hbm>>
      %dma_start3A_499 = tpu.memref_squeeze %dma_start3A_498 : memref<1x1x1x2x32xi32, #tpu.memory_space<hbm>> -> memref<2x32xi32, #tpu.memory_space<hbm>>
      tpu.enqueue_dma source(%dma_start3A_499 : memref<2x32xi32, #tpu.memory_space<hbm>>) target(%dma_start3A_495 : memref<2x32xi32, #tpu.memory_space<vmem>>) target_semaphore(%arg10 : memref<!tpu.dma_semaphore, #tpu.memory_space<semaphore_mem>>)
      %add3A_500 = arith.constant 3 : i32
      %add3A_501 = arith.addi %mul3A_358, %add3A_500 : i32
      %dma_wait3A_502 = arith.constant 3 : i32
      %dma_wait3A_503 = arith.constant 0 : i32
      %dma_wait3A_504 = arith.constant 0 : i32
      %dma_wait3A_505 = tpu.memref_slice %arg5[%dma_wait3A_502, %dma_wait3A_503, %dma_wait3A_504] : memref<4x2x32xi32, #tpu.memory_space<vmem>> -> memref<1x2x32xi32, #tpu.memory_space<vmem>>
      %dma_wait3A_506 = tpu.memref_squeeze %dma_wait3A_505 : memref<1x2x32xi32, #tpu.memory_space<vmem>> -> memref<2x32xi32, #tpu.memory_space<vmem>>
      %dma_wait3A_507 = arith.constant 0 : i32
      %dma_wait3A_508 = arith.constant 0 : i32
      %dma_wait3A_509 = tpu.memref_slice %arg3[%arg0, %arg1, %add3A_501, %dma_wait3A_507, %dma_wait3A_508] : memref<2x16x632x2x32xi32, #tpu.memory_space<hbm>> -> memref<1x1x1x2x32xi32, #tpu.memory_space<hbm>>
      %dma_wait3A_510 = tpu.memref_squeeze %dma_wait3A_509 : memref<1x1x1x2x32xi32, #tpu.memory_space<hbm>> -> memref<2x32xi32, #tpu.memory_space<hbm>>
      %dma_wait3A_511 = arith.constant 0 : i32
      %dma_wait3A_512 = arith.constant 0 : i32
      %dma_wait3A_513 = tpu.memref_slice %arg5[%dma_wait3A_502, %dma_wait3A_511, %dma_wait3A_512] : memref<4x2x32xi32, #tpu.memory_space<vmem>> -> memref<1x2x32xi32, #tpu.memory_space<vmem>>
      %dma_wait3A_514 = tpu.memref_squeeze %dma_wait3A_513 : memref<1x2x32xi32, #tpu.memory_space<vmem>> -> memref<2x32xi32, #tpu.memory_space<vmem>>
      %dma_wait3A_515 = arith.constant 0 : i32
      %dma_wait3A_516 = arith.constant 0 : i32
      %dma_wait3A_517 = tpu.memref_slice %arg3[%arg0, %arg1, %add3A_501, %dma_wait3A_515, %dma_wait3A_516] : memref<2x16x632x2x32xi32, #tpu.memory_space<hbm>> -> memref<1x1x1x2x32xi32, #tpu.memory_space<hbm>>
      %dma_wait3A_518 = tpu.memref_squeeze %dma_wait3A_517 : memref<1x1x1x2x32xi32, #tpu.memory_space<hbm>> -> memref<2x32xi32, #tpu.memory_space<hbm>>
      tpu.wait_dma2 semaphore(%arg12 : memref<!tpu.dma_semaphore, #tpu.memory_space<semaphore_mem>>) src(%dma_wait3A_518 : memref<2x32xi32, #tpu.memory_space<hbm>>) dst(%dma_wait3A_514 : memref<2x32xi32, #tpu.memory_space<vmem>>)
      %dma_start3A_519 = arith.constant 3 : i32
      %dma_start3A_520 = arith.constant 0 : i32
      %dma_start3A_521 = arith.constant 0 : i32
      %dma_start3A_522 = tpu.memref_slice %arg5[%dma_start3A_519, %dma_start3A_520, %dma_start3A_521] : memref<4x2x32xi32, #tpu.memory_space<vmem>> -> memref<1x1x32xi32, #tpu.memory_space<vmem>>
      %dma_start3A_523 = tpu.memref_squeeze %dma_start3A_522 : memref<1x1x32xi32, #tpu.memory_space<vmem>> -> memref<32xi32, #tpu.memory_space<vmem>>
      %dma_start3A_524 = arith.constant 0 : i32
      %dma_start3A_525 = arith.constant 0 : i32
      %dma_start3A_526 = tpu.memref_slice %arg16[%dma_start3A_524, %dma_start3A_525] : memref<10000x128xf32, #tpu.memory_space<vmem_shared>> -> memref<10000x128xf32, #tpu.memory_space<vmem_shared>>
      tpu.enqueue_indirect_dma source(%dma_start3A_526 : memref<10000x128xf32, #tpu.memory_space<vmem_shared>>) target(%arg7 : memref<32x128xf32, #tpu.memory_space<vmem>>) offsets(%dma_start3A_523 : memref<32xi32, #tpu.memory_space<vmem>>) semaphore(%arg14 : memref<!tpu.dma_semaphore, #tpu.memory_space<semaphore_mem>>)
      %dma_wait3A_527 = arith.constant 2 : i32
      %dma_wait3A_528 = arith.constant 0 : i32
      %dma_wait3A_529 = arith.constant 0 : i32
      %dma_wait3A_530 = tpu.memref_slice %arg5[%dma_wait3A_527, %dma_wait3A_528, %dma_wait3A_529] : memref<4x2x32xi32, #tpu.memory_space<vmem>> -> memref<1x1x32xi32, #tpu.memory_space<vmem>>
      %dma_wait3A_531 = tpu.memref_squeeze %dma_wait3A_530 : memref<1x1x32xi32, #tpu.memory_space<vmem>> -> memref<32xi32, #tpu.memory_space<vmem>>
      %dma_wait3A_532 = arith.constant 0 : i32
      %dma_wait3A_533 = arith.constant 0 : i32
      %dma_wait3A_534 = tpu.memref_slice %arg16[%dma_wait3A_532, %dma_wait3A_533] : memref<10000x128xf32, #tpu.memory_space<vmem_shared>> -> memref<10000x128xf32, #tpu.memory_space<vmem_shared>>
      tpu.wait_indirect_dma semaphore(%arg13 : memref<!tpu.dma_semaphore, #tpu.memory_space<semaphore_mem>>) src(%dma_wait3A_534 : memref<10000x128xf32, #tpu.memory_space<vmem_shared>>) dst(%arg6 : memref<32x128xf32, #tpu.memory_space<vmem>>)
      %run_scoped3A_535 = arith.constant 2 : i32
      %run_scoped3A_536 = arith.constant 1 : i32
      "tpu.region"() ({
        %run_scoped3A_587 = tpu.sem_alloc : memref<!tpu.dma_semaphore, #tpu.memory_space<semaphore_mem>>
        %dma_start3A_588 = arith.constant 0 : i32
        %dma_start3A_589 = tpu.memref_slice %arg5[%run_scoped3A_535, %run_scoped3A_536, %dma_start3A_588] : memref<4x2x32xi32, #tpu.memory_space<vmem>> -> memref<1x1x32xi32, #tpu.memory_space<vmem>>
        %dma_start3A_590 = tpu.memref_squeeze %dma_start3A_589 : memref<1x1x32xi32, #tpu.memory_space<vmem>> -> memref<32xi32, #tpu.memory_space<vmem>>
        %dma_start3A_591 = arith.constant 0 : i32
        %dma_start3A_592 = arith.constant 0 : i32
        %dma_start3A_593 = tpu.memref_slice %arg17[%dma_start3A_591, %dma_start3A_592] : memref<5120x128xf32, #tpu.memory_space<vmem_shared>> -> memref<5120x128xf32, #tpu.memory_space<vmem_shared>>
        tpu.enqueue_indirect_dma source(%arg6 : memref<32x128xf32, #tpu.memory_space<vmem>>) target(%dma_start3A_593 : memref<5120x128xf32, #tpu.memory_space<vmem_shared>>) offsets(%dma_start3A_590 : memref<32xi32, #tpu.memory_space<vmem>>) semaphore(%run_scoped3A_587 : memref<!tpu.dma_semaphore, #tpu.memory_space<semaphore_mem>>) {add = true}
        %dma_wait3A_594 = arith.constant 0 : i32
        %dma_wait3A_595 = tpu.memref_slice %arg5[%run_scoped3A_535, %run_scoped3A_536, %dma_wait3A_594] : memref<4x2x32xi32, #tpu.memory_space<vmem>> -> memref<1x1x32xi32, #tpu.memory_space<vmem>>
        %dma_wait3A_596 = tpu.memref_squeeze %dma_wait3A_595 : memref<1x1x32xi32, #tpu.memory_space<vmem>> -> memref<32xi32, #tpu.memory_space<vmem>>
        %dma_wait3A_597 = arith.constant 0 : i32
        %dma_wait3A_598 = arith.constant 0 : i32
        %dma_wait3A_599 = tpu.memref_slice %arg17[%dma_wait3A_597, %dma_wait3A_598] : memref<5120x128xf32, #tpu.memory_space<vmem_shared>> -> memref<5120x128xf32, #tpu.memory_space<vmem_shared>>
        tpu.wait_indirect_dma semaphore(%run_scoped3A_587 : memref<!tpu.dma_semaphore, #tpu.memory_space<semaphore_mem>>) src(%arg6 : memref<32x128xf32, #tpu.memory_space<vmem>>) dst(%dma_wait3A_599 : memref<5120x128xf32, #tpu.memory_space<vmem_shared>>)
        tpu.yield
      }) : () -> ()
      %add3A_537 = arith.constant 4 : i32
      %add3A_538 = arith.addi %mul3A_358, %add3A_537 : i32
      %add3A_539 = arith.constant 2 : i32
      %add3A_540 = arith.addi %add3A_538, %add3A_539 : i32
      %dma_start3A_541 = arith.constant 2 : i32
      %dma_start3A_542 = arith.constant 0 : i32
      %dma_start3A_543 = arith.constant 0 : i32
      %dma_start3A_544 = tpu.memref_slice %arg5[%dma_start3A_541, %dma_start3A_542, %dma_start3A_543] : memref<4x2x32xi32, #tpu.memory_space<vmem>> -> memref<1x2x32xi32, #tpu.memory_space<vmem>>
      %dma_start3A_545 = tpu.memref_squeeze %dma_start3A_544 : memref<1x2x32xi32, #tpu.memory_space<vmem>> -> memref<2x32xi32, #tpu.memory_space<vmem>>
      %dma_start3A_546 = arith.constant 0 : i32
      %dma_start3A_547 = arith.constant 0 : i32
      %dma_start3A_548 = tpu.memref_slice %arg3[%arg0, %arg1, %add3A_540, %dma_start3A_546, %dma_start3A_547] : memref<2x16x632x2x32xi32, #tpu.memory_space<hbm>> -> memref<1x1x1x2x32xi32, #tpu.memory_space<hbm>>
      %dma_start3A_549 = tpu.memref_squeeze %dma_start3A_548 : memref<1x1x1x2x32xi32, #tpu.memory_space<hbm>> -> memref<2x32xi32, #tpu.memory_space<hbm>>
      %dma_start3A_550 = arith.constant 0 : i32
      %dma_start3A_551 = arith.constant 0 : i32
      %dma_start3A_552 = tpu.memref_slice %arg5[%dma_start3A_541, %dma_start3A_550, %dma_start3A_551] : memref<4x2x32xi32, #tpu.memory_space<vmem>> -> memref<1x2x32xi32, #tpu.memory_space<vmem>>
      %dma_start3A_553 = tpu.memref_squeeze %dma_start3A_552 : memref<1x2x32xi32, #tpu.memory_space<vmem>> -> memref<2x32xi32, #tpu.memory_space<vmem>>
      %dma_start3A_554 = arith.constant 0 : i32
      %dma_start3A_555 = arith.constant 0 : i32
      %dma_start3A_556 = tpu.memref_slice %arg3[%arg0, %arg1, %add3A_540, %dma_start3A_554, %dma_start3A_555] : memref<2x16x632x2x32xi32, #tpu.memory_space<hbm>> -> memref<1x1x1x2x32xi32, #tpu.memory_space<hbm>>
      %dma_start3A_557 = tpu.memref_squeeze %dma_start3A_556 : memref<1x1x1x2x32xi32, #tpu.memory_space<hbm>> -> memref<2x32xi32, #tpu.memory_space<hbm>>
      tpu.enqueue_dma source(%dma_start3A_557 : memref<2x32xi32, #tpu.memory_space<hbm>>) target(%dma_start3A_553 : memref<2x32xi32, #tpu.memory_space<vmem>>) target_semaphore(%arg11 : memref<!tpu.dma_semaphore, #tpu.memory_space<semaphore_mem>>)
      %dma_wait3A_558 = arith.constant 3 : i32
      %dma_wait3A_559 = arith.constant 0 : i32
      %dma_wait3A_560 = arith.constant 0 : i32
      %dma_wait3A_561 = tpu.memref_slice %arg5[%dma_wait3A_558, %dma_wait3A_559, %dma_wait3A_560] : memref<4x2x32xi32, #tpu.memory_space<vmem>> -> memref<1x1x32xi32, #tpu.memory_space<vmem>>
      %dma_wait3A_562 = tpu.memref_squeeze %dma_wait3A_561 : memref<1x1x32xi32, #tpu.memory_space<vmem>> -> memref<32xi32, #tpu.memory_space<vmem>>
      %dma_wait3A_563 = arith.constant 0 : i32
      %dma_wait3A_564 = arith.constant 0 : i32
      %dma_wait3A_565 = tpu.memref_slice %arg16[%dma_wait3A_563, %dma_wait3A_564] : memref<10000x128xf32, #tpu.memory_space<vmem_shared>> -> memref<10000x128xf32, #tpu.memory_space<vmem_shared>>
      tpu.wait_indirect_dma semaphore(%arg14 : memref<!tpu.dma_semaphore, #tpu.memory_space<semaphore_mem>>) src(%dma_wait3A_565 : memref<10000x128xf32, #tpu.memory_space<vmem_shared>>) dst(%arg7 : memref<32x128xf32, #tpu.memory_space<vmem>>)
      %run_scoped3A_566 = arith.constant 3 : i32
      %run_scoped3A_567 = arith.constant 1 : i32
      "tpu.region"() ({
        %run_scoped3A_587 = tpu.sem_alloc : memref<!tpu.dma_semaphore, #tpu.memory_space<semaphore_mem>>
        %dma_start3A_588 = arith.constant 0 : i32
        %dma_start3A_589 = tpu.memref_slice %arg5[%run_scoped3A_566, %run_scoped3A_567, %dma_start3A_588] : memref<4x2x32xi32, #tpu.memory_space<vmem>> -> memref<1x1x32xi32, #tpu.memory_space<vmem>>
        %dma_start3A_590 = tpu.memref_squeeze %dma_start3A_589 : memref<1x1x32xi32, #tpu.memory_space<vmem>> -> memref<32xi32, #tpu.memory_space<vmem>>
        %dma_start3A_591 = arith.constant 0 : i32
        %dma_start3A_592 = arith.constant 0 : i32
        %dma_start3A_593 = tpu.memref_slice %arg17[%dma_start3A_591, %dma_start3A_592] : memref<5120x128xf32, #tpu.memory_space<vmem_shared>> -> memref<5120x128xf32, #tpu.memory_space<vmem_shared>>
        tpu.enqueue_indirect_dma source(%arg7 : memref<32x128xf32, #tpu.memory_space<vmem>>) target(%dma_start3A_593 : memref<5120x128xf32, #tpu.memory_space<vmem_shared>>) offsets(%dma_start3A_590 : memref<32xi32, #tpu.memory_space<vmem>>) semaphore(%run_scoped3A_587 : memref<!tpu.dma_semaphore, #tpu.memory_space<semaphore_mem>>) {add = true}
        %dma_wait3A_594 = arith.constant 0 : i32
        %dma_wait3A_595 = tpu.memref_slice %arg5[%run_scoped3A_566, %run_scoped3A_567, %dma_wait3A_594] : memref<4x2x32xi32, #tpu.memory_space<vmem>> -> memref<1x1x32xi32, #tpu.memory_space<vmem>>
        %dma_wait3A_596 = tpu.memref_squeeze %dma_wait3A_595 : memref<1x1x32xi32, #tpu.memory_space<vmem>> -> memref<32xi32, #tpu.memory_space<vmem>>
        %dma_wait3A_597 = arith.constant 0 : i32
        %dma_wait3A_598 = arith.constant 0 : i32
        %dma_wait3A_599 = tpu.memref_slice %arg17[%dma_wait3A_597, %dma_wait3A_598] : memref<5120x128xf32, #tpu.memory_space<vmem_shared>> -> memref<5120x128xf32, #tpu.memory_space<vmem_shared>>
        tpu.wait_indirect_dma semaphore(%run_scoped3A_587 : memref<!tpu.dma_semaphore, #tpu.memory_space<semaphore_mem>>) src(%arg7 : memref<32x128xf32, #tpu.memory_space<vmem>>) dst(%dma_wait3A_599 : memref<5120x128xf32, #tpu.memory_space<vmem_shared>>)
        tpu.yield
      }) : () -> ()
      %add3A_568 = arith.constant 7 : i32
      %add3A_569 = arith.addi %mul3A_358, %add3A_568 : i32
      %dma_start3A_570 = arith.constant 3 : i32
      %dma_start3A_571 = arith.constant 0 : i32
      %dma_start3A_572 = arith.constant 0 : i32
      %dma_start3A_573 = tpu.memref_slice %arg5[%dma_start3A_570, %dma_start3A_571, %dma_start3A_572] : memref<4x2x32xi32, #tpu.memory_space<vmem>> -> memref<1x2x32xi32, #tpu.memory_space<vmem>>
      %dma_start3A_574 = tpu.memref_squeeze %dma_start3A_573 : memref<1x2x32xi32, #tpu.memory_space<vmem>> -> memref<2x32xi32, #tpu.memory_space<vmem>>
      %dma_start3A_575 = arith.constant 0 : i32
      %dma_start3A_576 = arith.constant 0 : i32
      %dma_start3A_577 = tpu.memref_slice %arg3[%arg0, %arg1, %add3A_569, %dma_start3A_575, %dma_start3A_576] : memref<2x16x632x2x32xi32, #tpu.memory_space<hbm>> -> memref<1x1x1x2x32xi32, #tpu.memory_space<hbm>>
      %dma_start3A_578 = tpu.memref_squeeze %dma_start3A_577 : memref<1x1x1x2x32xi32, #tpu.memory_space<hbm>> -> memref<2x32xi32, #tpu.memory_space<hbm>>
      %dma_start3A_579 = arith.constant 0 : i32
      %dma_start3A_580 = arith.constant 0 : i32
      %dma_start3A_581 = tpu.memref_slice %arg5[%dma_start3A_570, %dma_start3A_579, %dma_start3A_580] : memref<4x2x32xi32, #tpu.memory_space<vmem>> -> memref<1x2x32xi32, #tpu.memory_space<vmem>>
      %dma_start3A_582 = tpu.memref_squeeze %dma_start3A_581 : memref<1x2x32xi32, #tpu.memory_space<vmem>> -> memref<2x32xi32, #tpu.memory_space<vmem>>
      %dma_start3A_583 = arith.constant 0 : i32
      %dma_start3A_584 = arith.constant 0 : i32
      %dma_start3A_585 = tpu.memref_slice %arg3[%arg0, %arg1, %add3A_569, %dma_start3A_583, %dma_start3A_584] : memref<2x16x632x2x32xi32, #tpu.memory_space<hbm>> -> memref<1x1x1x2x32xi32, #tpu.memory_space<hbm>>
      %dma_start3A_586 = tpu.memref_squeeze %dma_start3A_585 : memref<1x1x1x2x32xi32, #tpu.memory_space<hbm>> -> memref<2x32xi32, #tpu.memory_space<hbm>>
      tpu.enqueue_dma source(%dma_start3A_586 : memref<2x32xi32, #tpu.memory_space<hbm>>) target(%dma_start3A_582 : memref<2x32xi32, #tpu.memory_space<vmem>>) target_semaphore(%arg12 : memref<!tpu.dma_semaphore, #tpu.memory_space<semaphore_mem>>)
    }
    %scan3A_280 = arith.constant 157 : i32
    %dma_wait3A = arith.constant 628 : i32
    %dma_wait3A_281 = arith.constant 0 : i32
    %dma_wait3A_282 = arith.constant 0 : i32
    %dma_wait3A_283 = arith.constant 0 : i32
    %dma_wait3A_284 = tpu.memref_slice %arg5[%dma_wait3A_281, %dma_wait3A_282, %dma_wait3A_283] : memref<4x2x32xi32, #tpu.memory_space<vmem>> -> memref<1x2x32xi32, #tpu.memory_space<vmem>>
    %dma_wait3A_285 = tpu.memref_squeeze %dma_wait3A_284 : memref<1x2x32xi32, #tpu.memory_space<vmem>> -> memref<2x32xi32, #tpu.memory_space<vmem>>
    %dma_wait3A_286 = arith.constant 0 : i32
    %dma_wait3A_287 = arith.constant 0 : i32
    %dma_wait3A_288 = tpu.memref_slice %arg3[%arg0, %arg1, %dma_wait3A, %dma_wait3A_286, %dma_wait3A_287] : memref<2x16x632x2x32xi32, #tpu.memory_space<hbm>> -> memref<1x1x1x2x32xi32, #tpu.memory_space<hbm>>
    %dma_wait3A_289 = tpu.memref_squeeze %dma_wait3A_288 : memref<1x1x1x2x32xi32, #tpu.memory_space<hbm>> -> memref<2x32xi32, #tpu.memory_space<hbm>>
    %dma_wait3A_290 = arith.constant 0 : i32
    %dma_wait3A_291 = arith.constant 0 : i32
    %dma_wait3A_292 = tpu.memref_slice %arg5[%dma_wait3A_281, %dma_wait3A_290, %dma_wait3A_291] : memref<4x2x32xi32, #tpu.memory_space<vmem>> -> memref<1x2x32xi32, #tpu.memory_space<vmem>>
    %dma_wait3A_293 = tpu.memref_squeeze %dma_wait3A_292 : memref<1x2x32xi32, #tpu.memory_space<vmem>> -> memref<2x32xi32, #tpu.memory_space<vmem>>
    %dma_wait3A_294 = arith.constant 0 : i32
    %dma_wait3A_295 = arith.constant 0 : i32
    %dma_wait3A_296 = tpu.memref_slice %arg3[%arg0, %arg1, %dma_wait3A, %dma_wait3A_294, %dma_wait3A_295] : memref<2x16x632x2x32xi32, #tpu.memory_space<hbm>> -> memref<1x1x1x2x32xi32, #tpu.memory_space<hbm>>
    %dma_wait3A_297 = tpu.memref_squeeze %dma_wait3A_296 : memref<1x1x1x2x32xi32, #tpu.memory_space<hbm>> -> memref<2x32xi32, #tpu.memory_space<hbm>>
    tpu.wait_dma2 semaphore(%arg9 : memref<!tpu.dma_semaphore, #tpu.memory_space<semaphore_mem>>) src(%dma_wait3A_297 : memref<2x32xi32, #tpu.memory_space<hbm>>) dst(%dma_wait3A_293 : memref<2x32xi32, #tpu.memory_space<vmem>>)
    %dma_wait3A_298 = arith.constant 629 : i32
    %dma_wait3A_299 = arith.constant 1 : i32
    %dma_wait3A_300 = arith.constant 0 : i32
    %dma_wait3A_301 = arith.constant 0 : i32
    %dma_wait3A_302 = tpu.memref_slice %arg5[%dma_wait3A_299, %dma_wait3A_300, %dma_wait3A_301] : memref<4x2x32xi32, #tpu.memory_space<vmem>> -> memref<1x2x32xi32, #tpu.memory_space<vmem>>
    %dma_wait3A_303 = tpu.memref_squeeze %dma_wait3A_302 : memref<1x2x32xi32, #tpu.memory_space<vmem>> -> memref<2x32xi32, #tpu.memory_space<vmem>>
    %dma_wait3A_304 = arith.constant 0 : i32
    %dma_wait3A_305 = arith.constant 0 : i32
    %dma_wait3A_306 = tpu.memref_slice %arg3[%arg0, %arg1, %dma_wait3A_298, %dma_wait3A_304, %dma_wait3A_305] : memref<2x16x632x2x32xi32, #tpu.memory_space<hbm>> -> memref<1x1x1x2x32xi32, #tpu.memory_space<hbm>>
    %dma_wait3A_307 = tpu.memref_squeeze %dma_wait3A_306 : memref<1x1x1x2x32xi32, #tpu.memory_space<hbm>> -> memref<2x32xi32, #tpu.memory_space<hbm>>
    %dma_wait3A_308 = arith.constant 0 : i32
    %dma_wait3A_309 = arith.constant 0 : i32
    %dma_wait3A_310 = tpu.memref_slice %arg5[%dma_wait3A_299, %dma_wait3A_308, %dma_wait3A_309] : memref<4x2x32xi32, #tpu.memory_space<vmem>> -> memref<1x2x32xi32, #tpu.memory_space<vmem>>
    %dma_wait3A_311 = tpu.memref_squeeze %dma_wait3A_310 : memref<1x2x32xi32, #tpu.memory_space<vmem>> -> memref<2x32xi32, #tpu.memory_space<vmem>>
    %dma_wait3A_312 = arith.constant 0 : i32
    %dma_wait3A_313 = arith.constant 0 : i32
    %dma_wait3A_314 = tpu.memref_slice %arg3[%arg0, %arg1, %dma_wait3A_298, %dma_wait3A_312, %dma_wait3A_313] : memref<2x16x632x2x32xi32, #tpu.memory_space<hbm>> -> memref<1x1x1x2x32xi32, #tpu.memory_space<hbm>>
    %dma_wait3A_315 = tpu.memref_squeeze %dma_wait3A_314 : memref<1x1x1x2x32xi32, #tpu.memory_space<hbm>> -> memref<2x32xi32, #tpu.memory_space<hbm>>
    tpu.wait_dma2 semaphore(%arg10 : memref<!tpu.dma_semaphore, #tpu.memory_space<semaphore_mem>>) src(%dma_wait3A_315 : memref<2x32xi32, #tpu.memory_space<hbm>>) dst(%dma_wait3A_311 : memref<2x32xi32, #tpu.memory_space<vmem>>)
    %dma_wait3A_316 = arith.constant 630 : i32
    %dma_wait3A_317 = arith.constant 2 : i32
    %dma_wait3A_318 = arith.constant 0 : i32
    %dma_wait3A_319 = arith.constant 0 : i32
    %dma_wait3A_320 = tpu.memref_slice %arg5[%dma_wait3A_317, %dma_wait3A_318, %dma_wait3A_319] : memref<4x2x32xi32, #tpu.memory_space<vmem>> -> memref<1x2x32xi32, #tpu.memory_space<vmem>>
    %dma_wait3A_321 = tpu.memref_squeeze %dma_wait3A_320 : memref<1x2x32xi32, #tpu.memory_space<vmem>> -> memref<2x32xi32, #tpu.memory_space<vmem>>
    %dma_wait3A_322 = arith.constant 0 : i32
    %dma_wait3A_323 = arith.constant 0 : i32
    %dma_wait3A_324 = tpu.memref_slice %arg3[%arg0, %arg1, %dma_wait3A_316, %dma_wait3A_322, %dma_wait3A_323] : memref<2x16x632x2x32xi32, #tpu.memory_space<hbm>> -> memref<1x1x1x2x32xi32, #tpu.memory_space<hbm>>
    %dma_wait3A_325 = tpu.memref_squeeze %dma_wait3A_324 : memref<1x1x1x2x32xi32, #tpu.memory_space<hbm>> -> memref<2x32xi32, #tpu.memory_space<hbm>>
    %dma_wait3A_326 = arith.constant 0 : i32
    %dma_wait3A_327 = arith.constant 0 : i32
    %dma_wait3A_328 = tpu.memref_slice %arg5[%dma_wait3A_317, %dma_wait3A_326, %dma_wait3A_327] : memref<4x2x32xi32, #tpu.memory_space<vmem>> -> memref<1x2x32xi32, #tpu.memory_space<vmem>>
    %dma_wait3A_329 = tpu.memref_squeeze %dma_wait3A_328 : memref<1x2x32xi32, #tpu.memory_space<vmem>> -> memref<2x32xi32, #tpu.memory_space<vmem>>
    %dma_wait3A_330 = arith.constant 0 : i32
    %dma_wait3A_331 = arith.constant 0 : i32
    %dma_wait3A_332 = tpu.memref_slice %arg3[%arg0, %arg1, %dma_wait3A_316, %dma_wait3A_330, %dma_wait3A_331] : memref<2x16x632x2x32xi32, #tpu.memory_space<hbm>> -> memref<1x1x1x2x32xi32, #tpu.memory_space<hbm>>
    %dma_wait3A_333 = tpu.memref_squeeze %dma_wait3A_332 : memref<1x1x1x2x32xi32, #tpu.memory_space<hbm>> -> memref<2x32xi32, #tpu.memory_space<hbm>>
    tpu.wait_dma2 semaphore(%arg11 : memref<!tpu.dma_semaphore, #tpu.memory_space<semaphore_mem>>) src(%dma_wait3A_333 : memref<2x32xi32, #tpu.memory_space<hbm>>) dst(%dma_wait3A_329 : memref<2x32xi32, #tpu.memory_space<vmem>>)
    %dma_wait3A_334 = arith.constant 631 : i32
    %dma_wait3A_335 = arith.constant 3 : i32
    %dma_wait3A_336 = arith.constant 0 : i32
    %dma_wait3A_337 = arith.constant 0 : i32
    %dma_wait3A_338 = tpu.memref_slice %arg5[%dma_wait3A_335, %dma_wait3A_336, %dma_wait3A_337] : memref<4x2x32xi32, #tpu.memory_space<vmem>> -> memref<1x2x32xi32, #tpu.memory_space<vmem>>
    %dma_wait3A_339 = tpu.memref_squeeze %dma_wait3A_338 : memref<1x2x32xi32, #tpu.memory_space<vmem>> -> memref<2x32xi32, #tpu.memory_space<vmem>>
    %dma_wait3A_340 = arith.constant 0 : i32
    %dma_wait3A_341 = arith.constant 0 : i32
    %dma_wait3A_342 = tpu.memref_slice %arg3[%arg0, %arg1, %dma_wait3A_334, %dma_wait3A_340, %dma_wait3A_341] : memref<2x16x632x2x32xi32, #tpu.memory_space<hbm>> -> memref<1x1x1x2x32xi32, #tpu.memory_space<hbm>>
    %dma_wait3A_343 = tpu.memref_squeeze %dma_wait3A_342 : memref<1x1x1x2x32xi32, #tpu.memory_space<hbm>> -> memref<2x32xi32, #tpu.memory_space<hbm>>
    %dma_wait3A_344 = arith.constant 0 : i32
    %dma_wait3A_345 = arith.constant 0 : i32
    %dma_wait3A_346 = tpu.memref_slice %arg5[%dma_wait3A_335, %dma_wait3A_344, %dma_wait3A_345] : memref<4x2x32xi32, #tpu.memory_space<vmem>> -> memref<1x2x32xi32, #tpu.memory_space<vmem>>
    %dma_wait3A_347 = tpu.memref_squeeze %dma_wait3A_346 : memref<1x2x32xi32, #tpu.memory_space<vmem>> -> memref<2x32xi32, #tpu.memory_space<vmem>>
    %dma_wait3A_348 = arith.constant 0 : i32
    %dma_wait3A_349 = arith.constant 0 : i32
    %dma_wait3A_350 = tpu.memref_slice %arg3[%arg0, %arg1, %dma_wait3A_334, %dma_wait3A_348, %dma_wait3A_349] : memref<2x16x632x2x32xi32, #tpu.memory_space<hbm>> -> memref<1x1x1x2x32xi32, #tpu.memory_space<hbm>>
    %dma_wait3A_351 = tpu.memref_squeeze %dma_wait3A_350 : memref<1x1x1x2x32xi32, #tpu.memory_space<hbm>> -> memref<2x32xi32, #tpu.memory_space<hbm>>
    tpu.wait_dma2 semaphore(%arg12 : memref<!tpu.dma_semaphore, #tpu.memory_space<semaphore_mem>>) src(%dma_wait3A_351 : memref<2x32xi32, #tpu.memory_space<hbm>>) dst(%dma_wait3A_347 : memref<2x32xi32, #tpu.memory_space<vmem>>)
    %barrier3A_352 = arith.constant 0 : index
    tpu.barrier barrier_id(%barrier3A_352)
    %mul3A = arith.constant 320 : i32
    %mul3A_353 = arith.muli %arg1, %mul3A : i32
    %mul3A_354 = arith.constant 320 : i32
    %mul3A_355 = arith.muli %arg1, %mul3A_354 : i32
    "tpu.region"() ({
      %run_scoped3A = tpu.sem_alloc : memref<!tpu.dma_semaphore, #tpu.memory_space<semaphore_mem>>
      %dma_start3A_356 = arith.constant 0 : i32
      %dma_start3A_357 = tpu.memref_slice %arg4[%arg0, %mul3A_355, %dma_start3A_356] : memref<2x5120x128xf32, #tpu.memory_space<hbm>> -> memref<1x320x128xf32, #tpu.memory_space<hbm>>
      %dma_start3A_358 = tpu.memref_squeeze %dma_start3A_357 : memref<1x320x128xf32, #tpu.memory_space<hbm>> -> memref<320x128xf32, #tpu.memory_space<hbm>>
      %dma_start3A_359 = arith.constant 0 : i32
      %dma_start3A_360 = tpu.memref_slice %arg17[%mul3A_353, %dma_start3A_359] : memref<5120x128xf32, #tpu.memory_space<vmem_shared>> -> memref<320x128xf32, #tpu.memory_space<vmem_shared>>
      tpu.enqueue_dma source(%dma_start3A_360 : memref<320x128xf32, #tpu.memory_space<vmem_shared>>) target(%dma_start3A_358 : memref<320x128xf32, #tpu.memory_space<hbm>>) target_semaphore(%run_scoped3A : memref<!tpu.dma_semaphore, #tpu.memory_space<semaphore_mem>>)
      %dma_wait3A_361 = arith.constant 0 : i32
      %dma_wait3A_362 = tpu.memref_slice %arg4[%arg0, %mul3A_355, %dma_wait3A_361] : memref<2x5120x128xf32, #tpu.memory_space<hbm>> -> memref<1x320x128xf32, #tpu.memory_space<hbm>>
      %dma_wait3A_363 = tpu.memref_squeeze %dma_wait3A_362 : memref<1x320x128xf32, #tpu.memory_space<hbm>> -> memref<320x128xf32, #tpu.memory_space<hbm>>
      %dma_wait3A_364 = arith.constant 0 : i32
      %dma_wait3A_365 = tpu.memref_slice %arg17[%mul3A_353, %dma_wait3A_364] : memref<5120x128xf32, #tpu.memory_space<vmem_shared>> -> memref<320x128xf32, #tpu.memory_space<vmem_shared>>
      tpu.wait_dma2 semaphore(%run_scoped3A : memref<!tpu.dma_semaphore, #tpu.memory_space<semaphore_mem>>) src(%dma_wait3A_365 : memref<320x128xf32, #tpu.memory_space<vmem_shared>>) dst(%dma_wait3A_363 : memref<320x128xf32, #tpu.memory_space<hbm>>)
      tpu.yield
    }) : () -> ()
    return
  }
}

#map = affine_map<(d0, d1) -> (0, 0)>
#map1 = affine_map<(d0, d1) -> (0, 0, 0, 0, 0)>
#map2 = affine_map<(d0, d1) -> (0, 0, 0)>
module attributes {stable_mosaic.version = 14 : i64} {
  func.func @agg(%arg0: i32, %arg1: i32, %arg2: memref<10000x128xf32, #tpu.memory_space<hbm>>, %arg3: memref<2x16x632x2x32xi32, #tpu.memory_space<hbm>>, %arg4: memref<2x5120x128xf32, #tpu.memory_space<hbm>>, %arg5: memref<4x2x32xi32, #tpu.memory_space<vmem>>, %arg6: memref<32x128xf32, #tpu.memory_space<vmem>>, %arg7: memref<32x128xf32, #tpu.memory_space<vmem>>, %arg8: memref<4x128xf32, #tpu.memory_space<vmem>>, %arg9: memref<!tpu.dma_semaphore, #tpu.memory_space<semaphore_mem>>, %arg10: memref<!tpu.dma_semaphore, #tpu.memory_space<semaphore_mem>>, %arg11: memref<!tpu.dma_semaphore, #tpu.memory_space<semaphore_mem>>, %arg12: memref<!tpu.dma_semaphore, #tpu.memory_space<semaphore_mem>>, %arg13: memref<!tpu.dma_semaphore, #tpu.memory_space<semaphore_mem>>, %arg14: memref<!tpu.dma_semaphore, #tpu.memory_space<semaphore_mem>>, %arg15: memref<!tpu.dma_semaphore, #tpu.memory_space<semaphore_mem>>, %arg16: memref<10000x128xf32, #tpu.memory_space<vmem_shared>>, %arg17: memref<5120x128xf32, #tpu.memory_space<vmem_shared>>) attributes {dimension_semantics = [#tpu.dimension_semantics<core_parallel>, #tpu.dimension_semantics<subcore_parallel>], iteration_bounds = array<i64: 2, 16>, scalar_prefetch = 0 : i64, scratch_operands = 13 : i64, tpu.core_type = #tpu.core_type<sc_vector_subcore>, window_params = [{transform_indices = #map}, {transform_indices = #map1}, {transform_indices = #map2}]} {
    %lt3A = arith.constant 10 : i32
    %lt3A_0 = arith.cmpi slt, %arg1, %lt3A : i32
    %convert_element_type3A = arith.extui %lt3A_0 : i1 to i32
    %cond3A = arith.constant 0 : i32
    %cond3A_1 = arith.cmpi ne, %convert_element_type3A, %cond3A : i32
    scf.if %cond3A_1 {
      %mul3A_356 = arith.constant 1000 : i32
      %mul3A_357 = arith.muli %arg1, %mul3A_356 : i32
      %multiple_of3A = tpu.assume_multiple %mul3A_357, 8 : i32
      %dma_start3A_358 = arith.constant 0 : i32
      %dma_start3A_359 = tpu.memref_slice %arg16[%multiple_of3A, %dma_start3A_358] : memref<10000x128xf32, #tpu.memory_space<vmem_shared>> -> memref<1000x128xf32, #tpu.memory_space<vmem_shared>>
      %dma_start3A_360 = arith.constant 0 : i32
      %dma_start3A_361 = tpu.memref_slice %arg2[%multiple_of3A, %dma_start3A_360] : memref<10000x128xf32, #tpu.memory_space<hbm>> -> memref<1000x128xf32, #tpu.memory_space<hbm>>
      tpu.enqueue_dma source(%dma_start3A_361 : memref<1000x128xf32, #tpu.memory_space<hbm>>) target(%dma_start3A_359 : memref<1000x128xf32, #tpu.memory_space<vmem_shared>>) target_semaphore(%arg15 : memref<!tpu.dma_semaphore, #tpu.memory_space<semaphore_mem>>)
    } else {
    }
    %broadcast_in_dim3A = arith.constant 0.000000e+00 : f32
    %broadcast_in_dim3A_2 = vector.broadcast %broadcast_in_dim3A : f32 to vector<16xf32>
    %swap3A = arith.constant 0 : i32
    %swap3A_3 = arith.index_cast %swap3A : i32 to index
    %swap3A_4 = arith.constant 0 : index
    %swap3A_5 = tpu.vector_load %arg8[%swap3A_3, %swap3A_4] {strides = array<i32>} : memref<4x128xf32, #tpu.memory_space<vmem>>, vector<1x16xf32>,
    %swap3A_6 = vector.shape_cast %swap3A_5 : vector<1x16xf32> to vector<16xf32>
    %swap3A_7 = vector.shape_cast %broadcast_in_dim3A_2 : vector<16xf32> to vector<1x16xf32>
    tpu.vector_store %arg8[%swap3A_3, %swap3A_4], %swap3A_7 {strides = array<i32>} : memref<4x128xf32, #tpu.memory_space<vmem>>, vector<1x16xf32>,
    %swap3A_8 = arith.constant 0 : i32
    %swap3A_9 = arith.index_cast %swap3A_8 : i32 to index
    %swap3A_10 = arith.constant 16 : index
    %swap3A_11 = tpu.vector_load %arg8[%swap3A_9, %swap3A_10] {strides = array<i32>} : memref<4x128xf32, #tpu.memory_space<vmem>>, vector<1x16xf32>,
    %swap3A_12 = vector.shape_cast %swap3A_11 : vector<1x16xf32> to vector<16xf32>
    %swap3A_13 = vector.shape_cast %broadcast_in_dim3A_2 : vector<16xf32> to vector<1x16xf32>
    tpu.vector_store %arg8[%swap3A_9, %swap3A_10], %swap3A_13 {strides = array<i32>} : memref<4x128xf32, #tpu.memory_space<vmem>>, vector<1x16xf32>,
    %swap3A_14 = arith.constant 0 : i32
    %swap3A_15 = arith.index_cast %swap3A_14 : i32 to index
    %swap3A_16 = arith.constant 32 : index
    %swap3A_17 = tpu.vector_load %arg8[%swap3A_15, %swap3A_16] {strides = array<i32>} : memref<4x128xf32, #tpu.memory_space<vmem>>, vector<1x16xf32>,
    %swap3A_18 = vector.shape_cast %swap3A_17 : vector<1x16xf32> to vector<16xf32>
    %swap3A_19 = vector.shape_cast %broadcast_in_dim3A_2 : vector<16xf32> to vector<1x16xf32>
    tpu.vector_store %arg8[%swap3A_15, %swap3A_16], %swap3A_19 {strides = array<i32>} : memref<4x128xf32, #tpu.memory_space<vmem>>, vector<1x16xf32>,
    %swap3A_20 = arith.constant 0 : i32
    %swap3A_21 = arith.index_cast %swap3A_20 : i32 to index
    %swap3A_22 = arith.constant 48 : index
    %swap3A_23 = tpu.vector_load %arg8[%swap3A_21, %swap3A_22] {strides = array<i32>} : memref<4x128xf32, #tpu.memory_space<vmem>>, vector<1x16xf32>,
    %swap3A_24 = vector.shape_cast %swap3A_23 : vector<1x16xf32> to vector<16xf32>
    %swap3A_25 = vector.shape_cast %broadcast_in_dim3A_2 : vector<16xf32> to vector<1x16xf32>
    tpu.vector_store %arg8[%swap3A_21, %swap3A_22], %swap3A_25 {strides = array<i32>} : memref<4x128xf32, #tpu.memory_space<vmem>>, vector<1x16xf32>,
    %swap3A_26 = arith.constant 0 : i32
    %swap3A_27 = arith.index_cast %swap3A_26 : i32 to index
    %swap3A_28 = arith.constant 64 : index
    %swap3A_29 = tpu.vector_load %arg8[%swap3A_27, %swap3A_28] {strides = array<i32>} : memref<4x128xf32, #tpu.memory_space<vmem>>, vector<1x16xf32>,
    %swap3A_30 = vector.shape_cast %swap3A_29 : vector<1x16xf32> to vector<16xf32>
    %swap3A_31 = vector.shape_cast %broadcast_in_dim3A_2 : vector<16xf32> to vector<1x16xf32>
    tpu.vector_store %arg8[%swap3A_27, %swap3A_28], %swap3A_31 {strides = array<i32>} : memref<4x128xf32, #tpu.memory_space<vmem>>, vector<1x16xf32>,
    %swap3A_32 = arith.constant 0 : i32
    %swap3A_33 = arith.index_cast %swap3A_32 : i32 to index
    %swap3A_34 = arith.constant 80 : index
    %swap3A_35 = tpu.vector_load %arg8[%swap3A_33, %swap3A_34] {strides = array<i32>} : memref<4x128xf32, #tpu.memory_space<vmem>>, vector<1x16xf32>,
    %swap3A_36 = vector.shape_cast %swap3A_35 : vector<1x16xf32> to vector<16xf32>
    %swap3A_37 = vector.shape_cast %broadcast_in_dim3A_2 : vector<16xf32> to vector<1x16xf32>
    tpu.vector_store %arg8[%swap3A_33, %swap3A_34], %swap3A_37 {strides = array<i32>} : memref<4x128xf32, #tpu.memory_space<vmem>>, vector<1x16xf32>,
    %swap3A_38 = arith.constant 0 : i32
    %swap3A_39 = arith.index_cast %swap3A_38 : i32 to index
    %swap3A_40 = arith.constant 96 : index
    %swap3A_41 = tpu.vector_load %arg8[%swap3A_39, %swap3A_40] {strides = array<i32>} : memref<4x128xf32, #tpu.memory_space<vmem>>, vector<1x16xf32>,
    %swap3A_42 = vector.shape_cast %swap3A_41 : vector<1x16xf32> to vector<16xf32>
    %swap3A_43 = vector.shape_cast %broadcast_in_dim3A_2 : vector<16xf32> to vector<1x16xf32>
    tpu.vector_store %arg8[%swap3A_39, %swap3A_40], %swap3A_43 {strides = array<i32>} : memref<4x128xf32, #tpu.memory_space<vmem>>, vector<1x16xf32>,
    %swap3A_44 = arith.constant 0 : i32
    %swap3A_45 = arith.index_cast %swap3A_44 : i32 to index
    %swap3A_46 = arith.constant 112 : index
    %swap3A_47 = tpu.vector_load %arg8[%swap3A_45, %swap3A_46] {strides = array<i32>} : memref<4x128xf32, #tpu.memory_space<vmem>>, vector<1x16xf32>,
    %swap3A_48 = vector.shape_cast %swap3A_47 : vector<1x16xf32> to vector<16xf32>
    %swap3A_49 = vector.shape_cast %broadcast_in_dim3A_2 : vector<16xf32> to vector<1x16xf32>
    tpu.vector_store %arg8[%swap3A_45, %swap3A_46], %swap3A_49 {strides = array<i32>} : memref<4x128xf32, #tpu.memory_space<vmem>>, vector<1x16xf32>,
    %swap3A_50 = arith.constant 1 : i32
    %swap3A_51 = arith.index_cast %swap3A_50 : i32 to index
    %swap3A_52 = arith.constant 0 : index
    %swap3A_53 = tpu.vector_load %arg8[%swap3A_51, %swap3A_52] {strides = array<i32>} : memref<4x128xf32, #tpu.memory_space<vmem>>, vector<1x16xf32>,
    %swap3A_54 = vector.shape_cast %swap3A_53 : vector<1x16xf32> to vector<16xf32>
    %swap3A_55 = vector.shape_cast %broadcast_in_dim3A_2 : vector<16xf32> to vector<1x16xf32>
    tpu.vector_store %arg8[%swap3A_51, %swap3A_52], %swap3A_55 {strides = array<i32>} : memref<4x128xf32, #tpu.memory_space<vmem>>, vector<1x16xf32>,
    %swap3A_56 = arith.constant 1 : i32
    %swap3A_57 = arith.index_cast %swap3A_56 : i32 to index
    %swap3A_58 = arith.constant 16 : index
    %swap3A_59 = tpu.vector_load %arg8[%swap3A_57, %swap3A_58] {strides = array<i32>} : memref<4x128xf32, #tpu.memory_space<vmem>>, vector<1x16xf32>,
    %swap3A_60 = vector.shape_cast %swap3A_59 : vector<1x16xf32> to vector<16xf32>
    %swap3A_61 = vector.shape_cast %broadcast_in_dim3A_2 : vector<16xf32> to vector<1x16xf32>
    tpu.vector_store %arg8[%swap3A_57, %swap3A_58], %swap3A_61 {strides = array<i32>} : memref<4x128xf32, #tpu.memory_space<vmem>>, vector<1x16xf32>,
    %swap3A_62 = arith.constant 1 : i32
    %swap3A_63 = arith.index_cast %swap3A_62 : i32 to index
    %swap3A_64 = arith.constant 32 : index
    %swap3A_65 = tpu.vector_load %arg8[%swap3A_63, %swap3A_64] {strides = array<i32>} : memref<4x128xf32, #tpu.memory_space<vmem>>, vector<1x16xf32>,
    %swap3A_66 = vector.shape_cast %swap3A_65 : vector<1x16xf32> to vector<16xf32>
    %swap3A_67 = vector.shape_cast %broadcast_in_dim3A_2 : vector<16xf32> to vector<1x16xf32>
    tpu.vector_store %arg8[%swap3A_63, %swap3A_64], %swap3A_67 {strides = array<i32>} : memref<4x128xf32, #tpu.memory_space<vmem>>, vector<1x16xf32>,
    %swap3A_68 = arith.constant 1 : i32
    %swap3A_69 = arith.index_cast %swap3A_68 : i32 to index
    %swap3A_70 = arith.constant 48 : index
    %swap3A_71 = tpu.vector_load %arg8[%swap3A_69, %swap3A_70] {strides = array<i32>} : memref<4x128xf32, #tpu.memory_space<vmem>>, vector<1x16xf32>,
    %swap3A_72 = vector.shape_cast %swap3A_71 : vector<1x16xf32> to vector<16xf32>
    %swap3A_73 = vector.shape_cast %broadcast_in_dim3A_2 : vector<16xf32> to vector<1x16xf32>
    tpu.vector_store %arg8[%swap3A_69, %swap3A_70], %swap3A_73 {strides = array<i32>} : memref<4x128xf32, #tpu.memory_space<vmem>>, vector<1x16xf32>,
    %swap3A_74 = arith.constant 1 : i32
    %swap3A_75 = arith.index_cast %swap3A_74 : i32 to index
    %swap3A_76 = arith.constant 64 : index
    %swap3A_77 = tpu.vector_load %arg8[%swap3A_75, %swap3A_76] {strides = array<i32>} : memref<4x128xf32, #tpu.memory_space<vmem>>, vector<1x16xf32>,
    %swap3A_78 = vector.shape_cast %swap3A_77 : vector<1x16xf32> to vector<16xf32>
    %swap3A_79 = vector.shape_cast %broadcast_in_dim3A_2 : vector<16xf32> to vector<1x16xf32>
    tpu.vector_store %arg8[%swap3A_75, %swap3A_76], %swap3A_79 {strides = array<i32>} : memref<4x128xf32, #tpu.memory_space<vmem>>, vector<1x16xf32>,
    %swap3A_80 = arith.constant 1 : i32
    %swap3A_81 = arith.index_cast %swap3A_80 : i32 to index
    %swap3A_82 = arith.constant 80 : index
    %swap3A_83 = tpu.vector_load %arg8[%swap3A_81, %swap3A_82] {strides = array<i32>} : memref<4x128xf32, #tpu.memory_space<vmem>>, vector<1x16xf32>,
    %swap3A_84 = vector.shape_cast %swap3A_83 : vector<1x16xf32> to vector<16xf32>
    %swap3A_85 = vector.shape_cast %broadcast_in_dim3A_2 : vector<16xf32> to vector<1x16xf32>
    tpu.vector_store %arg8[%swap3A_81, %swap3A_82], %swap3A_85 {strides = array<i32>} : memref<4x128xf32, #tpu.memory_space<vmem>>, vector<1x16xf32>,
    %swap3A_86 = arith.constant 1 : i32
    %swap3A_87 = arith.index_cast %swap3A_86 : i32 to index
    %swap3A_88 = arith.constant 96 : index
    %swap3A_89 = tpu.vector_load %arg8[%swap3A_87, %swap3A_88] {strides = array<i32>} : memref<4x128xf32, #tpu.memory_space<vmem>>, vector<1x16xf32>,
    %swap3A_90 = vector.shape_cast %swap3A_89 : vector<1x16xf32> to vector<16xf32>
    %swap3A_91 = vector.shape_cast %broadcast_in_dim3A_2 : vector<16xf32> to vector<1x16xf32>
    tpu.vector_store %arg8[%swap3A_87, %swap3A_88], %swap3A_91 {strides = array<i32>} : memref<4x128xf32, #tpu.memory_space<vmem>>, vector<1x16xf32>,
    %swap3A_92 = arith.constant 1 : i32
    %swap3A_93 = arith.index_cast %swap3A_92 : i32 to index
    %swap3A_94 = arith.constant 112 : index
    %swap3A_95 = tpu.vector_load %arg8[%swap3A_93, %swap3A_94] {strides = array<i32>} : memref<4x128xf32, #tpu.memory_space<vmem>>, vector<1x16xf32>,
    %swap3A_96 = vector.shape_cast %swap3A_95 : vector<1x16xf32> to vector<16xf32>
    %swap3A_97 = vector.shape_cast %broadcast_in_dim3A_2 : vector<16xf32> to vector<1x16xf32>
    tpu.vector_store %arg8[%swap3A_93, %swap3A_94], %swap3A_97 {strides = array<i32>} : memref<4x128xf32, #tpu.memory_space<vmem>>, vector<1x16xf32>,
    %swap3A_98 = arith.constant 2 : i32
    %swap3A_99 = arith.index_cast %swap3A_98 : i32 to index
    %swap3A_100 = arith.constant 0 : index
    %swap3A_101 = tpu.vector_load %arg8[%swap3A_99, %swap3A_100] {strides = array<i32>} : memref<4x128xf32, #tpu.memory_space<vmem>>, vector<1x16xf32>,
    %swap3A_102 = vector.shape_cast %swap3A_101 : vector<1x16xf32> to vector<16xf32>
    %swap3A_103 = vector.shape_cast %broadcast_in_dim3A_2 : vector<16xf32> to vector<1x16xf32>
    tpu.vector_store %arg8[%swap3A_99, %swap3A_100], %swap3A_103 {strides = array<i32>} : memref<4x128xf32, #tpu.memory_space<vmem>>, vector<1x16xf32>,
    %swap3A_104 = arith.constant 2 : i32
    %swap3A_105 = arith.index_cast %swap3A_104 : i32 to index
    %swap3A_106 = arith.constant 16 : index
    %swap3A_107 = tpu.vector_load %arg8[%swap3A_105, %swap3A_106] {strides = array<i32>} : memref<4x128xf32, #tpu.memory_space<vmem>>, vector<1x16xf32>,
    %swap3A_108 = vector.shape_cast %swap3A_107 : vector<1x16xf32> to vector<16xf32>
    %swap3A_109 = vector.shape_cast %broadcast_in_dim3A_2 : vector<16xf32> to vector<1x16xf32>
    tpu.vector_store %arg8[%swap3A_105, %swap3A_106], %swap3A_109 {strides = array<i32>} : memref<4x128xf32, #tpu.memory_space<vmem>>, vector<1x16xf32>,
    %swap3A_110 = arith.constant 2 : i32
    %swap3A_111 = arith.index_cast %swap3A_110 : i32 to index
    %swap3A_112 = arith.constant 32 : index
    %swap3A_113 = tpu.vector_load %arg8[%swap3A_111, %swap3A_112] {strides = array<i32>} : memref<4x128xf32, #tpu.memory_space<vmem>>, vector<1x16xf32>,
    %swap3A_114 = vector.shape_cast %swap3A_113 : vector<1x16xf32> to vector<16xf32>
    %swap3A_115 = vector.shape_cast %broadcast_in_dim3A_2 : vector<16xf32> to vector<1x16xf32>
    tpu.vector_store %arg8[%swap3A_111, %swap3A_112], %swap3A_115 {strides = array<i32>} : memref<4x128xf32, #tpu.memory_space<vmem>>, vector<1x16xf32>,
    %swap3A_116 = arith.constant 2 : i32
    %swap3A_117 = arith.index_cast %swap3A_116 : i32 to index
    %swap3A_118 = arith.constant 48 : index
    %swap3A_119 = tpu.vector_load %arg8[%swap3A_117, %swap3A_118] {strides = array<i32>} : memref<4x128xf32, #tpu.memory_space<vmem>>, vector<1x16xf32>,
    %swap3A_120 = vector.shape_cast %swap3A_119 : vector<1x16xf32> to vector<16xf32>
    %swap3A_121 = vector.shape_cast %broadcast_in_dim3A_2 : vector<16xf32> to vector<1x16xf32>
    tpu.vector_store %arg8[%swap3A_117, %swap3A_118], %swap3A_121 {strides = array<i32>} : memref<4x128xf32, #tpu.memory_space<vmem>>, vector<1x16xf32>,
    %swap3A_122 = arith.constant 2 : i32
    %swap3A_123 = arith.index_cast %swap3A_122 : i32 to index
    %swap3A_124 = arith.constant 64 : index
    %swap3A_125 = tpu.vector_load %arg8[%swap3A_123, %swap3A_124] {strides = array<i32>} : memref<4x128xf32, #tpu.memory_space<vmem>>, vector<1x16xf32>,
    %swap3A_126 = vector.shape_cast %swap3A_125 : vector<1x16xf32> to vector<16xf32>
    %swap3A_127 = vector.shape_cast %broadcast_in_dim3A_2 : vector<16xf32> to vector<1x16xf32>
    tpu.vector_store %arg8[%swap3A_123, %swap3A_124], %swap3A_127 {strides = array<i32>} : memref<4x128xf32, #tpu.memory_space<vmem>>, vector<1x16xf32>,
    %swap3A_128 = arith.constant 2 : i32
    %swap3A_129 = arith.index_cast %swap3A_128 : i32 to index
    %swap3A_130 = arith.constant 80 : index
    %swap3A_131 = tpu.vector_load %arg8[%swap3A_129, %swap3A_130] {strides = array<i32>} : memref<4x128xf32, #tpu.memory_space<vmem>>, vector<1x16xf32>,
    %swap3A_132 = vector.shape_cast %swap3A_131 : vector<1x16xf32> to vector<16xf32>
    %swap3A_133 = vector.shape_cast %broadcast_in_dim3A_2 : vector<16xf32> to vector<1x16xf32>
    tpu.vector_store %arg8[%swap3A_129, %swap3A_130], %swap3A_133 {strides = array<i32>} : memref<4x128xf32, #tpu.memory_space<vmem>>, vector<1x16xf32>,
    %swap3A_134 = arith.constant 2 : i32
    %swap3A_135 = arith.index_cast %swap3A_134 : i32 to index
    %swap3A_136 = arith.constant 96 : index
    %swap3A_137 = tpu.vector_load %arg8[%swap3A_135, %swap3A_136] {strides = array<i32>} : memref<4x128xf32, #tpu.memory_space<vmem>>, vector<1x16xf32>,
    %swap3A_138 = vector.shape_cast %swap3A_137 : vector<1x16xf32> to vector<16xf32>
    %swap3A_139 = vector.shape_cast %broadcast_in_dim3A_2 : vector<16xf32> to vector<1x16xf32>
    tpu.vector_store %arg8[%swap3A_135, %swap3A_136], %swap3A_139 {strides = array<i32>} : memref<4x128xf32, #tpu.memory_space<vmem>>, vector<1x16xf32>,
    %swap3A_140 = arith.constant 2 : i32
    %swap3A_141 = arith.index_cast %swap3A_140 : i32 to index
    %swap3A_142 = arith.constant 112 : index
    %swap3A_143 = tpu.vector_load %arg8[%swap3A_141, %swap3A_142] {strides = array<i32>} : memref<4x128xf32, #tpu.memory_space<vmem>>, vector<1x16xf32>,
    %swap3A_144 = vector.shape_cast %swap3A_143 : vector<1x16xf32> to vector<16xf32>
    %swap3A_145 = vector.shape_cast %broadcast_in_dim3A_2 : vector<16xf32> to vector<1x16xf32>
    tpu.vector_store %arg8[%swap3A_141, %swap3A_142], %swap3A_145 {strides = array<i32>} : memref<4x128xf32, #tpu.memory_space<vmem>>, vector<1x16xf32>,
    %swap3A_146 = arith.constant 3 : i32
    %swap3A_147 = arith.index_cast %swap3A_146 : i32 to index
    %swap3A_148 = arith.constant 0 : index
    %swap3A_149 = tpu.vector_load %arg8[%swap3A_147, %swap3A_148] {strides = array<i32>} : memref<4x128xf32, #tpu.memory_space<vmem>>, vector<1x16xf32>,
    %swap3A_150 = vector.shape_cast %swap3A_149 : vector<1x16xf32> to vector<16xf32>
    %swap3A_151 = vector.shape_cast %broadcast_in_dim3A_2 : vector<16xf32> to vector<1x16xf32>
    tpu.vector_store %arg8[%swap3A_147, %swap3A_148], %swap3A_151 {strides = array<i32>} : memref<4x128xf32, #tpu.memory_space<vmem>>, vector<1x16xf32>,
    %swap3A_152 = arith.constant 3 : i32
    %swap3A_153 = arith.index_cast %swap3A_152 : i32 to index
    %swap3A_154 = arith.constant 16 : index
    %swap3A_155 = tpu.vector_load %arg8[%swap3A_153, %swap3A_154] {strides = array<i32>} : memref<4x128xf32, #tpu.memory_space<vmem>>, vector<1x16xf32>,
    %swap3A_156 = vector.shape_cast %swap3A_155 : vector<1x16xf32> to vector<16xf32>
    %swap3A_157 = vector.shape_cast %broadcast_in_dim3A_2 : vector<16xf32> to vector<1x16xf32>
    tpu.vector_store %arg8[%swap3A_153, %swap3A_154], %swap3A_157 {strides = array<i32>} : memref<4x128xf32, #tpu.memory_space<vmem>>, vector<1x16xf32>,
    %swap3A_158 = arith.constant 3 : i32
    %swap3A_159 = arith.index_cast %swap3A_158 : i32 to index
    %swap3A_160 = arith.constant 32 : index
    %swap3A_161 = tpu.vector_load %arg8[%swap3A_159, %swap3A_160] {strides = array<i32>} : memref<4x128xf32, #tpu.memory_space<vmem>>, vector<1x16xf32>,
    %swap3A_162 = vector.shape_cast %swap3A_161 : vector<1x16xf32> to vector<16xf32>
    %swap3A_163 = vector.shape_cast %broadcast_in_dim3A_2 : vector<16xf32> to vector<1x16xf32>
    tpu.vector_store %arg8[%swap3A_159, %swap3A_160], %swap3A_163 {strides = array<i32>} : memref<4x128xf32, #tpu.memory_space<vmem>>, vector<1x16xf32>,
    %swap3A_164 = arith.constant 3 : i32
    %swap3A_165 = arith.index_cast %swap3A_164 : i32 to index
    %swap3A_166 = arith.constant 48 : index
    %swap3A_167 = tpu.vector_load %arg8[%swap3A_165, %swap3A_166] {strides = array<i32>} : memref<4x128xf32, #tpu.memory_space<vmem>>, vector<1x16xf32>,
    %swap3A_168 = vector.shape_cast %swap3A_167 : vector<1x16xf32> to vector<16xf32>
    %swap3A_169 = vector.shape_cast %broadcast_in_dim3A_2 : vector<16xf32> to vector<1x16xf32>
    tpu.vector_store %arg8[%swap3A_165, %swap3A_166], %swap3A_169 {strides = array<i32>} : memref<4x128xf32, #tpu.memory_space<vmem>>, vector<1x16xf32>,
    %swap3A_170 = arith.constant 3 : i32
    %swap3A_171 = arith.index_cast %swap3A_170 : i32 to index
    %swap3A_172 = arith.constant 64 : index
    %swap3A_173 = tpu.vector_load %arg8[%swap3A_171, %swap3A_172] {strides = array<i32>} : memref<4x128xf32, #tpu.memory_space<vmem>>, vector<1x16xf32>,
    %swap3A_174 = vector.shape_cast %swap3A_173 : vector<1x16xf32> to vector<16xf32>
    %swap3A_175 = vector.shape_cast %broadcast_in_dim3A_2 : vector<16xf32> to vector<1x16xf32>
    tpu.vector_store %arg8[%swap3A_171, %swap3A_172], %swap3A_175 {strides = array<i32>} : memref<4x128xf32, #tpu.memory_space<vmem>>, vector<1x16xf32>,
    %swap3A_176 = arith.constant 3 : i32
    %swap3A_177 = arith.index_cast %swap3A_176 : i32 to index
    %swap3A_178 = arith.constant 80 : index
    %swap3A_179 = tpu.vector_load %arg8[%swap3A_177, %swap3A_178] {strides = array<i32>} : memref<4x128xf32, #tpu.memory_space<vmem>>, vector<1x16xf32>,
    %swap3A_180 = vector.shape_cast %swap3A_179 : vector<1x16xf32> to vector<16xf32>
    %swap3A_181 = vector.shape_cast %broadcast_in_dim3A_2 : vector<16xf32> to vector<1x16xf32>
    tpu.vector_store %arg8[%swap3A_177, %swap3A_178], %swap3A_181 {strides = array<i32>} : memref<4x128xf32, #tpu.memory_space<vmem>>, vector<1x16xf32>,
    %swap3A_182 = arith.constant 3 : i32
    %swap3A_183 = arith.index_cast %swap3A_182 : i32 to index
    %swap3A_184 = arith.constant 96 : index
    %swap3A_185 = tpu.vector_load %arg8[%swap3A_183, %swap3A_184] {strides = array<i32>} : memref<4x128xf32, #tpu.memory_space<vmem>>, vector<1x16xf32>,
    %swap3A_186 = vector.shape_cast %swap3A_185 : vector<1x16xf32> to vector<16xf32>
    %swap3A_187 = vector.shape_cast %broadcast_in_dim3A_2 : vector<16xf32> to vector<1x16xf32>
    tpu.vector_store %arg8[%swap3A_183, %swap3A_184], %swap3A_187 {strides = array<i32>} : memref<4x128xf32, #tpu.memory_space<vmem>>, vector<1x16xf32>,
    %swap3A_188 = arith.constant 3 : i32
    %swap3A_189 = arith.index_cast %swap3A_188 : i32 to index
    %swap3A_190 = arith.constant 112 : index
    %swap3A_191 = tpu.vector_load %arg8[%swap3A_189, %swap3A_190] {strides = array<i32>} : memref<4x128xf32, #tpu.memory_space<vmem>>, vector<1x16xf32>,
    %swap3A_192 = vector.shape_cast %swap3A_191 : vector<1x16xf32> to vector<16xf32>
    %swap3A_193 = vector.shape_cast %broadcast_in_dim3A_2 : vector<16xf32> to vector<1x16xf32>
    tpu.vector_store %arg8[%swap3A_189, %swap3A_190], %swap3A_193 {strides = array<i32>} : memref<4x128xf32, #tpu.memory_space<vmem>>, vector<1x16xf32>,
    %scan3A = arith.constant 0 : i32
    %scan3A_194 = arith.constant 0 : i32
    %scan3A_195 = arith.constant 80 : i32
    %scan3A_196 = arith.addi %scan3A_194, %scan3A_195 : i32
    %scan3A_197 = arith.constant 1 : i32
    scf.for %scan3A_356 = %scan3A_194 to %scan3A_196 step %scan3A_197  : i32 {
      %mul3A_357 = arith.constant 320 : i32
      %mul3A_358 = arith.muli %arg1, %mul3A_357 : i32
      %mul3A_359 = arith.constant 4 : i32
      %mul3A_360 = arith.muli %scan3A_356, %mul3A_359 : i32
      %add3A = arith.addi %mul3A_358, %mul3A_360 : i32
      "tpu.region"() ({
        %run_scoped3A = tpu.sem_alloc : memref<!tpu.dma_semaphore, #tpu.memory_space<semaphore_mem>>
        %dma_start3A_361 = arith.constant 0 : i32
        %dma_start3A_362 = tpu.memref_slice %arg17[%add3A, %dma_start3A_361] : memref<5120x128xf32, #tpu.memory_space<vmem_shared>> -> memref<4x128xf32, #tpu.memory_space<vmem_shared>>
        %dma_start3A_363 = arith.constant 0 : i32
        %dma_start3A_364 = tpu.memref_slice %arg17[%add3A, %dma_start3A_363] : memref<5120x128xf32, #tpu.memory_space<vmem_shared>> -> memref<4x128xf32, #tpu.memory_space<vmem_shared>>
        tpu.enqueue_dma source(%arg8 : memref<4x128xf32, #tpu.memory_space<vmem>>) target(%dma_start3A_364 : memref<4x128xf32, #tpu.memory_space<vmem_shared>>) target_semaphore(%run_scoped3A : memref<!tpu.dma_semaphore, #tpu.memory_space<semaphore_mem>>)
        %dma_wait3A_365 = arith.constant 0 : i32
        %dma_wait3A_366 = tpu.memref_slice %arg17[%add3A, %dma_wait3A_365] : memref<5120x128xf32, #tpu.memory_space<vmem_shared>> -> memref<4x128xf32, #tpu.memory_space<vmem_shared>>
        %dma_wait3A_367 = arith.constant 0 : i32
        %dma_wait3A_368 = tpu.memref_slice %arg17[%add3A, %dma_wait3A_367] : memref<5120x128xf32, #tpu.memory_space<vmem_shared>> -> memref<4x128xf32, #tpu.memory_space<vmem_shared>>
        tpu.wait_dma2 semaphore(%run_scoped3A : memref<!tpu.dma_semaphore, #tpu.memory_space<semaphore_mem>>) src(%arg8 : memref<4x128xf32, #tpu.memory_space<vmem>>) dst(%dma_wait3A_368 : memref<4x128xf32, #tpu.memory_space<vmem_shared>>)
        tpu.yield
      }) : () -> ()
    }
    %scan3A_198 = arith.constant 80 : i32
    %lt3A_199 = arith.constant 10 : i32
    %lt3A_200 = arith.cmpi slt, %arg1, %lt3A_199 : i32
    %convert_element_type3A_201 = arith.extui %lt3A_200 : i1 to i32
    %cond3A_202 = arith.constant 0 : i32
    %cond3A_203 = arith.cmpi ne, %convert_element_type3A_201, %cond3A_202 : i32
    scf.if %cond3A_203 {
      %mul3A_356 = arith.constant 1000 : i32
      %mul3A_357 = arith.muli %arg1, %mul3A_356 : i32
      %multiple_of3A = tpu.assume_multiple %mul3A_357, 8 : i32
      %dma_wait3A_358 = arith.constant 0 : i32
      %dma_wait3A_359 = tpu.memref_slice %arg16[%multiple_of3A, %dma_wait3A_358] : memref<10000x128xf32, #tpu.memory_space<vmem_shared>> -> memref<1000x128xf32, #tpu.memory_space<vmem_shared>>
      %dma_wait3A_360 = arith.constant 0 : i32
      %dma_wait3A_361 = tpu.memref_slice %arg2[%multiple_of3A, %dma_wait3A_360] : memref<10000x128xf32, #tpu.memory_space<hbm>> -> memref<1000x128xf32, #tpu.memory_space<hbm>>
      tpu.wait_dma2 semaphore(%arg15 : memref<!tpu.dma_semaphore, #tpu.memory_space<semaphore_mem>>) src(%dma_wait3A_361 : memref<1000x128xf32, #tpu.memory_space<hbm>>) dst(%dma_wait3A_359 : memref<1000x128xf32, #tpu.memory_space<vmem_shared>>)
    } else {
    }
    %barrier3A = arith.constant 0 : index
    tpu.barrier barrier_id(%barrier3A)
    %dma_start3A = arith.constant 0 : i32
    %dma_start3A_204 = arith.constant 0 : i32
    %dma_start3A_205 = arith.constant 0 : i32
    %dma_start3A_206 = arith.constant 0 : i32
    %dma_start3A_207 = tpu.memref_slice %arg5[%dma_start3A_204, %dma_start3A_205, %dma_start3A_206] : memref<4x2x32xi32, #tpu.memory_space<vmem>> -> memref<1x2x32xi32, #tpu.memory_space<vmem>>
    %dma_start3A_208 = tpu.memref_squeeze %dma_start3A_207 : memref<1x2x32xi32, #tpu.memory_space<vmem>> -> memref<2x32xi32, #tpu.memory_space<vmem>>
    %dma_start3A_209 = arith.constant 0 : i32
    %dma_start3A_210 = arith.constant 0 : i32
    %dma_start3A_211 = tpu.memref_slice %arg3[%arg0, %arg1, %dma_start3A, %dma_start3A_209, %dma_start3A_210] : memref<2x16x632x2x32xi32, #tpu.memory_space<hbm>> -> memref<1x1x1x2x32xi32, #tpu.memory_space<hbm>>
    %dma_start3A_212 = tpu.memref_squeeze %dma_start3A_211 : memref<1x1x1x2x32xi32, #tpu.memory_space<hbm>> -> memref<2x32xi32, #tpu.memory_space<hbm>>
    %dma_start3A_213 = arith.constant 0 : i32
    %dma_start3A_214 = arith.constant 0 : i32
    %dma_start3A_215 = tpu.memref_slice %arg5[%dma_start3A_204, %dma_start3A_213, %dma_start3A_214] : memref<4x2x32xi32, #tpu.memory_space<vmem>> -> memref<1x2x32xi32, #tpu.memory_space<vmem>>
    %dma_start3A_216 = tpu.memref_squeeze %dma_start3A_215 : memref<1x2x32xi32, #tpu.memory_space<vmem>> -> memref<2x32xi32, #tpu.memory_space<vmem>>
    %dma_start3A_217 = arith.constant 0 : i32
    %dma_start3A_218 = arith.constant 0 : i32
    %dma_start3A_219 = tpu.memref_slice %arg3[%arg0, %arg1, %dma_start3A, %dma_start3A_217, %dma_start3A_218] : memref<2x16x632x2x32xi32, #tpu.memory_space<hbm>> -> memref<1x1x1x2x32xi32, #tpu.memory_space<hbm>>
    %dma_start3A_220 = tpu.memref_squeeze %dma_start3A_219 : memref<1x1x1x2x32xi32, #tpu.memory_space<hbm>> -> memref<2x32xi32, #tpu.memory_space<hbm>>
    tpu.enqueue_dma source(%dma_start3A_220 : memref<2x32xi32, #tpu.memory_space<hbm>>) target(%dma_start3A_216 : memref<2x32xi32, #tpu.memory_space<vmem>>) target_semaphore(%arg9 : memref<!tpu.dma_semaphore, #tpu.memory_space<semaphore_mem>>)
    %dma_start3A_221 = arith.constant 1 : i32
    %dma_start3A_222 = arith.constant 1 : i32
    %dma_start3A_223 = arith.constant 0 : i32
    %dma_start3A_224 = arith.constant 0 : i32
    %dma_start3A_225 = tpu.memref_slice %arg5[%dma_start3A_222, %dma_start3A_223, %dma_start3A_224] : memref<4x2x32xi32, #tpu.memory_space<vmem>> -> memref<1x2x32xi32, #tpu.memory_space<vmem>>
    %dma_start3A_226 = tpu.memref_squeeze %dma_start3A_225 : memref<1x2x32xi32, #tpu.memory_space<vmem>> -> memref<2x32xi32, #tpu.memory_space<vmem>>
    %dma_start3A_227 = arith.constant 0 : i32
    %dma_start3A_228 = arith.constant 0 : i32
    %dma_start3A_229 = tpu.memref_slice %arg3[%arg0, %arg1, %dma_start3A_221, %dma_start3A_227, %dma_start3A_228] : memref<2x16x632x2x32xi32, #tpu.memory_space<hbm>> -> memref<1x1x1x2x32xi32, #tpu.memory_space<hbm>>
    %dma_start3A_230 = tpu.memref_squeeze %dma_start3A_229 : memref<1x1x1x2x32xi32, #tpu.memory_space<hbm>> -> memref<2x32xi32, #tpu.memory_space<hbm>>
    %dma_start3A_231 = arith.constant 0 : i32
    %dma_start3A_232 = arith.constant 0 : i32
    %dma_start3A_233 = tpu.memref_slice %arg5[%dma_start3A_222, %dma_start3A_231, %dma_start3A_232] : memref<4x2x32xi32, #tpu.memory_space<vmem>> -> memref<1x2x32xi32, #tpu.memory_space<vmem>>
    %dma_start3A_234 = tpu.memref_squeeze %dma_start3A_233 : memref<1x2x32xi32, #tpu.memory_space<vmem>> -> memref<2x32xi32, #tpu.memory_space<vmem>>
    %dma_start3A_235 = arith.constant 0 : i32
    %dma_start3A_236 = arith.constant 0 : i32
    %dma_start3A_237 = tpu.memref_slice %arg3[%arg0, %arg1, %dma_start3A_221, %dma_start3A_235, %dma_start3A_236] : memref<2x16x632x2x32xi32, #tpu.memory_space<hbm>> -> memref<1x1x1x2x32xi32, #tpu.memory_space<hbm>>
    %dma_start3A_238 = tpu.memref_squeeze %dma_start3A_237 : memref<1x1x1x2x32xi32, #tpu.memory_space<hbm>> -> memref<2x32xi32, #tpu.memory_space<hbm>>
    tpu.enqueue_dma source(%dma_start3A_238 : memref<2x32xi32, #tpu.memory_space<hbm>>) target(%dma_start3A_234 : memref<2x32xi32, #tpu.memory_space<vmem>>) target_semaphore(%arg10 : memref<!tpu.dma_semaphore, #tpu.memory_space<semaphore_mem>>)
    %dma_start3A_239 = arith.constant 2 : i32
    %dma_start3A_240 = arith.constant 2 : i32
    %dma_start3A_241 = arith.constant 0 : i32
    %dma_start3A_242 = arith.constant 0 : i32
    %dma_start3A_243 = tpu.memref_slice %arg5[%dma_start3A_240, %dma_start3A_241, %dma_start3A_242] : memref<4x2x32xi32, #tpu.memory_space<vmem>> -> memref<1x2x32xi32, #tpu.memory_space<vmem>>
    %dma_start3A_244 = tpu.memref_squeeze %dma_start3A_243 : memref<1x2x32xi32, #tpu.memory_space<vmem>> -> memref<2x32xi32, #tpu.memory_space<vmem>>
    %dma_start3A_245 = arith.constant 0 : i32
    %dma_start3A_246 = arith.constant 0 : i32
    %dma_start3A_247 = tpu.memref_slice %arg3[%arg0, %arg1, %dma_start3A_239, %dma_start3A_245, %dma_start3A_246] : memref<2x16x632x2x32xi32, #tpu.memory_space<hbm>> -> memref<1x1x1x2x32xi32, #tpu.memory_space<hbm>>
    %dma_start3A_248 = tpu.memref_squeeze %dma_start3A_247 : memref<1x1x1x2x32xi32, #tpu.memory_space<hbm>> -> memref<2x32xi32, #tpu.memory_space<hbm>>
    %dma_start3A_249 = arith.constant 0 : i32
    %dma_start3A_250 = arith.constant 0 : i32
    %dma_start3A_251 = tpu.memref_slice %arg5[%dma_start3A_240, %dma_start3A_249, %dma_start3A_250] : memref<4x2x32xi32, #tpu.memory_space<vmem>> -> memref<1x2x32xi32, #tpu.memory_space<vmem>>
    %dma_start3A_252 = tpu.memref_squeeze %dma_start3A_251 : memref<1x2x32xi32, #tpu.memory_space<vmem>> -> memref<2x32xi32, #tpu.memory_space<vmem>>
    %dma_start3A_253 = arith.constant 0 : i32
    %dma_start3A_254 = arith.constant 0 : i32
    %dma_start3A_255 = tpu.memref_slice %arg3[%arg0, %arg1, %dma_start3A_239, %dma_start3A_253, %dma_start3A_254] : memref<2x16x632x2x32xi32, #tpu.memory_space<hbm>> -> memref<1x1x1x2x32xi32, #tpu.memory_space<hbm>>
    %dma_start3A_256 = tpu.memref_squeeze %dma_start3A_255 : memref<1x1x1x2x32xi32, #tpu.memory_space<hbm>> -> memref<2x32xi32, #tpu.memory_space<hbm>>
    tpu.enqueue_dma source(%dma_start3A_256 : memref<2x32xi32, #tpu.memory_space<hbm>>) target(%dma_start3A_252 : memref<2x32xi32, #tpu.memory_space<vmem>>) target_semaphore(%arg11 : memref<!tpu.dma_semaphore, #tpu.memory_space<semaphore_mem>>)
    %dma_start3A_257 = arith.constant 3 : i32
    %dma_start3A_258 = arith.constant 3 : i32
    %dma_start3A_259 = arith.constant 0 : i32
    %dma_start3A_260 = arith.constant 0 : i32
    %dma_start3A_261 = tpu.memref_slice %arg5[%dma_start3A_258, %dma_start3A_259, %dma_start3A_260] : memref<4x2x32xi32, #tpu.memory_space<vmem>> -> memref<1x2x32xi32, #tpu.memory_space<vmem>>
    %dma_start3A_262 = tpu.memref_squeeze %dma_start3A_261 : memref<1x2x32xi32, #tpu.memory_space<vmem>> -> memref<2x32xi32, #tpu.memory_space<vmem>>
    %dma_start3A_263 = arith.constant 0 : i32
    %dma_start3A_264 = arith.constant 0 : i32
    %dma_start3A_265 = tpu.memref_slice %arg3[%arg0, %arg1, %dma_start3A_257, %dma_start3A_263, %dma_start3A_264] : memref<2x16x632x2x32xi32, #tpu.memory_space<hbm>> -> memref<1x1x1x2x32xi32, #tpu.memory_space<hbm>>
    %dma_start3A_266 = tpu.memref_squeeze %dma_start3A_265 : memref<1x1x1x2x32xi32, #tpu.memory_space<hbm>> -> memref<2x32xi32, #tpu.memory_space<hbm>>
    %dma_start3A_267 = arith.constant 0 : i32
    %dma_start3A_268 = arith.constant 0 : i32
    %dma_start3A_269 = tpu.memref_slice %arg5[%dma_start3A_258, %dma_start3A_267, %dma_start3A_268] : memref<4x2x32xi32, #tpu.memory_space<vmem>> -> memref<1x2x32xi32, #tpu.memory_space<vmem>>
    %dma_start3A_270 = tpu.memref_squeeze %dma_start3A_269 : memref<1x2x32xi32, #tpu.memory_space<vmem>> -> memref<2x32xi32, #tpu.memory_space<vmem>>
    %dma_start3A_271 = arith.constant 0 : i32
    %dma_start3A_272 = arith.constant 0 : i32
    %dma_start3A_273 = tpu.memref_slice %arg3[%arg0, %arg1, %dma_start3A_257, %dma_start3A_271, %dma_start3A_272] : memref<2x16x632x2x32xi32, #tpu.memory_space<hbm>> -> memref<1x1x1x2x32xi32, #tpu.memory_space<hbm>>
    %dma_start3A_274 = tpu.memref_squeeze %dma_start3A_273 : memref<1x1x1x2x32xi32, #tpu.memory_space<hbm>> -> memref<2x32xi32, #tpu.memory_space<hbm>>
    tpu.enqueue_dma source(%dma_start3A_274 : memref<2x32xi32, #tpu.memory_space<hbm>>) target(%dma_start3A_270 : memref<2x32xi32, #tpu.memory_space<vmem>>) target_semaphore(%arg12 : memref<!tpu.dma_semaphore, #tpu.memory_space<semaphore_mem>>)
    %scan3A_275 = arith.constant 0 : i32
    %scan3A_276 = arith.constant 0 : i32
    %scan3A_277 = arith.constant 157 : i32
    %scan3A_278 = arith.addi %scan3A_276, %scan3A_277 : i32
    %scan3A_279 = arith.constant 1 : i32
    scf.for %scan3A_356 = %scan3A_276 to %scan3A_278 step %scan3A_279  : i32 {
      %mul3A_357 = arith.constant 4 : i32
      %mul3A_358 = arith.muli %mul3A_357, %scan3A_356 : i32
      %add3A = arith.constant 0 : i32
      %add3A_359 = arith.addi %mul3A_358, %add3A : i32
      %dma_wait3A_360 = arith.constant 0 : i32
      %dma_wait3A_361 = arith.constant 0 : i32
      %dma_wait3A_362 = arith.constant 0 : i32
      %dma_wait3A_363 = tpu.memref_slice %arg5[%dma_wait3A_360, %dma_wait3A_361, %dma_wait3A_362] : memref<4x2x32xi32, #tpu.memory_space<vmem>> -> memref<1x2x32xi32, #tpu.memory_space<vmem>>
      %dma_wait3A_364 = tpu.memref_squeeze %dma_wait3A_363 : memref<1x2x32xi32, #tpu.memory_space<vmem>> -> memref<2x32xi32, #tpu.memory_space<vmem>>
      %dma_wait3A_365 = arith.constant 0 : i32
      %dma_wait3A_366 = arith.constant 0 : i32
      %dma_wait3A_367 = tpu.memref_slice %arg3[%arg0, %arg1, %add3A_359, %dma_wait3A_365, %dma_wait3A_366] : memref<2x16x632x2x32xi32, #tpu.memory_space<hbm>> -> memref<1x1x1x2x32xi32, #tpu.memory_space<hbm>>
      %dma_wait3A_368 = tpu.memref_squeeze %dma_wait3A_367 : memref<1x1x1x2x32xi32, #tpu.memory_space<hbm>> -> memref<2x32xi32, #tpu.memory_space<hbm>>
      %dma_wait3A_369 = arith.constant 0 : i32
      %dma_wait3A_370 = arith.constant 0 : i32
      %dma_wait3A_371 = tpu.memref_slice %arg5[%dma_wait3A_360, %dma_wait3A_369, %dma_wait3A_370] : memref<4x2x32xi32, #tpu.memory_space<vmem>> -> memref<1x2x32xi32, #tpu.memory_space<vmem>>
      %dma_wait3A_372 = tpu.memref_squeeze %dma_wait3A_371 : memref<1x2x32xi32, #tpu.memory_space<vmem>> -> memref<2x32xi32, #tpu.memory_space<vmem>>
      %dma_wait3A_373 = arith.constant 0 : i32
      %dma_wait3A_374 = arith.constant 0 : i32
      %dma_wait3A_375 = tpu.memref_slice %arg3[%arg0, %arg1, %add3A_359, %dma_wait3A_373, %dma_wait3A_374] : memref<2x16x632x2x32xi32, #tpu.memory_space<hbm>> -> memref<1x1x1x2x32xi32, #tpu.memory_space<hbm>>
      %dma_wait3A_376 = tpu.memref_squeeze %dma_wait3A_375 : memref<1x1x1x2x32xi32, #tpu.memory_space<hbm>> -> memref<2x32xi32, #tpu.memory_space<hbm>>
      tpu.wait_dma2 semaphore(%arg9 : memref<!tpu.dma_semaphore, #tpu.memory_space<semaphore_mem>>) src(%dma_wait3A_376 : memref<2x32xi32, #tpu.memory_space<hbm>>) dst(%dma_wait3A_372 : memref<2x32xi32, #tpu.memory_space<vmem>>)
      %dma_start3A_377 = arith.constant 0 : i32
      %dma_start3A_378 = arith.constant 0 : i32
      %dma_start3A_379 = arith.constant 0 : i32
      %dma_start3A_380 = tpu.memref_slice %arg5[%dma_start3A_377, %dma_start3A_378, %dma_start3A_379] : memref<4x2x32xi32, #tpu.memory_space<vmem>> -> memref<1x1x32xi32, #tpu.memory_space<vmem>>
      %dma_start3A_381 = tpu.memref_squeeze %dma_start3A_380 : memref<1x1x32xi32, #tpu.memory_space<vmem>> -> memref<32xi32, #tpu.memory_space<vmem>>
      %dma_start3A_382 = arith.constant 0 : i32
      %dma_start3A_383 = arith.constant 0 : i32
      %dma_start3A_384 = tpu.memref_slice %arg16[%dma_start3A_382, %dma_start3A_383] : memref<10000x128xf32, #tpu.memory_space<vmem_shared>> -> memref<10000x128xf32, #tpu.memory_space<vmem_shared>>
      tpu.enqueue_indirect_dma source(%dma_start3A_384 : memref<10000x128xf32, #tpu.memory_space<vmem_shared>>) target(%arg6 : memref<32x128xf32, #tpu.memory_space<vmem>>) offsets(%dma_start3A_381 : memref<32xi32, #tpu.memory_space<vmem>>) semaphore(%arg13 : memref<!tpu.dma_semaphore, #tpu.memory_space<semaphore_mem>>)
      %add3A_385 = arith.constant 1 : i32
      %add3A_386 = arith.addi %mul3A_358, %add3A_385 : i32
      %dma_wait3A_387 = arith.constant 1 : i32
      %dma_wait3A_388 = arith.constant 0 : i32
      %dma_wait3A_389 = arith.constant 0 : i32
      %dma_wait3A_390 = tpu.memref_slice %arg5[%dma_wait3A_387, %dma_wait3A_388, %dma_wait3A_389] : memref<4x2x32xi32, #tpu.memory_space<vmem>> -> memref<1x2x32xi32, #tpu.memory_space<vmem>>
      %dma_wait3A_391 = tpu.memref_squeeze %dma_wait3A_390 : memref<1x2x32xi32, #tpu.memory_space<vmem>> -> memref<2x32xi32, #tpu.memory_space<vmem>>
      %dma_wait3A_392 = arith.constant 0 : i32
      %dma_wait3A_393 = arith.constant 0 : i32
      %dma_wait3A_394 = tpu.memref_slice %arg3[%arg0, %arg1, %add3A_386, %dma_wait3A_392, %dma_wait3A_393] : memref<2x16x632x2x32xi32, #tpu.memory_space<hbm>> -> memref<1x1x1x2x32xi32, #tpu.memory_space<hbm>>
      %dma_wait3A_395 = tpu.memref_squeeze %dma_wait3A_394 : memref<1x1x1x2x32xi32, #tpu.memory_space<hbm>> -> memref<2x32xi32, #tpu.memory_space<hbm>>
      %dma_wait3A_396 = arith.constant 0 : i32
      %dma_wait3A_397 = arith.constant 0 : i32
      %dma_wait3A_398 = tpu.memref_slice %arg5[%dma_wait3A_387, %dma_wait3A_396, %dma_wait3A_397] : memref<4x2x32xi32, #tpu.memory_space<vmem>> -> memref<1x2x32xi32, #tpu.memory_space<vmem>>
      %dma_wait3A_399 = tpu.memref_squeeze %dma_wait3A_398 : memref<1x2x32xi32, #tpu.memory_space<vmem>> -> memref<2x32xi32, #tpu.memory_space<vmem>>
      %dma_wait3A_400 = arith.constant 0 : i32
      %dma_wait3A_401 = arith.constant 0 : i32
      %dma_wait3A_402 = tpu.memref_slice %arg3[%arg0, %arg1, %add3A_386, %dma_wait3A_400, %dma_wait3A_401] : memref<2x16x632x2x32xi32, #tpu.memory_space<hbm>> -> memref<1x1x1x2x32xi32, #tpu.memory_space<hbm>>
      %dma_wait3A_403 = tpu.memref_squeeze %dma_wait3A_402 : memref<1x1x1x2x32xi32, #tpu.memory_space<hbm>> -> memref<2x32xi32, #tpu.memory_space<hbm>>
      tpu.wait_dma2 semaphore(%arg10 : memref<!tpu.dma_semaphore, #tpu.memory_space<semaphore_mem>>) src(%dma_wait3A_403 : memref<2x32xi32, #tpu.memory_space<hbm>>) dst(%dma_wait3A_399 : memref<2x32xi32, #tpu.memory_space<vmem>>)
      %dma_start3A_404 = arith.constant 1 : i32
      %dma_start3A_405 = arith.constant 0 : i32
      %dma_start3A_406 = arith.constant 0 : i32
      %dma_start3A_407 = tpu.memref_slice %arg5[%dma_start3A_404, %dma_start3A_405, %dma_start3A_406] : memref<4x2x32xi32, #tpu.memory_space<vmem>> -> memref<1x1x32xi32, #tpu.memory_space<vmem>>
      %dma_start3A_408 = tpu.memref_squeeze %dma_start3A_407 : memref<1x1x32xi32, #tpu.memory_space<vmem>> -> memref<32xi32, #tpu.memory_space<vmem>>
      %dma_start3A_409 = arith.constant 0 : i32
      %dma_start3A_410 = arith.constant 0 : i32
      %dma_start3A_411 = tpu.memref_slice %arg16[%dma_start3A_409, %dma_start3A_410] : memref<10000x128xf32, #tpu.memory_space<vmem_shared>> -> memref<10000x128xf32, #tpu.memory_space<vmem_shared>>
      tpu.enqueue_indirect_dma source(%dma_start3A_411 : memref<10000x128xf32, #tpu.memory_space<vmem_shared>>) target(%arg7 : memref<32x128xf32, #tpu.memory_space<vmem>>) offsets(%dma_start3A_408 : memref<32xi32, #tpu.memory_space<vmem>>) semaphore(%arg14 : memref<!tpu.dma_semaphore, #tpu.memory_space<semaphore_mem>>)
      %dma_wait3A_412 = arith.constant 0 : i32
      %dma_wait3A_413 = arith.constant 0 : i32
      %dma_wait3A_414 = arith.constant 0 : i32
      %dma_wait3A_415 = tpu.memref_slice %arg5[%dma_wait3A_412, %dma_wait3A_413, %dma_wait3A_414] : memref<4x2x32xi32, #tpu.memory_space<vmem>> -> memref<1x1x32xi32, #tpu.memory_space<vmem>>
      %dma_wait3A_416 = tpu.memref_squeeze %dma_wait3A_415 : memref<1x1x32xi32, #tpu.memory_space<vmem>> -> memref<32xi32, #tpu.memory_space<vmem>>
      %dma_wait3A_417 = arith.constant 0 : i32
      %dma_wait3A_418 = arith.constant 0 : i32
      %dma_wait3A_419 = tpu.memref_slice %arg16[%dma_wait3A_417, %dma_wait3A_418] : memref<10000x128xf32, #tpu.memory_space<vmem_shared>> -> memref<10000x128xf32, #tpu.memory_space<vmem_shared>>
      tpu.wait_indirect_dma semaphore(%arg13 : memref<!tpu.dma_semaphore, #tpu.memory_space<semaphore_mem>>) src(%dma_wait3A_419 : memref<10000x128xf32, #tpu.memory_space<vmem_shared>>) dst(%arg6 : memref<32x128xf32, #tpu.memory_space<vmem>>)
      %run_scoped3A = arith.constant 0 : i32
      %run_scoped3A_420 = arith.constant 1 : i32
      "tpu.region"() ({
        %run_scoped3A_587 = tpu.sem_alloc : memref<!tpu.dma_semaphore, #tpu.memory_space<semaphore_mem>>
        %dma_start3A_588 = arith.constant 0 : i32
        %dma_start3A_589 = tpu.memref_slice %arg5[%run_scoped3A, %run_scoped3A_420, %dma_start3A_588] : memref<4x2x32xi32, #tpu.memory_space<vmem>> -> memref<1x1x32xi32, #tpu.memory_space<vmem>>
        %dma_start3A_590 = tpu.memref_squeeze %dma_start3A_589 : memref<1x1x32xi32, #tpu.memory_space<vmem>> -> memref<32xi32, #tpu.memory_space<vmem>>
        %dma_start3A_591 = arith.constant 0 : i32
        %dma_start3A_592 = arith.constant 0 : i32
        %dma_start3A_593 = tpu.memref_slice %arg17[%dma_start3A_591, %dma_start3A_592] : memref<5120x128xf32, #tpu.memory_space<vmem_shared>> -> memref<5120x128xf32, #tpu.memory_space<vmem_shared>>
        tpu.enqueue_indirect_dma source(%arg6 : memref<32x128xf32, #tpu.memory_space<vmem>>) target(%dma_start3A_593 : memref<5120x128xf32, #tpu.memory_space<vmem_shared>>) offsets(%dma_start3A_590 : memref<32xi32, #tpu.memory_space<vmem>>) semaphore(%run_scoped3A_587 : memref<!tpu.dma_semaphore, #tpu.memory_space<semaphore_mem>>) {add = true}
        %dma_wait3A_594 = arith.constant 0 : i32
        %dma_wait3A_595 = tpu.memref_slice %arg5[%run_scoped3A, %run_scoped3A_420, %dma_wait3A_594] : memref<4x2x32xi32, #tpu.memory_space<vmem>> -> memref<1x1x32xi32, #tpu.memory_space<vmem>>
        %dma_wait3A_596 = tpu.memref_squeeze %dma_wait3A_595 : memref<1x1x32xi32, #tpu.memory_space<vmem>> -> memref<32xi32, #tpu.memory_space<vmem>>
        %dma_wait3A_597 = arith.constant 0 : i32
        %dma_wait3A_598 = arith.constant 0 : i32
        %dma_wait3A_599 = tpu.memref_slice %arg17[%dma_wait3A_597, %dma_wait3A_598] : memref<5120x128xf32, #tpu.memory_space<vmem_shared>> -> memref<5120x128xf32, #tpu.memory_space<vmem_shared>>
        tpu.wait_indirect_dma semaphore(%run_scoped3A_587 : memref<!tpu.dma_semaphore, #tpu.memory_space<semaphore_mem>>) src(%arg6 : memref<32x128xf32, #tpu.memory_space<vmem>>) dst(%dma_wait3A_599 : memref<5120x128xf32, #tpu.memory_space<vmem_shared>>)
        tpu.yield
      }) : () -> ()
      %add3A_421 = arith.constant 4 : i32
      %add3A_422 = arith.addi %mul3A_358, %add3A_421 : i32
      %add3A_423 = arith.constant 0 : i32
      %add3A_424 = arith.addi %add3A_422, %add3A_423 : i32
      %dma_start3A_425 = arith.constant 0 : i32
      %dma_start3A_426 = arith.constant 0 : i32
      %dma_start3A_427 = arith.constant 0 : i32
      %dma_start3A_428 = tpu.memref_slice %arg5[%dma_start3A_425, %dma_start3A_426, %dma_start3A_427] : memref<4x2x32xi32, #tpu.memory_space<vmem>> -> memref<1x2x32xi32, #tpu.memory_space<vmem>>
      %dma_start3A_429 = tpu.memref_squeeze %dma_start3A_428 : memref<1x2x32xi32, #tpu.memory_space<vmem>> -> memref<2x32xi32, #tpu.memory_space<vmem>>
      %dma_start3A_430 = arith.constant 0 : i32
      %dma_start3A_431 = arith.constant 0 : i32
      %dma_start3A_432 = tpu.memref_slice %arg3[%arg0, %arg1, %add3A_424, %dma_start3A_430, %dma_start3A_431] : memref<2x16x632x2x32xi32, #tpu.memory_space<hbm>> -> memref<1x1x1x2x32xi32, #tpu.memory_space<hbm>>
      %dma_start3A_433 = tpu.memref_squeeze %dma_start3A_432 : memref<1x1x1x2x32xi32, #tpu.memory_space<hbm>> -> memref<2x32xi32, #tpu.memory_space<hbm>>
      %dma_start3A_434 = arith.constant 0 : i32
      %dma_start3A_435 = arith.constant 0 : i32
      %dma_start3A_436 = tpu.memref_slice %arg5[%dma_start3A_425, %dma_start3A_434, %dma_start3A_435] : memref<4x2x32xi32, #tpu.memory_space<vmem>> -> memref<1x2x32xi32, #tpu.memory_space<vmem>>
      %dma_start3A_437 = tpu.memref_squeeze %dma_start3A_436 : memref<1x2x32xi32, #tpu.memory_space<vmem>> -> memref<2x32xi32, #tpu.memory_space<vmem>>
      %dma_start3A_438 = arith.constant 0 : i32
      %dma_start3A_439 = arith.constant 0 : i32
      %dma_start3A_440 = tpu.memref_slice %arg3[%arg0, %arg1, %add3A_424, %dma_start3A_438, %dma_start3A_439] : memref<2x16x632x2x32xi32, #tpu.memory_space<hbm>> -> memref<1x1x1x2x32xi32, #tpu.memory_space<hbm>>
      %dma_start3A_441 = tpu.memref_squeeze %dma_start3A_440 : memref<1x1x1x2x32xi32, #tpu.memory_space<hbm>> -> memref<2x32xi32, #tpu.memory_space<hbm>>
      tpu.enqueue_dma source(%dma_start3A_441 : memref<2x32xi32, #tpu.memory_space<hbm>>) target(%dma_start3A_437 : memref<2x32xi32, #tpu.memory_space<vmem>>) target_semaphore(%arg9 : memref<!tpu.dma_semaphore, #tpu.memory_space<semaphore_mem>>)
      %add3A_442 = arith.constant 2 : i32
      %add3A_443 = arith.addi %mul3A_358, %add3A_442 : i32
      %dma_wait3A_444 = arith.constant 2 : i32
      %dma_wait3A_445 = arith.constant 0 : i32
      %dma_wait3A_446 = arith.constant 0 : i32
      %dma_wait3A_447 = tpu.memref_slice %arg5[%dma_wait3A_444, %dma_wait3A_445, %dma_wait3A_446] : memref<4x2x32xi32, #tpu.memory_space<vmem>> -> memref<1x2x32xi32, #tpu.memory_space<vmem>>
      %dma_wait3A_448 = tpu.memref_squeeze %dma_wait3A_447 : memref<1x2x32xi32, #tpu.memory_space<vmem>> -> memref<2x32xi32, #tpu.memory_space<vmem>>
      %dma_wait3A_449 = arith.constant 0 : i32
      %dma_wait3A_450 = arith.constant 0 : i32
      %dma_wait3A_451 = tpu.memref_slice %arg3[%arg0, %arg1, %add3A_443, %dma_wait3A_449, %dma_wait3A_450] : memref<2x16x632x2x32xi32, #tpu.memory_space<hbm>> -> memref<1x1x1x2x32xi32, #tpu.memory_space<hbm>>
      %dma_wait3A_452 = tpu.memref_squeeze %dma_wait3A_451 : memref<1x1x1x2x32xi32, #tpu.memory_space<hbm>> -> memref<2x32xi32, #tpu.memory_space<hbm>>
      %dma_wait3A_453 = arith.constant 0 : i32
      %dma_wait3A_454 = arith.constant 0 : i32
      %dma_wait3A_455 = tpu.memref_slice %arg5[%dma_wait3A_444, %dma_wait3A_453, %dma_wait3A_454] : memref<4x2x32xi32, #tpu.memory_space<vmem>> -> memref<1x2x32xi32, #tpu.memory_space<vmem>>
      %dma_wait3A_456 = tpu.memref_squeeze %dma_wait3A_455 : memref<1x2x32xi32, #tpu.memory_space<vmem>> -> memref<2x32xi32, #tpu.memory_space<vmem>>
      %dma_wait3A_457 = arith.constant 0 : i32
      %dma_wait3A_458 = arith.constant 0 : i32
      %dma_wait3A_459 = tpu.memref_slice %arg3[%arg0, %arg1, %add3A_443, %dma_wait3A_457, %dma_wait3A_458] : memref<2x16x632x2x32xi32, #tpu.memory_space<hbm>> -> memref<1x1x1x2x32xi32, #tpu.memory_space<hbm>>
      %dma_wait3A_460 = tpu.memref_squeeze %dma_wait3A_459 : memref<1x1x1x2x32xi32, #tpu.memory_space<hbm>> -> memref<2x32xi32, #tpu.memory_space<hbm>>
      tpu.wait_dma2 semaphore(%arg11 : memref<!tpu.dma_semaphore, #tpu.memory_space<semaphore_mem>>) src(%dma_wait3A_460 : memref<2x32xi32, #tpu.memory_space<hbm>>) dst(%dma_wait3A_456 : memref<2x32xi32, #tpu.memory_space<vmem>>)
      %dma_start3A_461 = arith.constant 2 : i32
      %dma_start3A_462 = arith.constant 0 : i32
      %dma_start3A_463 = arith.constant 0 : i32
      %dma_start3A_464 = tpu.memref_slice %arg5[%dma_start3A_461, %dma_start3A_462, %dma_start3A_463] : memref<4x2x32xi32, #tpu.memory_space<vmem>> -> memref<1x1x32xi32, #tpu.memory_space<vmem>>
      %dma_start3A_465 = tpu.memref_squeeze %dma_start3A_464 : memref<1x1x32xi32, #tpu.memory_space<vmem>> -> memref<32xi32, #tpu.memory_space<vmem>>
      %dma_start3A_466 = arith.constant 0 : i32
      %dma_start3A_467 = arith.constant 0 : i32
      %dma_start3A_468 = tpu.memref_slice %arg16[%dma_start3A_466, %dma_start3A_467] : memref<10000x128xf32, #tpu.memory_space<vmem_shared>> -> memref<10000x128xf32, #tpu.memory_space<vmem_shared>>
      tpu.enqueue_indirect_dma source(%dma_start3A_468 : memref<10000x128xf32, #tpu.memory_space<vmem_shared>>) target(%arg6 : memref<32x128xf32, #tpu.memory_space<vmem>>) offsets(%dma_start3A_465 : memref<32xi32, #tpu.memory_space<vmem>>) semaphore(%arg13 : memref<!tpu.dma_semaphore, #tpu.memory_space<semaphore_mem>>)
      %dma_wait3A_469 = arith.constant 1 : i32
      %dma_wait3A_470 = arith.constant 0 : i32
      %dma_wait3A_471 = arith.constant 0 : i32
      %dma_wait3A_472 = tpu.memref_slice %arg5[%dma_wait3A_469, %dma_wait3A_470, %dma_wait3A_471] : memref<4x2x32xi32, #tpu.memory_space<vmem>> -> memref<1x1x32xi32, #tpu.memory_space<vmem>>
      %dma_wait3A_473 = tpu.memref_squeeze %dma_wait3A_472 : memref<1x1x32xi32, #tpu.memory_space<vmem>> -> memref<32xi32, #tpu.memory_space<vmem>>
      %dma_wait3A_474 = arith.constant 0 : i32
      %dma_wait3A_475 = arith.constant 0 : i32
      %dma_wait3A_476 = tpu.memref_slice %arg16[%dma_wait3A_474, %dma_wait3A_475] : memref<10000x128xf32, #tpu.memory_space<vmem_shared>> -> memref<10000x128xf32, #tpu.memory_space<vmem_shared>>
      tpu.wait_indirect_dma semaphore(%arg14 : memref<!tpu.dma_semaphore, #tpu.memory_space<semaphore_mem>>) src(%dma_wait3A_476 : memref<10000x128xf32, #tpu.memory_space<vmem_shared>>) dst(%arg7 : memref<32x128xf32, #tpu.memory_space<vmem>>)
      %run_scoped3A_477 = arith.constant 1 : i32
      %run_scoped3A_478 = arith.constant 1 : i32
      "tpu.region"() ({
        %run_scoped3A_587 = tpu.sem_alloc : memref<!tpu.dma_semaphore, #tpu.memory_space<semaphore_mem>>
        %dma_start3A_588 = arith.constant 0 : i32
        %dma_start3A_589 = tpu.memref_slice %arg5[%run_scoped3A_477, %run_scoped3A_478, %dma_start3A_588] : memref<4x2x32xi32, #tpu.memory_space<vmem>> -> memref<1x1x32xi32, #tpu.memory_space<vmem>>
        %dma_start3A_590 = tpu.memref_squeeze %dma_start3A_589 : memref<1x1x32xi32, #tpu.memory_space<vmem>> -> memref<32xi32, #tpu.memory_space<vmem>>
        %dma_start3A_591 = arith.constant 0 : i32
        %dma_start3A_592 = arith.constant 0 : i32
        %dma_start3A_593 = tpu.memref_slice %arg17[%dma_start3A_591, %dma_start3A_592] : memref<5120x128xf32, #tpu.memory_space<vmem_shared>> -> memref<5120x128xf32, #tpu.memory_space<vmem_shared>>
        tpu.enqueue_indirect_dma source(%arg7 : memref<32x128xf32, #tpu.memory_space<vmem>>) target(%dma_start3A_593 : memref<5120x128xf32, #tpu.memory_space<vmem_shared>>) offsets(%dma_start3A_590 : memref<32xi32, #tpu.memory_space<vmem>>) semaphore(%run_scoped3A_587 : memref<!tpu.dma_semaphore, #tpu.memory_space<semaphore_mem>>) {add = true}
        %dma_wait3A_594 = arith.constant 0 : i32
        %dma_wait3A_595 = tpu.memref_slice %arg5[%run_scoped3A_477, %run_scoped3A_478, %dma_wait3A_594] : memref<4x2x32xi32, #tpu.memory_space<vmem>> -> memref<1x1x32xi32, #tpu.memory_space<vmem>>
        %dma_wait3A_596 = tpu.memref_squeeze %dma_wait3A_595 : memref<1x1x32xi32, #tpu.memory_space<vmem>> -> memref<32xi32, #tpu.memory_space<vmem>>
        %dma_wait3A_597 = arith.constant 0 : i32
        %dma_wait3A_598 = arith.constant 0 : i32
        %dma_wait3A_599 = tpu.memref_slice %arg17[%dma_wait3A_597, %dma_wait3A_598] : memref<5120x128xf32, #tpu.memory_space<vmem_shared>> -> memref<5120x128xf32, #tpu.memory_space<vmem_shared>>
        tpu.wait_indirect_dma semaphore(%run_scoped3A_587 : memref<!tpu.dma_semaphore, #tpu.memory_space<semaphore_mem>>) src(%arg7 : memref<32x128xf32, #tpu.memory_space<vmem>>) dst(%dma_wait3A_599 : memref<5120x128xf32, #tpu.memory_space<vmem_shared>>)
        tpu.yield
      }) : () -> ()
      %add3A_479 = arith.constant 4 : i32
      %add3A_480 = arith.addi %mul3A_358, %add3A_479 : i32
      %add3A_481 = arith.constant 1 : i32
      %add3A_482 = arith.addi %add3A_480, %add3A_481 : i32
      %dma_start3A_483 = arith.constant 1 : i32
      %dma_start3A_484 = arith.constant 0 : i32
      %dma_start3A_485 = arith.constant 0 : i32
      %dma_start3A_486 = tpu.memref_slice %arg5[%dma_start3A_483, %dma_start3A_484, %dma_start3A_485] : memref<4x2x32xi32, #tpu.memory_space<vmem>> -> memref<1x2x32xi32, #tpu.memory_space<vmem>>
      %dma_start3A_487 = tpu.memref_squeeze %dma_start3A_486 : memref<1x2x32xi32, #tpu.memory_space<vmem>> -> memref<2x32xi32, #tpu.memory_space<vmem>>
      %dma_start3A_488 = arith.constant 0 : i32
      %dma_start3A_489 = arith.constant 0 : i32
      %dma_start3A_490 = tpu.memref_slice %arg3[%arg0, %arg1, %add3A_482, %dma_start3A_488, %dma_start3A_489] : memref<2x16x632x2x32xi32, #tpu.memory_space<hbm>> -> memref<1x1x1x2x32xi32, #tpu.memory_space<hbm>>
      %dma_start3A_491 = tpu.memref_squeeze %dma_start3A_490 : memref<1x1x1x2x32xi32, #tpu.memory_space<hbm>> -> memref<2x32xi32, #tpu.memory_space<hbm>>
      %dma_start3A_492 = arith.constant 0 : i32
      %dma_start3A_493 = arith.constant 0 : i32
      %dma_start3A_494 = tpu.memref_slice %arg5[%dma_start3A_483, %dma_start3A_492, %dma_start3A_493] : memref<4x2x32xi32, #tpu.memory_space<vmem>> -> memref<1x2x32xi32, #tpu.memory_space<vmem>>
      %dma_start3A_495 = tpu.memref_squeeze %dma_start3A_494 : memref<1x2x32xi32, #tpu.memory_space<vmem>> -> memref<2x32xi32, #tpu.memory_space<vmem>>
      %dma_start3A_496 = arith.constant 0 : i32
      %dma_start3A_497 = arith.constant 0 : i32
      %dma_start3A_498 = tpu.memref_slice %arg3[%arg0, %arg1, %add3A_482, %dma_start3A_496, %dma_start3A_497] : memref<2x16x632x2x32xi32, #tpu.memory_space<hbm>> -> memref<1x1x1x2x32xi32, #tpu.memory_space<hbm>>
      %dma_start3A_499 = tpu.memref_squeeze %dma_start3A_498 : memref<1x1x1x2x32xi32, #tpu.memory_space<hbm>> -> memref<2x32xi32, #tpu.memory_space<hbm>>
      tpu.enqueue_dma source(%dma_start3A_499 : memref<2x32xi32, #tpu.memory_space<hbm>>) target(%dma_start3A_495 : memref<2x32xi32, #tpu.memory_space<vmem>>) target_semaphore(%arg10 : memref<!tpu.dma_semaphore, #tpu.memory_space<semaphore_mem>>)
      %add3A_500 = arith.constant 3 : i32
      %add3A_501 = arith.addi %mul3A_358, %add3A_500 : i32
      %dma_wait3A_502 = arith.constant 3 : i32
      %dma_wait3A_503 = arith.constant 0 : i32
      %dma_wait3A_504 = arith.constant 0 : i32
      %dma_wait3A_505 = tpu.memref_slice %arg5[%dma_wait3A_502, %dma_wait3A_503, %dma_wait3A_504] : memref<4x2x32xi32, #tpu.memory_space<vmem>> -> memref<1x2x32xi32, #tpu.memory_space<vmem>>
      %dma_wait3A_506 = tpu.memref_squeeze %dma_wait3A_505 : memref<1x2x32xi32, #tpu.memory_space<vmem>> -> memref<2x32xi32, #tpu.memory_space<vmem>>
      %dma_wait3A_507 = arith.constant 0 : i32
      %dma_wait3A_508 = arith.constant 0 : i32
      %dma_wait3A_509 = tpu.memref_slice %arg3[%arg0, %arg1, %add3A_501, %dma_wait3A_507, %dma_wait3A_508] : memref<2x16x632x2x32xi32, #tpu.memory_space<hbm>> -> memref<1x1x1x2x32xi32, #tpu.memory_space<hbm>>
      %dma_wait3A_510 = tpu.memref_squeeze %dma_wait3A_509 : memref<1x1x1x2x32xi32, #tpu.memory_space<hbm>> -> memref<2x32xi32, #tpu.memory_space<hbm>>
      %dma_wait3A_511 = arith.constant 0 : i32
      %dma_wait3A_512 = arith.constant 0 : i32
      %dma_wait3A_513 = tpu.memref_slice %arg5[%dma_wait3A_502, %dma_wait3A_511, %dma_wait3A_512] : memref<4x2x32xi32, #tpu.memory_space<vmem>> -> memref<1x2x32xi32, #tpu.memory_space<vmem>>
      %dma_wait3A_514 = tpu.memref_squeeze %dma_wait3A_513 : memref<1x2x32xi32, #tpu.memory_space<vmem>> -> memref<2x32xi32, #tpu.memory_space<vmem>>
      %dma_wait3A_515 = arith.constant 0 : i32
      %dma_wait3A_516 = arith.constant 0 : i32
      %dma_wait3A_517 = tpu.memref_slice %arg3[%arg0, %arg1, %add3A_501, %dma_wait3A_515, %dma_wait3A_516] : memref<2x16x632x2x32xi32, #tpu.memory_space<hbm>> -> memref<1x1x1x2x32xi32, #tpu.memory_space<hbm>>
      %dma_wait3A_518 = tpu.memref_squeeze %dma_wait3A_517 : memref<1x1x1x2x32xi32, #tpu.memory_space<hbm>> -> memref<2x32xi32, #tpu.memory_space<hbm>>
      tpu.wait_dma2 semaphore(%arg12 : memref<!tpu.dma_semaphore, #tpu.memory_space<semaphore_mem>>) src(%dma_wait3A_518 : memref<2x32xi32, #tpu.memory_space<hbm>>) dst(%dma_wait3A_514 : memref<2x32xi32, #tpu.memory_space<vmem>>)
      %dma_start3A_519 = arith.constant 3 : i32
      %dma_start3A_520 = arith.constant 0 : i32
      %dma_start3A_521 = arith.constant 0 : i32
      %dma_start3A_522 = tpu.memref_slice %arg5[%dma_start3A_519, %dma_start3A_520, %dma_start3A_521] : memref<4x2x32xi32, #tpu.memory_space<vmem>> -> memref<1x1x32xi32, #tpu.memory_space<vmem>>
      %dma_start3A_523 = tpu.memref_squeeze %dma_start3A_522 : memref<1x1x32xi32, #tpu.memory_space<vmem>> -> memref<32xi32, #tpu.memory_space<vmem>>
      %dma_start3A_524 = arith.constant 0 : i32
      %dma_start3A_525 = arith.constant 0 : i32
      %dma_start3A_526 = tpu.memref_slice %arg16[%dma_start3A_524, %dma_start3A_525] : memref<10000x128xf32, #tpu.memory_space<vmem_shared>> -> memref<10000x128xf32, #tpu.memory_space<vmem_shared>>
      tpu.enqueue_indirect_dma source(%dma_start3A_526 : memref<10000x128xf32, #tpu.memory_space<vmem_shared>>) target(%arg7 : memref<32x128xf32, #tpu.memory_space<vmem>>) offsets(%dma_start3A_523 : memref<32xi32, #tpu.memory_space<vmem>>) semaphore(%arg14 : memref<!tpu.dma_semaphore, #tpu.memory_space<semaphore_mem>>)
      %dma_wait3A_527 = arith.constant 2 : i32
      %dma_wait3A_528 = arith.constant 0 : i32
      %dma_wait3A_529 = arith.constant 0 : i32
      %dma_wait3A_530 = tpu.memref_slice %arg5[%dma_wait3A_527, %dma_wait3A_528, %dma_wait3A_529] : memref<4x2x32xi32, #tpu.memory_space<vmem>> -> memref<1x1x32xi32, #tpu.memory_space<vmem>>
      %dma_wait3A_531 = tpu.memref_squeeze %dma_wait3A_530 : memref<1x1x32xi32, #tpu.memory_space<vmem>> -> memref<32xi32, #tpu.memory_space<vmem>>
      %dma_wait3A_532 = arith.constant 0 : i32
      %dma_wait3A_533 = arith.constant 0 : i32
      %dma_wait3A_534 = tpu.memref_slice %arg16[%dma_wait3A_532, %dma_wait3A_533] : memref<10000x128xf32, #tpu.memory_space<vmem_shared>> -> memref<10000x128xf32, #tpu.memory_space<vmem_shared>>
      tpu.wait_indirect_dma semaphore(%arg13 : memref<!tpu.dma_semaphore, #tpu.memory_space<semaphore_mem>>) src(%dma_wait3A_534 : memref<10000x128xf32, #tpu.memory_space<vmem_shared>>) dst(%arg6 : memref<32x128xf32, #tpu.memory_space<vmem>>)
      %run_scoped3A_535 = arith.constant 2 : i32
      %run_scoped3A_536 = arith.constant 1 : i32
      "tpu.region"() ({
        %run_scoped3A_587 = tpu.sem_alloc : memref<!tpu.dma_semaphore, #tpu.memory_space<semaphore_mem>>
        %dma_start3A_588 = arith.constant 0 : i32
        %dma_start3A_589 = tpu.memref_slice %arg5[%run_scoped3A_535, %run_scoped3A_536, %dma_start3A_588] : memref<4x2x32xi32, #tpu.memory_space<vmem>> -> memref<1x1x32xi32, #tpu.memory_space<vmem>>
        %dma_start3A_590 = tpu.memref_squeeze %dma_start3A_589 : memref<1x1x32xi32, #tpu.memory_space<vmem>> -> memref<32xi32, #tpu.memory_space<vmem>>
        %dma_start3A_591 = arith.constant 0 : i32
        %dma_start3A_592 = arith.constant 0 : i32
        %dma_start3A_593 = tpu.memref_slice %arg17[%dma_start3A_591, %dma_start3A_592] : memref<5120x128xf32, #tpu.memory_space<vmem_shared>> -> memref<5120x128xf32, #tpu.memory_space<vmem_shared>>
        tpu.enqueue_indirect_dma source(%arg6 : memref<32x128xf32, #tpu.memory_space<vmem>>) target(%dma_start3A_593 : memref<5120x128xf32, #tpu.memory_space<vmem_shared>>) offsets(%dma_start3A_590 : memref<32xi32, #tpu.memory_space<vmem>>) semaphore(%run_scoped3A_587 : memref<!tpu.dma_semaphore, #tpu.memory_space<semaphore_mem>>) {add = true}
        %dma_wait3A_594 = arith.constant 0 : i32
        %dma_wait3A_595 = tpu.memref_slice %arg5[%run_scoped3A_535, %run_scoped3A_536, %dma_wait3A_594] : memref<4x2x32xi32, #tpu.memory_space<vmem>> -> memref<1x1x32xi32, #tpu.memory_space<vmem>>
        %dma_wait3A_596 = tpu.memref_squeeze %dma_wait3A_595 : memref<1x1x32xi32, #tpu.memory_space<vmem>> -> memref<32xi32, #tpu.memory_space<vmem>>
        %dma_wait3A_597 = arith.constant 0 : i32
        %dma_wait3A_598 = arith.constant 0 : i32
        %dma_wait3A_599 = tpu.memref_slice %arg17[%dma_wait3A_597, %dma_wait3A_598] : memref<5120x128xf32, #tpu.memory_space<vmem_shared>> -> memref<5120x128xf32, #tpu.memory_space<vmem_shared>>
        tpu.wait_indirect_dma semaphore(%run_scoped3A_587 : memref<!tpu.dma_semaphore, #tpu.memory_space<semaphore_mem>>) src(%arg6 : memref<32x128xf32, #tpu.memory_space<vmem>>) dst(%dma_wait3A_599 : memref<5120x128xf32, #tpu.memory_space<vmem_shared>>)
        tpu.yield
      }) : () -> ()
      %add3A_537 = arith.constant 4 : i32
      %add3A_538 = arith.addi %mul3A_358, %add3A_537 : i32
      %add3A_539 = arith.constant 2 : i32
      %add3A_540 = arith.addi %add3A_538, %add3A_539 : i32
      %dma_start3A_541 = arith.constant 2 : i32
      %dma_start3A_542 = arith.constant 0 : i32
      %dma_start3A_543 = arith.constant 0 : i32
      %dma_start3A_544 = tpu.memref_slice %arg5[%dma_start3A_541, %dma_start3A_542, %dma_start3A_543] : memref<4x2x32xi32, #tpu.memory_space<vmem>> -> memref<1x2x32xi32, #tpu.memory_space<vmem>>
      %dma_start3A_545 = tpu.memref_squeeze %dma_start3A_544 : memref<1x2x32xi32, #tpu.memory_space<vmem>> -> memref<2x32xi32, #tpu.memory_space<vmem>>
      %dma_start3A_546 = arith.constant 0 : i32
      %dma_start3A_547 = arith.constant 0 : i32
      %dma_start3A_548 = tpu.memref_slice %arg3[%arg0, %arg1, %add3A_540, %dma_start3A_546, %dma_start3A_547] : memref<2x16x632x2x32xi32, #tpu.memory_space<hbm>> -> memref<1x1x1x2x32xi32, #tpu.memory_space<hbm>>
      %dma_start3A_549 = tpu.memref_squeeze %dma_start3A_548 : memref<1x1x1x2x32xi32, #tpu.memory_space<hbm>> -> memref<2x32xi32, #tpu.memory_space<hbm>>
      %dma_start3A_550 = arith.constant 0 : i32
      %dma_start3A_551 = arith.constant 0 : i32
      %dma_start3A_552 = tpu.memref_slice %arg5[%dma_start3A_541, %dma_start3A_550, %dma_start3A_551] : memref<4x2x32xi32, #tpu.memory_space<vmem>> -> memref<1x2x32xi32, #tpu.memory_space<vmem>>
      %dma_start3A_553 = tpu.memref_squeeze %dma_start3A_552 : memref<1x2x32xi32, #tpu.memory_space<vmem>> -> memref<2x32xi32, #tpu.memory_space<vmem>>
      %dma_start3A_554 = arith.constant 0 : i32
      %dma_start3A_555 = arith.constant 0 : i32
      %dma_start3A_556 = tpu.memref_slice %arg3[%arg0, %arg1, %add3A_540, %dma_start3A_554, %dma_start3A_555] : memref<2x16x632x2x32xi32, #tpu.memory_space<hbm>> -> memref<1x1x1x2x32xi32, #tpu.memory_space<hbm>>
      %dma_start3A_557 = tpu.memref_squeeze %dma_start3A_556 : memref<1x1x1x2x32xi32, #tpu.memory_space<hbm>> -> memref<2x32xi32, #tpu.memory_space<hbm>>
      tpu.enqueue_dma source(%dma_start3A_557 : memref<2x32xi32, #tpu.memory_space<hbm>>) target(%dma_start3A_553 : memref<2x32xi32, #tpu.memory_space<vmem>>) target_semaphore(%arg11 : memref<!tpu.dma_semaphore, #tpu.memory_space<semaphore_mem>>)
      %dma_wait3A_558 = arith.constant 3 : i32
      %dma_wait3A_559 = arith.constant 0 : i32
      %dma_wait3A_560 = arith.constant 0 : i32
      %dma_wait3A_561 = tpu.memref_slice %arg5[%dma_wait3A_558, %dma_wait3A_559, %dma_wait3A_560] : memref<4x2x32xi32, #tpu.memory_space<vmem>> -> memref<1x1x32xi32, #tpu.memory_space<vmem>>
      %dma_wait3A_562 = tpu.memref_squeeze %dma_wait3A_561 : memref<1x1x32xi32, #tpu.memory_space<vmem>> -> memref<32xi32, #tpu.memory_space<vmem>>
      %dma_wait3A_563 = arith.constant 0 : i32
      %dma_wait3A_564 = arith.constant 0 : i32
      %dma_wait3A_565 = tpu.memref_slice %arg16[%dma_wait3A_563, %dma_wait3A_564] : memref<10000x128xf32, #tpu.memory_space<vmem_shared>> -> memref<10000x128xf32, #tpu.memory_space<vmem_shared>>
      tpu.wait_indirect_dma semaphore(%arg14 : memref<!tpu.dma_semaphore, #tpu.memory_space<semaphore_mem>>) src(%dma_wait3A_565 : memref<10000x128xf32, #tpu.memory_space<vmem_shared>>) dst(%arg7 : memref<32x128xf32, #tpu.memory_space<vmem>>)
      %run_scoped3A_566 = arith.constant 3 : i32
      %run_scoped3A_567 = arith.constant 1 : i32
      "tpu.region"() ({
        %run_scoped3A_587 = tpu.sem_alloc : memref<!tpu.dma_semaphore, #tpu.memory_space<semaphore_mem>>
        %dma_start3A_588 = arith.constant 0 : i32
        %dma_start3A_589 = tpu.memref_slice %arg5[%run_scoped3A_566, %run_scoped3A_567, %dma_start3A_588] : memref<4x2x32xi32, #tpu.memory_space<vmem>> -> memref<1x1x32xi32, #tpu.memory_space<vmem>>
        %dma_start3A_590 = tpu.memref_squeeze %dma_start3A_589 : memref<1x1x32xi32, #tpu.memory_space<vmem>> -> memref<32xi32, #tpu.memory_space<vmem>>
        %dma_start3A_591 = arith.constant 0 : i32
        %dma_start3A_592 = arith.constant 0 : i32
        %dma_start3A_593 = tpu.memref_slice %arg17[%dma_start3A_591, %dma_start3A_592] : memref<5120x128xf32, #tpu.memory_space<vmem_shared>> -> memref<5120x128xf32, #tpu.memory_space<vmem_shared>>
        tpu.enqueue_indirect_dma source(%arg7 : memref<32x128xf32, #tpu.memory_space<vmem>>) target(%dma_start3A_593 : memref<5120x128xf32, #tpu.memory_space<vmem_shared>>) offsets(%dma_start3A_590 : memref<32xi32, #tpu.memory_space<vmem>>) semaphore(%run_scoped3A_587 : memref<!tpu.dma_semaphore, #tpu.memory_space<semaphore_mem>>) {add = true}
        %dma_wait3A_594 = arith.constant 0 : i32
        %dma_wait3A_595 = tpu.memref_slice %arg5[%run_scoped3A_566, %run_scoped3A_567, %dma_wait3A_594] : memref<4x2x32xi32, #tpu.memory_space<vmem>> -> memref<1x1x32xi32, #tpu.memory_space<vmem>>
        %dma_wait3A_596 = tpu.memref_squeeze %dma_wait3A_595 : memref<1x1x32xi32, #tpu.memory_space<vmem>> -> memref<32xi32, #tpu.memory_space<vmem>>
        %dma_wait3A_597 = arith.constant 0 : i32
        %dma_wait3A_598 = arith.constant 0 : i32
        %dma_wait3A_599 = tpu.memref_slice %arg17[%dma_wait3A_597, %dma_wait3A_598] : memref<5120x128xf32, #tpu.memory_space<vmem_shared>> -> memref<5120x128xf32, #tpu.memory_space<vmem_shared>>
        tpu.wait_indirect_dma semaphore(%run_scoped3A_587 : memref<!tpu.dma_semaphore, #tpu.memory_space<semaphore_mem>>) src(%arg7 : memref<32x128xf32, #tpu.memory_space<vmem>>) dst(%dma_wait3A_599 : memref<5120x128xf32, #tpu.memory_space<vmem_shared>>)
        tpu.yield
      }) : () -> ()
      %add3A_568 = arith.constant 7 : i32
      %add3A_569 = arith.addi %mul3A_358, %add3A_568 : i32
      %dma_start3A_570 = arith.constant 3 : i32
      %dma_start3A_571 = arith.constant 0 : i32
      %dma_start3A_572 = arith.constant 0 : i32
      %dma_start3A_573 = tpu.memref_slice %arg5[%dma_start3A_570, %dma_start3A_571, %dma_start3A_572] : memref<4x2x32xi32, #tpu.memory_space<vmem>> -> memref<1x2x32xi32, #tpu.memory_space<vmem>>
      %dma_start3A_574 = tpu.memref_squeeze %dma_start3A_573 : memref<1x2x32xi32, #tpu.memory_space<vmem>> -> memref<2x32xi32, #tpu.memory_space<vmem>>
      %dma_start3A_575 = arith.constant 0 : i32
      %dma_start3A_576 = arith.constant 0 : i32
      %dma_start3A_577 = tpu.memref_slice %arg3[%arg0, %arg1, %add3A_569, %dma_start3A_575, %dma_start3A_576] : memref<2x16x632x2x32xi32, #tpu.memory_space<hbm>> -> memref<1x1x1x2x32xi32, #tpu.memory_space<hbm>>
      %dma_start3A_578 = tpu.memref_squeeze %dma_start3A_577 : memref<1x1x1x2x32xi32, #tpu.memory_space<hbm>> -> memref<2x32xi32, #tpu.memory_space<hbm>>
      %dma_start3A_579 = arith.constant 0 : i32
      %dma_start3A_580 = arith.constant 0 : i32
      %dma_start3A_581 = tpu.memref_slice %arg5[%dma_start3A_570, %dma_start3A_579, %dma_start3A_580] : memref<4x2x32xi32, #tpu.memory_space<vmem>> -> memref<1x2x32xi32, #tpu.memory_space<vmem>>
      %dma_start3A_582 = tpu.memref_squeeze %dma_start3A_581 : memref<1x2x32xi32, #tpu.memory_space<vmem>> -> memref<2x32xi32, #tpu.memory_space<vmem>>
      %dma_start3A_583 = arith.constant 0 : i32
      %dma_start3A_584 = arith.constant 0 : i32
      %dma_start3A_585 = tpu.memref_slice %arg3[%arg0, %arg1, %add3A_569, %dma_start3A_583, %dma_start3A_584] : memref<2x16x632x2x32xi32, #tpu.memory_space<hbm>> -> memref<1x1x1x2x32xi32, #tpu.memory_space<hbm>>
      %dma_start3A_586 = tpu.memref_squeeze %dma_start3A_585 : memref<1x1x1x2x32xi32, #tpu.memory_space<hbm>> -> memref<2x32xi32, #tpu.memory_space<hbm>>
      tpu.enqueue_dma source(%dma_start3A_586 : memref<2x32xi32, #tpu.memory_space<hbm>>) target(%dma_start3A_582 : memref<2x32xi32, #tpu.memory_space<vmem>>) target_semaphore(%arg12 : memref<!tpu.dma_semaphore, #tpu.memory_space<semaphore_mem>>)
    }
    %scan3A_280 = arith.constant 157 : i32
    %dma_wait3A = arith.constant 628 : i32
    %dma_wait3A_281 = arith.constant 0 : i32
    %dma_wait3A_282 = arith.constant 0 : i32
    %dma_wait3A_283 = arith.constant 0 : i32
    %dma_wait3A_284 = tpu.memref_slice %arg5[%dma_wait3A_281, %dma_wait3A_282, %dma_wait3A_283] : memref<4x2x32xi32, #tpu.memory_space<vmem>> -> memref<1x2x32xi32, #tpu.memory_space<vmem>>
    %dma_wait3A_285 = tpu.memref_squeeze %dma_wait3A_284 : memref<1x2x32xi32, #tpu.memory_space<vmem>> -> memref<2x32xi32, #tpu.memory_space<vmem>>
    %dma_wait3A_286 = arith.constant 0 : i32
    %dma_wait3A_287 = arith.constant 0 : i32
    %dma_wait3A_288 = tpu.memref_slice %arg3[%arg0, %arg1, %dma_wait3A, %dma_wait3A_286, %dma_wait3A_287] : memref<2x16x632x2x32xi32, #tpu.memory_space<hbm>> -> memref<1x1x1x2x32xi32, #tpu.memory_space<hbm>>
    %dma_wait3A_289 = tpu.memref_squeeze %dma_wait3A_288 : memref<1x1x1x2x32xi32, #tpu.memory_space<hbm>> -> memref<2x32xi32, #tpu.memory_space<hbm>>
    %dma_wait3A_290 = arith.constant 0 : i32
    %dma_wait3A_291 = arith.constant 0 : i32
    %dma_wait3A_292 = tpu.memref_slice %arg5[%dma_wait3A_281, %dma_wait3A_290, %dma_wait3A_291] : memref<4x2x32xi32, #tpu.memory_space<vmem>> -> memref<1x2x32xi32, #tpu.memory_space<vmem>>
    %dma_wait3A_293 = tpu.memref_squeeze %dma_wait3A_292 : memref<1x2x32xi32, #tpu.memory_space<vmem>> -> memref<2x32xi32, #tpu.memory_space<vmem>>
    %dma_wait3A_294 = arith.constant 0 : i32
    %dma_wait3A_295 = arith.constant 0 : i32
    %dma_wait3A_296 = tpu.memref_slice %arg3[%arg0, %arg1, %dma_wait3A, %dma_wait3A_294, %dma_wait3A_295] : memref<2x16x632x2x32xi32, #tpu.memory_space<hbm>> -> memref<1x1x1x2x32xi32, #tpu.memory_space<hbm>>
    %dma_wait3A_297 = tpu.memref_squeeze %dma_wait3A_296 : memref<1x1x1x2x32xi32, #tpu.memory_space<hbm>> -> memref<2x32xi32, #tpu.memory_space<hbm>>
    tpu.wait_dma2 semaphore(%arg9 : memref<!tpu.dma_semaphore, #tpu.memory_space<semaphore_mem>>) src(%dma_wait3A_297 : memref<2x32xi32, #tpu.memory_space<hbm>>) dst(%dma_wait3A_293 : memref<2x32xi32, #tpu.memory_space<vmem>>)
    %dma_wait3A_298 = arith.constant 629 : i32
    %dma_wait3A_299 = arith.constant 1 : i32
    %dma_wait3A_300 = arith.constant 0 : i32
    %dma_wait3A_301 = arith.constant 0 : i32
    %dma_wait3A_302 = tpu.memref_slice %arg5[%dma_wait3A_299, %dma_wait3A_300, %dma_wait3A_301] : memref<4x2x32xi32, #tpu.memory_space<vmem>> -> memref<1x2x32xi32, #tpu.memory_space<vmem>>
    %dma_wait3A_303 = tpu.memref_squeeze %dma_wait3A_302 : memref<1x2x32xi32, #tpu.memory_space<vmem>> -> memref<2x32xi32, #tpu.memory_space<vmem>>
    %dma_wait3A_304 = arith.constant 0 : i32
    %dma_wait3A_305 = arith.constant 0 : i32
    %dma_wait3A_306 = tpu.memref_slice %arg3[%arg0, %arg1, %dma_wait3A_298, %dma_wait3A_304, %dma_wait3A_305] : memref<2x16x632x2x32xi32, #tpu.memory_space<hbm>> -> memref<1x1x1x2x32xi32, #tpu.memory_space<hbm>>
    %dma_wait3A_307 = tpu.memref_squeeze %dma_wait3A_306 : memref<1x1x1x2x32xi32, #tpu.memory_space<hbm>> -> memref<2x32xi32, #tpu.memory_space<hbm>>
    %dma_wait3A_308 = arith.constant 0 : i32
    %dma_wait3A_309 = arith.constant 0 : i32
    %dma_wait3A_310 = tpu.memref_slice %arg5[%dma_wait3A_299, %dma_wait3A_308, %dma_wait3A_309] : memref<4x2x32xi32, #tpu.memory_space<vmem>> -> memref<1x2x32xi32, #tpu.memory_space<vmem>>
    %dma_wait3A_311 = tpu.memref_squeeze %dma_wait3A_310 : memref<1x2x32xi32, #tpu.memory_space<vmem>> -> memref<2x32xi32, #tpu.memory_space<vmem>>
    %dma_wait3A_312 = arith.constant 0 : i32
    %dma_wait3A_313 = arith.constant 0 : i32
    %dma_wait3A_314 = tpu.memref_slice %arg3[%arg0, %arg1, %dma_wait3A_298, %dma_wait3A_312, %dma_wait3A_313] : memref<2x16x632x2x32xi32, #tpu.memory_space<hbm>> -> memref<1x1x1x2x32xi32, #tpu.memory_space<hbm>>
    %dma_wait3A_315 = tpu.memref_squeeze %dma_wait3A_314 : memref<1x1x1x2x32xi32, #tpu.memory_space<hbm>> -> memref<2x32xi32, #tpu.memory_space<hbm>>
    tpu.wait_dma2 semaphore(%arg10 : memref<!tpu.dma_semaphore, #tpu.memory_space<semaphore_mem>>) src(%dma_wait3A_315 : memref<2x32xi32, #tpu.memory_space<hbm>>) dst(%dma_wait3A_311 : memref<2x32xi32, #tpu.memory_space<vmem>>)
    %dma_wait3A_316 = arith.constant 630 : i32
    %dma_wait3A_317 = arith.constant 2 : i32
    %dma_wait3A_318 = arith.constant 0 : i32
    %dma_wait3A_319 = arith.constant 0 : i32
    %dma_wait3A_320 = tpu.memref_slice %arg5[%dma_wait3A_317, %dma_wait3A_318, %dma_wait3A_319] : memref<4x2x32xi32, #tpu.memory_space<vmem>> -> memref<1x2x32xi32, #tpu.memory_space<vmem>>
    %dma_wait3A_321 = tpu.memref_squeeze %dma_wait3A_320 : memref<1x2x32xi32, #tpu.memory_space<vmem>> -> memref<2x32xi32, #tpu.memory_space<vmem>>
    %dma_wait3A_322 = arith.constant 0 : i32
    %dma_wait3A_323 = arith.constant 0 : i32
    %dma_wait3A_324 = tpu.memref_slice %arg3[%arg0, %arg1, %dma_wait3A_316, %dma_wait3A_322, %dma_wait3A_323] : memref<2x16x632x2x32xi32, #tpu.memory_space<hbm>> -> memref<1x1x1x2x32xi32, #tpu.memory_space<hbm>>
    %dma_wait3A_325 = tpu.memref_squeeze %dma_wait3A_324 : memref<1x1x1x2x32xi32, #tpu.memory_space<hbm>> -> memref<2x32xi32, #tpu.memory_space<hbm>>
    %dma_wait3A_326 = arith.constant 0 : i32
    %dma_wait3A_327 = arith.constant 0 : i32
    %dma_wait3A_328 = tpu.memref_slice %arg5[%dma_wait3A_317, %dma_wait3A_326, %dma_wait3A_327] : memref<4x2x32xi32, #tpu.memory_space<vmem>> -> memref<1x2x32xi32, #tpu.memory_space<vmem>>
    %dma_wait3A_329 = tpu.memref_squeeze %dma_wait3A_328 : memref<1x2x32xi32, #tpu.memory_space<vmem>> -> memref<2x32xi32, #tpu.memory_space<vmem>>
    %dma_wait3A_330 = arith.constant 0 : i32
    %dma_wait3A_331 = arith.constant 0 : i32
    %dma_wait3A_332 = tpu.memref_slice %arg3[%arg0, %arg1, %dma_wait3A_316, %dma_wait3A_330, %dma_wait3A_331] : memref<2x16x632x2x32xi32, #tpu.memory_space<hbm>> -> memref<1x1x1x2x32xi32, #tpu.memory_space<hbm>>
    %dma_wait3A_333 = tpu.memref_squeeze %dma_wait3A_332 : memref<1x1x1x2x32xi32, #tpu.memory_space<hbm>> -> memref<2x32xi32, #tpu.memory_space<hbm>>
    tpu.wait_dma2 semaphore(%arg11 : memref<!tpu.dma_semaphore, #tpu.memory_space<semaphore_mem>>) src(%dma_wait3A_333 : memref<2x32xi32, #tpu.memory_space<hbm>>) dst(%dma_wait3A_329 : memref<2x32xi32, #tpu.memory_space<vmem>>)
    %dma_wait3A_334 = arith.constant 631 : i32
    %dma_wait3A_335 = arith.constant 3 : i32
    %dma_wait3A_336 = arith.constant 0 : i32
    %dma_wait3A_337 = arith.constant 0 : i32
    %dma_wait3A_338 = tpu.memref_slice %arg5[%dma_wait3A_335, %dma_wait3A_336, %dma_wait3A_337] : memref<4x2x32xi32, #tpu.memory_space<vmem>> -> memref<1x2x32xi32, #tpu.memory_space<vmem>>
    %dma_wait3A_339 = tpu.memref_squeeze %dma_wait3A_338 : memref<1x2x32xi32, #tpu.memory_space<vmem>> -> memref<2x32xi32, #tpu.memory_space<vmem>>
    %dma_wait3A_340 = arith.constant 0 : i32
    %dma_wait3A_341 = arith.constant 0 : i32
    %dma_wait3A_342 = tpu.memref_slice %arg3[%arg0, %arg1, %dma_wait3A_334, %dma_wait3A_340, %dma_wait3A_341] : memref<2x16x632x2x32xi32, #tpu.memory_space<hbm>> -> memref<1x1x1x2x32xi32, #tpu.memory_space<hbm>>
    %dma_wait3A_343 = tpu.memref_squeeze %dma_wait3A_342 : memref<1x1x1x2x32xi32, #tpu.memory_space<hbm>> -> memref<2x32xi32, #tpu.memory_space<hbm>>
    %dma_wait3A_344 = arith.constant 0 : i32
    %dma_wait3A_345 = arith.constant 0 : i32
    %dma_wait3A_346 = tpu.memref_slice %arg5[%dma_wait3A_335, %dma_wait3A_344, %dma_wait3A_345] : memref<4x2x32xi32, #tpu.memory_space<vmem>> -> memref<1x2x32xi32, #tpu.memory_space<vmem>>
    %dma_wait3A_347 = tpu.memref_squeeze %dma_wait3A_346 : memref<1x2x32xi32, #tpu.memory_space<vmem>> -> memref<2x32xi32, #tpu.memory_space<vmem>>
    %dma_wait3A_348 = arith.constant 0 : i32
    %dma_wait3A_349 = arith.constant 0 : i32
    %dma_wait3A_350 = tpu.memref_slice %arg3[%arg0, %arg1, %dma_wait3A_334, %dma_wait3A_348, %dma_wait3A_349] : memref<2x16x632x2x32xi32, #tpu.memory_space<hbm>> -> memref<1x1x1x2x32xi32, #tpu.memory_space<hbm>>
    %dma_wait3A_351 = tpu.memref_squeeze %dma_wait3A_350 : memref<1x1x1x2x32xi32, #tpu.memory_space<hbm>> -> memref<2x32xi32, #tpu.memory_space<hbm>>
    tpu.wait_dma2 semaphore(%arg12 : memref<!tpu.dma_semaphore, #tpu.memory_space<semaphore_mem>>) src(%dma_wait3A_351 : memref<2x32xi32, #tpu.memory_space<hbm>>) dst(%dma_wait3A_347 : memref<2x32xi32, #tpu.memory_space<vmem>>)
    %barrier3A_352 = arith.constant 0 : index
    tpu.barrier barrier_id(%barrier3A_352)
    %mul3A = arith.constant 320 : i32
    %mul3A_353 = arith.muli %arg1, %mul3A : i32
    %mul3A_354 = arith.constant 320 : i32
    %mul3A_355 = arith.muli %arg1, %mul3A_354 : i32
    "tpu.region"() ({
      %run_scoped3A = tpu.sem_alloc : memref<!tpu.dma_semaphore, #tpu.memory_space<semaphore_mem>>
      %dma_start3A_356 = arith.constant 0 : i32
      %dma_start3A_357 = tpu.memref_slice %arg4[%arg0, %mul3A_355, %dma_start3A_356] : memref<2x5120x128xf32, #tpu.memory_space<hbm>> -> memref<1x320x128xf32, #tpu.memory_space<hbm>>
      %dma_start3A_358 = tpu.memref_squeeze %dma_start3A_357 : memref<1x320x128xf32, #tpu.memory_space<hbm>> -> memref<320x128xf32, #tpu.memory_space<hbm>>
      %dma_start3A_359 = arith.constant 0 : i32
      %dma_start3A_360 = tpu.memref_slice %arg17[%mul3A_353, %dma_start3A_359] : memref<5120x128xf32, #tpu.memory_space<vmem_shared>> -> memref<320x128xf32, #tpu.memory_space<vmem_shared>>
      tpu.enqueue_dma source(%dma_start3A_360 : memref<320x128xf32, #tpu.memory_space<vmem_shared>>) target(%dma_start3A_358 : memref<320x128xf32, #tpu.memory_space<hbm>>) target_semaphore(%run_scoped3A : memref<!tpu.dma_semaphore, #tpu.memory_space<semaphore_mem>>)
      %dma_wait3A_361 = arith.constant 0 : i32
      %dma_wait3A_362 = tpu.memref_slice %arg4[%arg0, %mul3A_355, %dma_wait3A_361] : memref<2x5120x128xf32, #tpu.memory_space<hbm>> -> memref<1x320x128xf32, #tpu.memory_space<hbm>>
      %dma_wait3A_363 = tpu.memref_squeeze %dma_wait3A_362 : memref<1x320x128xf32, #tpu.memory_space<hbm>> -> memref<320x128xf32, #tpu.memory_space<hbm>>
      %dma_wait3A_364 = arith.constant 0 : i32
      %dma_wait3A_365 = tpu.memref_slice %arg17[%mul3A_353, %dma_wait3A_364] : memref<5120x128xf32, #tpu.memory_space<vmem_shared>> -> memref<320x128xf32, #tpu.memory_space<vmem_shared>>
      tpu.wait_dma2 semaphore(%run_scoped3A : memref<!tpu.dma_semaphore, #tpu.memory_space<semaphore_mem>>) src(%dma_wait3A_365 : memref<320x128xf32, #tpu.memory_space<vmem_shared>>) dst(%dma_wait3A_363 : memref<320x128xf32, #tpu.memory_space<hbm>>)
      tpu.yield
    }) : () -> ()
    return
  }
}

module attributes {stable_mosaic.version = 14 : i64} {
  func.func @body(%arg0: i32, %arg1: memref<1000x128xf32, #tpu.memory_space<vmem>>, %arg2: memref<128x128xf32, #tpu.memory_space<vmem>>, %arg3: memref<1000x128xf32, #tpu.memory_space<vmem>>) attributes {dimension_semantics = [#tpu.dimension_semantics<arbitrary>], iteration_bounds = array<i64: 10>, scalar_prefetch = 0 : i64, scratch_operands = 0 : i64, tpu.core_type = #tpu.core_type<tc>, window_params = [{transform_indices = @transform_0, window_bounds = array<i64: 1000, 128>}, {pipeline_mode = #tpu.pipeline_mode<synchronous>, transform_indices = @transform_1, window_bounds = array<i64: 128, 128>}, {transform_indices = @transform_2, window_bounds = array<i64: 1000, 128>}]} {
    %get3A = arith.constant 0 : index
    %get3A_0 = arith.constant 0 : index
    %get3A_1 = vector.load %arg1[%get3A, %get3A_0] : memref<1000x128xf32, #tpu.memory_space<vmem>>, vector<1000x128xf32>
    %get3A_2 = arith.constant 0 : index
    %get3A_3 = arith.constant 0 : index
    %get3A_4 = vector.load %arg2[%get3A_2, %get3A_3] : memref<128x128xf32, #tpu.memory_space<vmem>>, vector<128x128xf32>
    %dot_general3A = arith.constant dense<0.000000e+00> : vector<1000x128xf32>
    %dot_general3A_5 = tpu.matmul %get3A_1, %get3A_4, %dot_general3A {dimension_numbers = #tpu.dot_dimension_numbers<[1], [0], [0], [1], [0, 0, 1, 1], [], []>, transpose_lhs_hint = false} : vector<1000x128xf32>, vector<128x128xf32>, vector<1000x128xf32> -> vector<1000x128xf32>
    %swap3A = arith.constant 0 : index
    %swap3A_6 = arith.constant 0 : index
    %swap3A_7 = vector.load %arg3[%swap3A, %swap3A_6] : memref<1000x128xf32, #tpu.memory_space<vmem>>, vector<1000x128xf32>
    tpu.vector_store %arg3[%swap3A, %swap3A_6], %dot_general3A_5 {strides = array<i32>} : memref<1000x128xf32, #tpu.memory_space<vmem>>, vector<1000x128xf32>,
    return
  }
  func.func @transform_0(%arg0: i32) -> (i32, i32) {
    %c0_i32 = arith.constant 0 : i32
    %c0_i32_0 = arith.constant 0 : i32
    return %arg0, %c0_i32 : i32, i32
  }
  func.func @transform_1(%arg0: i32) -> (i32, i32) {
    %c0_i32 = arith.constant 0 : i32
    %c0_i32_0 = arith.constant 0 : i32
    %c0_i32_1 = arith.constant 0 : i32
    return %c0_i32, %c0_i32_0 : i32, i32
  }
  func.func @transform_2(%arg0: i32) -> (i32, i32) {
    %c0_i32 = arith.constant 0 : i32
    %c0_i32_0 = arith.constant 0 : i32
    return %arg0, %c0_i32 : i32, i32
  }
}

module attributes {stable_mosaic.version = 14 : i64} {
  func.func @body(%arg0: i32, %arg1: memref<1000x128xf32, #tpu.memory_space<vmem>>, %arg2: memref<128x128xf32, #tpu.memory_space<vmem>>, %arg3: memref<1x128xf32, #tpu.memory_space<vmem>>, %arg4: memref<1000x128xf32, #tpu.memory_space<vmem>>) attributes {dimension_semantics = [#tpu.dimension_semantics<arbitrary>], iteration_bounds = array<i64: 10>, scalar_prefetch = 0 : i64, scratch_operands = 0 : i64, tpu.core_type = #tpu.core_type<tc>, window_params = [{transform_indices = @transform_0, window_bounds = array<i64: 1000, 128>}, {pipeline_mode = #tpu.pipeline_mode<synchronous>, transform_indices = @transform_1, window_bounds = array<i64: 128, 128>}, {pipeline_mode = #tpu.pipeline_mode<synchronous>, transform_indices = @transform_2, window_bounds = array<i64: 1, 128>}, {transform_indices = @transform_3, window_bounds = array<i64: 1000, 128>}]} {
    %get3A = arith.constant 0 : index
    %get3A_0 = arith.constant 0 : index
    %get3A_1 = vector.load %arg1[%get3A, %get3A_0] : memref<1000x128xf32, #tpu.memory_space<vmem>>, vector<1000x128xf32>
    %get3A_2 = arith.constant 0 : index
    %get3A_3 = arith.constant 0 : index
    %get3A_4 = vector.load %arg2[%get3A_2, %get3A_3] : memref<128x128xf32, #tpu.memory_space<vmem>>, vector<128x128xf32>
    %dot_general3A = arith.constant dense<0.000000e+00> : vector<1000x128xf32>
    %dot_general3A_5 = tpu.matmul %get3A_1, %get3A_4, %dot_general3A {dimension_numbers = #tpu.dot_dimension_numbers<[1], [0], [0], [1], [0, 0, 1, 1], [], []>, transpose_lhs_hint = false} : vector<1000x128xf32>, vector<128x128xf32>, vector<1000x128xf32> -> vector<1000x128xf32>
    %get3A_6 = arith.constant 0 : index
    %get3A_7 = arith.constant 0 : index
    %get3A_8 = vector.load %arg3[%get3A_6, %get3A_7] : memref<1x128xf32, #tpu.memory_space<vmem>>, vector<1x128xf32>
    %add3A = vector.broadcast %get3A_8 : vector<1x128xf32> to vector<1000x128xf32>
    %add3A_9 = arith.addf %dot_general3A_5, %add3A : vector<1000x128xf32>
    %swap3A = arith.constant 0 : index
    %swap3A_10 = arith.constant 0 : index
    %swap3A_11 = vector.load %arg4[%swap3A, %swap3A_10] : memref<1000x128xf32, #tpu.memory_space<vmem>>, vector<1000x128xf32>
    tpu.vector_store %arg4[%swap3A, %swap3A_10], %add3A_9 {strides = array<i32>} : memref<1000x128xf32, #tpu.memory_space<vmem>>, vector<1000x128xf32>,
    return
  }
  func.func @transform_0(%arg0: i32) -> (i32, i32) {
    %c0_i32 = arith.constant 0 : i32
    %c0_i32_0 = arith.constant 0 : i32
    return %arg0, %c0_i32 : i32, i32
  }
  func.func @transform_1(%arg0: i32) -> (i32, i32) {
    %c0_i32 = arith.constant 0 : i32
    %c0_i32_0 = arith.constant 0 : i32
    %c0_i32_1 = arith.constant 0 : i32
    return %c0_i32, %c0_i32_0 : i32, i32
  }
  func.func @transform_2(%arg0: i32) -> (i32, i32) {
    %c0_i32 = arith.constant 0 : i32
    %c0_i32_0 = arith.constant 0 : i32
    %c0_i32_1 = arith.constant 0 : i32
    return %c0_i32, %c0_i32_0 : i32, i32
  }
  func.func @transform_3(%arg0: i32) -> (i32, i32) {
    %c0_i32 = arith.constant 0 : i32
    %c0_i32_0 = arith.constant 0 : i32
    return %arg0, %c0_i32 : i32, i32
  }
}

module attributes {stable_mosaic.version = 14 : i64} {
  func.func @body(%arg0: i32, %arg1: memref<1x1000x128xf32, #tpu.memory_space<vmem>>, %arg2: memref<1000x128xf32, #tpu.memory_space<vmem>>, %arg3: memref<128x128xf32, #tpu.memory_space<vmem>>, %arg4: memref<1000x128xf32, #tpu.memory_space<vmem>>) attributes {dimension_semantics = [#tpu.dimension_semantics<arbitrary>], iteration_bounds = array<i64: 10>, scalar_prefetch = 0 : i64, scratch_operands = 0 : i64, tpu.core_type = #tpu.core_type<tc>, window_params = [{transform_indices = @transform_0, window_bounds = array<i64: 1, 1000, 128>}, {transform_indices = @transform_1, window_bounds = array<i64: 1000, 128>}, {pipeline_mode = #tpu.pipeline_mode<synchronous>, transform_indices = @transform_2, window_bounds = array<i64: 128, 128>}, {transform_indices = @transform_3, window_bounds = array<i64: 1000, 128>}]} {
    %get3A = arith.constant 0 : index
    %get3A_0 = arith.constant 0 : index
    %get3A_1 = arith.constant 0 : index
    %get3A_2 = vector.load %arg1[%get3A, %get3A_0, %get3A_1] : memref<1x1000x128xf32, #tpu.memory_space<vmem>>, vector<1x1000x128xf32>
    %get3A_3 = vector.shape_cast %get3A_2 : vector<1x1000x128xf32> to vector<1000x128xf32>
    %get3A_4 = arith.constant 0 : index
    %get3A_5 = arith.constant 0 : index
    %get3A_6 = vector.load %arg2[%get3A_4, %get3A_5] : memref<1000x128xf32, #tpu.memory_space<vmem>>, vector<1000x128xf32>
    %add3A = arith.addf %get3A_3, %get3A_6 : vector<1000x128xf32>
    %max3A = arith.constant 0.000000e+00 : f32
    %max3A_7 = vector.broadcast %max3A : f32 to vector<1000x128xf32>
    %max3A_8 = arith.maximumf %add3A, %max3A_7 : vector<1000x128xf32>
    %get3A_9 = arith.constant 0 : index
    %get3A_10 = arith.constant 0 : index
    %get3A_11 = vector.load %arg3[%get3A_9, %get3A_10] : memref<128x128xf32, #tpu.memory_space<vmem>>, vector<128x128xf32>
    %dot_general3A = arith.constant dense<0.000000e+00> : vector<1000x128xf32>
    %dot_general3A_12 = tpu.matmul %max3A_8, %get3A_11, %dot_general3A {dimension_numbers = #tpu.dot_dimension_numbers<[1], [0], [0], [1], [0, 0, 1, 1], [], []>, transpose_lhs_hint = false} : vector<1000x128xf32>, vector<128x128xf32>, vector<1000x128xf32> -> vector<1000x128xf32>
    %swap3A = arith.constant 0 : index
    %swap3A_13 = arith.constant 0 : index
    %swap3A_14 = vector.load %arg4[%swap3A, %swap3A_13] : memref<1000x128xf32, #tpu.memory_space<vmem>>, vector<1000x128xf32>
    tpu.vector_store %arg4[%swap3A, %swap3A_13], %dot_general3A_12 {strides = array<i32>} : memref<1000x128xf32, #tpu.memory_space<vmem>>, vector<1000x128xf32>,
    return
  }
  func.func @transform_0(%arg0: i32) -> (i32, i32, i32) {
    %jit3A = arith.constant 5 : i32
    %div3A = arith.divsi %arg0, %jit3A : i32
    %sign3A = arith.constant 0 : i32
    %sign3A_0 = arith.cmpi sgt, %arg0, %sign3A : i32
    %sign3A_1 = arith.extui %sign3A_0 : i1 to i32
    %sign3A_2 = arith.constant 0 : i32
    %sign3A_3 = arith.cmpi slt, %arg0, %sign3A_2 : i32
    %sign3A_4 = arith.extui %sign3A_3 : i1 to i32
    %sign3A_5 = arith.subi %sign3A_1, %sign3A_4 : i32
    %sign3A_6 = arith.constant 0 : i32
    %sign3A_7 = arith.cmpi sgt, %jit3A, %sign3A_6 : i32
    %sign3A_8 = arith.extui %sign3A_7 : i1 to i32
    %sign3A_9 = arith.constant 0 : i32
    %sign3A_10 = arith.cmpi slt, %jit3A, %sign3A_9 : i32
    %sign3A_11 = arith.extui %sign3A_10 : i1 to i32
    %sign3A_12 = arith.subi %sign3A_8, %sign3A_11 : i32
    %ne3A = arith.cmpi ne, %sign3A_5, %sign3A_12 : i32
    %rem3A = arith.remsi %arg0, %jit3A : i32
    %ne3A_13 = arith.constant 0 : i32
    %ne3A_14 = arith.cmpi ne, %rem3A, %ne3A_13 : i32
    %and3A = arith.andi %ne3A, %ne3A_14 : i1
    %sub3A = arith.constant 1 : i32
    %sub3A_15 = arith.subi %div3A, %sub3A : i32
    %select_n3A = arith.select %and3A, %sub3A_15, %div3A : i32
    %jit3A_16 = arith.constant 5 : i32
    %eq3A = arith.constant 0 : i32
    %eq3A_17 = arith.cmpi eq, %jit3A_16, %eq3A : i32
    %jit3A_18 = arith.constant 1 : i32
    %select_n3A_19 = arith.select %eq3A_17, %jit3A_18, %jit3A_16 : i32
    %rem3A_20 = arith.remsi %arg0, %select_n3A_19 : i32
    %ne3A_21 = arith.constant 0 : i32
    %ne3A_22 = arith.cmpi ne, %rem3A_20, %ne3A_21 : i32
    %lt3A = arith.constant 0 : i32
    %lt3A_23 = arith.cmpi slt, %rem3A_20, %lt3A : i32
    %lt3A_24 = arith.constant 0 : i32
    %lt3A_25 = arith.cmpi slt, %select_n3A_19, %lt3A_24 : i32
    %ne3A_26 = arith.xori %lt3A_23, %lt3A_25 : i1
    %and3A_27 = arith.andi %ne3A_26, %ne3A_22 : i1
    %add3A = arith.addi %rem3A_20, %select_n3A_19 : i32
    %select_n3A_28 = arith.select %and3A_27, %add3A, %rem3A_20 : i32
    %c0_i32 = arith.constant 0 : i32
    %c0_i32_29 = arith.constant 0 : i32
    return %select_n3A, %select_n3A_28, %c0_i32 : i32, i32, i32
  }
  func.func @transform_1(%arg0: i32) -> (i32, i32) {
    %c0_i32 = arith.constant 0 : i32
    %c0_i32_0 = arith.constant 0 : i32
    return %arg0, %c0_i32 : i32, i32
  }
  func.func @transform_2(%arg0: i32) -> (i32, i32) {
    %c0_i32 = arith.constant 0 : i32
    %c0_i32_0 = arith.constant 0 : i32
    %c0_i32_1 = arith.constant 0 : i32
    return %c0_i32, %c0_i32_0 : i32, i32
  }
  func.func @transform_3(%arg0: i32) -> (i32, i32) {
    %c0_i32 = arith.constant 0 : i32
    %c0_i32_0 = arith.constant 0 : i32
    return %arg0, %c0_i32 : i32, i32
  }
}

module attributes {stable_mosaic.version = 14 : i64} {
  func.func @body(%arg0: i32, %arg1: memref<1x1000x128xf32, #tpu.memory_space<vmem>>, %arg2: memref<1000x128xf32, #tpu.memory_space<vmem>>, %arg3: memref<128x128xf32, #tpu.memory_space<vmem>>, %arg4: memref<1x128xf32, #tpu.memory_space<vmem>>, %arg5: memref<1000x128xf32, #tpu.memory_space<vmem>>) attributes {dimension_semantics = [#tpu.dimension_semantics<arbitrary>], iteration_bounds = array<i64: 10>, scalar_prefetch = 0 : i64, scratch_operands = 0 : i64, tpu.core_type = #tpu.core_type<tc>, window_params = [{transform_indices = @transform_0, window_bounds = array<i64: 1, 1000, 128>}, {transform_indices = @transform_1, window_bounds = array<i64: 1000, 128>}, {pipeline_mode = #tpu.pipeline_mode<synchronous>, transform_indices = @transform_2, window_bounds = array<i64: 128, 128>}, {pipeline_mode = #tpu.pipeline_mode<synchronous>, transform_indices = @transform_3, window_bounds = array<i64: 1, 128>}, {transform_indices = @transform_4, window_bounds = array<i64: 1000, 128>}]} {
    %get3A = arith.constant 0 : index
    %get3A_0 = arith.constant 0 : index
    %get3A_1 = arith.constant 0 : index
    %get3A_2 = vector.load %arg1[%get3A, %get3A_0, %get3A_1] : memref<1x1000x128xf32, #tpu.memory_space<vmem>>, vector<1x1000x128xf32>
    %get3A_3 = vector.shape_cast %get3A_2 : vector<1x1000x128xf32> to vector<1000x128xf32>
    %get3A_4 = arith.constant 0 : index
    %get3A_5 = arith.constant 0 : index
    %get3A_6 = vector.load %arg2[%get3A_4, %get3A_5] : memref<1000x128xf32, #tpu.memory_space<vmem>>, vector<1000x128xf32>
    %add3A = arith.addf %get3A_3, %get3A_6 : vector<1000x128xf32>
    %max3A = arith.constant 0.000000e+00 : f32
    %max3A_7 = vector.broadcast %max3A : f32 to vector<1000x128xf32>
    %max3A_8 = arith.maximumf %add3A, %max3A_7 : vector<1000x128xf32>
    %get3A_9 = arith.constant 0 : index
    %get3A_10 = arith.constant 0 : index
    %get3A_11 = vector.load %arg3[%get3A_9, %get3A_10] : memref<128x128xf32, #tpu.memory_space<vmem>>, vector<128x128xf32>
    %dot_general3A = arith.constant dense<0.000000e+00> : vector<1000x128xf32>
    %dot_general3A_12 = tpu.matmul %max3A_8, %get3A_11, %dot_general3A {dimension_numbers = #tpu.dot_dimension_numbers<[1], [0], [0], [1], [0, 0, 1, 1], [], []>, transpose_lhs_hint = false} : vector<1000x128xf32>, vector<128x128xf32>, vector<1000x128xf32> -> vector<1000x128xf32>
    %get3A_13 = arith.constant 0 : index
    %get3A_14 = arith.constant 0 : index
    %get3A_15 = vector.load %arg4[%get3A_13, %get3A_14] : memref<1x128xf32, #tpu.memory_space<vmem>>, vector<1x128xf32>
    %add3A_16 = vector.broadcast %get3A_15 : vector<1x128xf32> to vector<1000x128xf32>
    %add3A_17 = arith.addf %dot_general3A_12, %add3A_16 : vector<1000x128xf32>
    %swap3A = arith.constant 0 : index
    %swap3A_18 = arith.constant 0 : index
    %swap3A_19 = vector.load %arg5[%swap3A, %swap3A_18] : memref<1000x128xf32, #tpu.memory_space<vmem>>, vector<1000x128xf32>
    tpu.vector_store %arg5[%swap3A, %swap3A_18], %add3A_17 {strides = array<i32>} : memref<1000x128xf32, #tpu.memory_space<vmem>>, vector<1000x128xf32>,
    return
  }
  func.func @transform_0(%arg0: i32) -> (i32, i32, i32) {
    %jit3A = arith.constant 5 : i32
    %div3A = arith.divsi %arg0, %jit3A : i32
    %sign3A = arith.constant 0 : i32
    %sign3A_0 = arith.cmpi sgt, %arg0, %sign3A : i32
    %sign3A_1 = arith.extui %sign3A_0 : i1 to i32
    %sign3A_2 = arith.constant 0 : i32
    %sign3A_3 = arith.cmpi slt, %arg0, %sign3A_2 : i32
    %sign3A_4 = arith.extui %sign3A_3 : i1 to i32
    %sign3A_5 = arith.subi %sign3A_1, %sign3A_4 : i32
    %sign3A_6 = arith.constant 0 : i32
    %sign3A_7 = arith.cmpi sgt, %jit3A, %sign3A_6 : i32
    %sign3A_8 = arith.extui %sign3A_7 : i1 to i32
    %sign3A_9 = arith.constant 0 : i32
    %sign3A_10 = arith.cmpi slt, %jit3A, %sign3A_9 : i32
    %sign3A_11 = arith.extui %sign3A_10 : i1 to i32
    %sign3A_12 = arith.subi %sign3A_8, %sign3A_11 : i32
    %ne3A = arith.cmpi ne, %sign3A_5, %sign3A_12 : i32
    %rem3A = arith.remsi %arg0, %jit3A : i32
    %ne3A_13 = arith.constant 0 : i32
    %ne3A_14 = arith.cmpi ne, %rem3A, %ne3A_13 : i32
    %and3A = arith.andi %ne3A, %ne3A_14 : i1
    %sub3A = arith.constant 1 : i32
    %sub3A_15 = arith.subi %div3A, %sub3A : i32
    %select_n3A = arith.select %and3A, %sub3A_15, %div3A : i32
    %jit3A_16 = arith.constant 5 : i32
    %eq3A = arith.constant 0 : i32
    %eq3A_17 = arith.cmpi eq, %jit3A_16, %eq3A : i32
    %jit3A_18 = arith.constant 1 : i32
    %select_n3A_19 = arith.select %eq3A_17, %jit3A_18, %jit3A_16 : i32
    %rem3A_20 = arith.remsi %arg0, %select_n3A_19 : i32
    %ne3A_21 = arith.constant 0 : i32
    %ne3A_22 = arith.cmpi ne, %rem3A_20, %ne3A_21 : i32
    %lt3A = arith.constant 0 : i32
    %lt3A_23 = arith.cmpi slt, %rem3A_20, %lt3A : i32
    %lt3A_24 = arith.constant 0 : i32
    %lt3A_25 = arith.cmpi slt, %select_n3A_19, %lt3A_24 : i32
    %ne3A_26 = arith.xori %lt3A_23, %lt3A_25 : i1
    %and3A_27 = arith.andi %ne3A_26, %ne3A_22 : i1
    %add3A = arith.addi %rem3A_20, %select_n3A_19 : i32
    %select_n3A_28 = arith.select %and3A_27, %add3A, %rem3A_20 : i32
    %c0_i32 = arith.constant 0 : i32
    %c0_i32_29 = arith.constant 0 : i32
    return %select_n3A, %select_n3A_28, %c0_i32 : i32, i32, i32
  }
  func.func @transform_1(%arg0: i32) -> (i32, i32) {
    %c0_i32 = arith.constant 0 : i32
    %c0_i32_0 = arith.constant 0 : i32
    return %arg0, %c0_i32 : i32, i32
  }
  func.func @transform_2(%arg0: i32) -> (i32, i32) {
    %c0_i32 = arith.constant 0 : i32
    %c0_i32_0 = arith.constant 0 : i32
    %c0_i32_1 = arith.constant 0 : i32
    return %c0_i32, %c0_i32_0 : i32, i32
  }
  func.func @transform_3(%arg0: i32) -> (i32, i32) {
    %c0_i32 = arith.constant 0 : i32
    %c0_i32_0 = arith.constant 0 : i32
    %c0_i32_1 = arith.constant 0 : i32
    return %c0_i32, %c0_i32_0 : i32, i32
  }
  func.func @transform_4(%arg0: i32) -> (i32, i32) {
    %c0_i32 = arith.constant 0 : i32
    %c0_i32_0 = arith.constant 0 : i32
    return %arg0, %c0_i32 : i32, i32
  }
}

module attributes {stable_mosaic.version = 14 : i64} {
  func.func @body(%arg0: i32, %arg1: memref<1x1000x128xf32, #tpu.memory_space<vmem>>, %arg2: memref<1000x128xf32, #tpu.memory_space<vmem>>, %arg3: memref<1000x128xf32, #tpu.memory_space<vmem>>) attributes {dimension_semantics = [#tpu.dimension_semantics<arbitrary>], iteration_bounds = array<i64: 10>, scalar_prefetch = 0 : i64, scratch_operands = 0 : i64, tpu.core_type = #tpu.core_type<tc>, window_params = [{transform_indices = @transform_0, window_bounds = array<i64: 1, 1000, 128>}, {transform_indices = @transform_1, window_bounds = array<i64: 1000, 128>}, {transform_indices = @transform_2, window_bounds = array<i64: 1000, 128>}]} {
    %get3A = arith.constant 0 : index
    %get3A_0 = arith.constant 0 : index
    %get3A_1 = arith.constant 0 : index
    %get3A_2 = vector.load %arg1[%get3A, %get3A_0, %get3A_1] : memref<1x1000x128xf32, #tpu.memory_space<vmem>>, vector<1x1000x128xf32>
    %get3A_3 = vector.shape_cast %get3A_2 : vector<1x1000x128xf32> to vector<1000x128xf32>
    %get3A_4 = arith.constant 0 : index
    %get3A_5 = arith.constant 0 : index
    %get3A_6 = vector.load %arg2[%get3A_4, %get3A_5] : memref<1000x128xf32, #tpu.memory_space<vmem>>, vector<1000x128xf32>
    %add3A = arith.addf %get3A_3, %get3A_6 : vector<1000x128xf32>
    %swap3A = arith.constant 0 : index
    %swap3A_7 = arith.constant 0 : index
    %swap3A_8 = vector.load %arg3[%swap3A, %swap3A_7] : memref<1000x128xf32, #tpu.memory_space<vmem>>, vector<1000x128xf32>
    tpu.vector_store %arg3[%swap3A, %swap3A_7], %add3A {strides = array<i32>} : memref<1000x128xf32, #tpu.memory_space<vmem>>, vector<1000x128xf32>,
    return
  }
  func.func @transform_0(%arg0: i32) -> (i32, i32, i32) {
    %jit3A = arith.constant 5 : i32
    %div3A = arith.divsi %arg0, %jit3A : i32
    %sign3A = arith.constant 0 : i32
    %sign3A_0 = arith.cmpi sgt, %arg0, %sign3A : i32
    %sign3A_1 = arith.extui %sign3A_0 : i1 to i32
    %sign3A_2 = arith.constant 0 : i32
    %sign3A_3 = arith.cmpi slt, %arg0, %sign3A_2 : i32
    %sign3A_4 = arith.extui %sign3A_3 : i1 to i32
    %sign3A_5 = arith.subi %sign3A_1, %sign3A_4 : i32
    %sign3A_6 = arith.constant 0 : i32
    %sign3A_7 = arith.cmpi sgt, %jit3A, %sign3A_6 : i32
    %sign3A_8 = arith.extui %sign3A_7 : i1 to i32
    %sign3A_9 = arith.constant 0 : i32
    %sign3A_10 = arith.cmpi slt, %jit3A, %sign3A_9 : i32
    %sign3A_11 = arith.extui %sign3A_10 : i1 to i32
    %sign3A_12 = arith.subi %sign3A_8, %sign3A_11 : i32
    %ne3A = arith.cmpi ne, %sign3A_5, %sign3A_12 : i32
    %rem3A = arith.remsi %arg0, %jit3A : i32
    %ne3A_13 = arith.constant 0 : i32
    %ne3A_14 = arith.cmpi ne, %rem3A, %ne3A_13 : i32
    %and3A = arith.andi %ne3A, %ne3A_14 : i1
    %sub3A = arith.constant 1 : i32
    %sub3A_15 = arith.subi %div3A, %sub3A : i32
    %select_n3A = arith.select %and3A, %sub3A_15, %div3A : i32
    %jit3A_16 = arith.constant 5 : i32
    %eq3A = arith.constant 0 : i32
    %eq3A_17 = arith.cmpi eq, %jit3A_16, %eq3A : i32
    %jit3A_18 = arith.constant 1 : i32
    %select_n3A_19 = arith.select %eq3A_17, %jit3A_18, %jit3A_16 : i32
    %rem3A_20 = arith.remsi %arg0, %select_n3A_19 : i32
    %ne3A_21 = arith.constant 0 : i32
    %ne3A_22 = arith.cmpi ne, %rem3A_20, %ne3A_21 : i32
    %lt3A = arith.constant 0 : i32
    %lt3A_23 = arith.cmpi slt, %rem3A_20, %lt3A : i32
    %lt3A_24 = arith.constant 0 : i32
    %lt3A_25 = arith.cmpi slt, %select_n3A_19, %lt3A_24 : i32
    %ne3A_26 = arith.xori %lt3A_23, %lt3A_25 : i1
    %and3A_27 = arith.andi %ne3A_26, %ne3A_22 : i1
    %add3A = arith.addi %rem3A_20, %select_n3A_19 : i32
    %select_n3A_28 = arith.select %and3A_27, %add3A, %rem3A_20 : i32
    %c0_i32 = arith.constant 0 : i32
    %c0_i32_29 = arith.constant 0 : i32
    return %select_n3A, %select_n3A_28, %c0_i32 : i32, i32, i32
  }
  func.func @transform_1(%arg0: i32) -> (i32, i32) {
    %c0_i32 = arith.constant 0 : i32
    %c0_i32_0 = arith.constant 0 : i32
    return %arg0, %c0_i32 : i32, i32
  }
  func.func @transform_2(%arg0: i32) -> (i32, i32) {
    %c0_i32 = arith.constant 0 : i32
    %c0_i32_0 = arith.constant 0 : i32
    return %arg0, %c0_i32 : i32, i32
  }
}

</mosaic_0001>

<sc_bundles>
// kernel: kernel.12.cloned.1.call-start
scs
__scs_entry_jumppad:
0x0: {  	(pc) =	sbr.rel $0x88, $3  }
0x1: {  	(tag) =	ssettag $0x0;
	lr =	simm.s32 $0x1  }
0x2: {  	[smem:$0x3F96] =	sst lr;
	_ =	strace $0xD0000000  }
0x3: {  	_ = 	snop  }
0x4: {  	_ = 	snop  }
0x5: {  	_ = 	snop  }
0x6: {  	_ = 	snop  }
0x7: {  	_ = 	snop  }
__scs_overlays_trampoline_lowered:
0x8: {  	[smem:$0x3FA5] =	sst s0  }
0x9: {  	[smem:$0x3FA6] =	sst s1  }
0xa: {  	[smem:$0x3FA7] =	sst s2  }
0xb: {  	[smem:$0x3FA8] =	sst s3  }
0xc: {  	[smem:$0x3FA9] =	sst s4  }
0xd: {  	[smem:$0x3FAA] =	sst s5  }
0xe: {  	[smem:$0x3FAB] =	sst s6  }
0xf: {  	[smem:$0x3FAC] =	sst s7  }
0x10: {  	[smem:$0x3FAD] =	sst s8  }
0x11: {  	[smem:$0x3FAE] =	sst s9;
	s0 =	simm.s32 @!p0 $0x0  }
0x12: {  	s1 =	sld [smem:$0x3F94];
	s0 =	simm.s32 @p0 $0x1  }
0x13: {  	[smem:$0x3FAF] =	sst s0;
	s0 =	simm.s32 @!p1 $0x0  }
0x14: {  	s2 =	sld [smem:$0x3F93];
	s0 =	simm.s32 @p1 $0x1  }
0x15: {  	[smem:$0x3FB0] =	sst s0;
	s0 =	simm.s32 @!p2 $0x0  }
0x16: {  	s3 =	sld [smem:$0x3FDB];
	s0 =	simm.s32 @p2 $0x1  }
0x17: {  	s4 =	simm.s32 $0x1BF5;
	[smem:$0x3FB2] =	sst s0  }
0x18: {  	s0 =	sld [smem:$0x3F95];
	_ =	swait.ge [sflag:s4], $0x0  }
0x19: {  	s7 =	sld [smem:$0x3F96]  }
0x1a: {  	s8 =	sadd.s32 $0xFFFFE003, lr  }
0x1b: {  	s9 =	sadd.s32 $0xFFFFFEF7, lr;
	s5 =	simm.s32 $0xFFFFFFFF;
	p2 =	slt.u32 s8, $0xFFFFF086  }
0x1c: {  	p1 =	slt.u32 s9, $0xF7A;
	s5 =	simm.s32 @!p2 $0x0  }
0x1d: {  	s5 =	simm.s32 @p1 $0x1;
	p0 =	seq.s32 s7, s2  }
0x1e: {  	s7 =	smul.u32 @!p0 $0xF7A, s2;
	p2 =	seq.s32 @!p0 s5, $0x0  }
0x1f: {  	s9 =	smul.u32 $0xF7A, s1;
	s8 =	simm.s32 @!p0 $0x1BF5;
	p2 =	por !p2, p0  }
0x20: {  	[sflag:s8] =	ssyncset.s32 @!p0 $0xFFFFF086;
	s6 =	sadd.s32 @!p0 s3, s7;
	s7 =	simm.s32 @!p0 $0x108  }
0x21: {  	s3 =	sadd.s32 s3, s9;
	s6 =	sadd.s32 @!p0 $0x88, s6;
	s7 =	simm.s32 @p2 $0x1082  }
0x22: {  	[simem:s7], [sflag:s8] =	dma.local @!p0 [hbm:s6], $0xF7A  }
0x23: {  	s9 =	sor.u32 $0xD0000000, s2;
	s6 =	simm.s32 $0x108;
	_ =	swait.ge @!p0 [sflag:s8], $0x0  }
0x24: {  	s3 =	sadd.s32 $0x88, s3;
	s6 =	simm.s32 @!p1 $0x1082;
	[sflag:s4] =	ssyncset.s32 $0xFFFFF086  }
0x25: {  	[simem:s6], [sflag:s4] =	dma.local [hbm:s3], $0xF7A  }
0x26: {  	[smem:$0x3F96] =	sst s1;
	(tag) =	ssettag s2;
	_ =	strace s9  }
0x27: {  	s1 =	sld [smem:$0x3FA6]  }
0x28: {  	s2 =	sld [smem:$0x3FA7]  }
0x29: {  	s4 =	sld [smem:$0x3FA9]  }
0x2a: {  	p0 =	seq.s32 s5, $0x0;
	s5 =	sld [smem:$0x3FAA]  }
0x2b: {  	s6 =	sld [smem:$0x3FAB]  }
0x2c: {  	s7 =	sld [smem:$0x3FAC]  }
0x2d: {  	s3 =	simm.s32 $0x108;
	s8 =	sld [smem:$0x3FAD]  }
0x2e: {  	s3 =	simm.s32 @!p0 $0x1082;
	s9 =	sld [smem:$0x3FAE]  }
0x2f: {  	lr =	sadd.s32 s0, s3;
	s0 =	sld [smem:$0x3FA5]  }
0x30: {  	s3 =	sld [smem:$0x3FA8]  }
0x31: {  	[smem:$0x3FB1] =	sst s10  }
0x32: {  	s10 =	sld [smem:$0x3FAF];
	_ =	sdelay $0x3  }
0x33: {  	p0 =	seq.s32 s10, $0x1;
	s10 =	sld [smem:$0x3FB1];
	_ =	sdelay $0x3  }
0x34: {  	[smem:$0x3FB1] =	sst s10  }
0x35: {  	s10 =	sld [smem:$0x3FB0];
	_ =	sdelay $0x3  }
0x36: {  	p1 =	seq.s32 s10, $0x1;
	s10 =	sld [smem:$0x3FB1];
	_ =	sdelay $0x3  }
0x37: {  	[smem:$0x3FB1] =	sst s10  }
0x38: {  	s10 =	sld [smem:$0x3FB2]  }
0x39: {  	_ = 	snop;
	(pc) =	sbr.ind lr, $3  }
0x3a: {  	_ = 	snop  }
0x3b: {  	_ = 	snop  }
0x3c: {  	p2 =	seq.s32 s10, $0x1;
	s10 =	sld [smem:$0x3FB1]  }
0x3d: {  	_ =	shalt  }
0x3e: {  	_ =	shalt  }
0x3f: {  	_ =	shalt  }
0x40: {  	_ =	shalt  }
0x41: {  	_ =	shalt  }
0x42: {  	_ =	shalt  }
0x43: {  	_ =	shalt  }
0x44: {  	_ =	shalt  }
0x45: {  	_ =	shalt  }
0x46: {  	_ =	shalt  }
0x47: {  	_ =	shalt  }
0x48: {  	_ =	shalt  }
0x49: {  	_ =	shalt  }
0x4a: {  	_ =	shalt  }
0x4b: {  	_ =	shalt  }
0x4c: {  	_ =	shalt  }
0x4d: {  	_ =	shalt  }
0x4e: {  	_ =	shalt  }
0x4f: {  	_ =	shalt  }
0x50: {  	_ =	shalt  }
0x51: {  	_ =	shalt  }
0x52: {  	_ =	shalt  }
0x53: {  	_ =	shalt  }
0x54: {  	_ =	shalt  }
0x55: {  	_ =	shalt  }
0x56: {  	_ =	shalt  }
0x57: {  	_ =	shalt  }
0x58: {  	_ =	shalt  }
0x59: {  	_ =	shalt  }
0x5a: {  	_ =	shalt  }
0x5b: {  	_ =	shalt  }
0x5c: {  	_ =	shalt  }
0x5d: {  	_ =	shalt  }
0x5e: {  	_ =	shalt  }
0x5f: {  	_ =	shalt  }
0x60: {  	_ =	shalt  }
0x61: {  	_ =	shalt  }
0x62: {  	_ =	shalt  }
0x63: {  	_ =	shalt  }
0x64: {  	_ =	shalt  }
0x65: {  	_ =	shalt  }
0x66: {  	_ =	shalt  }
0x67: {  	_ =	shalt  }
0x68: {  	_ =	shalt  }
0x69: {  	_ =	shalt  }
0x6a: {  	_ =	shalt  }
0x6b: {  	_ =	shalt  }
0x6c: {  	_ =	shalt  }
0x6d: {  	_ =	shalt  }
0x6e: {  	_ =	shalt  }
0x6f: {  	_ =	shalt  }
0x70: {  	_ =	shalt  }
0x71: {  	_ =	shalt  }
0x72: {  	_ =	shalt  }
0x73: {  	_ =	shalt  }
0x74: {  	_ =	shalt  }
0x75: {  	_ =	shalt  }
0x76: {  	_ =	shalt  }
0x77: {  	_ =	shalt  }
0x78: {  	_ =	shalt  }
0x79: {  	_ =	shalt  }
0x7a: {  	_ =	shalt  }
0x7b: {  	_ =	shalt  }
0x7c: {  	_ =	shalt  }
0x7d: {  	_ =	shalt  }
0x7e: {  	_ =	shalt  }
0x7f: {  	_ =	shalt  }
0x80: {  	_ =	shalt  }
0x81: {  	_ =	shalt  }
0x82: {  	_ =	shalt  }
0x83: {  	_ =	shalt  }
0x84: {  	_ =	shalt  }
0x85: {  	_ =	shalt  }
0x86: {  	_ =	shalt  }
0x87: {  	_ =	shalt  }
.Lfunc_end0:
.L_simem_size_0:
called_computation_lowered:
.L_overlay_start_0:
0x88: {  	s2 =	sld [smem:$0x3FD9]  }
0x89: {  	s3 =	sld [smem:$0x3FFE];
	_ =	sdelay $0x1  }
0x8a: {  	s1 =	srdreg.scid  }
0x8b: {  	s0 =	sand.u32 $0x1, s1  }
0x8c: {  	s16 =	sshll.u32 s0, $0xA;
	s2 =	sadd.s32 s3, s2  }
0x8d: {  	s2 =	sadd.s32 s2, s16  }
0x8e: {  	[smem:$0x3FBD] =	sst s2  }
0x8f: {  	_ = 	snop  }
0x90: {  	(tm) =	ssettm $0x1  }
0x91: {  	s17 =	sld [smem:$0x3FFB];
	_ =	sdelay $0x3  }
0x92: {  	_ =	strace s17  }
0x93: {  	s2 =	sld [smem:$0x3FFC];
	_ =	sdelay $0x3  }
0x94: {  	_ =	strace s2  }
0x95: {  	s2 =	sld [smem:$0x3FFD];
	_ =	sdelay $0x3  }
0x96: {  	_ =	strace s2  }
0x97: {  	_ =	strace $0x8FFFFFFF  }
0x98: {  	s18 =	sld [smem:$0x3FDB];
	_ =	sdelay $0x1  }
0x99: {  	s19 =	simm.s32 $_scs_section_size  }
0x9a: {  	s4 =	simm.s32 $_size__tile_overlayer_lowered;
	s5 =	simm.s32 $_tile_overlayer_lowered  }
0x9b: {  	s22 =	simm.s32 $0x1BFF;
	s21 =	sshll.u32 s5, $0x1;
	s2 =	sadd.s32 s19, s18  }
0x9c: {  	s6 =	simm.s32 $0x0;
	s20 =	sshll.u32 s4, $0x1;
	s4 =	sadd.s32 s21, s2  }
0x9d: {  	[timem:s6], [sflag:s22] =	dma.local [hbm:s4], s20  }
0x9e: {  	_ =	swait.ge [sflag:s22], s20  }
0x9f: {  	s3 =	ssub.s32 $0x0, s20;
	[sflag:s22] =	ssyncset.done $0x0  }
0xa0: {  	[sflag:s22] =	ssyncadd.s32 s3;
	_ =	sdelay $0x1  }
0xa1: {  	s23 =	simm.s32 $0x1B8B  }
0xa2: {  	_ =	swait.ge [sflag:s23], $0x1  }
0xa3: {  	[sflag:s23] =	ssyncset.done $0x0  }
0xa4: {  	s25 =	simm.s32 $0x1B8E;
	s24 =	sld [smem:$0x3FFE];
	[sflag:s23] =	ssyncadd.s32 $0xFFFFFFFF  }
0xa5: {  	s26 =	simm.s32 $execute0_lowered;
	[smem:$0x3FD2] =	sst s25  }
0xa6: {  	s4 =	sshll.u32 s26, $0x1;
	_ =	strace $0x80000046;
	[dreg:$0x1] =	wrdreg $0xFFFFFFFF  }
0xa7: {  	s28 =	simm.s32 $_size_execute0_lowered;
	s2 =	sadd.s32 s2, s4;
	[dreg:$0x0] =	wrdreg $0x0  }
0xa8: {  	s4 =	sshll.u32 s28, $0x1;
	[dreg:$0x2] =	wrdreg s2  }
0xa9: {  	[dreg:$0x3] =	wrdreg s4  }
0xaa: {  	[dreg:$0x4] =	wrdreg $0xC0  }
0xab: {  	_ =	task [dreg:s6], $0x5FFFF  }
0xac: {  	[dreg:$0x1] =	wrdreg $0xFFFFFFFF  }
0xad: {  	[dreg:$0x0] =	wrdreg $0x60  }
0xae: {  	[dreg:$0x2] =	wrdreg s24  }
0xaf: {  	[dreg:$0x3] =	wrdreg $0x26000  }
0xb0: {  	[dreg:$0x4] =	wrdreg $0x15E800  }
0xb1: {  	[dreg:$0x5] =	wrdreg $0x9  }
0xb2: {  	_ =	task.clear_ibuf [dreg:s6], $0x6FFFF;
	_ =	strace $0x90000046  }
0xb3: {  	s29 =	simm.s32 $0x9;
	_ =	strace $0x80000048  }
0xb4: {  	_ =	swait.ge [sflag:s29], $0x1  }
0xb5: {  	[sflag:s29] =	ssyncadd.s32 $0xFFFFFFFF  }
0xb6: {  	_ =	strace $0x90000048  }
0xb7: {  	_ =	sfence  }
0xb8: {  	s30 =	sld [smem:$0x0];
	_ =	sdelay $0x2  }
0xb9: {  	s31 =	sshll.u32 s1, $0xD;
	s1 =	sshrl.u32 s1, $0x2  }
0xba: {  	s3 =	sand.u32 $0x4000, s31;
	s1 =	sadd.s32 s1, s30  }
0xbb: {  	s0 =	sor.u32 s3, s0;
	s1 =	sshll.u32 s1, $0x11  }
0xbc: {  	s0 =	sor.u32 s1, s0  }
0xbd: {  	s0 =	sadd.s32 $0x8F2B, s0  }
0xbe: {  	[sflag:s0] =	ssyncadd.remote.s32 $0x1  }
0xbf: {  	_ =	sfence.sel $0xFFFF  }
0xc0: {  	[dreg:$0x0] =	wrdreg $0xFFFFFFFF;
	(pc) =	sbr.abs _section_cstart, $3  }
0xc1: {  	[dreg:$0x1] =	wrdreg $0xFFFFFFFF  }
0xc2: {  	_ =	task.clear_ibuf [dreg:s6], $0x2FFFF;
	_ =	strace $0x9FFFFFFF  }
0xc3: {  	(tm) =	ssettm $0x7FFFFFFF  }
tec
execute0_lowered:
.L_overlay_start_1:
0x0: {  	(tag) =	ssettag $0x1  }
0x1: {  	s0 =	rddreg [dreg:$0x0]  }
0x2: {  	s2 =	rddreg [dreg:$0x1];
	s12 =	stileid.u32  }
0x3: {  	s1 =	srdreg.scid;
	s5 =	smul.u32 $0x3E80, s12  }
0x4: {  	s3 =	rddreg [dreg:$0x2];
	s4 =	simm.s32 $0x0;
	s7 =	smul.u32 $0xA000, s12  }
0x5: {  	s28 =	simm.s32 $0x2;
	s29 =	simm.s32 $0x1400;
	s15 =	smul.u32 $0x27800, s12  }
0x6: {  	s30 =	simm.s32 $0x5;
	s31 =	simm.s32 $0x80;
	s16 =	smul.u32 $0x7D000, s12  }
0x7: {  	s1 =	sand.u32 $0x1, s1;
	[smem:$0x7FF] =	sst s4;
	s11 =	smul.u32 $0x28000, s12  }
0x8: {  	s9 =	sadd.s32 $0x2E00, s0;
	p0 =	sgt.u32 s12, $0x9;
	s6 =	smul.u32 $0xA0000, s1  }
0x9: {  	_ =	strace $0x80000047;
	s14 =	smul.u32 $0x278000, s1;
	s1 =	ssub.s32 $0x2, s1  }
0xa: {  	s8 =	sadd.s32 s5, s0;
	s10 =	sshrl.u32 s1, $0x1;
	s11 =	sshrl.u32 s11, $0x2  }
0xb: {  	s13 =	sadd.s32 s7, s6;
	s6 =	sadd.s32 s15, s14;
	s1 =	ssub.s32 s1, s10  }
0xc: {  	s17 =	sadd.s32 $0xA0E00, s8;
	s8 =	simm.s32 $0x4;
	s5 =	sshrl.u32 s13, $0x3  }
0xd: {  	s7 =	sshrl.u32 s6, $0x3;
	[dreg:$0x4] =	wrdreg s17;
	s21 =	sor.u32 $0x700, s6  }
0xe: {  	s23 =	sor.u32 $0x600, s6;
	s1 =	smax.u32 s1, $0x1;
	s25 =	sor.u32 $0x500, s6  }
0xf: {  	s26 =	sor.u32 $0x400, s6;
	s6 =	simm.s32 $0x180;
	s0 =	sadd.s32 s5, s0  }
0x10: {  	s5 =	sshrl.u32 s16, $0x2;
	s22 =	sshrl.u32 s21, $0x3;
	[dreg:$0x9] =	wrdreg s1  }
0x11: {  	s24 =	sshrl.u32 s23, $0x3;
	s1 =	sshrl.u32 s26, $0x3;
	s21 =	simm.s32 $0x100  }
0x12: {  	s23 =	simm.s32 $0x300;
	s26 =	simm.s32 $0x400;
	s10 =	sadd.s32 s5, s2  }
0x13: {  	s5 =	sadd.s32 s9, s7;
	s7 =	sadd.s32 s11, s3;
	s0 =	sadd.s32 $0xC8000, s0  }
0x14: {  	s13 =	sadd.s32 s22, s9;
	s14 =	sadd.s32 s24, s9;
	s16 =	sadd.s32 s1, s9  }
0x15: {  	s22 =	simm.s32 $0x200;
	s24 =	simm.s32 $0x1;
	s1 =	simm.s32 $0x3  }
0x16: {  	s11 =	simm.s32 $0x0;
	s18 =	sadd.s32 $0x20, s5;
	[dreg:$0x8] =	wrdreg s0  }
0x17: {  	s19 =	sadd.s32 $0x40, s5;
	s20 =	sadd.s32 $0x60, s5;
	[dreg:$0x5] =	wrdreg s18  }
0x18: {  	s0 =	sshrl.u32 s25, $0x3;
	s25 =	simm.s32 $0x20;
	[dreg:$0x6] =	wrdreg s19  }
0x19: {  	[dreg:$0x7] =	wrdreg s20;
	s15 =	sadd.s32 s0, s9;
	s0 =	sshll.u32 @!p0 s12, $0x6  }
0x1a: {  	s19 =	simm.s32 $0x2400;
	s20 =	simm.s32 $0x8;
	s0 =	sor.u32 @!p0 $0x1C07, s0  }
0x1b: {  	s9 =	simm.s32 $0x280;
	[dreg:$0xa] =	wrdreg s0;
	s0 =	sshrl.u32 @!p0 s10, $0x3  }
0x1c: {  	v0 =	vimm.f32 $0.0e+00;
	s10 =	simm.s32 $0x380;
	[dreg:$0xb] =	wrdreg s0;
	s0 =	simm.s32 $0x6  }
.LBB2_1:
0x1d: {  	s12 =	rddreg [dreg:$0x4]  }
0x1e: {  	s17 =	rddreg [dreg:$0xa]  }
0x1f: {  	s18 =	rddreg [dreg:$0xb]  }
0x20: {  	[spmem:s18], [sflag:s17] =	dma.local @!p0 [hbm:s12], $0x3E80;
	[tilespmem:$0x2400] =	vst v0  }
0x21: {  	[tilespmem:$0x2410] =	vst v0  }
0x22: {  	[tilespmem:$0x2420] =	vst v0  }
0x23: {  	[tilespmem:$0x2430] =	vst v0  }
0x24: {  	[tilespmem:$0x2440] =	vst v0  }
0x25: {  	[tilespmem:$0x2450] =	vst v0  }
0x26: {  	[tilespmem:$0x2460] =	vst v0  }
0x27: {  	[tilespmem:$0x2470] =	vst v0  }
0x28: {  	[tilespmem:$0x2480] =	vst v0  }
0x29: {  	[tilespmem:$0x2490] =	vst v0  }
0x2a: {  	[tilespmem:$0x24A0] =	vst v0  }
0x2b: {  	[tilespmem:$0x24B0] =	vst v0  }
0x2c: {  	[tilespmem:$0x24C0] =	vst v0  }
0x2d: {  	[tilespmem:$0x24D0] =	vst v0  }
0x2e: {  	[tilespmem:$0x24E0] =	vst v0  }
0x2f: {  	[tilespmem:$0x24F0] =	vst v0  }
0x30: {  	[tilespmem:$0x2500] =	vst v0  }
0x31: {  	[tilespmem:$0x2510] =	vst v0  }
0x32: {  	[tilespmem:$0x2520] =	vst v0  }
0x33: {  	[tilespmem:$0x2530] =	vst v0  }
0x34: {  	[tilespmem:$0x2540] =	vst v0  }
0x35: {  	[tilespmem:$0x2550] =	vst v0  }
0x36: {  	[tilespmem:$0x2560] =	vst v0  }
0x37: {  	[tilespmem:$0x2570] =	vst v0  }
0x38: {  	[tilespmem:$0x2580] =	vst v0  }
0x39: {  	[tilespmem:$0x2590] =	vst v0  }
0x3a: {  	[tilespmem:$0x25A0] =	vst v0  }
0x3b: {  	[tilespmem:$0x25B0] =	vst v0  }
0x3c: {  	[tilespmem:$0x25C0] =	vst v0  }
0x3d: {  	[tilespmem:$0x25D0] =	vst v0  }
0x3e: {  	[tilespmem:$0x25E0] =	vst v0  }
0x3f: {  	[tilespmem:$0x25F0] =	vst v0;
	s18 =	sadd.s32 $0x0, s7  }
0x40: {  	[spmem:s18] =	stream.linear.scatter [tilespmem:s19], [sflag:$0x8], $0x200, $0x38;
	[tilespmem:$0x1FE80] =	vst v63  }
0x41: {  	s12 =	simm.s32 $0x800;
	_ =	swait.ge [sflag:s20], $0x200  }
.LBB2_2:
0x42: {  	s17 =	sshra.s32 s12, $0x2;
	[sflag:s20] =	ssyncset.done $0x0;
	p1 =	sne.s32 s12, $0x27800  }
.Ltmp0:
0x43: {  	s17 =	sadd.s32 s17, s7;
	[sflag:s20] =	ssyncadd.s32 $0xFFFFFE00;
	(pc) =	sbr.rel @p1 .LBB2_2-.Ltmp0, $3  }
0x44: {  	[spmem:s17] =	stream.linear.scatter [tilespmem:s19], [sflag:$0x8], $0x200, $0x38;
	[tilespmem:$0x1FE80] =	vst v63  }
0x45: {  	s12 =	sadd.s32 $0x800, s12;
	_ =	sdelay $0x1  }
0x46: {  	_ =	swait.ge [sflag:s20], $0x200  }
0x47: {  	[sflag:s20] =	ssyncset.done $0x0  }
0x48: {  	s12 =	simm.s32 @!p0 $0x7;
	[sflag:s20] =	ssyncadd.s32 $0xFFFFFE00  }
0x49: {  	_ =	swait.ge @!p0 [sflag:s12], $0x3E80  }
0x4a: {  	[sflag:s12] =	ssyncset.done @!p0 $0x0  }
0x4b: {  	[sflag:s12] =	ssyncadd.s32 @!p0 $0xFFFFC180  }
0x4c: {  	s12 =	simm.s32 $0x0;
	[bflag:$0x0] =	sbarrier.arrive $0xFFFF  }
0x4d: {  	[tilespmem:s12], [sflag:$0x1] =	stream.linear.gather [hbm4b:s5+s12], $0x100, $0x38;
	[tilespmem:$0x1FE80] =	vst v63  }
0x4e: {  	s17 =	rddreg [dreg:$0x5]  }
0x4f: {  	[tilespmem:s21], [sflag:$0x2] =	stream.linear.gather [hbm4b:s17+s12], $0x100, $0x38;
	[tilespmem:$0x1FE80] =	vst v63  }
0x50: {  	s18 =	rddreg [dreg:$0x6]  }
0x51: {  	[tilespmem:s22], [sflag:$0x3] =	stream.linear.gather [hbm4b:s18+s12], $0x100, $0x38;
	[tilespmem:$0x1FE80] =	vst v63  }
0x52: {  	s18 =	rddreg [dreg:$0x7]  }
0x53: {  	[tilespmem:s23], [sflag:$0x4] =	stream.linear.gather [hbm4b:s18+s12], $0x100, $0x38;
	[tilespmem:$0x1FE80] =	vst v63  }
0x54: {  	_ =	swait.ge [sflag:s24], $0x100  }
0x55: {  	[sflag:s24] =	ssyncset.done $0x0  }
0x56: {  	[sflag:s24] =	ssyncadd.s32 $0xFFFFFF00  }
0x57: {  	[tilespmem:s26], [sflag:$0x5] =	stream.indirect.gather [spmem:s2], $0x80, s4, s25, $0xb8;
	[tilespmem:$0x1FE80] =	vst v63  }
0x58: {  	_ =	swait.ge [sflag:s28], $0x100  }
0x59: {  	[sflag:s28] =	ssyncset.done $0x0  }
0x5a: {  	[sflag:s28] =	ssyncadd.s32 $0xFFFFFF00  }
0x5b: {  	[tilespmem:s29], [sflag:$0x6] =	stream.indirect.gather [spmem:s2], $0x80, s21, s25, $0xb8;
	[tilespmem:$0x1FE80] =	vst v63  }
0x5c: {  	_ =	swait.ge [sflag:s30], $0x1000  }
0x5d: {  	[sflag:s30] =	ssyncset.done $0x0  }
0x5e: {  	[sflag:s30] =	ssyncadd.s32 $0xFFFFF000  }
0x5f: {  	[spmem:s3] =	stream.indirect.scatter.add.f32 [tilespmem:s26], [sflag:$0x8], $0x80, s31, s25, $0xb8;
	[tilespmem:$0x1FE80] =	vst v63  }
0x60: {  	_ =	swait.ge [sflag:s20], $0x1000  }
0x61: {  	[sflag:s20] =	ssyncset.done $0x0  }
0x62: {  	s18 =	sadd.s32 $0x0, s16;
	[sflag:s20] =	ssyncadd.s32 $0xFFFFF000  }
0x63: {  	[tilespmem:s4], [sflag:$0x1] =	stream.linear.gather [hbm4b:s18+s4], $0x100, $0x38;
	[tilespmem:$0x1FE80] =	vst v63  }
0x64: {  	_ =	swait.ge [sflag:s1], $0x100  }
0x65: {  	[sflag:s1] =	ssyncset.done $0x0  }
0x66: {  	[sflag:s1] =	ssyncadd.s32 $0xFFFFFF00  }
0x67: {  	[tilespmem:s26], [sflag:$0x5] =	stream.indirect.gather [spmem:s2], $0x80, s22, s25, $0xb8;
	[tilespmem:$0x1FE80] =	vst v63  }
0x68: {  	_ =	swait.ge [sflag:s0], $0x1000  }
0x69: {  	[sflag:s0] =	ssyncset.done $0x0  }
0x6a: {  	[sflag:s0] =	ssyncadd.s32 $0xFFFFF000  }
0x6b: {  	[spmem:s3] =	stream.indirect.scatter.add.f32 [tilespmem:s29], [sflag:$0x8], $0x80, s6, s25, $0xb8;
	[tilespmem:$0x1FE80] =	vst v63  }
0x6c: {  	_ =	swait.ge [sflag:s20], $0x1000  }
0x6d: {  	[sflag:s20] =	ssyncset.done $0x0  }
0x6e: {  	s17 =	sadd.s32 $0x0, s15;
	[sflag:s20] =	ssyncadd.s32 $0xFFFFF000  }
0x6f: {  	[tilespmem:s21], [sflag:$0x2] =	stream.linear.gather [hbm4b:s17+s4], $0x100, $0x38;
	[tilespmem:$0x1FE80] =	vst v63  }
0x70: {  	_ =	swait.ge [sflag:s8], $0x100  }
0x71: {  	[sflag:s8] =	ssyncset.done $0x0  }
0x72: {  	[sflag:s8] =	ssyncadd.s32 $0xFFFFFF00  }
0x73: {  	[tilespmem:s29], [sflag:$0x6] =	stream.indirect.gather [spmem:s2], $0x80, s23, s25, $0xb8;
	[tilespmem:$0x1FE80] =	vst v63  }
0x74: {  	_ =	swait.ge [sflag:s30], $0x1000  }
0x75: {  	[sflag:s30] =	ssyncset.done $0x0  }
0x76: {  	[sflag:s30] =	ssyncadd.s32 $0xFFFFF000  }
0x77: {  	[spmem:s3] =	stream.indirect.scatter.add.f32 [tilespmem:s26], [sflag:$0x8], $0x80, s9, s25, $0xb8;
	[tilespmem:$0x1FE80] =	vst v63  }
0x78: {  	_ =	swait.ge [sflag:s20], $0x1000  }
0x79: {  	[sflag:s20] =	ssyncset.done $0x0  }
0x7a: {  	s18 =	sadd.s32 $0x0, s14;
	[sflag:s20] =	ssyncadd.s32 $0xFFFFF000  }
0x7b: {  	[tilespmem:s22], [sflag:$0x3] =	stream.linear.gather [hbm4b:s18+s4], $0x100, $0x38;
	[tilespmem:$0x1FE80] =	vst v63  }
0x7c: {  	_ =	swait.ge [sflag:s0], $0x1000  }
0x7d: {  	[sflag:s0] =	ssyncset.done $0x0  }
0x7e: {  	[sflag:s0] =	ssyncadd.s32 $0xFFFFF000  }
0x7f: {  	[spmem:s3] =	stream.indirect.scatter.add.f32 [tilespmem:s29], [sflag:$0x8], $0x80, s10, s25, $0xb8;
	[tilespmem:$0x1FE80] =	vst v63  }
0x80: {  	_ =	swait.ge [sflag:s20], $0x1000  }
0x81: {  	[sflag:s20] =	ssyncset.done $0x0  }
0x82: {  	s12 =	simm.s32 $0x80;
	s17 =	sadd.s32 $0x0, s13;
	[sflag:s20] =	ssyncadd.s32 $0xFFFFF000  }
.LBB2_4:
0x83: {  	[tilespmem:s23], [sflag:$0x4] =	stream.linear.gather [hbm4b:s17+s4], $0x100, $0x38;
	[tilespmem:$0x1FE80] =	vst v63  }
0x84: {  	s17 =	smov.u32 s12  }
0x85: {  	p1 =	sne.s32 s12, $0x4E00;
	s12 =	sadd.s32 $0x80, s12;
	_ =	swait.ge [sflag:s24], $0x100  }
0x86: {  	[sflag:s24] =	ssyncset.done $0x0  }
0x87: {  	[sflag:s24] =	ssyncadd.s32 $0xFFFFFF00  }
0x88: {  	[tilespmem:s26], [sflag:$0x5] =	stream.indirect.gather [spmem:s2], $0x80, s4, s25, $0xb8;
	[tilespmem:$0x1FE80] =	vst v63  }
0x89: {  	_ =	swait.ge [sflag:s28], $0x100  }
0x8a: {  	[sflag:s28] =	ssyncset.done $0x0  }
0x8b: {  	[sflag:s28] =	ssyncadd.s32 $0xFFFFFF00  }
0x8c: {  	[tilespmem:s29], [sflag:$0x6] =	stream.indirect.gather [spmem:s2], $0x80, s21, s25, $0xb8;
	[tilespmem:$0x1FE80] =	vst v63  }
0x8d: {  	_ =	swait.ge [sflag:s30], $0x1000  }
0x8e: {  	[sflag:s30] =	ssyncset.done $0x0  }
0x8f: {  	[sflag:s30] =	ssyncadd.s32 $0xFFFFF000  }
0x90: {  	[spmem:s3] =	stream.indirect.scatter.add.f32 [tilespmem:s26], [sflag:$0x8], $0x80, s31, s25, $0xb8;
	[tilespmem:$0x1FE80] =	vst v63  }
0x91: {  	_ =	swait.ge [sflag:s20], $0x1000  }
0x92: {  	[sflag:s20] =	ssyncset.done $0x0  }
0x93: {  	s18 =	sadd.s32 s17, s16;
	[sflag:s20] =	ssyncadd.s32 $0xFFFFF000  }
0x94: {  	[tilespmem:s4], [sflag:$0x1] =	stream.linear.gather [hbm4b:s18+s4], $0x100, $0x38;
	[tilespmem:$0x1FE80] =	vst v63  }
0x95: {  	_ =	swait.ge [sflag:s1], $0x100  }
0x96: {  	[sflag:s1] =	ssyncset.done $0x0  }
0x97: {  	[sflag:s1] =	ssyncadd.s32 $0xFFFFFF00  }
0x98: {  	[tilespmem:s26], [sflag:$0x5] =	stream.indirect.gather [spmem:s2], $0x80, s22, s25, $0xb8;
	[tilespmem:$0x1FE80] =	vst v63  }
0x99: {  	_ =	swait.ge [sflag:s0], $0x1000  }
0x9a: {  	[sflag:s0] =	ssyncset.done $0x0  }
0x9b: {  	[sflag:s0] =	ssyncadd.s32 $0xFFFFF000  }
0x9c: {  	[spmem:s3] =	stream.indirect.scatter.add.f32 [tilespmem:s29], [sflag:$0x8], $0x80, s6, s25, $0xb8;
	[tilespmem:$0x1FE80] =	vst v63  }
0x9d: {  	_ =	swait.ge [sflag:s20], $0x1000  }
0x9e: {  	[sflag:s20] =	ssyncset.done $0x0  }
0x9f: {  	s18 =	sadd.s32 s17, s15;
	[sflag:s20] =	ssyncadd.s32 $0xFFFFF000  }
0xa0: {  	[tilespmem:s21], [sflag:$0x2] =	stream.linear.gather [hbm4b:s18+s4], $0x100, $0x38;
	[tilespmem:$0x1FE80] =	vst v63  }
0xa1: {  	_ =	swait.ge [sflag:s8], $0x100  }
0xa2: {  	[sflag:s8] =	ssyncset.done $0x0  }
0xa3: {  	[sflag:s8] =	ssyncadd.s32 $0xFFFFFF00  }
0xa4: {  	[tilespmem:s29], [sflag:$0x6] =	stream.indirect.gather [spmem:s2], $0x80, s23, s25, $0xb8;
	[tilespmem:$0x1FE80] =	vst v63  }
0xa5: {  	_ =	swait.ge [sflag:s30], $0x1000  }
0xa6: {  	[sflag:s30] =	ssyncset.done $0x0  }
0xa7: {  	[sflag:s30] =	ssyncadd.s32 $0xFFFFF000  }
0xa8: {  	[spmem:s3] =	stream.indirect.scatter.add.f32 [tilespmem:s26], [sflag:$0x8], $0x80, s9, s25, $0xb8;
	[tilespmem:$0x1FE80] =	vst v63  }
0xa9: {  	_ =	swait.ge [sflag:s20], $0x1000  }
0xaa: {  	[sflag:s20] =	ssyncset.done $0x0  }
0xab: {  	s18 =	sadd.s32 s17, s14;
	[sflag:s20] =	ssyncadd.s32 $0xFFFFF000  }
0xac: {  	[tilespmem:s22], [sflag:$0x3] =	stream.linear.gather [hbm4b:s18+s4], $0x100, $0x38;
	[tilespmem:$0x1FE80] =	vst v63  }
0xad: {  	_ =	swait.ge [sflag:s0], $0x1000  }
0xae: {  	[sflag:s0] =	ssyncset.done $0x0  }
.Ltmp1:
0xaf: {  	[sflag:s0] =	ssyncadd.s32 $0xFFFFF000;
	(pc) =	sbr.rel @p1 .LBB2_4-.Ltmp1, $4  }
0xb0: {  	[spmem:s3] =	stream.indirect.scatter.add.f32 [tilespmem:s29], [sflag:$0x8], $0x80, s10, s25, $0xb8;
	[tilespmem:$0x1FE80] =	vst v63  }
0xb1: {  	_ =	swait.ge [sflag:s20], $0x1000  }
0xb2: {  	[sflag:s20] =	ssyncset.done $0x0  }
0xb3: {  	s17 =	sadd.s32 s17, s13;
	[sflag:s20] =	ssyncadd.s32 $0xFFFFF000  }
0xb4: {  	[tilespmem:s23], [sflag:$0x4] =	stream.linear.gather [hbm4b:s17+s4], $0x100, $0x38;
	[tilespmem:$0x1FE80] =	vst v63  }
0xb5: {  	_ =	swait.ge [sflag:s24], $0x100  }
0xb6: {  	[sflag:s24] =	ssyncset.done $0x0  }
0xb7: {  	[sflag:s24] =	ssyncadd.s32 $0xFFFFFF00  }
0xb8: {  	_ =	swait.ge [sflag:s28], $0x100  }
0xb9: {  	[sflag:s28] =	ssyncset.done $0x0  }
0xba: {  	[sflag:s28] =	ssyncadd.s32 $0xFFFFFF00  }
0xbb: {  	_ =	swait.ge [sflag:s1], $0x100  }
0xbc: {  	[sflag:s1] =	ssyncset.done $0x0  }
0xbd: {  	[sflag:s1] =	ssyncadd.s32 $0xFFFFFF00  }
0xbe: {  	_ =	swait.ge [sflag:s8], $0x100  }
0xbf: {  	[sflag:s8] =	ssyncset.done $0x0  }
0xc0: {  	s12 =	stileid.u32;
	[sflag:s8] =	ssyncadd.s32 $0xFFFFFF00  }
0xc1: {  	s12 =	sshll.u32 s12, $0x6;
	[bflag:$0x0] =	sbarrier.arrive $0xFFFF  }
0xc2: {  	s17 =	sshrl.u32 s7, $0x3;
	s12 =	sor.u32 $0x1C08, s12;
	s18 =	rddreg [dreg:$0x8]  }
0xc3: {  	[hbm:s18], [sflag:s12] =	dma.local [spmem:s17], $0x1400  }
0xc4: {  	_ =	swait.ge [sflag:s20], $0x1400  }
0xc5: {  	s11 =	sadd.s32 $0x1, s11;
	s18 =	rddreg [dreg:$0x9]  }
0xc6: {  	p1 =	sne.s32 s11, s18  }
.Ltmp2:
0xc7: {  	_ = 	snop;
	(pc) =	sbr.rel @p1 .LBB2_1-.Ltmp2, $3  }
0xc8: {  	_ =	sdelay $0x1  }
0xc9: {  	[sflag:s20] =	ssyncset.done $0x0  }
0xca: {  	[sflag:s20] =	ssyncadd.s32 $0xFFFFEC00  }
0xcb: {  	_ =	sfence.sel $0x180000  }
0xcc: {  	[bflag:$0x0] =	sbarrier.arrive $0xFFFF  }
0xcd: {  	_ =	strace $0x90000047  }
0xce: {  	s0 =	stileid.u32;
	[bflag:$0x2] =	sbarrier.arrive $0xFFFF  }
0xcf: {  	p0 =	sne.s32 s0, $0x0;
	s0 =	rddreg [dreg:$0x3]  }
0xd0: {  	s0 =	sadd.s32 @!p0 $0x100000, s0  }
0xd1: {  	[sflag:s0] =	ssyncadd.tile.s32 @!p0 $0x1;
	_ =	shalt  }
.Lfunc_end2:
_tile_overlayer_lowered:
.L_overlay_start_2:
0xd2: {  	(tag) =	ssettag $0x2  }
0xd3: {  	s0 =	rddreg [dreg:$0x0];
	s2 =	stileid.u32  }
0xd4: {  	s1 =	rddreg [dreg:$0x1];
	p0 =	sne.s32 s2, $0x0  }
0xd5: {  	s3 =	rddreg [dreg:$0x2];
	[bflag:$0x3] =	sbarrier.arrive $0xFFFF;
	s2 =	simm.s32 @!p0 $0x1C08  }
0xd6: {  	[timem:s3], [sflag:s2] =	dma.local @!p0 [hbm:s0], s1  }
0xd7: {  	s0 =	simm.s32 @!p0 $0x8  }
0xd8: {  	_ =	swait.ge @!p0 [sflag:s0], s1  }
0xd9: {  	s1 =	ssub.s32 @!p0 $0x0, s1;
	[sflag:s0] =	ssyncset.done @!p0 $0x0  }
0xda: {  	[sflag:s0] =	ssyncadd.s32 @!p0 s1  }
0xdb: {  	[bflag:$0x3] =	sbarrier.arrive $0xFFFF  }
0xdc: {  	_ =	shalt  }

// kernel: kernel.15.cloned.1.call-start
scs
__scs_entry_jumppad:
0x0: {  	(pc) =	sbr.rel $0x88, $3  }
0x1: {  	(tag) =	ssettag $0x0;
	lr =	simm.s32 $0x1  }
0x2: {  	[smem:$0x3F96] =	sst lr;
	_ =	strace $0xD0000000  }
0x3: {  	_ = 	snop  }
0x4: {  	_ = 	snop  }
0x5: {  	_ = 	snop  }
0x6: {  	_ = 	snop  }
0x7: {  	_ = 	snop  }
__scs_overlays_trampoline_lowered:
0x8: {  	[smem:$0x3FA5] =	sst s0  }
0x9: {  	[smem:$0x3FA6] =	sst s1  }
0xa: {  	[smem:$0x3FA7] =	sst s2  }
0xb: {  	[smem:$0x3FA8] =	sst s3  }
0xc: {  	[smem:$0x3FA9] =	sst s4  }
0xd: {  	[smem:$0x3FAA] =	sst s5  }
0xe: {  	[smem:$0x3FAB] =	sst s6  }
0xf: {  	[smem:$0x3FAC] =	sst s7  }
0x10: {  	[smem:$0x3FAD] =	sst s8  }
0x11: {  	[smem:$0x3FAE] =	sst s9;
	s0 =	simm.s32 @!p0 $0x0  }
0x12: {  	s1 =	sld [smem:$0x3F94];
	s0 =	simm.s32 @p0 $0x1  }
0x13: {  	[smem:$0x3FAF] =	sst s0;
	s0 =	simm.s32 @!p1 $0x0  }
0x14: {  	s2 =	sld [smem:$0x3F93];
	s0 =	simm.s32 @p1 $0x1  }
0x15: {  	[smem:$0x3FB0] =	sst s0;
	s0 =	simm.s32 @!p2 $0x0  }
0x16: {  	s3 =	sld [smem:$0x3FDB];
	s0 =	simm.s32 @p2 $0x1  }
0x17: {  	s4 =	simm.s32 $0x1BF5;
	[smem:$0x3FB2] =	sst s0  }
0x18: {  	s0 =	sld [smem:$0x3F95];
	_ =	swait.ge [sflag:s4], $0x0  }
0x19: {  	s7 =	sld [smem:$0x3F96]  }
0x1a: {  	s8 =	sadd.s32 $0xFFFFE003, lr  }
0x1b: {  	s9 =	sadd.s32 $0xFFFFFEF7, lr;
	s5 =	simm.s32 $0xFFFFFFFF;
	p2 =	slt.u32 s8, $0xFFFFF086  }
0x1c: {  	p1 =	slt.u32 s9, $0xF7A;
	s5 =	simm.s32 @!p2 $0x0  }
0x1d: {  	s5 =	simm.s32 @p1 $0x1;
	p0 =	seq.s32 s7, s2  }
0x1e: {  	s7 =	smul.u32 @!p0 $0xF7A, s2;
	p2 =	seq.s32 @!p0 s5, $0x0  }
0x1f: {  	s9 =	smul.u32 $0xF7A, s1;
	s8 =	simm.s32 @!p0 $0x1BF5;
	p2 =	por !p2, p0  }
0x20: {  	[sflag:s8] =	ssyncset.s32 @!p0 $0xFFFFF086;
	s6 =	sadd.s32 @!p0 s3, s7;
	s7 =	simm.s32 @!p0 $0x108  }
0x21: {  	s3 =	sadd.s32 s3, s9;
	s6 =	sadd.s32 @!p0 $0x88, s6;
	s7 =	simm.s32 @p2 $0x1082  }
0x22: {  	[simem:s7], [sflag:s8] =	dma.local @!p0 [hbm:s6], $0xF7A  }
0x23: {  	s9 =	sor.u32 $0xD0000000, s2;
	s6 =	simm.s32 $0x108;
	_ =	swait.ge @!p0 [sflag:s8], $0x0  }
0x24: {  	s3 =	sadd.s32 $0x88, s3;
	s6 =	simm.s32 @!p1 $0x1082;
	[sflag:s4] =	ssyncset.s32 $0xFFFFF086  }
0x25: {  	[simem:s6], [sflag:s4] =	dma.local [hbm:s3], $0xF7A  }
0x26: {  	[smem:$0x3F96] =	sst s1;
	(tag) =	ssettag s2;
	_ =	strace s9  }
0x27: {  	s1 =	sld [smem:$0x3FA6]  }
0x28: {  	s2 =	sld [smem:$0x3FA7]  }
0x29: {  	s4 =	sld [smem:$0x3FA9]  }
0x2a: {  	p0 =	seq.s32 s5, $0x0;
	s5 =	sld [smem:$0x3FAA]  }
0x2b: {  	s6 =	sld [smem:$0x3FAB]  }
0x2c: {  	s7 =	sld [smem:$0x3FAC]  }
0x2d: {  	s3 =	simm.s32 $0x108;
	s8 =	sld [smem:$0x3FAD]  }
0x2e: {  	s3 =	simm.s32 @!p0 $0x1082;
	s9 =	sld [smem:$0x3FAE]  }
0x2f: {  	lr =	sadd.s32 s0, s3;
	s0 =	sld [smem:$0x3FA5]  }
0x30: {  	s3 =	sld [smem:$0x3FA8]  }
0x31: {  	[smem:$0x3FB1] =	sst s10  }
0x32: {  	s10 =	sld [smem:$0x3FAF];
	_ =	sdelay $0x3  }
0x33: {  	p0 =	seq.s32 s10, $0x1;
	s10 =	sld [smem:$0x3FB1];
	_ =	sdelay $0x3  }
0x34: {  	[smem:$0x3FB1] =	sst s10  }
0x35: {  	s10 =	sld [smem:$0x3FB0];
	_ =	sdelay $0x3  }
0x36: {  	p1 =	seq.s32 s10, $0x1;
	s10 =	sld [smem:$0x3FB1];
	_ =	sdelay $0x3  }
0x37: {  	[smem:$0x3FB1] =	sst s10  }
0x38: {  	s10 =	sld [smem:$0x3FB2]  }
0x39: {  	_ = 	snop;
	(pc) =	sbr.ind lr, $3  }
0x3a: {  	_ = 	snop  }
0x3b: {  	_ = 	snop  }
0x3c: {  	p2 =	seq.s32 s10, $0x1;
	s10 =	sld [smem:$0x3FB1]  }
0x3d: {  	_ =	shalt  }
0x3e: {  	_ =	shalt  }
0x3f: {  	_ =	shalt  }
0x40: {  	_ =	shalt  }
0x41: {  	_ =	shalt  }
0x42: {  	_ =	shalt  }
0x43: {  	_ =	shalt  }
0x44: {  	_ =	shalt  }
0x45: {  	_ =	shalt  }
0x46: {  	_ =	shalt  }
0x47: {  	_ =	shalt  }
0x48: {  	_ =	shalt  }
0x49: {  	_ =	shalt  }
0x4a: {  	_ =	shalt  }
0x4b: {  	_ =	shalt  }
0x4c: {  	_ =	shalt  }
0x4d: {  	_ =	shalt  }
0x4e: {  	_ =	shalt  }
0x4f: {  	_ =	shalt  }
0x50: {  	_ =	shalt  }
0x51: {  	_ =	shalt  }
0x52: {  	_ =	shalt  }
0x53: {  	_ =	shalt  }
0x54: {  	_ =	shalt  }
0x55: {  	_ =	shalt  }
0x56: {  	_ =	shalt  }
0x57: {  	_ =	shalt  }
0x58: {  	_ =	shalt  }
0x59: {  	_ =	shalt  }
0x5a: {  	_ =	shalt  }
0x5b: {  	_ =	shalt  }
0x5c: {  	_ =	shalt  }
0x5d: {  	_ =	shalt  }
0x5e: {  	_ =	shalt  }
0x5f: {  	_ =	shalt  }
0x60: {  	_ =	shalt  }
0x61: {  	_ =	shalt  }
0x62: {  	_ =	shalt  }
0x63: {  	_ =	shalt  }
0x64: {  	_ =	shalt  }
0x65: {  	_ =	shalt  }
0x66: {  	_ =	shalt  }
0x67: {  	_ =	shalt  }
0x68: {  	_ =	shalt  }
0x69: {  	_ =	shalt  }
0x6a: {  	_ =	shalt  }
0x6b: {  	_ =	shalt  }
0x6c: {  	_ =	shalt  }
0x6d: {  	_ =	shalt  }
0x6e: {  	_ =	shalt  }
0x6f: {  	_ =	shalt  }
0x70: {  	_ =	shalt  }
0x71: {  	_ =	shalt  }
0x72: {  	_ =	shalt  }
0x73: {  	_ =	shalt  }
0x74: {  	_ =	shalt  }
0x75: {  	_ =	shalt  }
0x76: {  	_ =	shalt  }
0x77: {  	_ =	shalt  }
0x78: {  	_ =	shalt  }
0x79: {  	_ =	shalt  }
0x7a: {  	_ =	shalt  }
0x7b: {  	_ =	shalt  }
0x7c: {  	_ =	shalt  }
0x7d: {  	_ =	shalt  }
0x7e: {  	_ =	shalt  }
0x7f: {  	_ =	shalt  }
0x80: {  	_ =	shalt  }
0x81: {  	_ =	shalt  }
0x82: {  	_ =	shalt  }
0x83: {  	_ =	shalt  }
0x84: {  	_ =	shalt  }
0x85: {  	_ =	shalt  }
0x86: {  	_ =	shalt  }
0x87: {  	_ =	shalt  }
.Lfunc_end0:
.L_simem_size_0:
called_computation.1_lowered:
.L_overlay_start_0:
0x88: {  	s2 =	sld [smem:$0x3FD9]  }
0x89: {  	s3 =	sld [smem:$0x3FFE];
	_ =	sdelay $0x1  }
0x8a: {  	s1 =	srdreg.scid  }
0x8b: {  	s0 =	sand.u32 $0x1, s1  }
0x8c: {  	s16 =	sshll.u32 s0, $0xA;
	s2 =	sadd.s32 s3, s2  }
0x8d: {  	s2 =	sadd.s32 s2, s16  }
0x8e: {  	[smem:$0x3FBD] =	sst s2  }
0x8f: {  	_ = 	snop  }
0x90: {  	(tm) =	ssettm $0x1  }
0x91: {  	s17 =	sld [smem:$0x3FFB];
	_ =	sdelay $0x3  }
0x92: {  	_ =	strace s17  }
0x93: {  	s2 =	sld [smem:$0x3FFC];
	_ =	sdelay $0x3  }
0x94: {  	_ =	strace s2  }
0x95: {  	s2 =	sld [smem:$0x3FFD];
	_ =	sdelay $0x3  }
0x96: {  	_ =	strace s2  }
0x97: {  	_ =	strace $0x8FFFFFFF  }
0x98: {  	s18 =	sld [smem:$0x3FDB];
	_ =	sdelay $0x1  }
0x99: {  	s19 =	simm.s32 $_scs_section_size  }
0x9a: {  	s4 =	simm.s32 $_size__tile_overlayer_lowered;
	s5 =	simm.s32 $_tile_overlayer_lowered  }
0x9b: {  	s22 =	simm.s32 $0x1BFF;
	s21 =	sshll.u32 s5, $0x1;
	s2 =	sadd.s32 s19, s18  }
0x9c: {  	s6 =	simm.s32 $0x0;
	s20 =	sshll.u32 s4, $0x1;
	s4 =	sadd.s32 s21, s2  }
0x9d: {  	[timem:s6], [sflag:s22] =	dma.local [hbm:s4], s20  }
0x9e: {  	_ =	swait.ge [sflag:s22], s20  }
0x9f: {  	s3 =	ssub.s32 $0x0, s20;
	[sflag:s22] =	ssyncset.done $0x0  }
0xa0: {  	[sflag:s22] =	ssyncadd.s32 s3;
	_ =	sdelay $0x1  }
0xa1: {  	s23 =	simm.s32 $0x1B8B  }
0xa2: {  	_ =	swait.ge [sflag:s23], $0x1  }
0xa3: {  	[sflag:s23] =	ssyncset.done $0x0  }
0xa4: {  	s25 =	simm.s32 $0x1B8E;
	s24 =	sld [smem:$0x3FFE];
	[sflag:s23] =	ssyncadd.s32 $0xFFFFFFFF  }
0xa5: {  	s26 =	simm.s32 $execute0_lowered;
	[smem:$0x3FD2] =	sst s25  }
0xa6: {  	s4 =	sshll.u32 s26, $0x1;
	_ =	strace $0x80000049;
	[dreg:$0x1] =	wrdreg $0xFFFFFFFF  }
0xa7: {  	s28 =	simm.s32 $_size_execute0_lowered;
	s2 =	sadd.s32 s2, s4;
	[dreg:$0x0] =	wrdreg $0x0  }
0xa8: {  	s4 =	sshll.u32 s28, $0x1;
	[dreg:$0x2] =	wrdreg s2  }
0xa9: {  	[dreg:$0x3] =	wrdreg s4  }
0xaa: {  	[dreg:$0x4] =	wrdreg $0xC0  }
0xab: {  	_ =	task [dreg:s6], $0x5FFFF  }
0xac: {  	[dreg:$0x1] =	wrdreg $0xFFFFFFFF  }
0xad: {  	[dreg:$0x0] =	wrdreg $0x60  }
0xae: {  	[dreg:$0x2] =	wrdreg s24  }
0xaf: {  	[dreg:$0x3] =	wrdreg $0x26000  }
0xb0: {  	[dreg:$0x4] =	wrdreg $0x15E800  }
0xb1: {  	[dreg:$0x5] =	wrdreg $0x9  }
0xb2: {  	_ =	task.clear_ibuf [dreg:s6], $0x6FFFF;
	_ =	strace $0x90000049  }
0xb3: {  	s29 =	simm.s32 $0x9;
	_ =	strace $0x8000004B  }
0xb4: {  	_ =	swait.ge [sflag:s29], $0x1  }
0xb5: {  	[sflag:s29] =	ssyncadd.s32 $0xFFFFFFFF  }
0xb6: {  	_ =	strace $0x9000004B  }
0xb7: {  	_ =	sfence  }
0xb8: {  	s30 =	sld [smem:$0x0];
	_ =	sdelay $0x2  }
0xb9: {  	s31 =	sshll.u32 s1, $0xD;
	s1 =	sshrl.u32 s1, $0x2  }
0xba: {  	s3 =	sand.u32 $0x4000, s31;
	s1 =	sadd.s32 s1, s30  }
0xbb: {  	s0 =	sor.u32 s3, s0;
	s1 =	sshll.u32 s1, $0x11  }
0xbc: {  	s0 =	sor.u32 s1, s0  }
0xbd: {  	s0 =	sadd.s32 $0x8F2B, s0  }
0xbe: {  	[sflag:s0] =	ssyncadd.remote.s32 $0x1  }
0xbf: {  	_ =	sfence.sel $0xFFFF  }
0xc0: {  	[dreg:$0x0] =	wrdreg $0xFFFFFFFF;
	(pc) =	sbr.abs _section_cstart, $3  }
0xc1: {  	[dreg:$0x1] =	wrdreg $0xFFFFFFFF  }
0xc2: {  	_ =	task.clear_ibuf [dreg:s6], $0x2FFFF;
	_ =	strace $0x9FFFFFFF  }
0xc3: {  	(tm) =	ssettm $0x7FFFFFFF  }
tec
execute0_lowered:
.L_overlay_start_1:
0x0: {  	(tag) =	ssettag $0x1  }
0x1: {  	s0 =	rddreg [dreg:$0x0]  }
0x2: {  	s2 =	rddreg [dreg:$0x1];
	s12 =	stileid.u32  }
0x3: {  	s1 =	srdreg.scid;
	s5 =	smul.u32 $0x3E80, s12  }
0x4: {  	s3 =	rddreg [dreg:$0x2];
	s4 =	simm.s32 $0x0;
	s7 =	smul.u32 $0xA000, s12  }
0x5: {  	s28 =	simm.s32 $0x2;
	s29 =	simm.s32 $0x1400;
	s15 =	smul.u32 $0x27800, s12  }
0x6: {  	s30 =	simm.s32 $0x5;
	s31 =	simm.s32 $0x80;
	s16 =	smul.u32 $0x7D000, s12  }
0x7: {  	s1 =	sand.u32 $0x1, s1;
	[smem:$0x7FF] =	sst s4;
	s11 =	smul.u32 $0x28000, s12  }
0x8: {  	s9 =	sadd.s32 $0x2E00, s0;
	p0 =	sgt.u32 s12, $0x9;
	s6 =	smul.u32 $0xA0000, s1  }
0x9: {  	_ =	strace $0x8000004A;
	s14 =	smul.u32 $0x278000, s1;
	s1 =	ssub.s32 $0x2, s1  }
0xa: {  	s8 =	sadd.s32 s5, s0;
	s10 =	sshrl.u32 s1, $0x1;
	s11 =	sshrl.u32 s11, $0x2  }
0xb: {  	s13 =	sadd.s32 s7, s6;
	s6 =	sadd.s32 s15, s14;
	s1 =	ssub.s32 s1, s10  }
0xc: {  	s17 =	sadd.s32 $0xA0E00, s8;
	s8 =	simm.s32 $0x4;
	s5 =	sshrl.u32 s13, $0x3  }
0xd: {  	s7 =	sshrl.u32 s6, $0x3;
	[dreg:$0x4] =	wrdreg s17;
	s21 =	sor.u32 $0x700, s6  }
0xe: {  	s23 =	sor.u32 $0x600, s6;
	s1 =	smax.u32 s1, $0x1;
	s25 =	sor.u32 $0x500, s6  }
0xf: {  	s26 =	sor.u32 $0x400, s6;
	s6 =	simm.s32 $0x180;
	s0 =	sadd.s32 s5, s0  }
0x10: {  	s5 =	sshrl.u32 s16, $0x2;
	s22 =	sshrl.u32 s21, $0x3;
	[dreg:$0x9] =	wrdreg s1  }
0x11: {  	s24 =	sshrl.u32 s23, $0x3;
	s1 =	sshrl.u32 s26, $0x3;
	s21 =	simm.s32 $0x100  }
0x12: {  	s23 =	simm.s32 $0x300;
	s26 =	simm.s32 $0x400;
	s10 =	sadd.s32 s5, s2  }
0x13: {  	s5 =	sadd.s32 s9, s7;
	s7 =	sadd.s32 s11, s3;
	s0 =	sadd.s32 $0xC8000, s0  }
0x14: {  	s13 =	sadd.s32 s22, s9;
	s14 =	sadd.s32 s24, s9;
	s16 =	sadd.s32 s1, s9  }
0x15: {  	s22 =	simm.s32 $0x200;
	s24 =	simm.s32 $0x1;
	s1 =	simm.s32 $0x3  }
0x16: {  	s11 =	simm.s32 $0x0;
	s18 =	sadd.s32 $0x20, s5;
	[dreg:$0x8] =	wrdreg s0  }
0x17: {  	s19 =	sadd.s32 $0x40, s5;
	s20 =	sadd.s32 $0x60, s5;
	[dreg:$0x5] =	wrdreg s18  }
0x18: {  	s0 =	sshrl.u32 s25, $0x3;
	s25 =	simm.s32 $0x20;
	[dreg:$0x6] =	wrdreg s19  }
0x19: {  	[dreg:$0x7] =	wrdreg s20;
	s15 =	sadd.s32 s0, s9;
	s0 =	sshll.u32 @!p0 s12, $0x6  }
0x1a: {  	s19 =	simm.s32 $0x2400;
	s20 =	simm.s32 $0x8;
	s0 =	sor.u32 @!p0 $0x1C07, s0  }
0x1b: {  	s9 =	simm.s32 $0x280;
	[dreg:$0xa] =	wrdreg s0;
	s0 =	sshrl.u32 @!p0 s10, $0x3  }
0x1c: {  	v0 =	vimm.f32 $0.0e+00;
	s10 =	simm.s32 $0x380;
	[dreg:$0xb] =	wrdreg s0;
	s0 =	simm.s32 $0x6  }
.LBB2_1:
0x1d: {  	s12 =	rddreg [dreg:$0x4]  }
0x1e: {  	s17 =	rddreg [dreg:$0xa]  }
0x1f: {  	s18 =	rddreg [dreg:$0xb]  }
0x20: {  	[spmem:s18], [sflag:s17] =	dma.local @!p0 [hbm:s12], $0x3E80;
	[tilespmem:$0x2400] =	vst v0  }
0x21: {  	[tilespmem:$0x2410] =	vst v0  }
0x22: {  	[tilespmem:$0x2420] =	vst v0  }
0x23: {  	[tilespmem:$0x2430] =	vst v0  }
0x24: {  	[tilespmem:$0x2440] =	vst v0  }
0x25: {  	[tilespmem:$0x2450] =	vst v0  }
0x26: {  	[tilespmem:$0x2460] =	vst v0  }
0x27: {  	[tilespmem:$0x2470] =	vst v0  }
0x28: {  	[tilespmem:$0x2480] =	vst v0  }
0x29: {  	[tilespmem:$0x2490] =	vst v0  }
0x2a: {  	[tilespmem:$0x24A0] =	vst v0  }
0x2b: {  	[tilespmem:$0x24B0] =	vst v0  }
0x2c: {  	[tilespmem:$0x24C0] =	vst v0  }
0x2d: {  	[tilespmem:$0x24D0] =	vst v0  }
0x2e: {  	[tilespmem:$0x24E0] =	vst v0  }
0x2f: {  	[tilespmem:$0x24F0] =	vst v0  }
0x30: {  	[tilespmem:$0x2500] =	vst v0  }
0x31: {  	[tilespmem:$0x2510] =	vst v0  }
0x32: {  	[tilespmem:$0x2520] =	vst v0  }
0x33: {  	[tilespmem:$0x2530] =	vst v0  }
0x34: {  	[tilespmem:$0x2540] =	vst v0  }
0x35: {  	[tilespmem:$0x2550] =	vst v0  }
0x36: {  	[tilespmem:$0x2560] =	vst v0  }
0x37: {  	[tilespmem:$0x2570] =	vst v0  }
0x38: {  	[tilespmem:$0x2580] =	vst v0  }
0x39: {  	[tilespmem:$0x2590] =	vst v0  }
0x3a: {  	[tilespmem:$0x25A0] =	vst v0  }
0x3b: {  	[tilespmem:$0x25B0] =	vst v0  }
0x3c: {  	[tilespmem:$0x25C0] =	vst v0  }
0x3d: {  	[tilespmem:$0x25D0] =	vst v0  }
0x3e: {  	[tilespmem:$0x25E0] =	vst v0  }
0x3f: {  	[tilespmem:$0x25F0] =	vst v0;
	s18 =	sadd.s32 $0x0, s7  }
0x40: {  	[spmem:s18] =	stream.linear.scatter [tilespmem:s19], [sflag:$0x8], $0x200, $0x38;
	[tilespmem:$0x1FE80] =	vst v63  }
0x41: {  	s12 =	simm.s32 $0x800;
	_ =	swait.ge [sflag:s20], $0x200  }
.LBB2_2:
0x42: {  	s17 =	sshra.s32 s12, $0x2;
	[sflag:s20] =	ssyncset.done $0x0;
	p1 =	sne.s32 s12, $0x27800  }
.Ltmp0:
0x43: {  	s17 =	sadd.s32 s17, s7;
	[sflag:s20] =	ssyncadd.s32 $0xFFFFFE00;
	(pc) =	sbr.rel @p1 .LBB2_2-.Ltmp0, $3  }
0x44: {  	[spmem:s17] =	stream.linear.scatter [tilespmem:s19], [sflag:$0x8], $0x200, $0x38;
	[tilespmem:$0x1FE80] =	vst v63  }
0x45: {  	s12 =	sadd.s32 $0x800, s12;
	_ =	sdelay $0x1  }
0x46: {  	_ =	swait.ge [sflag:s20], $0x200  }
0x47: {  	[sflag:s20] =	ssyncset.done $0x0  }
0x48: {  	s12 =	simm.s32 @!p0 $0x7;
	[sflag:s20] =	ssyncadd.s32 $0xFFFFFE00  }
0x49: {  	_ =	swait.ge @!p0 [sflag:s12], $0x3E80  }
0x4a: {  	[sflag:s12] =	ssyncset.done @!p0 $0x0  }
0x4b: {  	[sflag:s12] =	ssyncadd.s32 @!p0 $0xFFFFC180  }
0x4c: {  	s12 =	simm.s32 $0x0;
	[bflag:$0x0] =	sbarrier.arrive $0xFFFF  }
0x4d: {  	[tilespmem:s12], [sflag:$0x1] =	stream.linear.gather [hbm4b:s5+s12], $0x100, $0x38;
	[tilespmem:$0x1FE80] =	vst v63  }
0x4e: {  	s17 =	rddreg [dreg:$0x5]  }
0x4f: {  	[tilespmem:s21], [sflag:$0x2] =	stream.linear.gather [hbm4b:s17+s12], $0x100, $0x38;
	[tilespmem:$0x1FE80] =	vst v63  }
0x50: {  	s18 =	rddreg [dreg:$0x6]  }
0x51: {  	[tilespmem:s22], [sflag:$0x3] =	stream.linear.gather [hbm4b:s18+s12], $0x100, $0x38;
	[tilespmem:$0x1FE80] =	vst v63  }
0x52: {  	s18 =	rddreg [dreg:$0x7]  }
0x53: {  	[tilespmem:s23], [sflag:$0x4] =	stream.linear.gather [hbm4b:s18+s12], $0x100, $0x38;
	[tilespmem:$0x1FE80] =	vst v63  }
0x54: {  	_ =	swait.ge [sflag:s24], $0x100  }
0x55: {  	[sflag:s24] =	ssyncset.done $0x0  }
0x56: {  	[sflag:s24] =	ssyncadd.s32 $0xFFFFFF00  }
0x57: {  	[tilespmem:s26], [sflag:$0x5] =	stream.indirect.gather [spmem:s2], $0x80, s4, s25, $0xb8;
	[tilespmem:$0x1FE80] =	vst v63  }
0x58: {  	_ =	swait.ge [sflag:s28], $0x100  }
0x59: {  	[sflag:s28] =	ssyncset.done $0x0  }
0x5a: {  	[sflag:s28] =	ssyncadd.s32 $0xFFFFFF00  }
0x5b: {  	[tilespmem:s29], [sflag:$0x6] =	stream.indirect.gather [spmem:s2], $0x80, s21, s25, $0xb8;
	[tilespmem:$0x1FE80] =	vst v63  }
0x5c: {  	_ =	swait.ge [sflag:s30], $0x1000  }
0x5d: {  	[sflag:s30] =	ssyncset.done $0x0  }
0x5e: {  	[sflag:s30] =	ssyncadd.s32 $0xFFFFF000  }
0x5f: {  	[spmem:s3] =	stream.indirect.scatter.add.f32 [tilespmem:s26], [sflag:$0x8], $0x80, s31, s25, $0xb8;
	[tilespmem:$0x1FE80] =	vst v63  }
0x60: {  	_ =	swait.ge [sflag:s20], $0x1000  }
0x61: {  	[sflag:s20] =	ssyncset.done $0x0  }
0x62: {  	s18 =	sadd.s32 $0x0, s16;
	[sflag:s20] =	ssyncadd.s32 $0xFFFFF000  }
0x63: {  	[tilespmem:s4], [sflag:$0x1] =	stream.linear.gather [hbm4b:s18+s4], $0x100, $0x38;
	[tilespmem:$0x1FE80] =	vst v63  }
0x64: {  	_ =	swait.ge [sflag:s1], $0x100  }
0x65: {  	[sflag:s1] =	ssyncset.done $0x0  }
0x66: {  	[sflag:s1] =	ssyncadd.s32 $0xFFFFFF00  }
0x67: {  	[tilespmem:s26], [sflag:$0x5] =	stream.indirect.gather [spmem:s2], $0x80, s22, s25, $0xb8;
	[tilespmem:$0x1FE80] =	vst v63  }
0x68: {  	_ =	swait.ge [sflag:s0], $0x1000  }
0x69: {  	[sflag:s0] =	ssyncset.done $0x0  }
0x6a: {  	[sflag:s0] =	ssyncadd.s32 $0xFFFFF000  }
0x6b: {  	[spmem:s3] =	stream.indirect.scatter.add.f32 [tilespmem:s29], [sflag:$0x8], $0x80, s6, s25, $0xb8;
	[tilespmem:$0x1FE80] =	vst v63  }
0x6c: {  	_ =	swait.ge [sflag:s20], $0x1000  }
0x6d: {  	[sflag:s20] =	ssyncset.done $0x0  }
0x6e: {  	s17 =	sadd.s32 $0x0, s15;
	[sflag:s20] =	ssyncadd.s32 $0xFFFFF000  }
0x6f: {  	[tilespmem:s21], [sflag:$0x2] =	stream.linear.gather [hbm4b:s17+s4], $0x100, $0x38;
	[tilespmem:$0x1FE80] =	vst v63  }
0x70: {  	_ =	swait.ge [sflag:s8], $0x100  }
0x71: {  	[sflag:s8] =	ssyncset.done $0x0  }
0x72: {  	[sflag:s8] =	ssyncadd.s32 $0xFFFFFF00  }
0x73: {  	[tilespmem:s29], [sflag:$0x6] =	stream.indirect.gather [spmem:s2], $0x80, s23, s25, $0xb8;
	[tilespmem:$0x1FE80] =	vst v63  }
0x74: {  	_ =	swait.ge [sflag:s30], $0x1000  }
0x75: {  	[sflag:s30] =	ssyncset.done $0x0  }
0x76: {  	[sflag:s30] =	ssyncadd.s32 $0xFFFFF000  }
0x77: {  	[spmem:s3] =	stream.indirect.scatter.add.f32 [tilespmem:s26], [sflag:$0x8], $0x80, s9, s25, $0xb8;
	[tilespmem:$0x1FE80] =	vst v63  }
0x78: {  	_ =	swait.ge [sflag:s20], $0x1000  }
0x79: {  	[sflag:s20] =	ssyncset.done $0x0  }
0x7a: {  	s18 =	sadd.s32 $0x0, s14;
	[sflag:s20] =	ssyncadd.s32 $0xFFFFF000  }
0x7b: {  	[tilespmem:s22], [sflag:$0x3] =	stream.linear.gather [hbm4b:s18+s4], $0x100, $0x38;
	[tilespmem:$0x1FE80] =	vst v63  }
0x7c: {  	_ =	swait.ge [sflag:s0], $0x1000  }
0x7d: {  	[sflag:s0] =	ssyncset.done $0x0  }
0x7e: {  	[sflag:s0] =	ssyncadd.s32 $0xFFFFF000  }
0x7f: {  	[spmem:s3] =	stream.indirect.scatter.add.f32 [tilespmem:s29], [sflag:$0x8], $0x80, s10, s25, $0xb8;
	[tilespmem:$0x1FE80] =	vst v63  }
0x80: {  	_ =	swait.ge [sflag:s20], $0x1000  }
0x81: {  	[sflag:s20] =	ssyncset.done $0x0  }
0x82: {  	s12 =	simm.s32 $0x80;
	s17 =	sadd.s32 $0x0, s13;
	[sflag:s20] =	ssyncadd.s32 $0xFFFFF000  }
.LBB2_4:
0x83: {  	[tilespmem:s23], [sflag:$0x4] =	stream.linear.gather [hbm4b:s17+s4], $0x100, $0x38;
	[tilespmem:$0x1FE80] =	vst v63  }
0x84: {  	s17 =	smov.u32 s12  }
0x85: {  	p1 =	sne.s32 s12, $0x4E00;
	s12 =	sadd.s32 $0x80, s12;
	_ =	swait.ge [sflag:s24], $0x100  }
0x86: {  	[sflag:s24] =	ssyncset.done $0x0  }
0x87: {  	[sflag:s24] =	ssyncadd.s32 $0xFFFFFF00  }
0x88: {  	[tilespmem:s26], [sflag:$0x5] =	stream.indirect.gather [spmem:s2], $0x80, s4, s25, $0xb8;
	[tilespmem:$0x1FE80] =	vst v63  }
0x89: {  	_ =	swait.ge [sflag:s28], $0x100  }
0x8a: {  	[sflag:s28] =	ssyncset.done $0x0  }
0x8b: {  	[sflag:s28] =	ssyncadd.s32 $0xFFFFFF00  }
0x8c: {  	[tilespmem:s29], [sflag:$0x6] =	stream.indirect.gather [spmem:s2], $0x80, s21, s25, $0xb8;
	[tilespmem:$0x1FE80] =	vst v63  }
0x8d: {  	_ =	swait.ge [sflag:s30], $0x1000  }
0x8e: {  	[sflag:s30] =	ssyncset.done $0x0  }
0x8f: {  	[sflag:s30] =	ssyncadd.s32 $0xFFFFF000  }
0x90: {  	[spmem:s3] =	stream.indirect.scatter.add.f32 [tilespmem:s26], [sflag:$0x8], $0x80, s31, s25, $0xb8;
	[tilespmem:$0x1FE80] =	vst v63  }
0x91: {  	_ =	swait.ge [sflag:s20], $0x1000  }
0x92: {  	[sflag:s20] =	ssyncset.done $0x0  }
0x93: {  	s18 =	sadd.s32 s17, s16;
	[sflag:s20] =	ssyncadd.s32 $0xFFFFF000  }
0x94: {  	[tilespmem:s4], [sflag:$0x1] =	stream.linear.gather [hbm4b:s18+s4], $0x100, $0x38;
	[tilespmem:$0x1FE80] =	vst v63  }
0x95: {  	_ =	swait.ge [sflag:s1], $0x100  }
0x96: {  	[sflag:s1] =	ssyncset.done $0x0  }
0x97: {  	[sflag:s1] =	ssyncadd.s32 $0xFFFFFF00  }
0x98: {  	[tilespmem:s26], [sflag:$0x5] =	stream.indirect.gather [spmem:s2], $0x80, s22, s25, $0xb8;
	[tilespmem:$0x1FE80] =	vst v63  }
0x99: {  	_ =	swait.ge [sflag:s0], $0x1000  }
0x9a: {  	[sflag:s0] =	ssyncset.done $0x0  }
0x9b: {  	[sflag:s0] =	ssyncadd.s32 $0xFFFFF000  }
0x9c: {  	[spmem:s3] =	stream.indirect.scatter.add.f32 [tilespmem:s29], [sflag:$0x8], $0x80, s6, s25, $0xb8;
	[tilespmem:$0x1FE80] =	vst v63  }
0x9d: {  	_ =	swait.ge [sflag:s20], $0x1000  }
0x9e: {  	[sflag:s20] =	ssyncset.done $0x0  }
0x9f: {  	s18 =	sadd.s32 s17, s15;
	[sflag:s20] =	ssyncadd.s32 $0xFFFFF000  }
0xa0: {  	[tilespmem:s21], [sflag:$0x2] =	stream.linear.gather [hbm4b:s18+s4], $0x100, $0x38;
	[tilespmem:$0x1FE80] =	vst v63  }
0xa1: {  	_ =	swait.ge [sflag:s8], $0x100  }
0xa2: {  	[sflag:s8] =	ssyncset.done $0x0  }
0xa3: {  	[sflag:s8] =	ssyncadd.s32 $0xFFFFFF00  }
0xa4: {  	[tilespmem:s29], [sflag:$0x6] =	stream.indirect.gather [spmem:s2], $0x80, s23, s25, $0xb8;
	[tilespmem:$0x1FE80] =	vst v63  }
0xa5: {  	_ =	swait.ge [sflag:s30], $0x1000  }
0xa6: {  	[sflag:s30] =	ssyncset.done $0x0  }
0xa7: {  	[sflag:s30] =	ssyncadd.s32 $0xFFFFF000  }
0xa8: {  	[spmem:s3] =	stream.indirect.scatter.add.f32 [tilespmem:s26], [sflag:$0x8], $0x80, s9, s25, $0xb8;
	[tilespmem:$0x1FE80] =	vst v63  }
0xa9: {  	_ =	swait.ge [sflag:s20], $0x1000  }
0xaa: {  	[sflag:s20] =	ssyncset.done $0x0  }
0xab: {  	s18 =	sadd.s32 s17, s14;
	[sflag:s20] =	ssyncadd.s32 $0xFFFFF000  }
0xac: {  	[tilespmem:s22], [sflag:$0x3] =	stream.linear.gather [hbm4b:s18+s4], $0x100, $0x38;
	[tilespmem:$0x1FE80] =	vst v63  }
0xad: {  	_ =	swait.ge [sflag:s0], $0x1000  }
0xae: {  	[sflag:s0] =	ssyncset.done $0x0  }
.Ltmp1:
0xaf: {  	[sflag:s0] =	ssyncadd.s32 $0xFFFFF000;
	(pc) =	sbr.rel @p1 .LBB2_4-.Ltmp1, $4  }
0xb0: {  	[spmem:s3] =	stream.indirect.scatter.add.f32 [tilespmem:s29], [sflag:$0x8], $0x80, s10, s25, $0xb8;
	[tilespmem:$0x1FE80] =	vst v63  }
0xb1: {  	_ =	swait.ge [sflag:s20], $0x1000  }
0xb2: {  	[sflag:s20] =	ssyncset.done $0x0  }
0xb3: {  	s17 =	sadd.s32 s17, s13;
	[sflag:s20] =	ssyncadd.s32 $0xFFFFF000  }
0xb4: {  	[tilespmem:s23], [sflag:$0x4] =	stream.linear.gather [hbm4b:s17+s4], $0x100, $0x38;
	[tilespmem:$0x1FE80] =	vst v63  }
0xb5: {  	_ =	swait.ge [sflag:s24], $0x100  }
0xb6: {  	[sflag:s24] =	ssyncset.done $0x0  }
0xb7: {  	[sflag:s24] =	ssyncadd.s32 $0xFFFFFF00  }
0xb8: {  	_ =	swait.ge [sflag:s28], $0x100  }
0xb9: {  	[sflag:s28] =	ssyncset.done $0x0  }
0xba: {  	[sflag:s28] =	ssyncadd.s32 $0xFFFFFF00  }
0xbb: {  	_ =	swait.ge [sflag:s1], $0x100  }
0xbc: {  	[sflag:s1] =	ssyncset.done $0x0  }
0xbd: {  	[sflag:s1] =	ssyncadd.s32 $0xFFFFFF00  }
0xbe: {  	_ =	swait.ge [sflag:s8], $0x100  }
0xbf: {  	[sflag:s8] =	ssyncset.done $0x0  }
0xc0: {  	s12 =	stileid.u32;
	[sflag:s8] =	ssyncadd.s32 $0xFFFFFF00  }
0xc1: {  	s12 =	sshll.u32 s12, $0x6;
	[bflag:$0x0] =	sbarrier.arrive $0xFFFF  }
0xc2: {  	s17 =	sshrl.u32 s7, $0x3;
	s12 =	sor.u32 $0x1C08, s12;
	s18 =	rddreg [dreg:$0x8]  }
0xc3: {  	[hbm:s18], [sflag:s12] =	dma.local [spmem:s17], $0x1400  }
0xc4: {  	_ =	swait.ge [sflag:s20], $0x1400  }
0xc5: {  	s11 =	sadd.s32 $0x1, s11;
	s18 =	rddreg [dreg:$0x9]  }
0xc6: {  	p1 =	sne.s32 s11, s18  }
.Ltmp2:
0xc7: {  	_ = 	snop;
	(pc) =	sbr.rel @p1 .LBB2_1-.Ltmp2, $3  }
0xc8: {  	_ =	sdelay $0x1  }
0xc9: {  	[sflag:s20] =	ssyncset.done $0x0  }
0xca: {  	[sflag:s20] =	ssyncadd.s32 $0xFFFFEC00  }
0xcb: {  	_ =	sfence.sel $0x180000  }
0xcc: {  	[bflag:$0x0] =	sbarrier.arrive $0xFFFF  }
0xcd: {  	_ =	strace $0x9000004A  }
0xce: {  	s0 =	stileid.u32;
	[bflag:$0x2] =	sbarrier.arrive $0xFFFF  }
0xcf: {  	p0 =	sne.s32 s0, $0x0;
	s0 =	rddreg [dreg:$0x3]  }
0xd0: {  	s0 =	sadd.s32 @!p0 $0x100000, s0  }
0xd1: {  	[sflag:s0] =	ssyncadd.tile.s32 @!p0 $0x1;
	_ =	shalt  }
.Lfunc_end2:
_tile_overlayer_lowered:
.L_overlay_start_2:
0xd2: {  	(tag) =	ssettag $0x2  }
0xd3: {  	s0 =	rddreg [dreg:$0x0];
	s2 =	stileid.u32  }
0xd4: {  	s1 =	rddreg [dreg:$0x1];
	p0 =	sne.s32 s2, $0x0  }
0xd5: {  	s3 =	rddreg [dreg:$0x2];
	[bflag:$0x3] =	sbarrier.arrive $0xFFFF;
	s2 =	simm.s32 @!p0 $0x1C08  }
0xd6: {  	[timem:s3], [sflag:s2] =	dma.local @!p0 [hbm:s0], s1  }
0xd7: {  	s0 =	simm.s32 @!p0 $0x8  }
0xd8: {  	_ =	swait.ge @!p0 [sflag:s0], s1  }
0xd9: {  	s1 =	ssub.s32 @!p0 $0x0, s1;
	[sflag:s0] =	ssyncset.done @!p0 $0x0  }
0xda: {  	[sflag:s0] =	ssyncadd.s32 @!p0 s1  }
0xdb: {  	[bflag:$0x3] =	sbarrier.arrive $0xFFFF  }
0xdc: {  	_ =	shalt  }

// kernel: kernel.18.cloned.1.call-start
scs
__scs_entry_jumppad:
0x0: {  	(pc) =	sbr.rel $0x88, $3  }
0x1: {  	(tag) =	ssettag $0x0;
	lr =	simm.s32 $0x1  }
0x2: {  	[smem:$0x3F96] =	sst lr;
	_ =	strace $0xD0000000  }
0x3: {  	_ = 	snop  }
0x4: {  	_ = 	snop  }
0x5: {  	_ = 	snop  }
0x6: {  	_ = 	snop  }
0x7: {  	_ = 	snop  }
__scs_overlays_trampoline_lowered:
0x8: {  	[smem:$0x3FA5] =	sst s0  }
0x9: {  	[smem:$0x3FA6] =	sst s1  }
0xa: {  	[smem:$0x3FA7] =	sst s2  }
0xb: {  	[smem:$0x3FA8] =	sst s3  }
0xc: {  	[smem:$0x3FA9] =	sst s4  }
0xd: {  	[smem:$0x3FAA] =	sst s5  }
0xe: {  	[smem:$0x3FAB] =	sst s6  }
0xf: {  	[smem:$0x3FAC] =	sst s7  }
0x10: {  	[smem:$0x3FAD] =	sst s8  }
0x11: {  	[smem:$0x3FAE] =	sst s9;
	s0 =	simm.s32 @!p0 $0x0  }
0x12: {  	s1 =	sld [smem:$0x3F94];
	s0 =	simm.s32 @p0 $0x1  }
0x13: {  	[smem:$0x3FAF] =	sst s0;
	s0 =	simm.s32 @!p1 $0x0  }
0x14: {  	s2 =	sld [smem:$0x3F93];
	s0 =	simm.s32 @p1 $0x1  }
0x15: {  	[smem:$0x3FB0] =	sst s0;
	s0 =	simm.s32 @!p2 $0x0  }
0x16: {  	s3 =	sld [smem:$0x3FDB];
	s0 =	simm.s32 @p2 $0x1  }
0x17: {  	s4 =	simm.s32 $0x1BF5;
	[smem:$0x3FB2] =	sst s0  }
0x18: {  	s0 =	sld [smem:$0x3F95];
	_ =	swait.ge [sflag:s4], $0x0  }
0x19: {  	s7 =	sld [smem:$0x3F96]  }
0x1a: {  	s8 =	sadd.s32 $0xFFFFE003, lr  }
0x1b: {  	s9 =	sadd.s32 $0xFFFFFEF7, lr;
	s5 =	simm.s32 $0xFFFFFFFF;
	p2 =	slt.u32 s8, $0xFFFFF086  }
0x1c: {  	p1 =	slt.u32 s9, $0xF7A;
	s5 =	simm.s32 @!p2 $0x0  }
0x1d: {  	s5 =	simm.s32 @p1 $0x1;
	p0 =	seq.s32 s7, s2  }
0x1e: {  	s7 =	smul.u32 @!p0 $0xF7A, s2;
	p2 =	seq.s32 @!p0 s5, $0x0  }
0x1f: {  	s9 =	smul.u32 $0xF7A, s1;
	s8 =	simm.s32 @!p0 $0x1BF5;
	p2 =	por !p2, p0  }
0x20: {  	[sflag:s8] =	ssyncset.s32 @!p0 $0xFFFFF086;
	s6 =	sadd.s32 @!p0 s3, s7;
	s7 =	simm.s32 @!p0 $0x108  }
0x21: {  	s3 =	sadd.s32 s3, s9;
	s6 =	sadd.s32 @!p0 $0x88, s6;
	s7 =	simm.s32 @p2 $0x1082  }
0x22: {  	[simem:s7], [sflag:s8] =	dma.local @!p0 [hbm:s6], $0xF7A  }
0x23: {  	s9 =	sor.u32 $0xD0000000, s2;
	s6 =	simm.s32 $0x108;
	_ =	swait.ge @!p0 [sflag:s8], $0x0  }
0x24: {  	s3 =	sadd.s32 $0x88, s3;
	s6 =	simm.s32 @!p1 $0x1082;
	[sflag:s4] =	ssyncset.s32 $0xFFFFF086  }
0x25: {  	[simem:s6], [sflag:s4] =	dma.local [hbm:s3], $0xF7A  }
0x26: {  	[smem:$0x3F96] =	sst s1;
	(tag) =	ssettag s2;
	_ =	strace s9  }
0x27: {  	s1 =	sld [smem:$0x3FA6]  }
0x28: {  	s2 =	sld [smem:$0x3FA7]  }
0x29: {  	s4 =	sld [smem:$0x3FA9]  }
0x2a: {  	p0 =	seq.s32 s5, $0x0;
	s5 =	sld [smem:$0x3FAA]  }
0x2b: {  	s6 =	sld [smem:$0x3FAB]  }
0x2c: {  	s7 =	sld [smem:$0x3FAC]  }
0x2d: {  	s3 =	simm.s32 $0x108;
	s8 =	sld [smem:$0x3FAD]  }
0x2e: {  	s3 =	simm.s32 @!p0 $0x1082;
	s9 =	sld [smem:$0x3FAE]  }
0x2f: {  	lr =	sadd.s32 s0, s3;
	s0 =	sld [smem:$0x3FA5]  }
0x30: {  	s3 =	sld [smem:$0x3FA8]  }
0x31: {  	[smem:$0x3FB1] =	sst s10  }
0x32: {  	s10 =	sld [smem:$0x3FAF];
	_ =	sdelay $0x3  }
0x33: {  	p0 =	seq.s32 s10, $0x1;
	s10 =	sld [smem:$0x3FB1];
	_ =	sdelay $0x3  }
0x34: {  	[smem:$0x3FB1] =	sst s10  }
0x35: {  	s10 =	sld [smem:$0x3FB0];
	_ =	sdelay $0x3  }
0x36: {  	p1 =	seq.s32 s10, $0x1;
	s10 =	sld [smem:$0x3FB1];
	_ =	sdelay $0x3  }
0x37: {  	[smem:$0x3FB1] =	sst s10  }
0x38: {  	s10 =	sld [smem:$0x3FB2]  }
0x39: {  	_ = 	snop;
	(pc) =	sbr.ind lr, $3  }
0x3a: {  	_ = 	snop  }
0x3b: {  	_ = 	snop  }
0x3c: {  	p2 =	seq.s32 s10, $0x1;
	s10 =	sld [smem:$0x3FB1]  }
0x3d: {  	_ =	shalt  }
0x3e: {  	_ =	shalt  }
0x3f: {  	_ =	shalt  }
0x40: {  	_ =	shalt  }
0x41: {  	_ =	shalt  }
0x42: {  	_ =	shalt  }
0x43: {  	_ =	shalt  }
0x44: {  	_ =	shalt  }
0x45: {  	_ =	shalt  }
0x46: {  	_ =	shalt  }
0x47: {  	_ =	shalt  }
0x48: {  	_ =	shalt  }
0x49: {  	_ =	shalt  }
0x4a: {  	_ =	shalt  }
0x4b: {  	_ =	shalt  }
0x4c: {  	_ =	shalt  }
0x4d: {  	_ =	shalt  }
0x4e: {  	_ =	shalt  }
0x4f: {  	_ =	shalt  }
0x50: {  	_ =	shalt  }
0x51: {  	_ =	shalt  }
0x52: {  	_ =	shalt  }
0x53: {  	_ =	shalt  }
0x54: {  	_ =	shalt  }
0x55: {  	_ =	shalt  }
0x56: {  	_ =	shalt  }
0x57: {  	_ =	shalt  }
0x58: {  	_ =	shalt  }
0x59: {  	_ =	shalt  }
0x5a: {  	_ =	shalt  }
0x5b: {  	_ =	shalt  }
0x5c: {  	_ =	shalt  }
0x5d: {  	_ =	shalt  }
0x5e: {  	_ =	shalt  }
0x5f: {  	_ =	shalt  }
0x60: {  	_ =	shalt  }
0x61: {  	_ =	shalt  }
0x62: {  	_ =	shalt  }
0x63: {  	_ =	shalt  }
0x64: {  	_ =	shalt  }
0x65: {  	_ =	shalt  }
0x66: {  	_ =	shalt  }
0x67: {  	_ =	shalt  }
0x68: {  	_ =	shalt  }
0x69: {  	_ =	shalt  }
0x6a: {  	_ =	shalt  }
0x6b: {  	_ =	shalt  }
0x6c: {  	_ =	shalt  }
0x6d: {  	_ =	shalt  }
0x6e: {  	_ =	shalt  }
0x6f: {  	_ =	shalt  }
0x70: {  	_ =	shalt  }
0x71: {  	_ =	shalt  }
0x72: {  	_ =	shalt  }
0x73: {  	_ =	shalt  }
0x74: {  	_ =	shalt  }
0x75: {  	_ =	shalt  }
0x76: {  	_ =	shalt  }
0x77: {  	_ =	shalt  }
0x78: {  	_ =	shalt  }
0x79: {  	_ =	shalt  }
0x7a: {  	_ =	shalt  }
0x7b: {  	_ =	shalt  }
0x7c: {  	_ =	shalt  }
0x7d: {  	_ =	shalt  }
0x7e: {  	_ =	shalt  }
0x7f: {  	_ =	shalt  }
0x80: {  	_ =	shalt  }
0x81: {  	_ =	shalt  }
0x82: {  	_ =	shalt  }
0x83: {  	_ =	shalt  }
0x84: {  	_ =	shalt  }
0x85: {  	_ =	shalt  }
0x86: {  	_ =	shalt  }
0x87: {  	_ =	shalt  }
.Lfunc_end0:
.L_simem_size_0:
called_computation.2_lowered:
.L_overlay_start_0:
0x88: {  	s2 =	sld [smem:$0x3FD9]  }
0x89: {  	s3 =	sld [smem:$0x3FFE];
	_ =	sdelay $0x1  }
0x8a: {  	s1 =	srdreg.scid  }
0x8b: {  	s0 =	sand.u32 $0x1, s1  }
0x8c: {  	s16 =	sshll.u32 s0, $0xA;
	s2 =	sadd.s32 s3, s2  }
0x8d: {  	s2 =	sadd.s32 s2, s16  }
0x8e: {  	[smem:$0x3FBD] =	sst s2  }
0x8f: {  	_ = 	snop  }
0x90: {  	(tm) =	ssettm $0x1  }
0x91: {  	s17 =	sld [smem:$0x3FFB];
	_ =	sdelay $0x3  }
0x92: {  	_ =	strace s17  }
0x93: {  	s2 =	sld [smem:$0x3FFC];
	_ =	sdelay $0x3  }
0x94: {  	_ =	strace s2  }
0x95: {  	s2 =	sld [smem:$0x3FFD];
	_ =	sdelay $0x3  }
0x96: {  	_ =	strace s2  }
0x97: {  	_ =	strace $0x8FFFFFFF  }
0x98: {  	s18 =	sld [smem:$0x3FDB];
	_ =	sdelay $0x1  }
0x99: {  	s19 =	simm.s32 $_scs_section_size  }
0x9a: {  	s4 =	simm.s32 $_size__tile_overlayer_lowered;
	s5 =	simm.s32 $_tile_overlayer_lowered  }
0x9b: {  	s22 =	simm.s32 $0x1BFF;
	s21 =	sshll.u32 s5, $0x1;
	s2 =	sadd.s32 s19, s18  }
0x9c: {  	s6 =	simm.s32 $0x0;
	s20 =	sshll.u32 s4, $0x1;
	s4 =	sadd.s32 s21, s2  }
0x9d: {  	[timem:s6], [sflag:s22] =	dma.local [hbm:s4], s20  }
0x9e: {  	_ =	swait.ge [sflag:s22], s20  }
0x9f: {  	s3 =	ssub.s32 $0x0, s20;
	[sflag:s22] =	ssyncset.done $0x0  }
0xa0: {  	[sflag:s22] =	ssyncadd.s32 s3;
	_ =	sdelay $0x1  }
0xa1: {  	s23 =	simm.s32 $0x1B8B  }
0xa2: {  	_ =	swait.ge [sflag:s23], $0x1  }
0xa3: {  	[sflag:s23] =	ssyncset.done $0x0  }
0xa4: {  	s25 =	simm.s32 $0x1B8E;
	s24 =	sld [smem:$0x3FFE];
	[sflag:s23] =	ssyncadd.s32 $0xFFFFFFFF  }
0xa5: {  	s26 =	simm.s32 $execute0_lowered;
	[smem:$0x3FD2] =	sst s25  }
0xa6: {  	s4 =	sshll.u32 s26, $0x1;
	_ =	strace $0x8000004C;
	[dreg:$0x1] =	wrdreg $0xFFFFFFFF  }
0xa7: {  	s28 =	simm.s32 $_size_execute0_lowered;
	s2 =	sadd.s32 s2, s4;
	[dreg:$0x0] =	wrdreg $0x0  }
0xa8: {  	s4 =	sshll.u32 s28, $0x1;
	[dreg:$0x2] =	wrdreg s2  }
0xa9: {  	[dreg:$0x3] =	wrdreg s4  }
0xaa: {  	[dreg:$0x4] =	wrdreg $0xC0  }
0xab: {  	_ =	task [dreg:s6], $0x5FFFF  }
0xac: {  	[dreg:$0x1] =	wrdreg $0xFFFFFFFF  }
0xad: {  	[dreg:$0x0] =	wrdreg $0x60  }
0xae: {  	[dreg:$0x2] =	wrdreg s24  }
0xaf: {  	[dreg:$0x3] =	wrdreg $0x26000  }
0xb0: {  	[dreg:$0x4] =	wrdreg $0x15E800  }
0xb1: {  	[dreg:$0x5] =	wrdreg $0x9  }
0xb2: {  	_ =	task.clear_ibuf [dreg:s6], $0x6FFFF;
	_ =	strace $0x9000004C  }
0xb3: {  	s29 =	simm.s32 $0x9;
	_ =	strace $0x8000004E  }
0xb4: {  	_ =	swait.ge [sflag:s29], $0x1  }
0xb5: {  	[sflag:s29] =	ssyncadd.s32 $0xFFFFFFFF  }
0xb6: {  	_ =	strace $0x9000004E  }
0xb7: {  	_ =	sfence  }
0xb8: {  	s30 =	sld [smem:$0x0];
	_ =	sdelay $0x2  }
0xb9: {  	s31 =	sshll.u32 s1, $0xD;
	s1 =	sshrl.u32 s1, $0x2  }
0xba: {  	s3 =	sand.u32 $0x4000, s31;
	s1 =	sadd.s32 s1, s30  }
0xbb: {  	s0 =	sor.u32 s3, s0;
	s1 =	sshll.u32 s1, $0x11  }
0xbc: {  	s0 =	sor.u32 s1, s0  }
0xbd: {  	s0 =	sadd.s32 $0x8F2B, s0  }
0xbe: {  	[sflag:s0] =	ssyncadd.remote.s32 $0x1  }
0xbf: {  	_ =	sfence.sel $0xFFFF  }
0xc0: {  	[dreg:$0x0] =	wrdreg $0xFFFFFFFF;
	(pc) =	sbr.abs _section_cstart, $3  }
0xc1: {  	[dreg:$0x1] =	wrdreg $0xFFFFFFFF  }
0xc2: {  	_ =	task.clear_ibuf [dreg:s6], $0x2FFFF;
	_ =	strace $0x9FFFFFFF  }
0xc3: {  	(tm) =	ssettm $0x7FFFFFFF  }
tec
execute0_lowered:
.L_overlay_start_1:
0x0: {  	(tag) =	ssettag $0x1  }
0x1: {  	s0 =	rddreg [dreg:$0x0]  }
0x2: {  	s2 =	rddreg [dreg:$0x1];
	s12 =	stileid.u32  }
0x3: {  	s1 =	srdreg.scid;
	s5 =	smul.u32 $0x3E80, s12  }
0x4: {  	s3 =	rddreg [dreg:$0x2];
	s4 =	simm.s32 $0x0;
	s7 =	smul.u32 $0xA000, s12  }
0x5: {  	s28 =	simm.s32 $0x2;
	s29 =	simm.s32 $0x1400;
	s15 =	smul.u32 $0x27800, s12  }
0x6: {  	s30 =	simm.s32 $0x5;
	s31 =	simm.s32 $0x80;
	s16 =	smul.u32 $0x7D000, s12  }
0x7: {  	s1 =	sand.u32 $0x1, s1;
	[smem:$0x7FF] =	sst s4;
	s11 =	smul.u32 $0x28000, s12  }
0x8: {  	s9 =	sadd.s32 $0x2E00, s0;
	p0 =	sgt.u32 s12, $0x9;
	s6 =	smul.u32 $0xA0000, s1  }
0x9: {  	_ =	strace $0x8000004D;
	s14 =	smul.u32 $0x278000, s1;
	s1 =	ssub.s32 $0x2, s1  }
0xa: {  	s8 =	sadd.s32 s5, s0;
	s10 =	sshrl.u32 s1, $0x1;
	s11 =	sshrl.u32 s11, $0x2  }
0xb: {  	s13 =	sadd.s32 s7, s6;
	s6 =	sadd.s32 s15, s14;
	s1 =	ssub.s32 s1, s10  }
0xc: {  	s17 =	sadd.s32 $0xA0E00, s8;
	s8 =	simm.s32 $0x4;
	s5 =	sshrl.u32 s13, $0x3  }
0xd: {  	s7 =	sshrl.u32 s6, $0x3;
	[dreg:$0x4] =	wrdreg s17;
	s21 =	sor.u32 $0x700, s6  }
0xe: {  	s23 =	sor.u32 $0x600, s6;
	s1 =	smax.u32 s1, $0x1;
	s25 =	sor.u32 $0x500, s6  }
0xf: {  	s26 =	sor.u32 $0x400, s6;
	s6 =	simm.s32 $0x180;
	s0 =	sadd.s32 s5, s0  }
0x10: {  	s5 =	sshrl.u32 s16, $0x2;
	s22 =	sshrl.u32 s21, $0x3;
	[dreg:$0x9] =	wrdreg s1  }
0x11: {  	s24 =	sshrl.u32 s23, $0x3;
	s1 =	sshrl.u32 s26, $0x3;
	s21 =	simm.s32 $0x100  }
0x12: {  	s23 =	simm.s32 $0x300;
	s26 =	simm.s32 $0x400;
	s10 =	sadd.s32 s5, s2  }
0x13: {  	s5 =	sadd.s32 s9, s7;
	s7 =	sadd.s32 s11, s3;
	s0 =	sadd.s32 $0xC8000, s0  }
0x14: {  	s13 =	sadd.s32 s22, s9;
	s14 =	sadd.s32 s24, s9;
	s16 =	sadd.s32 s1, s9  }
0x15: {  	s22 =	simm.s32 $0x200;
	s24 =	simm.s32 $0x1;
	s1 =	simm.s32 $0x3  }
0x16: {  	s11 =	simm.s32 $0x0;
	s18 =	sadd.s32 $0x20, s5;
	[dreg:$0x8] =	wrdreg s0  }
0x17: {  	s19 =	sadd.s32 $0x40, s5;
	s20 =	sadd.s32 $0x60, s5;
	[dreg:$0x5] =	wrdreg s18  }
0x18: {  	s0 =	sshrl.u32 s25, $0x3;
	s25 =	simm.s32 $0x20;
	[dreg:$0x6] =	wrdreg s19  }
0x19: {  	[dreg:$0x7] =	wrdreg s20;
	s15 =	sadd.s32 s0, s9;
	s0 =	sshll.u32 @!p0 s12, $0x6  }
0x1a: {  	s19 =	simm.s32 $0x2400;
	s20 =	simm.s32 $0x8;
	s0 =	sor.u32 @!p0 $0x1C07, s0  }
0x1b: {  	s9 =	simm.s32 $0x280;
	[dreg:$0xa] =	wrdreg s0;
	s0 =	sshrl.u32 @!p0 s10, $0x3  }
0x1c: {  	v0 =	vimm.f32 $0.0e+00;
	s10 =	simm.s32 $0x380;
	[dreg:$0xb] =	wrdreg s0;
	s0 =	simm.s32 $0x6  }
.LBB2_1:
0x1d: {  	s12 =	rddreg [dreg:$0x4]  }
0x1e: {  	s17 =	rddreg [dreg:$0xa]  }
0x1f: {  	s18 =	rddreg [dreg:$0xb]  }
0x20: {  	[spmem:s18], [sflag:s17] =	dma.local @!p0 [hbm:s12], $0x3E80;
	[tilespmem:$0x2400] =	vst v0  }
0x21: {  	[tilespmem:$0x2410] =	vst v0  }
0x22: {  	[tilespmem:$0x2420] =	vst v0  }
0x23: {  	[tilespmem:$0x2430] =	vst v0  }
0x24: {  	[tilespmem:$0x2440] =	vst v0  }
0x25: {  	[tilespmem:$0x2450] =	vst v0  }
0x26: {  	[tilespmem:$0x2460] =	vst v0  }
0x27: {  	[tilespmem:$0x2470] =	vst v0  }
0x28: {  	[tilespmem:$0x2480] =	vst v0  }
0x29: {  	[tilespmem:$0x2490] =	vst v0  }
0x2a: {  	[tilespmem:$0x24A0] =	vst v0  }
0x2b: {  	[tilespmem:$0x24B0] =	vst v0  }
0x2c: {  	[tilespmem:$0x24C0] =	vst v0  }
0x2d: {  	[tilespmem:$0x24D0] =	vst v0  }
0x2e: {  	[tilespmem:$0x24E0] =	vst v0  }
0x2f: {  	[tilespmem:$0x24F0] =	vst v0  }
0x30: {  	[tilespmem:$0x2500] =	vst v0  }
0x31: {  	[tilespmem:$0x2510] =	vst v0  }
0x32: {  	[tilespmem:$0x2520] =	vst v0  }
0x33: {  	[tilespmem:$0x2530] =	vst v0  }
0x34: {  	[tilespmem:$0x2540] =	vst v0  }
0x35: {  	[tilespmem:$0x2550] =	vst v0  }
0x36: {  	[tilespmem:$0x2560] =	vst v0  }
0x37: {  	[tilespmem:$0x2570] =	vst v0  }
0x38: {  	[tilespmem:$0x2580] =	vst v0  }
0x39: {  	[tilespmem:$0x2590] =	vst v0  }
0x3a: {  	[tilespmem:$0x25A0] =	vst v0  }
0x3b: {  	[tilespmem:$0x25B0] =	vst v0  }
0x3c: {  	[tilespmem:$0x25C0] =	vst v0  }
0x3d: {  	[tilespmem:$0x25D0] =	vst v0  }
0x3e: {  	[tilespmem:$0x25E0] =	vst v0  }
0x3f: {  	[tilespmem:$0x25F0] =	vst v0;
	s18 =	sadd.s32 $0x0, s7  }
0x40: {  	[spmem:s18] =	stream.linear.scatter [tilespmem:s19], [sflag:$0x8], $0x200, $0x38;
	[tilespmem:$0x1FE80] =	vst v63  }
0x41: {  	s12 =	simm.s32 $0x800;
	_ =	swait.ge [sflag:s20], $0x200  }
.LBB2_2:
0x42: {  	s17 =	sshra.s32 s12, $0x2;
	[sflag:s20] =	ssyncset.done $0x0;
	p1 =	sne.s32 s12, $0x27800  }
.Ltmp0:
0x43: {  	s17 =	sadd.s32 s17, s7;
	[sflag:s20] =	ssyncadd.s32 $0xFFFFFE00;
	(pc) =	sbr.rel @p1 .LBB2_2-.Ltmp0, $3  }
0x44: {  	[spmem:s17] =	stream.linear.scatter [tilespmem:s19], [sflag:$0x8], $0x200, $0x38;
	[tilespmem:$0x1FE80] =	vst v63  }
0x45: {  	s12 =	sadd.s32 $0x800, s12;
	_ =	sdelay $0x1  }
0x46: {  	_ =	swait.ge [sflag:s20], $0x200  }
0x47: {  	[sflag:s20] =	ssyncset.done $0x0  }
0x48: {  	s12 =	simm.s32 @!p0 $0x7;
	[sflag:s20] =	ssyncadd.s32 $0xFFFFFE00  }
0x49: {  	_ =	swait.ge @!p0 [sflag:s12], $0x3E80  }
0x4a: {  	[sflag:s12] =	ssyncset.done @!p0 $0x0  }
0x4b: {  	[sflag:s12] =	ssyncadd.s32 @!p0 $0xFFFFC180  }
0x4c: {  	s12 =	simm.s32 $0x0;
	[bflag:$0x0] =	sbarrier.arrive $0xFFFF  }
0x4d: {  	[tilespmem:s12], [sflag:$0x1] =	stream.linear.gather [hbm4b:s5+s12], $0x100, $0x38;
	[tilespmem:$0x1FE80] =	vst v63  }
0x4e: {  	s17 =	rddreg [dreg:$0x5]  }
0x4f: {  	[tilespmem:s21], [sflag:$0x2] =	stream.linear.gather [hbm4b:s17+s12], $0x100, $0x38;
	[tilespmem:$0x1FE80] =	vst v63  }
0x50: {  	s18 =	rddreg [dreg:$0x6]  }
0x51: {  	[tilespmem:s22], [sflag:$0x3] =	stream.linear.gather [hbm4b:s18+s12], $0x100, $0x38;
	[tilespmem:$0x1FE80] =	vst v63  }
0x52: {  	s18 =	rddreg [dreg:$0x7]  }
0x53: {  	[tilespmem:s23], [sflag:$0x4] =	stream.linear.gather [hbm4b:s18+s12], $0x100, $0x38;
	[tilespmem:$0x1FE80] =	vst v63  }
0x54: {  	_ =	swait.ge [sflag:s24], $0x100  }
0x55: {  	[sflag:s24] =	ssyncset.done $0x0  }
0x56: {  	[sflag:s24] =	ssyncadd.s32 $0xFFFFFF00  }
0x57: {  	[tilespmem:s26], [sflag:$0x5] =	stream.indirect.gather [spmem:s2], $0x80, s4, s25, $0xb8;
	[tilespmem:$0x1FE80] =	vst v63  }
0x58: {  	_ =	swait.ge [sflag:s28], $0x100  }
0x59: {  	[sflag:s28] =	ssyncset.done $0x0  }
0x5a: {  	[sflag:s28] =	ssyncadd.s32 $0xFFFFFF00  }
0x5b: {  	[tilespmem:s29], [sflag:$0x6] =	stream.indirect.gather [spmem:s2], $0x80, s21, s25, $0xb8;
	[tilespmem:$0x1FE80] =	vst v63  }
0x5c: {  	_ =	swait.ge [sflag:s30], $0x1000  }
0x5d: {  	[sflag:s30] =	ssyncset.done $0x0  }
0x5e: {  	[sflag:s30] =	ssyncadd.s32 $0xFFFFF000  }
0x5f: {  	[spmem:s3] =	stream.indirect.scatter.add.f32 [tilespmem:s26], [sflag:$0x8], $0x80, s31, s25, $0xb8;
	[tilespmem:$0x1FE80] =	vst v63  }
0x60: {  	_ =	swait.ge [sflag:s20], $0x1000  }
0x61: {  	[sflag:s20] =	ssyncset.done $0x0  }
0x62: {  	s18 =	sadd.s32 $0x0, s16;
	[sflag:s20] =	ssyncadd.s32 $0xFFFFF000  }
0x63: {  	[tilespmem:s4], [sflag:$0x1] =	stream.linear.gather [hbm4b:s18+s4], $0x100, $0x38;
	[tilespmem:$0x1FE80] =	vst v63  }
0x64: {  	_ =	swait.ge [sflag:s1], $0x100  }
0x65: {  	[sflag:s1] =	ssyncset.done $0x0  }
0x66: {  	[sflag:s1] =	ssyncadd.s32 $0xFFFFFF00  }
0x67: {  	[tilespmem:s26], [sflag:$0x5] =	stream.indirect.gather [spmem:s2], $0x80, s22, s25, $0xb8;
	[tilespmem:$0x1FE80] =	vst v63  }
0x68: {  	_ =	swait.ge [sflag:s0], $0x1000  }
0x69: {  	[sflag:s0] =	ssyncset.done $0x0  }
0x6a: {  	[sflag:s0] =	ssyncadd.s32 $0xFFFFF000  }
0x6b: {  	[spmem:s3] =	stream.indirect.scatter.add.f32 [tilespmem:s29], [sflag:$0x8], $0x80, s6, s25, $0xb8;
	[tilespmem:$0x1FE80] =	vst v63  }
0x6c: {  	_ =	swait.ge [sflag:s20], $0x1000  }
0x6d: {  	[sflag:s20] =	ssyncset.done $0x0  }
0x6e: {  	s17 =	sadd.s32 $0x0, s15;
	[sflag:s20] =	ssyncadd.s32 $0xFFFFF000  }
0x6f: {  	[tilespmem:s21], [sflag:$0x2] =	stream.linear.gather [hbm4b:s17+s4], $0x100, $0x38;
	[tilespmem:$0x1FE80] =	vst v63  }
0x70: {  	_ =	swait.ge [sflag:s8], $0x100  }
0x71: {  	[sflag:s8] =	ssyncset.done $0x0  }
0x72: {  	[sflag:s8] =	ssyncadd.s32 $0xFFFFFF00  }
0x73: {  	[tilespmem:s29], [sflag:$0x6] =	stream.indirect.gather [spmem:s2], $0x80, s23, s25, $0xb8;
	[tilespmem:$0x1FE80] =	vst v63  }
0x74: {  	_ =	swait.ge [sflag:s30], $0x1000  }
0x75: {  	[sflag:s30] =	ssyncset.done $0x0  }
0x76: {  	[sflag:s30] =	ssyncadd.s32 $0xFFFFF000  }
0x77: {  	[spmem:s3] =	stream.indirect.scatter.add.f32 [tilespmem:s26], [sflag:$0x8], $0x80, s9, s25, $0xb8;
	[tilespmem:$0x1FE80] =	vst v63  }
0x78: {  	_ =	swait.ge [sflag:s20], $0x1000  }
0x79: {  	[sflag:s20] =	ssyncset.done $0x0  }
0x7a: {  	s18 =	sadd.s32 $0x0, s14;
	[sflag:s20] =	ssyncadd.s32 $0xFFFFF000  }
0x7b: {  	[tilespmem:s22], [sflag:$0x3] =	stream.linear.gather [hbm4b:s18+s4], $0x100, $0x38;
	[tilespmem:$0x1FE80] =	vst v63  }
0x7c: {  	_ =	swait.ge [sflag:s0], $0x1000  }
0x7d: {  	[sflag:s0] =	ssyncset.done $0x0  }
0x7e: {  	[sflag:s0] =	ssyncadd.s32 $0xFFFFF000  }
0x7f: {  	[spmem:s3] =	stream.indirect.scatter.add.f32 [tilespmem:s29], [sflag:$0x8], $0x80, s10, s25, $0xb8;
	[tilespmem:$0x1FE80] =	vst v63  }
0x80: {  	_ =	swait.ge [sflag:s20], $0x1000  }
0x81: {  	[sflag:s20] =	ssyncset.done $0x0  }
0x82: {  	s12 =	simm.s32 $0x80;
	s17 =	sadd.s32 $0x0, s13;
	[sflag:s20] =	ssyncadd.s32 $0xFFFFF000  }
.LBB2_4:
0x83: {  	[tilespmem:s23], [sflag:$0x4] =	stream.linear.gather [hbm4b:s17+s4], $0x100, $0x38;
	[tilespmem:$0x1FE80] =	vst v63  }
0x84: {  	s17 =	smov.u32 s12  }
0x85: {  	p1 =	sne.s32 s12, $0x4E00;
	s12 =	sadd.s32 $0x80, s12;
	_ =	swait.ge [sflag:s24], $0x100  }
0x86: {  	[sflag:s24] =	ssyncset.done $0x0  }
0x87: {  	[sflag:s24] =	ssyncadd.s32 $0xFFFFFF00  }
0x88: {  	[tilespmem:s26], [sflag:$0x5] =	stream.indirect.gather [spmem:s2], $0x80, s4, s25, $0xb8;
	[tilespmem:$0x1FE80] =	vst v63  }
0x89: {  	_ =	swait.ge [sflag:s28], $0x100  }
0x8a: {  	[sflag:s28] =	ssyncset.done $0x0  }
0x8b: {  	[sflag:s28] =	ssyncadd.s32 $0xFFFFFF00  }
0x8c: {  	[tilespmem:s29], [sflag:$0x6] =	stream.indirect.gather [spmem:s2], $0x80, s21, s25, $0xb8;
	[tilespmem:$0x1FE80] =	vst v63  }
0x8d: {  	_ =	swait.ge [sflag:s30], $0x1000  }
0x8e: {  	[sflag:s30] =	ssyncset.done $0x0  }
0x8f: {  	[sflag:s30] =	ssyncadd.s32 $0xFFFFF000  }
0x90: {  	[spmem:s3] =	stream.indirect.scatter.add.f32 [tilespmem:s26], [sflag:$0x8], $0x80, s31, s25, $0xb8;
	[tilespmem:$0x1FE80] =	vst v63  }
0x91: {  	_ =	swait.ge [sflag:s20], $0x1000  }
0x92: {  	[sflag:s20] =	ssyncset.done $0x0  }
0x93: {  	s18 =	sadd.s32 s17, s16;
	[sflag:s20] =	ssyncadd.s32 $0xFFFFF000  }
0x94: {  	[tilespmem:s4], [sflag:$0x1] =	stream.linear.gather [hbm4b:s18+s4], $0x100, $0x38;
	[tilespmem:$0x1FE80] =	vst v63  }
0x95: {  	_ =	swait.ge [sflag:s1], $0x100  }
0x96: {  	[sflag:s1] =	ssyncset.done $0x0  }
0x97: {  	[sflag:s1] =	ssyncadd.s32 $0xFFFFFF00  }
0x98: {  	[tilespmem:s26], [sflag:$0x5] =	stream.indirect.gather [spmem:s2], $0x80, s22, s25, $0xb8;
	[tilespmem:$0x1FE80] =	vst v63  }
0x99: {  	_ =	swait.ge [sflag:s0], $0x1000  }
0x9a: {  	[sflag:s0] =	ssyncset.done $0x0  }
0x9b: {  	[sflag:s0] =	ssyncadd.s32 $0xFFFFF000  }
0x9c: {  	[spmem:s3] =	stream.indirect.scatter.add.f32 [tilespmem:s29], [sflag:$0x8], $0x80, s6, s25, $0xb8;
	[tilespmem:$0x1FE80] =	vst v63  }
0x9d: {  	_ =	swait.ge [sflag:s20], $0x1000  }
0x9e: {  	[sflag:s20] =	ssyncset.done $0x0  }
0x9f: {  	s18 =	sadd.s32 s17, s15;
	[sflag:s20] =	ssyncadd.s32 $0xFFFFF000  }
0xa0: {  	[tilespmem:s21], [sflag:$0x2] =	stream.linear.gather [hbm4b:s18+s4], $0x100, $0x38;
	[tilespmem:$0x1FE80] =	vst v63  }
0xa1: {  	_ =	swait.ge [sflag:s8], $0x100  }
0xa2: {  	[sflag:s8] =	ssyncset.done $0x0  }
0xa3: {  	[sflag:s8] =	ssyncadd.s32 $0xFFFFFF00  }
0xa4: {  	[tilespmem:s29], [sflag:$0x6] =	stream.indirect.gather [spmem:s2], $0x80, s23, s25, $0xb8;
	[tilespmem:$0x1FE80] =	vst v63  }
0xa5: {  	_ =	swait.ge [sflag:s30], $0x1000  }
0xa6: {  	[sflag:s30] =	ssyncset.done $0x0  }
0xa7: {  	[sflag:s30] =	ssyncadd.s32 $0xFFFFF000  }
0xa8: {  	[spmem:s3] =	stream.indirect.scatter.add.f32 [tilespmem:s26], [sflag:$0x8], $0x80, s9, s25, $0xb8;
	[tilespmem:$0x1FE80] =	vst v63  }
0xa9: {  	_ =	swait.ge [sflag:s20], $0x1000  }
0xaa: {  	[sflag:s20] =	ssyncset.done $0x0  }
0xab: {  	s18 =	sadd.s32 s17, s14;
	[sflag:s20] =	ssyncadd.s32 $0xFFFFF000  }
0xac: {  	[tilespmem:s22], [sflag:$0x3] =	stream.linear.gather [hbm4b:s18+s4], $0x100, $0x38;
	[tilespmem:$0x1FE80] =	vst v63  }
0xad: {  	_ =	swait.ge [sflag:s0], $0x1000  }
0xae: {  	[sflag:s0] =	ssyncset.done $0x0  }
.Ltmp1:
0xaf: {  	[sflag:s0] =	ssyncadd.s32 $0xFFFFF000;
	(pc) =	sbr.rel @p1 .LBB2_4-.Ltmp1, $4  }
0xb0: {  	[spmem:s3] =	stream.indirect.scatter.add.f32 [tilespmem:s29], [sflag:$0x8], $0x80, s10, s25, $0xb8;
	[tilespmem:$0x1FE80] =	vst v63  }
0xb1: {  	_ =	swait.ge [sflag:s20], $0x1000  }
0xb2: {  	[sflag:s20] =	ssyncset.done $0x0  }
0xb3: {  	s17 =	sadd.s32 s17, s13;
	[sflag:s20] =	ssyncadd.s32 $0xFFFFF000  }
0xb4: {  	[tilespmem:s23], [sflag:$0x4] =	stream.linear.gather [hbm4b:s17+s4], $0x100, $0x38;
	[tilespmem:$0x1FE80] =	vst v63  }
0xb5: {  	_ =	swait.ge [sflag:s24], $0x100  }
0xb6: {  	[sflag:s24] =	ssyncset.done $0x0  }
0xb7: {  	[sflag:s24] =	ssyncadd.s32 $0xFFFFFF00  }
0xb8: {  	_ =	swait.ge [sflag:s28], $0x100  }
0xb9: {  	[sflag:s28] =	ssyncset.done $0x0  }
0xba: {  	[sflag:s28] =	ssyncadd.s32 $0xFFFFFF00  }
0xbb: {  	_ =	swait.ge [sflag:s1], $0x100  }
0xbc: {  	[sflag:s1] =	ssyncset.done $0x0  }
0xbd: {  	[sflag:s1] =	ssyncadd.s32 $0xFFFFFF00  }
0xbe: {  	_ =	swait.ge [sflag:s8], $0x100  }
0xbf: {  	[sflag:s8] =	ssyncset.done $0x0  }
0xc0: {  	s12 =	stileid.u32;
	[sflag:s8] =	ssyncadd.s32 $0xFFFFFF00  }
0xc1: {  	s12 =	sshll.u32 s12, $0x6;
	[bflag:$0x0] =	sbarrier.arrive $0xFFFF  }
0xc2: {  	s17 =	sshrl.u32 s7, $0x3;
	s12 =	sor.u32 $0x1C08, s12;
	s18 =	rddreg [dreg:$0x8]  }
0xc3: {  	[hbm:s18], [sflag:s12] =	dma.local [spmem:s17], $0x1400  }
0xc4: {  	_ =	swait.ge [sflag:s20], $0x1400  }
0xc5: {  	s11 =	sadd.s32 $0x1, s11;
	s18 =	rddreg [dreg:$0x9]  }
0xc6: {  	p1 =	sne.s32 s11, s18  }
.Ltmp2:
0xc7: {  	_ = 	snop;
	(pc) =	sbr.rel @p1 .LBB2_1-.Ltmp2, $3  }
0xc8: {  	_ =	sdelay $0x1  }
0xc9: {  	[sflag:s20] =	ssyncset.done $0x0  }
0xca: {  	[sflag:s20] =	ssyncadd.s32 $0xFFFFEC00  }
0xcb: {  	_ =	sfence.sel $0x180000  }
0xcc: {  	[bflag:$0x0] =	sbarrier.arrive $0xFFFF  }
0xcd: {  	_ =	strace $0x9000004D  }
0xce: {  	s0 =	stileid.u32;
	[bflag:$0x2] =	sbarrier.arrive $0xFFFF  }
0xcf: {  	p0 =	sne.s32 s0, $0x0;
	s0 =	rddreg [dreg:$0x3]  }
0xd0: {  	s0 =	sadd.s32 @!p0 $0x100000, s0  }
0xd1: {  	[sflag:s0] =	ssyncadd.tile.s32 @!p0 $0x1;
	_ =	shalt  }
.Lfunc_end2:
_tile_overlayer_lowered:
.L_overlay_start_2:
0xd2: {  	(tag) =	ssettag $0x2  }
0xd3: {  	s0 =	rddreg [dreg:$0x0];
	s2 =	stileid.u32  }
0xd4: {  	s1 =	rddreg [dreg:$0x1];
	p0 =	sne.s32 s2, $0x0  }
0xd5: {  	s3 =	rddreg [dreg:$0x2];
	[bflag:$0x3] =	sbarrier.arrive $0xFFFF;
	s2 =	simm.s32 @!p0 $0x1C08  }
0xd6: {  	[timem:s3], [sflag:s2] =	dma.local @!p0 [hbm:s0], s1  }
0xd7: {  	s0 =	simm.s32 @!p0 $0x8  }
0xd8: {  	_ =	swait.ge @!p0 [sflag:s0], s1  }
0xd9: {  	s1 =	ssub.s32 @!p0 $0x0, s1;
	[sflag:s0] =	ssyncset.done @!p0 $0x0  }
0xda: {  	[sflag:s0] =	ssyncadd.s32 @!p0 s1  }
0xdb: {  	[bflag:$0x3] =	sbarrier.arrive $0xFFFF  }
0xdc: {  	_ =	shalt  }

</sc_bundles>
